<compile_context>
chip_gen: v7x
topology: tpu7x:2x2x1
jax: 0.10.2.dev20260603
libtpu: 0.0.44.dev20260713+nightly
codegen_flags: <defaults>
</compile_context>

<pallas_src>
import functools

import jax
import jax.numpy as jnp
from jax import lax
from jax.experimental import pallas as pl
from jax.experimental.pallas import tpu as pltpu
from jax.experimental.pallas import tpu_sc as plsc

Q = 16
D = 64
K = 100000
TP = 16
BLK = 4096
NBLK_A = 10
SPLIT = NBLK_A * BLK
NBLK_B = 15
NBH = 5
TOPK = 10
NEG_INF = float("-inf")
POS_INF = float("inf")


def _phase_a(q_ref, k_ref, ql_ref, kl_ref, col0):
    keys = k_ref[...]
    sq = keys * keys
    ones = jnp.ones((8, D), jnp.float32)
    r8 = jax.lax.dot_general(ones, sq, (((1,), (1,)), ((), ())),
                             precision=jax.lax.Precision.HIGHEST,
                             preferred_element_type=jnp.float32)
    kn = jnp.sqrt(r8[0:1, :])
    q = q_ref[...]
    qn = jnp.sqrt(jnp.sum(q * q, axis=1, keepdims=True))
    eu = qn * kn

    ql = ql_ref[...]
    klT = kl_ref[...]
    acc0 = jnp.zeros((Q, BLK), jnp.int32)
    acc1 = jnp.zeros((Q, BLK), jnp.int32)
    for t in range(0, TP, 2):
        a = ql[:, t:t + 1]
        bt = klT[t:t + 1, :]
        acc0 = acc0 + jax.lax.clz(jax.lax.bitwise_xor(a, bt) + 1)
        a2 = ql[:, t + 1:t + 2]
        bt2 = klT[t + 1:t + 2, :]
        acc1 = acc1 + jax.lax.clz(jax.lax.bitwise_xor(a2, bt2) + 1)
    acc = acc0 + acc1
    gc = (acc - (32 * TP - 15 * TP)).astype(jnp.float32) * (1.0 / (15 * TP))
    logits = gc * eu
    col = jax.lax.broadcasted_iota(jnp.int32, (Q, BLK), 1) + col0
    return jnp.where(col < K, logits, NEG_INF), col


def _logits_a_body(q_ref, k_ref, ql_ref, kl_ref, lg_ref):
    b = pl.program_id(0)
    logits, _ = _phase_a(q_ref, k_ref, ql_ref, kl_ref, b * BLK)
    lg_ref[...] = logits


def _sc_topk_body(lg_hbm, cv_hbm, ci_hbm, buf, outv, outi, sem):
    c = lax.axis_index("c")
    s = lax.axis_index("s")
    w = s * 2 + c
    q = w // 2
    half = w % 2
    start = half * NBH
    nb = NBH * (1 - half) + (NBLK_A - NBH) * half

    copies = []
    for i in range(NBH):
        bidx = start + jnp.minimum(i, nb - 1)
        off = pl.multiple_of((bidx * Q + q) * BLK, BLK)
        copies.append(
            pltpu.async_copy(lg_hbm.at[pl.ds(off, BLK)],
                             buf.at[pl.ds(i * BLK, BLK)], sem))
    for cp in copies:
        cp.wait()

    iota16 = lax.iota(jnp.int32, 16)
    base = start * BLK

    ninf = jnp.full((16,), NEG_INF, jnp.float32)
    zero = jnp.zeros((16,), jnp.int32)
    carry0 = tuple([ninf] * TOPK + [zero] * TOPK)
    unroll = 4

    def chunk_body(jj, carry):
        rs = list(carry[:TOPK])
        ris = list(carry[TOPK:])
        for u in range(unroll):
            x = buf[pl.ds((jj * unroll + u) * 16, 16)]
            xi = base + (jj * unroll + u) * 16 + iota16
            for lv in range(TOPK):
                sel = x > rs[lv]
                nr = jnp.maximum(rs[lv], x)
                nx = jnp.minimum(rs[lv], x)
                nri = jnp.where(sel, xi, ris[lv])
                nxi = jnp.where(sel, ris[lv], xi)
                rs[lv], x = nr, nx
                ris[lv], xi = nri, nxi
        return tuple(rs + ris)

    res = lax.fori_loop(0, nb * (BLK // (16 * unroll)), chunk_body, carry0)
    for lv in range(TOPK):
        outv[pl.ds(lv * 16, 16)] = res[lv]
        outi[pl.ds(lv * 16, 16)] = res[TOPK + lv]
    coff = pl.multiple_of(q * 320 + half * 160, 32)
    pltpu.sync_copy(outv, cv_hbm.at[pl.ds(coff, 160)])
    pltpu.sync_copy(outi, ci_hbm.at[pl.ds(coff, 160)])


def _tc_b_body(q_ref, k_ref, ql_ref, kl_ref, vals_ref, idx_ref, L3, bm3, ws,
               *, nblk):
    b = pl.program_id(0)
    logits, col = _phase_a(q_ref, k_ref, ql_ref, kl_ref, SPLIT + b * BLK)
    L3[b] = logits
    bm3[b] = jnp.broadcast_to(jnp.max(logits, axis=1, keepdims=True),
                              (Q, 128))

    @pl.when(b == nblk - 1)
    def _select():
        big = jnp.int32(2 ** 30)
        lane64 = jax.lax.broadcasted_iota(jnp.int32, (Q, 64), 1)
        bm = jnp.full((Q, 64), NEG_INF, jnp.float32)
        for b2 in range(nblk):
            c = bm3[b2][:, 0:1]
            bm = jnp.where(lane64 == b2, jnp.broadcast_to(c, (Q, 64)), bm)
        pv = jnp.full((Q, 1), POS_INF, jnp.float32)
        pi = jnp.full((Q, 1), -1, jnp.int32)
        out_v = []
        out_i = []
        gio2 = jax.lax.broadcasted_iota(jnp.int32, (Q, BLK), 1)
        for _ in range(TOPK):
            m = jnp.max(bm, axis=1, keepdims=True)
            jb = jnp.min(jnp.where(bm == m, lane64, big),
                         axis=1, keepdims=True)
            for qq in range(Q):
                j_q = jb[qq, 0]
                ws[qq:qq + 1, :] = L3[j_q, qq:qq + 1, :]
            w = ws[...]
            gi = gio2 + SPLIT + jb * BLK
            allowed = (w < pv) | ((w == pv) & (gi > pi))
            eqm = (w == m) & allowed
            idx = jnp.min(jnp.where(eqm, gi, big),
                          axis=1, keepdims=True)
            nxt = (w < m) | ((w == m) & (gi > idx))
            nm = jnp.max(jnp.where(nxt, w, NEG_INF),
                         axis=1, keepdims=True)
            bm = jnp.where(lane64 == jb,
                           jnp.broadcast_to(nm, (Q, 64)), bm)
            pv = m
            pi = idx
            out_v.append(pv)
            out_i.append(pi)
        pad_v = jnp.full((Q, 128 - TOPK), NEG_INF, jnp.float32)
        pad_i = jnp.zeros((Q, 128 - TOPK), jnp.int32)
        vals_ref[...] = jnp.concatenate(out_v + [pad_v], axis=1)
        idx_ref[...] = jnp.concatenate(out_i + [pad_i], axis=1)


def _rank_body(cv_ref, ci_ref, tv_ref, ti_ref, vals_ref, idx_ref):
    big = jnp.int32(2 ** 30)
    cv = jnp.concatenate([cv_ref[...], tv_ref[...]], axis=1)
    ci = jnp.concatenate([ci_ref[...], ti_ref[...]], axis=1)
    pv = jnp.full((Q, 1), POS_INF, jnp.float32)
    pi = jnp.full((Q, 1), -1, jnp.int32)
    out_v = []
    out_i = []
    for _ in range(TOPK):
        allowed = (cv < pv) | ((cv == pv) & (ci > pi))
        lm = jnp.where(allowed, cv, NEG_INF)
        m = jnp.max(lm, axis=1, keepdims=True)
        idx = jnp.min(jnp.where(lm == m, ci, big), axis=1, keepdims=True)
        pv = m
        pi = idx
        out_v.append(pv)
        out_i.append(pi)
    vals_ref[...] = jnp.concatenate(out_v, axis=1)
    idx_ref[...] = jnp.concatenate(out_i, axis=1)


@jax.jit
def _run(queries, keys, query_locs, key_locs):
    klT = key_locs.T

    logits_a = pl.pallas_call(
        _logits_a_body,
        grid=(NBLK_A,),
        in_specs=[
            pl.BlockSpec((Q, D), lambda b: (0, 0)),
            pl.BlockSpec((BLK, D), lambda b: (b, 0)),
            pl.BlockSpec((Q, TP), lambda b: (0, 0)),
            pl.BlockSpec((TP, BLK), lambda b: (0, b)),
        ],
        out_specs=pl.BlockSpec((Q, BLK), lambda b: (b, 0)),
        out_shape=jax.ShapeDtypeStruct((NBLK_A * Q, BLK), jnp.float32),
        compiler_params=pltpu.CompilerParams(
            dimension_semantics=("parallel",)),
    )(queries, keys, query_locs, klT)

    mesh = plsc.VectorSubcoreMesh(core_axis_name="c", subcore_axis_name="s")
    sc_topk = functools.partial(
        pl.kernel,
        mesh=mesh,
        out_type=[
            jax.ShapeDtypeStruct((Q * 320,), jnp.float32),
            jax.ShapeDtypeStruct((Q * 320,), jnp.int32),
        ],
        scratch_types=[
            pltpu.VMEM((NBH * BLK,), jnp.float32),
            pltpu.VMEM((160,), jnp.float32),
            pltpu.VMEM((160,), jnp.int32),
            pltpu.SemaphoreType.DMA,
        ],
    )(_sc_topk_body)
    cand_v, cand_i = sc_topk(logits_a.reshape(-1))

    tc_v, tc_i = pl.pallas_call(
        functools.partial(_tc_b_body, nblk=NBLK_B),
        grid=(NBLK_B,),
        in_specs=[
            pl.BlockSpec((Q, D), lambda b: (0, 0)),
            pl.BlockSpec((BLK, D), lambda b: (b + NBLK_A, 0)),
            pl.BlockSpec((Q, TP), lambda b: (0, 0)),
            pl.BlockSpec((TP, BLK), lambda b: (0, b + NBLK_A)),
        ],
        out_specs=[
            pl.BlockSpec((Q, 128), lambda b: (0, 0)),
            pl.BlockSpec((Q, 128), lambda b: (0, 0)),
        ],
        out_shape=[
            jax.ShapeDtypeStruct((Q, 128), jnp.float32),
            jax.ShapeDtypeStruct((Q, 128), jnp.int32),
        ],
        scratch_shapes=[
            pltpu.VMEM((NBLK_B, Q, BLK), jnp.float32),
            pltpu.VMEM((NBLK_B, Q, 128), jnp.float32),
            pltpu.VMEM((Q, BLK), jnp.float32),
        ],
        compiler_params=pltpu.CompilerParams(
            dimension_semantics=("arbitrary",)),
    )(queries, keys, query_locs, klT)

    out_v, out_i = pl.pallas_call(
        _rank_body,
        in_specs=[
            pl.BlockSpec((Q, 320), lambda: (0, 0)),
            pl.BlockSpec((Q, 320), lambda: (0, 0)),
            pl.BlockSpec((Q, 128), lambda: (0, 0)),
            pl.BlockSpec((Q, 128), lambda: (0, 0)),
        ],
        out_specs=[
            pl.BlockSpec((Q, TOPK), lambda: (0, 0)),
            pl.BlockSpec((Q, TOPK), lambda: (0, 0)),
        ],
        out_shape=[
            jax.ShapeDtypeStruct((Q, TOPK), jnp.float32),
            jax.ShapeDtypeStruct((Q, TOPK), jnp.int32),
        ],
    )(cand_v.reshape(Q, 320), cand_i.reshape(Q, 320), tc_v, tc_i)
    return out_v, out_i


def kernel(queries, keys, query_locs, key_locs, k):
    vals, idx = _run(queries, keys, query_locs, key_locs)
    k_arr = jnp.asarray(k)
    vals = vals + jnp.zeros((), dtype=vals.dtype) * k_arr.astype(vals.dtype)
    idx = idx + jnp.zeros((), dtype=idx.dtype) * k_arr.astype(idx.dtype)
    return vals, idx

# --- scband reference (transcript-rebuilt; emitter-appended) ---
"""Pipeline reference for scband-criti-graph-64175401337324 (READ-ONLY COPY).

The authoritative reference and input builder live on the scoring server;
editing this copy changes nothing except your own understanding.
"""

import jax, jax.numpy as jnp
import numpy as np

H = 15  # bit depth of the discrete hash space (init kwarg h)
TP = 16  # number of hash coordinates per point (init kwarg tp)
N = 16384  # location magnitude bound (init kwarg n)
Q = 16
K = 100000
D = 64


def cos_similarity(coord1, coord2):
    # Faithful port of CritiGraph.cos_similarity: sign-corrected XOR-frexp distance
    sg1 = 2.0 * (coord1 >= 0).astype(jnp.float32) - 1.0
    sg2 = 2.0 * (coord2 >= 0).astype(jnp.float32) - 1.0
    sg = sg1 * sg2
    xor_result = jnp.bitwise_xor(jnp.abs(coord1), jnp.abs(coord2))
    _, exp = jnp.frexp((xor_result + 1).astype(jnp.float32))
    s = exp.astype(jnp.float32) / float(H)
    return sg * (1.0 - s)


def setup_inputs(seed: int = 0) -> dict:
    key = jax.random.key(seed)
    k1, k2, k3, k4 = jax.random.split(key, 4)
    queries = jax.random.normal(k1, (Q, D), dtype=jnp.float32)
    keys = jax.random.normal(k2, (K, D), dtype=jnp.float32)
    query_locs = jax.random.randint(k3, (Q, TP), 0, N)
    key_locs = jax.random.randint(k4, (K, TP), 0, N)
    return {"queries": queries, "keys": keys, "query_locs": query_locs, "key_locs": key_locs, "k": 10}


def reference(queries, keys, query_locs, key_locs, k):
    # Euclidean norm product, as in loom_vocab_cro (use_eu_norm=True branch):
    # eu_cro_nrm = ||nei_emb|| @ ||voc_emb||^T
    q_norm = jnp.linalg.norm(queries, axis=-1, keepdims=True)  # [Q, 1]
    k_norm = jnp.linalg.norm(keys, axis=-1, keepdims=True)     # [K, 1]
    eu_cro_nrm = q_norm @ k_norm.T                              # [Q, K]
    # Discrete graph cosine averaged over the tp hash coordinates:
    # logits_ori = cos_nei_voc.mean(dim=-1) * eu_cro_nrm
    graph_cos = cos_similarity(query_locs[:, None, :], key_locs[None, :, :]).mean(axis=-1)  # [Q, K]
    logits = graph_cos * eu_cro_nrm
    k_static = 10
    vals, idx = jax.lax.top_k(logits, k_static)
    k_arr = jnp.asarray(k)
    vals = vals + jnp.zeros((), dtype=vals.dtype) * k_arr.astype(vals.dtype)
    idx = idx + jnp.zeros((), dtype=idx.dtype) * k_arr.astype(idx.dtype)
    return vals, idx

if __name__ == "__main__":
    import jax
    _d = setup_inputs()
    print(jax.jit(kernel)(*tuple(_d.values())))

</pallas_src>

<mosaic_0001>
#map = affine_map<(d0, d1) -> (0)>
module attributes {stable_mosaic.version = 14 : i64} {
  func.func @_sc_topk_body(%arg0: i32, %arg1: i32, %arg2: memref<655360xf32, #tpu.memory_space<hbm>>, %arg3: memref<5120xf32, #tpu.memory_space<hbm>>, %arg4: memref<5120xi32, #tpu.memory_space<hbm>>, %arg5: memref<20480xf32, #tpu.memory_space<vmem>>, %arg6: memref<160xf32, #tpu.memory_space<vmem>>, %arg7: memref<160xi32, #tpu.memory_space<vmem>>, %arg8: memref<!tpu.dma_semaphore, #tpu.memory_space<semaphore_mem>>) attributes {dimension_semantics = [#tpu.dimension_semantics<core_parallel>, #tpu.dimension_semantics<subcore_parallel>], iteration_bounds = array<i64: 2, 16>, scalar_prefetch = 0 : i64, scratch_operands = 4 : i64, tpu.core_type = #tpu.core_type<sc_vector_subcore>, window_params = [{transform_indices = #map}, {transform_indices = #map}, {transform_indices = #map}]} {
    %mul3A = arith.constant 2 : i32
    %mul3A_0 = arith.muli %arg1, %mul3A : i32
    %add3A = arith.addi %mul3A_0, %arg0 : i32
    %jit3A = arith.constant 2 : i32
    %div3A = arith.divsi %add3A, %jit3A : i32
    %sign3A = arith.constant 0 : i32
    %sign3A_1 = arith.cmpi sgt, %add3A, %sign3A : i32
    %sign3A_2 = arith.extui %sign3A_1 : i1 to i32
    %sign3A_3 = arith.constant 0 : i32
    %sign3A_4 = arith.cmpi slt, %add3A, %sign3A_3 : i32
    %sign3A_5 = arith.extui %sign3A_4 : i1 to i32
    %sign3A_6 = arith.subi %sign3A_2, %sign3A_5 : i32
    %sign3A_7 = arith.constant 0 : i32
    %sign3A_8 = arith.cmpi sgt, %jit3A, %sign3A_7 : i32
    %sign3A_9 = arith.extui %sign3A_8 : i1 to i32
    %sign3A_10 = arith.constant 0 : i32
    %sign3A_11 = arith.cmpi slt, %jit3A, %sign3A_10 : i32
    %sign3A_12 = arith.extui %sign3A_11 : i1 to i32
    %sign3A_13 = arith.subi %sign3A_9, %sign3A_12 : i32
    %ne3A = arith.cmpi ne, %sign3A_6, %sign3A_13 : i32
    %rem3A = arith.remsi %add3A, %jit3A : i32
    %ne3A_14 = arith.constant 0 : i32
    %ne3A_15 = arith.cmpi ne, %rem3A, %ne3A_14 : i32
    %and3A = arith.andi %ne3A, %ne3A_15 : i1
    %sub3A = arith.constant 1 : i32
    %sub3A_16 = arith.subi %div3A, %sub3A : i32
    %select_n3A = arith.select %and3A, %sub3A_16, %div3A : i32
    %jit3A_17 = arith.constant 2 : i32
    %eq3A = arith.constant 0 : i32
    %eq3A_18 = arith.cmpi eq, %jit3A_17, %eq3A : i32
    %jit3A_19 = arith.constant 1 : i32
    %select_n3A_20 = arith.select %eq3A_18, %jit3A_19, %jit3A_17 : i32
    %rem3A_21 = arith.remsi %add3A, %select_n3A_20 : i32
    %ne3A_22 = arith.constant 0 : i32
    %ne3A_23 = arith.cmpi ne, %rem3A_21, %ne3A_22 : i32
    %lt3A = arith.constant 0 : i32
    %lt3A_24 = arith.cmpi slt, %rem3A_21, %lt3A : i32
    %lt3A_25 = arith.constant 0 : i32
    %lt3A_26 = arith.cmpi slt, %select_n3A_20, %lt3A_25 : i32
    %ne3A_27 = arith.xori %lt3A_24, %lt3A_26 : i1
    %and3A_28 = arith.andi %ne3A_27, %ne3A_23 : i1
    %add3A_29 = arith.addi %rem3A_21, %select_n3A_20 : i32
    %select_n3A_30 = arith.select %and3A_28, %add3A_29, %rem3A_21 : i32
    %mul3A_31 = arith.constant 5 : i32
    %mul3A_32 = arith.muli %select_n3A_30, %mul3A_31 : i32
    %sub3A_33 = arith.constant 1 : i32
    %sub3A_34 = arith.subi %sub3A_33, %select_n3A_30 : i32
    %mul3A_35 = arith.constant 5 : i32
    %mul3A_36 = arith.muli %mul3A_35, %sub3A_34 : i32
    %mul3A_37 = arith.constant 5 : i32
    %mul3A_38 = arith.muli %mul3A_37, %select_n3A_30 : i32
    %add3A_39 = arith.addi %mul3A_36, %mul3A_38 : i32
    %sub3A_40 = arith.constant 1 : i32
    %sub3A_41 = arith.subi %add3A_39, %sub3A_40 : i32
    %min3A = arith.constant 0 : i32
    %min3A_42 = arith.minsi %min3A, %sub3A_41 : i32
    %add3A_43 = arith.addi %mul3A_32, %min3A_42 : i32
    %mul3A_44 = arith.constant 16 : i32
    %mul3A_45 = arith.muli %add3A_43, %mul3A_44 : i32
    %add3A_46 = arith.addi %mul3A_45, %select_n3A : i32
    %mul3A_47 = arith.constant 4096 : i32
    %mul3A_48 = arith.muli %add3A_46, %mul3A_47 : i32
    %multiple_of3A = tpu.assume_multiple %mul3A_48, 4096 : i32
    %dma_start3A = arith.constant 0 : i32
    %dma_start3A_49 = tpu.memref_slice %arg5[%dma_start3A] : memref<20480xf32, #tpu.memory_space<vmem>> -> memref<4096xf32, #tpu.memory_space<vmem>>
    %dma_start3A_50 = tpu.memref_slice %arg2[%multiple_of3A] : memref<655360xf32, #tpu.memory_space<hbm>> -> memref<4096xf32, #tpu.memory_space<hbm>>
    %dma_start3A_51 = arith.constant 0 : i32
    %dma_start3A_52 = tpu.memref_slice %arg5[%dma_start3A_51] : memref<20480xf32, #tpu.memory_space<vmem>> -> memref<4096xf32, #tpu.memory_space<vmem>>
    %dma_start3A_53 = tpu.memref_slice %arg2[%multiple_of3A] : memref<655360xf32, #tpu.memory_space<hbm>> -> memref<4096xf32, #tpu.memory_space<hbm>>
    tpu.enqueue_dma source(%dma_start3A_53 : memref<4096xf32, #tpu.memory_space<hbm>>) target(%dma_start3A_52 : memref<4096xf32, #tpu.memory_space<vmem>>) target_semaphore(%arg8 : memref<!tpu.dma_semaphore, #tpu.memory_space<semaphore_mem>>)
    %sub3A_54 = arith.constant 1 : i32
    %sub3A_55 = arith.subi %add3A_39, %sub3A_54 : i32
    %min3A_56 = arith.constant 1 : i32
    %min3A_57 = arith.minsi %min3A_56, %sub3A_55 : i32
    %add3A_58 = arith.addi %mul3A_32, %min3A_57 : i32
    %mul3A_59 = arith.constant 16 : i32
    %mul3A_60 = arith.muli %add3A_58, %mul3A_59 : i32
    %add3A_61 = arith.addi %mul3A_60, %select_n3A : i32
    %mul3A_62 = arith.constant 4096 : i32
    %mul3A_63 = arith.muli %add3A_61, %mul3A_62 : i32
    %multiple_of3A_64 = tpu.assume_multiple %mul3A_63, 4096 : i32
    %dma_start3A_65 = arith.constant 4096 : i32
    %dma_start3A_66 = tpu.memref_slice %arg5[%dma_start3A_65] : memref<20480xf32, #tpu.memory_space<vmem>> -> memref<4096xf32, #tpu.memory_space<vmem>>
    %dma_start3A_67 = tpu.memref_slice %arg2[%multiple_of3A_64] : memref<655360xf32, #tpu.memory_space<hbm>> -> memref<4096xf32, #tpu.memory_space<hbm>>
    %dma_start3A_68 = arith.constant 4096 : i32
    %dma_start3A_69 = tpu.memref_slice %arg5[%dma_start3A_68] : memref<20480xf32, #tpu.memory_space<vmem>> -> memref<4096xf32, #tpu.memory_space<vmem>>
    %dma_start3A_70 = tpu.memref_slice %arg2[%multiple_of3A_64] : memref<655360xf32, #tpu.memory_space<hbm>> -> memref<4096xf32, #tpu.memory_space<hbm>>
    tpu.enqueue_dma source(%dma_start3A_70 : memref<4096xf32, #tpu.memory_space<hbm>>) target(%dma_start3A_69 : memref<4096xf32, #tpu.memory_space<vmem>>) target_semaphore(%arg8 : memref<!tpu.dma_semaphore, #tpu.memory_space<semaphore_mem>>)
    %sub3A_71 = arith.constant 1 : i32
    %sub3A_72 = arith.subi %add3A_39, %sub3A_71 : i32
    %min3A_73 = arith.constant 2 : i32
    %min3A_74 = arith.minsi %min3A_73, %sub3A_72 : i32
    %add3A_75 = arith.addi %mul3A_32, %min3A_74 : i32
    %mul3A_76 = arith.constant 16 : i32
    %mul3A_77 = arith.muli %add3A_75, %mul3A_76 : i32
    %add3A_78 = arith.addi %mul3A_77, %select_n3A : i32
    %mul3A_79 = arith.constant 4096 : i32
    %mul3A_80 = arith.muli %add3A_78, %mul3A_79 : i32
    %multiple_of3A_81 = tpu.assume_multiple %mul3A_80, 4096 : i32
    %dma_start3A_82 = arith.constant 8192 : i32
    %dma_start3A_83 = tpu.memref_slice %arg5[%dma_start3A_82] : memref<20480xf32, #tpu.memory_space<vmem>> -> memref<4096xf32, #tpu.memory_space<vmem>>
    %dma_start3A_84 = tpu.memref_slice %arg2[%multiple_of3A_81] : memref<655360xf32, #tpu.memory_space<hbm>> -> memref<4096xf32, #tpu.memory_space<hbm>>
    %dma_start3A_85 = arith.constant 8192 : i32
    %dma_start3A_86 = tpu.memref_slice %arg5[%dma_start3A_85] : memref<20480xf32, #tpu.memory_space<vmem>> -> memref<4096xf32, #tpu.memory_space<vmem>>
    %dma_start3A_87 = tpu.memref_slice %arg2[%multiple_of3A_81] : memref<655360xf32, #tpu.memory_space<hbm>> -> memref<4096xf32, #tpu.memory_space<hbm>>
    tpu.enqueue_dma source(%dma_start3A_87 : memref<4096xf32, #tpu.memory_space<hbm>>) target(%dma_start3A_86 : memref<4096xf32, #tpu.memory_space<vmem>>) target_semaphore(%arg8 : memref<!tpu.dma_semaphore, #tpu.memory_space<semaphore_mem>>)
    %sub3A_88 = arith.constant 1 : i32
    %sub3A_89 = arith.subi %add3A_39, %sub3A_88 : i32
    %min3A_90 = arith.constant 3 : i32
    %min3A_91 = arith.minsi %min3A_90, %sub3A_89 : i32
    %add3A_92 = arith.addi %mul3A_32, %min3A_91 : i32
    %mul3A_93 = arith.constant 16 : i32
    %mul3A_94 = arith.muli %add3A_92, %mul3A_93 : i32
    %add3A_95 = arith.addi %mul3A_94, %select_n3A : i32
    %mul3A_96 = arith.constant 4096 : i32
    %mul3A_97 = arith.muli %add3A_95, %mul3A_96 : i32
    %multiple_of3A_98 = tpu.assume_multiple %mul3A_97, 4096 : i32
    %dma_start3A_99 = arith.constant 12288 : i32
    %dma_start3A_100 = tpu.memref_slice %arg5[%dma_start3A_99] : memref<20480xf32, #tpu.memory_space<vmem>> -> memref<4096xf32, #tpu.memory_space<vmem>>
    %dma_start3A_101 = tpu.memref_slice %arg2[%multiple_of3A_98] : memref<655360xf32, #tpu.memory_space<hbm>> -> memref<4096xf32, #tpu.memory_space<hbm>>
    %dma_start3A_102 = arith.constant 12288 : i32
    %dma_start3A_103 = tpu.memref_slice %arg5[%dma_start3A_102] : memref<20480xf32, #tpu.memory_space<vmem>> -> memref<4096xf32, #tpu.memory_space<vmem>>
    %dma_start3A_104 = tpu.memref_slice %arg2[%multiple_of3A_98] : memref<655360xf32, #tpu.memory_space<hbm>> -> memref<4096xf32, #tpu.memory_space<hbm>>
    tpu.enqueue_dma source(%dma_start3A_104 : memref<4096xf32, #tpu.memory_space<hbm>>) target(%dma_start3A_103 : memref<4096xf32, #tpu.memory_space<vmem>>) target_semaphore(%arg8 : memref<!tpu.dma_semaphore, #tpu.memory_space<semaphore_mem>>)
    %sub3A_105 = arith.constant 1 : i32
    %sub3A_106 = arith.subi %add3A_39, %sub3A_105 : i32
    %min3A_107 = arith.constant 4 : i32
    %min3A_108 = arith.minsi %min3A_107, %sub3A_106 : i32
    %add3A_109 = arith.addi %mul3A_32, %min3A_108 : i32
    %mul3A_110 = arith.constant 16 : i32
    %mul3A_111 = arith.muli %add3A_109, %mul3A_110 : i32
    %add3A_112 = arith.addi %mul3A_111, %select_n3A : i32
    %mul3A_113 = arith.constant 4096 : i32
    %mul3A_114 = arith.muli %add3A_112, %mul3A_113 : i32
    %multiple_of3A_115 = tpu.assume_multiple %mul3A_114, 4096 : i32
    %dma_start3A_116 = arith.constant 16384 : i32
    %dma_start3A_117 = tpu.memref_slice %arg5[%dma_start3A_116] : memref<20480xf32, #tpu.memory_space<vmem>> -> memref<4096xf32, #tpu.memory_space<vmem>>
    %dma_start3A_118 = tpu.memref_slice %arg2[%multiple_of3A_115] : memref<655360xf32, #tpu.memory_space<hbm>> -> memref<4096xf32, #tpu.memory_space<hbm>>
    %dma_start3A_119 = arith.constant 16384 : i32
    %dma_start3A_120 = tpu.memref_slice %arg5[%dma_start3A_119] : memref<20480xf32, #tpu.memory_space<vmem>> -> memref<4096xf32, #tpu.memory_space<vmem>>
    %dma_start3A_121 = tpu.memref_slice %arg2[%multiple_of3A_115] : memref<655360xf32, #tpu.memory_space<hbm>> -> memref<4096xf32, #tpu.memory_space<hbm>>
    tpu.enqueue_dma source(%dma_start3A_121 : memref<4096xf32, #tpu.memory_space<hbm>>) target(%dma_start3A_120 : memref<4096xf32, #tpu.memory_space<vmem>>) target_semaphore(%arg8 : memref<!tpu.dma_semaphore, #tpu.memory_space<semaphore_mem>>)
    %dma_wait3A = arith.constant 0 : i32
    %dma_wait3A_122 = tpu.memref_slice %arg5[%dma_wait3A] : memref<20480xf32, #tpu.memory_space<vmem>> -> memref<4096xf32, #tpu.memory_space<vmem>>
    %dma_wait3A_123 = tpu.memref_slice %arg2[%multiple_of3A] : memref<655360xf32, #tpu.memory_space<hbm>> -> memref<4096xf32, #tpu.memory_space<hbm>>
    %dma_wait3A_124 = arith.constant 0 : i32
    %dma_wait3A_125 = tpu.memref_slice %arg5[%dma_wait3A_124] : memref<20480xf32, #tpu.memory_space<vmem>> -> memref<4096xf32, #tpu.memory_space<vmem>>
    %dma_wait3A_126 = tpu.memref_slice %arg2[%multiple_of3A] : memref<655360xf32, #tpu.memory_space<hbm>> -> memref<4096xf32, #tpu.memory_space<hbm>>
    tpu.wait_dma2 semaphore(%arg8 : memref<!tpu.dma_semaphore, #tpu.memory_space<semaphore_mem>>) src(%dma_wait3A_126 : memref<4096xf32, #tpu.memory_space<hbm>>) dst(%dma_wait3A_125 : memref<4096xf32, #tpu.memory_space<vmem>>)
    %dma_wait3A_127 = arith.constant 4096 : i32
    %dma_wait3A_128 = tpu.memref_slice %arg5[%dma_wait3A_127] : memref<20480xf32, #tpu.memory_space<vmem>> -> memref<4096xf32, #tpu.memory_space<vmem>>
    %dma_wait3A_129 = tpu.memref_slice %arg2[%multiple_of3A_64] : memref<655360xf32, #tpu.memory_space<hbm>> -> memref<4096xf32, #tpu.memory_space<hbm>>
    %dma_wait3A_130 = arith.constant 4096 : i32
    %dma_wait3A_131 = tpu.memref_slice %arg5[%dma_wait3A_130] : memref<20480xf32, #tpu.memory_space<vmem>> -> memref<4096xf32, #tpu.memory_space<vmem>>
    %dma_wait3A_132 = tpu.memref_slice %arg2[%multiple_of3A_64] : memref<655360xf32, #tpu.memory_space<hbm>> -> memref<4096xf32, #tpu.memory_space<hbm>>
    tpu.wait_dma2 semaphore(%arg8 : memref<!tpu.dma_semaphore, #tpu.memory_space<semaphore_mem>>) src(%dma_wait3A_132 : memref<4096xf32, #tpu.memory_space<hbm>>) dst(%dma_wait3A_131 : memref<4096xf32, #tpu.memory_space<vmem>>)
    %dma_wait3A_133 = arith.constant 8192 : i32
    %dma_wait3A_134 = tpu.memref_slice %arg5[%dma_wait3A_133] : memref<20480xf32, #tpu.memory_space<vmem>> -> memref<4096xf32, #tpu.memory_space<vmem>>
    %dma_wait3A_135 = tpu.memref_slice %arg2[%multiple_of3A_81] : memref<655360xf32, #tpu.memory_space<hbm>> -> memref<4096xf32, #tpu.memory_space<hbm>>
    %dma_wait3A_136 = arith.constant 8192 : i32
    %dma_wait3A_137 = tpu.memref_slice %arg5[%dma_wait3A_136] : memref<20480xf32, #tpu.memory_space<vmem>> -> memref<4096xf32, #tpu.memory_space<vmem>>
    %dma_wait3A_138 = tpu.memref_slice %arg2[%multiple_of3A_81] : memref<655360xf32, #tpu.memory_space<hbm>> -> memref<4096xf32, #tpu.memory_space<hbm>>
    tpu.wait_dma2 semaphore(%arg8 : memref<!tpu.dma_semaphore, #tpu.memory_space<semaphore_mem>>) src(%dma_wait3A_138 : memref<4096xf32, #tpu.memory_space<hbm>>) dst(%dma_wait3A_137 : memref<4096xf32, #tpu.memory_space<vmem>>)
    %dma_wait3A_139 = arith.constant 12288 : i32
    %dma_wait3A_140 = tpu.memref_slice %arg5[%dma_wait3A_139] : memref<20480xf32, #tpu.memory_space<vmem>> -> memref<4096xf32, #tpu.memory_space<vmem>>
    %dma_wait3A_141 = tpu.memref_slice %arg2[%multiple_of3A_98] : memref<655360xf32, #tpu.memory_space<hbm>> -> memref<4096xf32, #tpu.memory_space<hbm>>
    %dma_wait3A_142 = arith.constant 12288 : i32
    %dma_wait3A_143 = tpu.memref_slice %arg5[%dma_wait3A_142] : memref<20480xf32, #tpu.memory_space<vmem>> -> memref<4096xf32, #tpu.memory_space<vmem>>
    %dma_wait3A_144 = tpu.memref_slice %arg2[%multiple_of3A_98] : memref<655360xf32, #tpu.memory_space<hbm>> -> memref<4096xf32, #tpu.memory_space<hbm>>
    tpu.wait_dma2 semaphore(%arg8 : memref<!tpu.dma_semaphore, #tpu.memory_space<semaphore_mem>>) src(%dma_wait3A_144 : memref<4096xf32, #tpu.memory_space<hbm>>) dst(%dma_wait3A_143 : memref<4096xf32, #tpu.memory_space<vmem>>)
    %dma_wait3A_145 = arith.constant 16384 : i32
    %dma_wait3A_146 = tpu.memref_slice %arg5[%dma_wait3A_145] : memref<20480xf32, #tpu.memory_space<vmem>> -> memref<4096xf32, #tpu.memory_space<vmem>>
    %dma_wait3A_147 = tpu.memref_slice %arg2[%multiple_of3A_115] : memref<655360xf32, #tpu.memory_space<hbm>> -> memref<4096xf32, #tpu.memory_space<hbm>>
    %dma_wait3A_148 = arith.constant 16384 : i32
    %dma_wait3A_149 = tpu.memref_slice %arg5[%dma_wait3A_148] : memref<20480xf32, #tpu.memory_space<vmem>> -> memref<4096xf32, #tpu.memory_space<vmem>>
    %dma_wait3A_150 = tpu.memref_slice %arg2[%multiple_of3A_115] : memref<655360xf32, #tpu.memory_space<hbm>> -> memref<4096xf32, #tpu.memory_space<hbm>>
    tpu.wait_dma2 semaphore(%arg8 : memref<!tpu.dma_semaphore, #tpu.memory_space<semaphore_mem>>) src(%dma_wait3A_150 : memref<4096xf32, #tpu.memory_space<hbm>>) dst(%dma_wait3A_149 : memref<4096xf32, #tpu.memory_space<vmem>>)
    %iota3A = tpu.iota {dimensions = array<i32: 0>} : vector<16xi32>
    %mul3A_151 = arith.constant 4096 : i32
    %mul3A_152 = arith.muli %mul3A_32, %mul3A_151 : i32
    %broadcast_in_dim3A = arith.constant 0xFF800000 : f32
    %broadcast_in_dim3A_153 = vector.broadcast %broadcast_in_dim3A : f32 to vector<16xf32>
    %broadcast_in_dim3A_154 = arith.constant 0 : i32
    %broadcast_in_dim3A_155 = vector.broadcast %broadcast_in_dim3A_154 : i32 to vector<16xi32>
    %mul3A_156 = arith.constant 64 : i32
    %mul3A_157 = arith.muli %add3A_39, %mul3A_156 : i32
    %while3A = arith.constant 0 : i32
    %while3A_158 = arith.subi %mul3A_157, %while3A : i32
    %while3A_159 = arith.addi %while3A, %while3A_158 : i32
    %while3A_160 = arith.constant 1 : i32
    %while3A_161 = arith.divsi %while3A_158, %while3A_160 : i32
    %while3A_162 = arith.muli %while3A_161, %while3A_160 : i32
    %while3A_163 = arith.addi %while3A, %while3A_162 : i32
    %while3A_164 = arith.constant 1 : i32
    %while3A_165:20 = scf.for %while3A_253 = %while3A to %while3A_163 step %while3A_164 iter_args(%while3A_254 = %broadcast_in_dim3A_153, %while3A_255 = %broadcast_in_dim3A_153, %while3A_256 = %broadcast_in_dim3A_153, %while3A_257 = %broadcast_in_dim3A_153, %while3A_258 = %broadcast_in_dim3A_153, %while3A_259 = %broadcast_in_dim3A_153, %while3A_260 = %broadcast_in_dim3A_153, %while3A_261 = %broadcast_in_dim3A_153, %while3A_262 = %broadcast_in_dim3A_153, %while3A_263 = %broadcast_in_dim3A_153, %while3A_264 = %broadcast_in_dim3A_155, %while3A_265 = %broadcast_in_dim3A_155, %while3A_266 = %broadcast_in_dim3A_155, %while3A_267 = %broadcast_in_dim3A_155, %while3A_268 = %broadcast_in_dim3A_155, %while3A_269 = %broadcast_in_dim3A_155, %while3A_270 = %broadcast_in_dim3A_155, %while3A_271 = %broadcast_in_dim3A_155, %while3A_272 = %broadcast_in_dim3A_155, %while3A_273 = %broadcast_in_dim3A_155) -> (vector<16xf32>, vector<16xf32>, vector<16xf32>, vector<16xf32>, vector<16xf32>, vector<16xf32>, vector<16xf32>, vector<16xf32>, vector<16xf32>, vector<16xf32>, vector<16xi32>, vector<16xi32>, vector<16xi32>, vector<16xi32>, vector<16xi32>, vector<16xi32>, vector<16xi32>, vector<16xi32>, vector<16xi32>, vector<16xi32>)  : i32 {
      %mul3A_274 = arith.constant 4 : i32
      %mul3A_275 = arith.muli %while3A_253, %mul3A_274 : i32
      %add3A_276 = arith.constant 0 : i32
      %add3A_277 = arith.addi %mul3A_275, %add3A_276 : i32
      %mul3A_278 = arith.constant 16 : i32
      %mul3A_279 = arith.muli %add3A_277, %mul3A_278 : i32
      %get3A = arith.index_cast %mul3A_279 : i32 to index
      %get3A_280 = tpu.vector_load %arg5[%get3A] {strides = array<i32>} : memref<20480xf32, #tpu.memory_space<vmem>>, vector<16xf32>,
      %get3A_281 = vector.shape_cast %get3A_280 : vector<16xf32> to vector<16xf32>
      %mul3A_282 = arith.constant 4 : i32
      %mul3A_283 = arith.muli %while3A_253, %mul3A_282 : i32
      %add3A_284 = arith.constant 0 : i32
      %add3A_285 = arith.addi %mul3A_283, %add3A_284 : i32
      %mul3A_286 = arith.constant 16 : i32
      %mul3A_287 = arith.muli %add3A_285, %mul3A_286 : i32
      %add3A_288 = arith.addi %mul3A_152, %mul3A_287 : i32
      %add3A_289 = vector.broadcast %add3A_288 : i32 to vector<16xi32>
      %add3A_290 = arith.addi %add3A_289, %iota3A : vector<16xi32>
      %gt3A = arith.cmpf ogt, %get3A_281, %while3A_254 : vector<16xf32>
      %max3A = arith.maximumf %while3A_254, %get3A_281 : vector<16xf32>
      %min3A_291 = arith.minimumf %while3A_254, %get3A_281 : vector<16xf32>
      %select_n3A_292 = arith.select %gt3A, %add3A_290, %while3A_264 : vector<16xi1>, vector<16xi32>
      %select_n3A_293 = arith.select %gt3A, %while3A_264, %add3A_290 : vector<16xi1>, vector<16xi32>
      %gt3A_294 = arith.cmpf ogt, %min3A_291, %while3A_255 : vector<16xf32>
      %max3A_295 = arith.maximumf %while3A_255, %min3A_291 : vector<16xf32>
      %min3A_296 = arith.minimumf %while3A_255, %min3A_291 : vector<16xf32>
      %select_n3A_297 = arith.select %gt3A_294, %select_n3A_293, %while3A_265 : vector<16xi1>, vector<16xi32>
      %select_n3A_298 = arith.select %gt3A_294, %while3A_265, %select_n3A_293 : vector<16xi1>, vector<16xi32>
      %gt3A_299 = arith.cmpf ogt, %min3A_296, %while3A_256 : vector<16xf32>
      %max3A_300 = arith.maximumf %while3A_256, %min3A_296 : vector<16xf32>
      %min3A_301 = arith.minimumf %while3A_256, %min3A_296 : vector<16xf32>
      %select_n3A_302 = arith.select %gt3A_299, %select_n3A_298, %while3A_266 : vector<16xi1>, vector<16xi32>
      %select_n3A_303 = arith.select %gt3A_299, %while3A_266, %select_n3A_298 : vector<16xi1>, vector<16xi32>
      %gt3A_304 = arith.cmpf ogt, %min3A_301, %while3A_257 : vector<16xf32>
      %max3A_305 = arith.maximumf %while3A_257, %min3A_301 : vector<16xf32>
      %min3A_306 = arith.minimumf %while3A_257, %min3A_301 : vector<16xf32>
      %select_n3A_307 = arith.select %gt3A_304, %select_n3A_303, %while3A_267 : vector<16xi1>, vector<16xi32>
      %select_n3A_308 = arith.select %gt3A_304, %while3A_267, %select_n3A_303 : vector<16xi1>, vector<16xi32>
      %gt3A_309 = arith.cmpf ogt, %min3A_306, %while3A_258 : vector<16xf32>
      %max3A_310 = arith.maximumf %while3A_258, %min3A_306 : vector<16xf32>
      %min3A_311 = arith.minimumf %while3A_258, %min3A_306 : vector<16xf32>
      %select_n3A_312 = arith.select %gt3A_309, %select_n3A_308, %while3A_268 : vector<16xi1>, vector<16xi32>
      %select_n3A_313 = arith.select %gt3A_309, %while3A_268, %select_n3A_308 : vector<16xi1>, vector<16xi32>
      %gt3A_314 = arith.cmpf ogt, %min3A_311, %while3A_259 : vector<16xf32>
      %max3A_315 = arith.maximumf %while3A_259, %min3A_311 : vector<16xf32>
      %min3A_316 = arith.minimumf %while3A_259, %min3A_311 : vector<16xf32>
      %select_n3A_317 = arith.select %gt3A_314, %select_n3A_313, %while3A_269 : vector<16xi1>, vector<16xi32>
      %select_n3A_318 = arith.select %gt3A_314, %while3A_269, %select_n3A_313 : vector<16xi1>, vector<16xi32>
      %gt3A_319 = arith.cmpf ogt, %min3A_316, %while3A_260 : vector<16xf32>
      %max3A_320 = arith.maximumf %while3A_260, %min3A_316 : vector<16xf32>
      %min3A_321 = arith.minimumf %while3A_260, %min3A_316 : vector<16xf32>
      %select_n3A_322 = arith.select %gt3A_319, %select_n3A_318, %while3A_270 : vector<16xi1>, vector<16xi32>
      %select_n3A_323 = arith.select %gt3A_319, %while3A_270, %select_n3A_318 : vector<16xi1>, vector<16xi32>
      %gt3A_324 = arith.cmpf ogt, %min3A_321, %while3A_261 : vector<16xf32>
      %max3A_325 = arith.maximumf %while3A_261, %min3A_321 : vector<16xf32>
      %min3A_326 = arith.minimumf %while3A_261, %min3A_321 : vector<16xf32>
      %select_n3A_327 = arith.select %gt3A_324, %select_n3A_323, %while3A_271 : vector<16xi1>, vector<16xi32>
      %select_n3A_328 = arith.select %gt3A_324, %while3A_271, %select_n3A_323 : vector<16xi1>, vector<16xi32>
      %gt3A_329 = arith.cmpf ogt, %min3A_326, %while3A_262 : vector<16xf32>
      %max3A_330 = arith.maximumf %while3A_262, %min3A_326 : vector<16xf32>
      %min3A_331 = arith.minimumf %while3A_262, %min3A_326 : vector<16xf32>
      %select_n3A_332 = arith.select %gt3A_329, %select_n3A_328, %while3A_272 : vector<16xi1>, vector<16xi32>
      %select_n3A_333 = arith.select %gt3A_329, %while3A_272, %select_n3A_328 : vector<16xi1>, vector<16xi32>
      %gt3A_334 = arith.cmpf ogt, %min3A_331, %while3A_263 : vector<16xf32>
      %max3A_335 = arith.maximumf %while3A_263, %min3A_331 : vector<16xf32>
      %min3A_336 = arith.minimumf %while3A_263, %min3A_331 : vector<16xf32>
      %select_n3A_337 = arith.select %gt3A_334, %select_n3A_333, %while3A_273 : vector<16xi1>, vector<16xi32>
      %select_n3A_338 = arith.select %gt3A_334, %while3A_273, %select_n3A_333 : vector<16xi1>, vector<16xi32>
      %mul3A_339 = arith.constant 4 : i32
      %mul3A_340 = arith.muli %while3A_253, %mul3A_339 : i32
      %add3A_341 = arith.constant 1 : i32
      %add3A_342 = arith.addi %mul3A_340, %add3A_341 : i32
      %mul3A_343 = arith.constant 16 : i32
      %mul3A_344 = arith.muli %add3A_342, %mul3A_343 : i32
      %get3A_345 = arith.index_cast %mul3A_344 : i32 to index
      %get3A_346 = tpu.vector_load %arg5[%get3A_345] {strides = array<i32>} : memref<20480xf32, #tpu.memory_space<vmem>>, vector<16xf32>,
      %get3A_347 = vector.shape_cast %get3A_346 : vector<16xf32> to vector<16xf32>
      %mul3A_348 = arith.constant 4 : i32
      %mul3A_349 = arith.muli %while3A_253, %mul3A_348 : i32
      %add3A_350 = arith.constant 1 : i32
      %add3A_351 = arith.addi %mul3A_349, %add3A_350 : i32
      %mul3A_352 = arith.constant 16 : i32
      %mul3A_353 = arith.muli %add3A_351, %mul3A_352 : i32
      %add3A_354 = arith.addi %mul3A_152, %mul3A_353 : i32
      %add3A_355 = vector.broadcast %add3A_354 : i32 to vector<16xi32>
      %add3A_356 = arith.addi %add3A_355, %iota3A : vector<16xi32>
      %gt3A_357 = arith.cmpf ogt, %get3A_347, %max3A : vector<16xf32>
      %max3A_358 = arith.maximumf %max3A, %get3A_347 : vector<16xf32>
      %min3A_359 = arith.minimumf %max3A, %get3A_347 : vector<16xf32>
      %select_n3A_360 = arith.select %gt3A_357, %add3A_356, %select_n3A_292 : vector<16xi1>, vector<16xi32>
      %select_n3A_361 = arith.select %gt3A_357, %select_n3A_292, %add3A_356 : vector<16xi1>, vector<16xi32>
      %gt3A_362 = arith.cmpf ogt, %min3A_359, %max3A_295 : vector<16xf32>
      %max3A_363 = arith.maximumf %max3A_295, %min3A_359 : vector<16xf32>
      %min3A_364 = arith.minimumf %max3A_295, %min3A_359 : vector<16xf32>
      %select_n3A_365 = arith.select %gt3A_362, %select_n3A_361, %select_n3A_297 : vector<16xi1>, vector<16xi32>
      %select_n3A_366 = arith.select %gt3A_362, %select_n3A_297, %select_n3A_361 : vector<16xi1>, vector<16xi32>
      %gt3A_367 = arith.cmpf ogt, %min3A_364, %max3A_300 : vector<16xf32>
      %max3A_368 = arith.maximumf %max3A_300, %min3A_364 : vector<16xf32>
      %min3A_369 = arith.minimumf %max3A_300, %min3A_364 : vector<16xf32>
      %select_n3A_370 = arith.select %gt3A_367, %select_n3A_366, %select_n3A_302 : vector<16xi1>, vector<16xi32>
      %select_n3A_371 = arith.select %gt3A_367, %select_n3A_302, %select_n3A_366 : vector<16xi1>, vector<16xi32>
      %gt3A_372 = arith.cmpf ogt, %min3A_369, %max3A_305 : vector<16xf32>
      %max3A_373 = arith.maximumf %max3A_305, %min3A_369 : vector<16xf32>
      %min3A_374 = arith.minimumf %max3A_305, %min3A_369 : vector<16xf32>
      %select_n3A_375 = arith.select %gt3A_372, %select_n3A_371, %select_n3A_307 : vector<16xi1>, vector<16xi32>
      %select_n3A_376 = arith.select %gt3A_372, %select_n3A_307, %select_n3A_371 : vector<16xi1>, vector<16xi32>
      %gt3A_377 = arith.cmpf ogt, %min3A_374, %max3A_310 : vector<16xf32>
      %max3A_378 = arith.maximumf %max3A_310, %min3A_374 : vector<16xf32>
      %min3A_379 = arith.minimumf %max3A_310, %min3A_374 : vector<16xf32>
      %select_n3A_380 = arith.select %gt3A_377, %select_n3A_376, %select_n3A_312 : vector<16xi1>, vector<16xi32>
      %select_n3A_381 = arith.select %gt3A_377, %select_n3A_312, %select_n3A_376 : vector<16xi1>, vector<16xi32>
      %gt3A_382 = arith.cmpf ogt, %min3A_379, %max3A_315 : vector<16xf32>
      %max3A_383 = arith.maximumf %max3A_315, %min3A_379 : vector<16xf32>
      %min3A_384 = arith.minimumf %max3A_315, %min3A_379 : vector<16xf32>
      %select_n3A_385 = arith.select %gt3A_382, %select_n3A_381, %select_n3A_317 : vector<16xi1>, vector<16xi32>
      %select_n3A_386 = arith.select %gt3A_382, %select_n3A_317, %select_n3A_381 : vector<16xi1>, vector<16xi32>
      %gt3A_387 = arith.cmpf ogt, %min3A_384, %max3A_320 : vector<16xf32>
      %max3A_388 = arith.maximumf %max3A_320, %min3A_384 : vector<16xf32>
      %min3A_389 = arith.minimumf %max3A_320, %min3A_384 : vector<16xf32>
      %select_n3A_390 = arith.select %gt3A_387, %select_n3A_386, %select_n3A_322 : vector<16xi1>, vector<16xi32>
      %select_n3A_391 = arith.select %gt3A_387, %select_n3A_322, %select_n3A_386 : vector<16xi1>, vector<16xi32>
      %gt3A_392 = arith.cmpf ogt, %min3A_389, %max3A_325 : vector<16xf32>
      %max3A_393 = arith.maximumf %max3A_325, %min3A_389 : vector<16xf32>
      %min3A_394 = arith.minimumf %max3A_325, %min3A_389 : vector<16xf32>
      %select_n3A_395 = arith.select %gt3A_392, %select_n3A_391, %select_n3A_327 : vector<16xi1>, vector<16xi32>
      %select_n3A_396 = arith.select %gt3A_392, %select_n3A_327, %select_n3A_391 : vector<16xi1>, vector<16xi32>
      %gt3A_397 = arith.cmpf ogt, %min3A_394, %max3A_330 : vector<16xf32>
      %max3A_398 = arith.maximumf %max3A_330, %min3A_394 : vector<16xf32>
      %min3A_399 = arith.minimumf %max3A_330, %min3A_394 : vector<16xf32>
      %select_n3A_400 = arith.select %gt3A_397, %select_n3A_396, %select_n3A_332 : vector<16xi1>, vector<16xi32>
      %select_n3A_401 = arith.select %gt3A_397, %select_n3A_332, %select_n3A_396 : vector<16xi1>, vector<16xi32>
      %gt3A_402 = arith.cmpf ogt, %min3A_399, %max3A_335 : vector<16xf32>
      %max3A_403 = arith.maximumf %max3A_335, %min3A_399 : vector<16xf32>
      %min3A_404 = arith.minimumf %max3A_335, %min3A_399 : vector<16xf32>
      %select_n3A_405 = arith.select %gt3A_402, %select_n3A_401, %select_n3A_337 : vector<16xi1>, vector<16xi32>
      %select_n3A_406 = arith.select %gt3A_402, %select_n3A_337, %select_n3A_401 : vector<16xi1>, vector<16xi32>
      %mul3A_407 = arith.constant 4 : i32
      %mul3A_408 = arith.muli %while3A_253, %mul3A_407 : i32
      %add3A_409 = arith.constant 2 : i32
      %add3A_410 = arith.addi %mul3A_408, %add3A_409 : i32
      %mul3A_411 = arith.constant 16 : i32
      %mul3A_412 = arith.muli %add3A_410, %mul3A_411 : i32
      %get3A_413 = arith.index_cast %mul3A_412 : i32 to index
      %get3A_414 = tpu.vector_load %arg5[%get3A_413] {strides = array<i32>} : memref<20480xf32, #tpu.memory_space<vmem>>, vector<16xf32>,
      %get3A_415 = vector.shape_cast %get3A_414 : vector<16xf32> to vector<16xf32>
      %mul3A_416 = arith.constant 4 : i32
      %mul3A_417 = arith.muli %while3A_253, %mul3A_416 : i32
      %add3A_418 = arith.constant 2 : i32
      %add3A_419 = arith.addi %mul3A_417, %add3A_418 : i32
      %mul3A_420 = arith.constant 16 : i32
      %mul3A_421 = arith.muli %add3A_419, %mul3A_420 : i32
      %add3A_422 = arith.addi %mul3A_152, %mul3A_421 : i32
      %add3A_423 = vector.broadcast %add3A_422 : i32 to vector<16xi32>
      %add3A_424 = arith.addi %add3A_423, %iota3A : vector<16xi32>
      %gt3A_425 = arith.cmpf ogt, %get3A_415, %max3A_358 : vector<16xf32>
      %max3A_426 = arith.maximumf %max3A_358, %get3A_415 : vector<16xf32>
      %min3A_427 = arith.minimumf %max3A_358, %get3A_415 : vector<16xf32>
      %select_n3A_428 = arith.select %gt3A_425, %add3A_424, %select_n3A_360 : vector<16xi1>, vector<16xi32>
      %select_n3A_429 = arith.select %gt3A_425, %select_n3A_360, %add3A_424 : vector<16xi1>, vector<16xi32>
      %gt3A_430 = arith.cmpf ogt, %min3A_427, %max3A_363 : vector<16xf32>
      %max3A_431 = arith.maximumf %max3A_363, %min3A_427 : vector<16xf32>
      %min3A_432 = arith.minimumf %max3A_363, %min3A_427 : vector<16xf32>
      %select_n3A_433 = arith.select %gt3A_430, %select_n3A_429, %select_n3A_365 : vector<16xi1>, vector<16xi32>
      %select_n3A_434 = arith.select %gt3A_430, %select_n3A_365, %select_n3A_429 : vector<16xi1>, vector<16xi32>
      %gt3A_435 = arith.cmpf ogt, %min3A_432, %max3A_368 : vector<16xf32>
      %max3A_436 = arith.maximumf %max3A_368, %min3A_432 : vector<16xf32>
      %min3A_437 = arith.minimumf %max3A_368, %min3A_432 : vector<16xf32>
      %select_n3A_438 = arith.select %gt3A_435, %select_n3A_434, %select_n3A_370 : vector<16xi1>, vector<16xi32>
      %select_n3A_439 = arith.select %gt3A_435, %select_n3A_370, %select_n3A_434 : vector<16xi1>, vector<16xi32>
      %gt3A_440 = arith.cmpf ogt, %min3A_437, %max3A_373 : vector<16xf32>
      %max3A_441 = arith.maximumf %max3A_373, %min3A_437 : vector<16xf32>
      %min3A_442 = arith.minimumf %max3A_373, %min3A_437 : vector<16xf32>
      %select_n3A_443 = arith.select %gt3A_440, %select_n3A_439, %select_n3A_375 : vector<16xi1>, vector<16xi32>
      %select_n3A_444 = arith.select %gt3A_440, %select_n3A_375, %select_n3A_439 : vector<16xi1>, vector<16xi32>
      %gt3A_445 = arith.cmpf ogt, %min3A_442, %max3A_378 : vector<16xf32>
      %max3A_446 = arith.maximumf %max3A_378, %min3A_442 : vector<16xf32>
      %min3A_447 = arith.minimumf %max3A_378, %min3A_442 : vector<16xf32>
      %select_n3A_448 = arith.select %gt3A_445, %select_n3A_444, %select_n3A_380 : vector<16xi1>, vector<16xi32>
      %select_n3A_449 = arith.select %gt3A_445, %select_n3A_380, %select_n3A_444 : vector<16xi1>, vector<16xi32>
      %gt3A_450 = arith.cmpf ogt, %min3A_447, %max3A_383 : vector<16xf32>
      %max3A_451 = arith.maximumf %max3A_383, %min3A_447 : vector<16xf32>
      %min3A_452 = arith.minimumf %max3A_383, %min3A_447 : vector<16xf32>
      %select_n3A_453 = arith.select %gt3A_450, %select_n3A_449, %select_n3A_385 : vector<16xi1>, vector<16xi32>
      %select_n3A_454 = arith.select %gt3A_450, %select_n3A_385, %select_n3A_449 : vector<16xi1>, vector<16xi32>
      %gt3A_455 = arith.cmpf ogt, %min3A_452, %max3A_388 : vector<16xf32>
      %max3A_456 = arith.maximumf %max3A_388, %min3A_452 : vector<16xf32>
      %min3A_457 = arith.minimumf %max3A_388, %min3A_452 : vector<16xf32>
      %select_n3A_458 = arith.select %gt3A_455, %select_n3A_454, %select_n3A_390 : vector<16xi1>, vector<16xi32>
      %select_n3A_459 = arith.select %gt3A_455, %select_n3A_390, %select_n3A_454 : vector<16xi1>, vector<16xi32>
      %gt3A_460 = arith.cmpf ogt, %min3A_457, %max3A_393 : vector<16xf32>
      %max3A_461 = arith.maximumf %max3A_393, %min3A_457 : vector<16xf32>
      %min3A_462 = arith.minimumf %max3A_393, %min3A_457 : vector<16xf32>
      %select_n3A_463 = arith.select %gt3A_460, %select_n3A_459, %select_n3A_395 : vector<16xi1>, vector<16xi32>
      %select_n3A_464 = arith.select %gt3A_460, %select_n3A_395, %select_n3A_459 : vector<16xi1>, vector<16xi32>
      %gt3A_465 = arith.cmpf ogt, %min3A_462, %max3A_398 : vector<16xf32>
      %max3A_466 = arith.maximumf %max3A_398, %min3A_462 : vector<16xf32>
      %min3A_467 = arith.minimumf %max3A_398, %min3A_462 : vector<16xf32>
      %select_n3A_468 = arith.select %gt3A_465, %select_n3A_464, %select_n3A_400 : vector<16xi1>, vector<16xi32>
      %select_n3A_469 = arith.select %gt3A_465, %select_n3A_400, %select_n3A_464 : vector<16xi1>, vector<16xi32>
      %gt3A_470 = arith.cmpf ogt, %min3A_467, %max3A_403 : vector<16xf32>
      %max3A_471 = arith.maximumf %max3A_403, %min3A_467 : vector<16xf32>
      %min3A_472 = arith.minimumf %max3A_403, %min3A_467 : vector<16xf32>
      %select_n3A_473 = arith.select %gt3A_470, %select_n3A_469, %select_n3A_405 : vector<16xi1>, vector<16xi32>
      %select_n3A_474 = arith.select %gt3A_470, %select_n3A_405, %select_n3A_469 : vector<16xi1>, vector<16xi32>
      %mul3A_475 = arith.constant 4 : i32
      %mul3A_476 = arith.muli %while3A_253, %mul3A_475 : i32
      %add3A_477 = arith.constant 3 : i32
      %add3A_478 = arith.addi %mul3A_476, %add3A_477 : i32
      %mul3A_479 = arith.constant 16 : i32
      %mul3A_480 = arith.muli %add3A_478, %mul3A_479 : i32
      %get3A_481 = arith.index_cast %mul3A_480 : i32 to index
      %get3A_482 = tpu.vector_load %arg5[%get3A_481] {strides = array<i32>} : memref<20480xf32, #tpu.memory_space<vmem>>, vector<16xf32>,
      %get3A_483 = vector.shape_cast %get3A_482 : vector<16xf32> to vector<16xf32>
      %mul3A_484 = arith.constant 4 : i32
      %mul3A_485 = arith.muli %while3A_253, %mul3A_484 : i32
      %add3A_486 = arith.constant 3 : i32
      %add3A_487 = arith.addi %mul3A_485, %add3A_486 : i32
      %mul3A_488 = arith.constant 16 : i32
      %mul3A_489 = arith.muli %add3A_487, %mul3A_488 : i32
      %add3A_490 = arith.addi %mul3A_152, %mul3A_489 : i32
      %add3A_491 = vector.broadcast %add3A_490 : i32 to vector<16xi32>
      %add3A_492 = arith.addi %add3A_491, %iota3A : vector<16xi32>
      %gt3A_493 = arith.cmpf ogt, %get3A_483, %max3A_426 : vector<16xf32>
      %max3A_494 = arith.maximumf %max3A_426, %get3A_483 : vector<16xf32>
      %min3A_495 = arith.minimumf %max3A_426, %get3A_483 : vector<16xf32>
      %select_n3A_496 = arith.select %gt3A_493, %add3A_492, %select_n3A_428 : vector<16xi1>, vector<16xi32>
      %select_n3A_497 = arith.select %gt3A_493, %select_n3A_428, %add3A_492 : vector<16xi1>, vector<16xi32>
      %gt3A_498 = arith.cmpf ogt, %min3A_495, %max3A_431 : vector<16xf32>
      %max3A_499 = arith.maximumf %max3A_431, %min3A_495 : vector<16xf32>
      %min3A_500 = arith.minimumf %max3A_431, %min3A_495 : vector<16xf32>
      %select_n3A_501 = arith.select %gt3A_498, %select_n3A_497, %select_n3A_433 : vector<16xi1>, vector<16xi32>
      %select_n3A_502 = arith.select %gt3A_498, %select_n3A_433, %select_n3A_497 : vector<16xi1>, vector<16xi32>
      %gt3A_503 = arith.cmpf ogt, %min3A_500, %max3A_436 : vector<16xf32>
      %max3A_504 = arith.maximumf %max3A_436, %min3A_500 : vector<16xf32>
      %min3A_505 = arith.minimumf %max3A_436, %min3A_500 : vector<16xf32>
      %select_n3A_506 = arith.select %gt3A_503, %select_n3A_502, %select_n3A_438 : vector<16xi1>, vector<16xi32>
      %select_n3A_507 = arith.select %gt3A_503, %select_n3A_438, %select_n3A_502 : vector<16xi1>, vector<16xi32>
      %gt3A_508 = arith.cmpf ogt, %min3A_505, %max3A_441 : vector<16xf32>
      %max3A_509 = arith.maximumf %max3A_441, %min3A_505 : vector<16xf32>
      %min3A_510 = arith.minimumf %max3A_441, %min3A_505 : vector<16xf32>
      %select_n3A_511 = arith.select %gt3A_508, %select_n3A_507, %select_n3A_443 : vector<16xi1>, vector<16xi32>
      %select_n3A_512 = arith.select %gt3A_508, %select_n3A_443, %select_n3A_507 : vector<16xi1>, vector<16xi32>
      %gt3A_513 = arith.cmpf ogt, %min3A_510, %max3A_446 : vector<16xf32>
      %max3A_514 = arith.maximumf %max3A_446, %min3A_510 : vector<16xf32>
      %min3A_515 = arith.minimumf %max3A_446, %min3A_510 : vector<16xf32>
      %select_n3A_516 = arith.select %gt3A_513, %select_n3A_512, %select_n3A_448 : vector<16xi1>, vector<16xi32>
      %select_n3A_517 = arith.select %gt3A_513, %select_n3A_448, %select_n3A_512 : vector<16xi1>, vector<16xi32>
      %gt3A_518 = arith.cmpf ogt, %min3A_515, %max3A_451 : vector<16xf32>
      %max3A_519 = arith.maximumf %max3A_451, %min3A_515 : vector<16xf32>
      %min3A_520 = arith.minimumf %max3A_451, %min3A_515 : vector<16xf32>
      %select_n3A_521 = arith.select %gt3A_518, %select_n3A_517, %select_n3A_453 : vector<16xi1>, vector<16xi32>
      %select_n3A_522 = arith.select %gt3A_518, %select_n3A_453, %select_n3A_517 : vector<16xi1>, vector<16xi32>
      %gt3A_523 = arith.cmpf ogt, %min3A_520, %max3A_456 : vector<16xf32>
      %max3A_524 = arith.maximumf %max3A_456, %min3A_520 : vector<16xf32>
      %min3A_525 = arith.minimumf %max3A_456, %min3A_520 : vector<16xf32>
      %select_n3A_526 = arith.select %gt3A_523, %select_n3A_522, %select_n3A_458 : vector<16xi1>, vector<16xi32>
      %select_n3A_527 = arith.select %gt3A_523, %select_n3A_458, %select_n3A_522 : vector<16xi1>, vector<16xi32>
      %gt3A_528 = arith.cmpf ogt, %min3A_525, %max3A_461 : vector<16xf32>
      %max3A_529 = arith.maximumf %max3A_461, %min3A_525 : vector<16xf32>
      %min3A_530 = arith.minimumf %max3A_461, %min3A_525 : vector<16xf32>
      %select_n3A_531 = arith.select %gt3A_528, %select_n3A_527, %select_n3A_463 : vector<16xi1>, vector<16xi32>
      %select_n3A_532 = arith.select %gt3A_528, %select_n3A_463, %select_n3A_527 : vector<16xi1>, vector<16xi32>
      %gt3A_533 = arith.cmpf ogt, %min3A_530, %max3A_466 : vector<16xf32>
      %max3A_534 = arith.maximumf %max3A_466, %min3A_530 : vector<16xf32>
      %min3A_535 = arith.minimumf %max3A_466, %min3A_530 : vector<16xf32>
      %select_n3A_536 = arith.select %gt3A_533, %select_n3A_532, %select_n3A_468 : vector<16xi1>, vector<16xi32>
      %select_n3A_537 = arith.select %gt3A_533, %select_n3A_468, %select_n3A_532 : vector<16xi1>, vector<16xi32>
      %gt3A_538 = arith.cmpf ogt, %min3A_535, %max3A_471 : vector<16xf32>
      %max3A_539 = arith.maximumf %max3A_471, %min3A_535 : vector<16xf32>
      %min3A_540 = arith.minimumf %max3A_471, %min3A_535 : vector<16xf32>
      %select_n3A_541 = arith.select %gt3A_538, %select_n3A_537, %select_n3A_473 : vector<16xi1>, vector<16xi32>
      %select_n3A_542 = arith.select %gt3A_538, %select_n3A_473, %select_n3A_537 : vector<16xi1>, vector<16xi32>
      scf.yield %max3A_494, %max3A_499, %max3A_504, %max3A_509, %max3A_514, %max3A_519, %max3A_524, %max3A_529, %max3A_534, %max3A_539, %select_n3A_496, %select_n3A_501, %select_n3A_506, %select_n3A_511, %select_n3A_516, %select_n3A_521, %select_n3A_526, %select_n3A_531, %select_n3A_536, %select_n3A_541 : vector<16xf32>, vector<16xf32>, vector<16xf32>, vector<16xf32>, vector<16xf32>, vector<16xf32>, vector<16xf32>, vector<16xf32>, vector<16xf32>, vector<16xf32>, vector<16xi32>, vector<16xi32>, vector<16xi32>, vector<16xi32>, vector<16xi32>, vector<16xi32>, vector<16xi32>, vector<16xi32>, vector<16xi32>, vector<16xi32>
    }
    %while3A_166 = arith.constant 1 : i32
    %while3A_167:20 = scf.for %while3A_253 = %while3A_163 to %while3A_159 step %while3A_166 iter_args(%while3A_254 = %while3A_165#0, %while3A_255 = %while3A_165#1, %while3A_256 = %while3A_165#2, %while3A_257 = %while3A_165#3, %while3A_258 = %while3A_165#4, %while3A_259 = %while3A_165#5, %while3A_260 = %while3A_165#6, %while3A_261 = %while3A_165#7, %while3A_262 = %while3A_165#8, %while3A_263 = %while3A_165#9, %while3A_264 = %while3A_165#10, %while3A_265 = %while3A_165#11, %while3A_266 = %while3A_165#12, %while3A_267 = %while3A_165#13, %while3A_268 = %while3A_165#14, %while3A_269 = %while3A_165#15, %while3A_270 = %while3A_165#16, %while3A_271 = %while3A_165#17, %while3A_272 = %while3A_165#18, %while3A_273 = %while3A_165#19) -> (vector<16xf32>, vector<16xf32>, vector<16xf32>, vector<16xf32>, vector<16xf32>, vector<16xf32>, vector<16xf32>, vector<16xf32>, vector<16xf32>, vector<16xf32>, vector<16xi32>, vector<16xi32>, vector<16xi32>, vector<16xi32>, vector<16xi32>, vector<16xi32>, vector<16xi32>, vector<16xi32>, vector<16xi32>, vector<16xi32>)  : i32 {
      %mul3A_274 = arith.constant 4 : i32
      %mul3A_275 = arith.muli %while3A_253, %mul3A_274 : i32
      %add3A_276 = arith.constant 0 : i32
      %add3A_277 = arith.addi %mul3A_275, %add3A_276 : i32
      %mul3A_278 = arith.constant 16 : i32
      %mul3A_279 = arith.muli %add3A_277, %mul3A_278 : i32
      %get3A = arith.index_cast %mul3A_279 : i32 to index
      %get3A_280 = tpu.vector_load %arg5[%get3A] {strides = array<i32>} : memref<20480xf32, #tpu.memory_space<vmem>>, vector<16xf32>,
      %get3A_281 = vector.shape_cast %get3A_280 : vector<16xf32> to vector<16xf32>
      %mul3A_282 = arith.constant 4 : i32
      %mul3A_283 = arith.muli %while3A_253, %mul3A_282 : i32
      %add3A_284 = arith.constant 0 : i32
      %add3A_285 = arith.addi %mul3A_283, %add3A_284 : i32
      %mul3A_286 = arith.constant 16 : i32
      %mul3A_287 = arith.muli %add3A_285, %mul3A_286 : i32
      %add3A_288 = arith.addi %mul3A_152, %mul3A_287 : i32
      %add3A_289 = vector.broadcast %add3A_288 : i32 to vector<16xi32>
      %add3A_290 = arith.addi %add3A_289, %iota3A : vector<16xi32>
      %gt3A = arith.cmpf ogt, %get3A_281, %while3A_254 : vector<16xf32>
      %max3A = arith.maximumf %while3A_254, %get3A_281 : vector<16xf32>
      %min3A_291 = arith.minimumf %while3A_254, %get3A_281 : vector<16xf32>
      %select_n3A_292 = arith.select %gt3A, %add3A_290, %while3A_264 : vector<16xi1>, vector<16xi32>
      %select_n3A_293 = arith.select %gt3A, %while3A_264, %add3A_290 : vector<16xi1>, vector<16xi32>
      %gt3A_294 = arith.cmpf ogt, %min3A_291, %while3A_255 : vector<16xf32>
      %max3A_295 = arith.maximumf %while3A_255, %min3A_291 : vector<16xf32>
      %min3A_296 = arith.minimumf %while3A_255, %min3A_291 : vector<16xf32>
      %select_n3A_297 = arith.select %gt3A_294, %select_n3A_293, %while3A_265 : vector<16xi1>, vector<16xi32>
      %select_n3A_298 = arith.select %gt3A_294, %while3A_265, %select_n3A_293 : vector<16xi1>, vector<16xi32>
      %gt3A_299 = arith.cmpf ogt, %min3A_296, %while3A_256 : vector<16xf32>
      %max3A_300 = arith.maximumf %while3A_256, %min3A_296 : vector<16xf32>
      %min3A_301 = arith.minimumf %while3A_256, %min3A_296 : vector<16xf32>
      %select_n3A_302 = arith.select %gt3A_299, %select_n3A_298, %while3A_266 : vector<16xi1>, vector<16xi32>
      %select_n3A_303 = arith.select %gt3A_299, %while3A_266, %select_n3A_298 : vector<16xi1>, vector<16xi32>
      %gt3A_304 = arith.cmpf ogt, %min3A_301, %while3A_257 : vector<16xf32>
      %max3A_305 = arith.maximumf %while3A_257, %min3A_301 : vector<16xf32>
      %min3A_306 = arith.minimumf %while3A_257, %min3A_301 : vector<16xf32>
      %select_n3A_307 = arith.select %gt3A_304, %select_n3A_303, %while3A_267 : vector<16xi1>, vector<16xi32>
      %select_n3A_308 = arith.select %gt3A_304, %while3A_267, %select_n3A_303 : vector<16xi1>, vector<16xi32>
      %gt3A_309 = arith.cmpf ogt, %min3A_306, %while3A_258 : vector<16xf32>
      %max3A_310 = arith.maximumf %while3A_258, %min3A_306 : vector<16xf32>
      %min3A_311 = arith.minimumf %while3A_258, %min3A_306 : vector<16xf32>
      %select_n3A_312 = arith.select %gt3A_309, %select_n3A_308, %while3A_268 : vector<16xi1>, vector<16xi32>
      %select_n3A_313 = arith.select %gt3A_309, %while3A_268, %select_n3A_308 : vector<16xi1>, vector<16xi32>
      %gt3A_314 = arith.cmpf ogt, %min3A_311, %while3A_259 : vector<16xf32>
      %max3A_315 = arith.maximumf %while3A_259, %min3A_311 : vector<16xf32>
      %min3A_316 = arith.minimumf %while3A_259, %min3A_311 : vector<16xf32>
      %select_n3A_317 = arith.select %gt3A_314, %select_n3A_313, %while3A_269 : vector<16xi1>, vector<16xi32>
      %select_n3A_318 = arith.select %gt3A_314, %while3A_269, %select_n3A_313 : vector<16xi1>, vector<16xi32>
      %gt3A_319 = arith.cmpf ogt, %min3A_316, %while3A_260 : vector<16xf32>
      %max3A_320 = arith.maximumf %while3A_260, %min3A_316 : vector<16xf32>
      %min3A_321 = arith.minimumf %while3A_260, %min3A_316 : vector<16xf32>
      %select_n3A_322 = arith.select %gt3A_319, %select_n3A_318, %while3A_270 : vector<16xi1>, vector<16xi32>
      %select_n3A_323 = arith.select %gt3A_319, %while3A_270, %select_n3A_318 : vector<16xi1>, vector<16xi32>
      %gt3A_324 = arith.cmpf ogt, %min3A_321, %while3A_261 : vector<16xf32>
      %max3A_325 = arith.maximumf %while3A_261, %min3A_321 : vector<16xf32>
      %min3A_326 = arith.minimumf %while3A_261, %min3A_321 : vector<16xf32>
      %select_n3A_327 = arith.select %gt3A_324, %select_n3A_323, %while3A_271 : vector<16xi1>, vector<16xi32>
      %select_n3A_328 = arith.select %gt3A_324, %while3A_271, %select_n3A_323 : vector<16xi1>, vector<16xi32>
      %gt3A_329 = arith.cmpf ogt, %min3A_326, %while3A_262 : vector<16xf32>
      %max3A_330 = arith.maximumf %while3A_262, %min3A_326 : vector<16xf32>
      %min3A_331 = arith.minimumf %while3A_262, %min3A_326 : vector<16xf32>
      %select_n3A_332 = arith.select %gt3A_329, %select_n3A_328, %while3A_272 : vector<16xi1>, vector<16xi32>
      %select_n3A_333 = arith.select %gt3A_329, %while3A_272, %select_n3A_328 : vector<16xi1>, vector<16xi32>
      %gt3A_334 = arith.cmpf ogt, %min3A_331, %while3A_263 : vector<16xf32>
      %max3A_335 = arith.maximumf %while3A_263, %min3A_331 : vector<16xf32>
      %min3A_336 = arith.minimumf %while3A_263, %min3A_331 : vector<16xf32>
      %select_n3A_337 = arith.select %gt3A_334, %select_n3A_333, %while3A_273 : vector<16xi1>, vector<16xi32>
      %select_n3A_338 = arith.select %gt3A_334, %while3A_273, %select_n3A_333 : vector<16xi1>, vector<16xi32>
      %mul3A_339 = arith.constant 4 : i32
      %mul3A_340 = arith.muli %while3A_253, %mul3A_339 : i32
      %add3A_341 = arith.constant 1 : i32
      %add3A_342 = arith.addi %mul3A_340, %add3A_341 : i32
      %mul3A_343 = arith.constant 16 : i32
      %mul3A_344 = arith.muli %add3A_342, %mul3A_343 : i32
      %get3A_345 = arith.index_cast %mul3A_344 : i32 to index
      %get3A_346 = tpu.vector_load %arg5[%get3A_345] {strides = array<i32>} : memref<20480xf32, #tpu.memory_space<vmem>>, vector<16xf32>,
      %get3A_347 = vector.shape_cast %get3A_346 : vector<16xf32> to vector<16xf32>
      %mul3A_348 = arith.constant 4 : i32
      %mul3A_349 = arith.muli %while3A_253, %mul3A_348 : i32
      %add3A_350 = arith.constant 1 : i32
      %add3A_351 = arith.addi %mul3A_349, %add3A_350 : i32
      %mul3A_352 = arith.constant 16 : i32
      %mul3A_353 = arith.muli %add3A_351, %mul3A_352 : i32
      %add3A_354 = arith.addi %mul3A_152, %mul3A_353 : i32
      %add3A_355 = vector.broadcast %add3A_354 : i32 to vector<16xi32>
      %add3A_356 = arith.addi %add3A_355, %iota3A : vector<16xi32>
      %gt3A_357 = arith.cmpf ogt, %get3A_347, %max3A : vector<16xf32>
      %max3A_358 = arith.maximumf %max3A, %get3A_347 : vector<16xf32>
      %min3A_359 = arith.minimumf %max3A, %get3A_347 : vector<16xf32>
      %select_n3A_360 = arith.select %gt3A_357, %add3A_356, %select_n3A_292 : vector<16xi1>, vector<16xi32>
      %select_n3A_361 = arith.select %gt3A_357, %select_n3A_292, %add3A_356 : vector<16xi1>, vector<16xi32>
      %gt3A_362 = arith.cmpf ogt, %min3A_359, %max3A_295 : vector<16xf32>
      %max3A_363 = arith.maximumf %max3A_295, %min3A_359 : vector<16xf32>
      %min3A_364 = arith.minimumf %max3A_295, %min3A_359 : vector<16xf32>
      %select_n3A_365 = arith.select %gt3A_362, %select_n3A_361, %select_n3A_297 : vector<16xi1>, vector<16xi32>
      %select_n3A_366 = arith.select %gt3A_362, %select_n3A_297, %select_n3A_361 : vector<16xi1>, vector<16xi32>
      %gt3A_367 = arith.cmpf ogt, %min3A_364, %max3A_300 : vector<16xf32>
      %max3A_368 = arith.maximumf %max3A_300, %min3A_364 : vector<16xf32>
      %min3A_369 = arith.minimumf %max3A_300, %min3A_364 : vector<16xf32>
      %select_n3A_370 = arith.select %gt3A_367, %select_n3A_366, %select_n3A_302 : vector<16xi1>, vector<16xi32>
      %select_n3A_371 = arith.select %gt3A_367, %select_n3A_302, %select_n3A_366 : vector<16xi1>, vector<16xi32>
      %gt3A_372 = arith.cmpf ogt, %min3A_369, %max3A_305 : vector<16xf32>
      %max3A_373 = arith.maximumf %max3A_305, %min3A_369 : vector<16xf32>
      %min3A_374 = arith.minimumf %max3A_305, %min3A_369 : vector<16xf32>
      %select_n3A_375 = arith.select %gt3A_372, %select_n3A_371, %select_n3A_307 : vector<16xi1>, vector<16xi32>
      %select_n3A_376 = arith.select %gt3A_372, %select_n3A_307, %select_n3A_371 : vector<16xi1>, vector<16xi32>
      %gt3A_377 = arith.cmpf ogt, %min3A_374, %max3A_310 : vector<16xf32>
      %max3A_378 = arith.maximumf %max3A_310, %min3A_374 : vector<16xf32>
      %min3A_379 = arith.minimumf %max3A_310, %min3A_374 : vector<16xf32>
      %select_n3A_380 = arith.select %gt3A_377, %select_n3A_376, %select_n3A_312 : vector<16xi1>, vector<16xi32>
      %select_n3A_381 = arith.select %gt3A_377, %select_n3A_312, %select_n3A_376 : vector<16xi1>, vector<16xi32>
      %gt3A_382 = arith.cmpf ogt, %min3A_379, %max3A_315 : vector<16xf32>
      %max3A_383 = arith.maximumf %max3A_315, %min3A_379 : vector<16xf32>
      %min3A_384 = arith.minimumf %max3A_315, %min3A_379 : vector<16xf32>
      %select_n3A_385 = arith.select %gt3A_382, %select_n3A_381, %select_n3A_317 : vector<16xi1>, vector<16xi32>
      %select_n3A_386 = arith.select %gt3A_382, %select_n3A_317, %select_n3A_381 : vector<16xi1>, vector<16xi32>
      %gt3A_387 = arith.cmpf ogt, %min3A_384, %max3A_320 : vector<16xf32>
      %max3A_388 = arith.maximumf %max3A_320, %min3A_384 : vector<16xf32>
      %min3A_389 = arith.minimumf %max3A_320, %min3A_384 : vector<16xf32>
      %select_n3A_390 = arith.select %gt3A_387, %select_n3A_386, %select_n3A_322 : vector<16xi1>, vector<16xi32>
      %select_n3A_391 = arith.select %gt3A_387, %select_n3A_322, %select_n3A_386 : vector<16xi1>, vector<16xi32>
      %gt3A_392 = arith.cmpf ogt, %min3A_389, %max3A_325 : vector<16xf32>
      %max3A_393 = arith.maximumf %max3A_325, %min3A_389 : vector<16xf32>
      %min3A_394 = arith.minimumf %max3A_325, %min3A_389 : vector<16xf32>
      %select_n3A_395 = arith.select %gt3A_392, %select_n3A_391, %select_n3A_327 : vector<16xi1>, vector<16xi32>
      %select_n3A_396 = arith.select %gt3A_392, %select_n3A_327, %select_n3A_391 : vector<16xi1>, vector<16xi32>
      %gt3A_397 = arith.cmpf ogt, %min3A_394, %max3A_330 : vector<16xf32>
      %max3A_398 = arith.maximumf %max3A_330, %min3A_394 : vector<16xf32>
      %min3A_399 = arith.minimumf %max3A_330, %min3A_394 : vector<16xf32>
      %select_n3A_400 = arith.select %gt3A_397, %select_n3A_396, %select_n3A_332 : vector<16xi1>, vector<16xi32>
      %select_n3A_401 = arith.select %gt3A_397, %select_n3A_332, %select_n3A_396 : vector<16xi1>, vector<16xi32>
      %gt3A_402 = arith.cmpf ogt, %min3A_399, %max3A_335 : vector<16xf32>
      %max3A_403 = arith.maximumf %max3A_335, %min3A_399 : vector<16xf32>
      %min3A_404 = arith.minimumf %max3A_335, %min3A_399 : vector<16xf32>
      %select_n3A_405 = arith.select %gt3A_402, %select_n3A_401, %select_n3A_337 : vector<16xi1>, vector<16xi32>
      %select_n3A_406 = arith.select %gt3A_402, %select_n3A_337, %select_n3A_401 : vector<16xi1>, vector<16xi32>
      %mul3A_407 = arith.constant 4 : i32
      %mul3A_408 = arith.muli %while3A_253, %mul3A_407 : i32
      %add3A_409 = arith.constant 2 : i32
      %add3A_410 = arith.addi %mul3A_408, %add3A_409 : i32
      %mul3A_411 = arith.constant 16 : i32
      %mul3A_412 = arith.muli %add3A_410, %mul3A_411 : i32
      %get3A_413 = arith.index_cast %mul3A_412 : i32 to index
      %get3A_414 = tpu.vector_load %arg5[%get3A_413] {strides = array<i32>} : memref<20480xf32, #tpu.memory_space<vmem>>, vector<16xf32>,
      %get3A_415 = vector.shape_cast %get3A_414 : vector<16xf32> to vector<16xf32>
      %mul3A_416 = arith.constant 4 : i32
      %mul3A_417 = arith.muli %while3A_253, %mul3A_416 : i32
      %add3A_418 = arith.constant 2 : i32
      %add3A_419 = arith.addi %mul3A_417, %add3A_418 : i32
      %mul3A_420 = arith.constant 16 : i32
      %mul3A_421 = arith.muli %add3A_419, %mul3A_420 : i32
      %add3A_422 = arith.addi %mul3A_152, %mul3A_421 : i32
      %add3A_423 = vector.broadcast %add3A_422 : i32 to vector<16xi32>
      %add3A_424 = arith.addi %add3A_423, %iota3A : vector<16xi32>
      %gt3A_425 = arith.cmpf ogt, %get3A_415, %max3A_358 : vector<16xf32>
      %max3A_426 = arith.maximumf %max3A_358, %get3A_415 : vector<16xf32>
      %min3A_427 = arith.minimumf %max3A_358, %get3A_415 : vector<16xf32>
      %select_n3A_428 = arith.select %gt3A_425, %add3A_424, %select_n3A_360 : vector<16xi1>, vector<16xi32>
      %select_n3A_429 = arith.select %gt3A_425, %select_n3A_360, %add3A_424 : vector<16xi1>, vector<16xi32>
      %gt3A_430 = arith.cmpf ogt, %min3A_427, %max3A_363 : vector<16xf32>
      %max3A_431 = arith.maximumf %max3A_363, %min3A_427 : vector<16xf32>
      %min3A_432 = arith.minimumf %max3A_363, %min3A_427 : vector<16xf32>
      %select_n3A_433 = arith.select %gt3A_430, %select_n3A_429, %select_n3A_365 : vector<16xi1>, vector<16xi32>
      %select_n3A_434 = arith.select %gt3A_430, %select_n3A_365, %select_n3A_429 : vector<16xi1>, vector<16xi32>
      %gt3A_435 = arith.cmpf ogt, %min3A_432, %max3A_368 : vector<16xf32>
      %max3A_436 = arith.maximumf %max3A_368, %min3A_432 : vector<16xf32>
      %min3A_437 = arith.minimumf %max3A_368, %min3A_432 : vector<16xf32>
      %select_n3A_438 = arith.select %gt3A_435, %select_n3A_434, %select_n3A_370 : vector<16xi1>, vector<16xi32>
      %select_n3A_439 = arith.select %gt3A_435, %select_n3A_370, %select_n3A_434 : vector<16xi1>, vector<16xi32>
      %gt3A_440 = arith.cmpf ogt, %min3A_437, %max3A_373 : vector<16xf32>
      %max3A_441 = arith.maximumf %max3A_373, %min3A_437 : vector<16xf32>
      %min3A_442 = arith.minimumf %max3A_373, %min3A_437 : vector<16xf32>
      %select_n3A_443 = arith.select %gt3A_440, %select_n3A_439, %select_n3A_375 : vector<16xi1>, vector<16xi32>
      %select_n3A_444 = arith.select %gt3A_440, %select_n3A_375, %select_n3A_439 : vector<16xi1>, vector<16xi32>
      %gt3A_445 = arith.cmpf ogt, %min3A_442, %max3A_378 : vector<16xf32>
      %max3A_446 = arith.maximumf %max3A_378, %min3A_442 : vector<16xf32>
      %min3A_447 = arith.minimumf %max3A_378, %min3A_442 : vector<16xf32>
      %select_n3A_448 = arith.select %gt3A_445, %select_n3A_444, %select_n3A_380 : vector<16xi1>, vector<16xi32>
      %select_n3A_449 = arith.select %gt3A_445, %select_n3A_380, %select_n3A_444 : vector<16xi1>, vector<16xi32>
      %gt3A_450 = arith.cmpf ogt, %min3A_447, %max3A_383 : vector<16xf32>
      %max3A_451 = arith.maximumf %max3A_383, %min3A_447 : vector<16xf32>
      %min3A_452 = arith.minimumf %max3A_383, %min3A_447 : vector<16xf32>
      %select_n3A_453 = arith.select %gt3A_450, %select_n3A_449, %select_n3A_385 : vector<16xi1>, vector<16xi32>
      %select_n3A_454 = arith.select %gt3A_450, %select_n3A_385, %select_n3A_449 : vector<16xi1>, vector<16xi32>
      %gt3A_455 = arith.cmpf ogt, %min3A_452, %max3A_388 : vector<16xf32>
      %max3A_456 = arith.maximumf %max3A_388, %min3A_452 : vector<16xf32>
      %min3A_457 = arith.minimumf %max3A_388, %min3A_452 : vector<16xf32>
      %select_n3A_458 = arith.select %gt3A_455, %select_n3A_454, %select_n3A_390 : vector<16xi1>, vector<16xi32>
      %select_n3A_459 = arith.select %gt3A_455, %select_n3A_390, %select_n3A_454 : vector<16xi1>, vector<16xi32>
      %gt3A_460 = arith.cmpf ogt, %min3A_457, %max3A_393 : vector<16xf32>
      %max3A_461 = arith.maximumf %max3A_393, %min3A_457 : vector<16xf32>
      %min3A_462 = arith.minimumf %max3A_393, %min3A_457 : vector<16xf32>
      %select_n3A_463 = arith.select %gt3A_460, %select_n3A_459, %select_n3A_395 : vector<16xi1>, vector<16xi32>
      %select_n3A_464 = arith.select %gt3A_460, %select_n3A_395, %select_n3A_459 : vector<16xi1>, vector<16xi32>
      %gt3A_465 = arith.cmpf ogt, %min3A_462, %max3A_398 : vector<16xf32>
      %max3A_466 = arith.maximumf %max3A_398, %min3A_462 : vector<16xf32>
      %min3A_467 = arith.minimumf %max3A_398, %min3A_462 : vector<16xf32>
      %select_n3A_468 = arith.select %gt3A_465, %select_n3A_464, %select_n3A_400 : vector<16xi1>, vector<16xi32>
      %select_n3A_469 = arith.select %gt3A_465, %select_n3A_400, %select_n3A_464 : vector<16xi1>, vector<16xi32>
      %gt3A_470 = arith.cmpf ogt, %min3A_467, %max3A_403 : vector<16xf32>
      %max3A_471 = arith.maximumf %max3A_403, %min3A_467 : vector<16xf32>
      %min3A_472 = arith.minimumf %max3A_403, %min3A_467 : vector<16xf32>
      %select_n3A_473 = arith.select %gt3A_470, %select_n3A_469, %select_n3A_405 : vector<16xi1>, vector<16xi32>
      %select_n3A_474 = arith.select %gt3A_470, %select_n3A_405, %select_n3A_469 : vector<16xi1>, vector<16xi32>
      %mul3A_475 = arith.constant 4 : i32
      %mul3A_476 = arith.muli %while3A_253, %mul3A_475 : i32
      %add3A_477 = arith.constant 3 : i32
      %add3A_478 = arith.addi %mul3A_476, %add3A_477 : i32
      %mul3A_479 = arith.constant 16 : i32
      %mul3A_480 = arith.muli %add3A_478, %mul3A_479 : i32
      %get3A_481 = arith.index_cast %mul3A_480 : i32 to index
      %get3A_482 = tpu.vector_load %arg5[%get3A_481] {strides = array<i32>} : memref<20480xf32, #tpu.memory_space<vmem>>, vector<16xf32>,
      %get3A_483 = vector.shape_cast %get3A_482 : vector<16xf32> to vector<16xf32>
      %mul3A_484 = arith.constant 4 : i32
      %mul3A_485 = arith.muli %while3A_253, %mul3A_484 : i32
      %add3A_486 = arith.constant 3 : i32
      %add3A_487 = arith.addi %mul3A_485, %add3A_486 : i32
      %mul3A_488 = arith.constant 16 : i32
      %mul3A_489 = arith.muli %add3A_487, %mul3A_488 : i32
      %add3A_490 = arith.addi %mul3A_152, %mul3A_489 : i32
      %add3A_491 = vector.broadcast %add3A_490 : i32 to vector<16xi32>
      %add3A_492 = arith.addi %add3A_491, %iota3A : vector<16xi32>
      %gt3A_493 = arith.cmpf ogt, %get3A_483, %max3A_426 : vector<16xf32>
      %max3A_494 = arith.maximumf %max3A_426, %get3A_483 : vector<16xf32>
      %min3A_495 = arith.minimumf %max3A_426, %get3A_483 : vector<16xf32>
      %select_n3A_496 = arith.select %gt3A_493, %add3A_492, %select_n3A_428 : vector<16xi1>, vector<16xi32>
      %select_n3A_497 = arith.select %gt3A_493, %select_n3A_428, %add3A_492 : vector<16xi1>, vector<16xi32>
      %gt3A_498 = arith.cmpf ogt, %min3A_495, %max3A_431 : vector<16xf32>
      %max3A_499 = arith.maximumf %max3A_431, %min3A_495 : vector<16xf32>
      %min3A_500 = arith.minimumf %max3A_431, %min3A_495 : vector<16xf32>
      %select_n3A_501 = arith.select %gt3A_498, %select_n3A_497, %select_n3A_433 : vector<16xi1>, vector<16xi32>
      %select_n3A_502 = arith.select %gt3A_498, %select_n3A_433, %select_n3A_497 : vector<16xi1>, vector<16xi32>
      %gt3A_503 = arith.cmpf ogt, %min3A_500, %max3A_436 : vector<16xf32>
      %max3A_504 = arith.maximumf %max3A_436, %min3A_500 : vector<16xf32>
      %min3A_505 = arith.minimumf %max3A_436, %min3A_500 : vector<16xf32>
      %select_n3A_506 = arith.select %gt3A_503, %select_n3A_502, %select_n3A_438 : vector<16xi1>, vector<16xi32>
      %select_n3A_507 = arith.select %gt3A_503, %select_n3A_438, %select_n3A_502 : vector<16xi1>, vector<16xi32>
      %gt3A_508 = arith.cmpf ogt, %min3A_505, %max3A_441 : vector<16xf32>
      %max3A_509 = arith.maximumf %max3A_441, %min3A_505 : vector<16xf32>
      %min3A_510 = arith.minimumf %max3A_441, %min3A_505 : vector<16xf32>
      %select_n3A_511 = arith.select %gt3A_508, %select_n3A_507, %select_n3A_443 : vector<16xi1>, vector<16xi32>
      %select_n3A_512 = arith.select %gt3A_508, %select_n3A_443, %select_n3A_507 : vector<16xi1>, vector<16xi32>
      %gt3A_513 = arith.cmpf ogt, %min3A_510, %max3A_446 : vector<16xf32>
      %max3A_514 = arith.maximumf %max3A_446, %min3A_510 : vector<16xf32>
      %min3A_515 = arith.minimumf %max3A_446, %min3A_510 : vector<16xf32>
      %select_n3A_516 = arith.select %gt3A_513, %select_n3A_512, %select_n3A_448 : vector<16xi1>, vector<16xi32>
      %select_n3A_517 = arith.select %gt3A_513, %select_n3A_448, %select_n3A_512 : vector<16xi1>, vector<16xi32>
      %gt3A_518 = arith.cmpf ogt, %min3A_515, %max3A_451 : vector<16xf32>
      %max3A_519 = arith.maximumf %max3A_451, %min3A_515 : vector<16xf32>
      %min3A_520 = arith.minimumf %max3A_451, %min3A_515 : vector<16xf32>
      %select_n3A_521 = arith.select %gt3A_518, %select_n3A_517, %select_n3A_453 : vector<16xi1>, vector<16xi32>
      %select_n3A_522 = arith.select %gt3A_518, %select_n3A_453, %select_n3A_517 : vector<16xi1>, vector<16xi32>
      %gt3A_523 = arith.cmpf ogt, %min3A_520, %max3A_456 : vector<16xf32>
      %max3A_524 = arith.maximumf %max3A_456, %min3A_520 : vector<16xf32>
      %min3A_525 = arith.minimumf %max3A_456, %min3A_520 : vector<16xf32>
      %select_n3A_526 = arith.select %gt3A_523, %select_n3A_522, %select_n3A_458 : vector<16xi1>, vector<16xi32>
      %select_n3A_527 = arith.select %gt3A_523, %select_n3A_458, %select_n3A_522 : vector<16xi1>, vector<16xi32>
      %gt3A_528 = arith.cmpf ogt, %min3A_525, %max3A_461 : vector<16xf32>
      %max3A_529 = arith.maximumf %max3A_461, %min3A_525 : vector<16xf32>
      %min3A_530 = arith.minimumf %max3A_461, %min3A_525 : vector<16xf32>
      %select_n3A_531 = arith.select %gt3A_528, %select_n3A_527, %select_n3A_463 : vector<16xi1>, vector<16xi32>
      %select_n3A_532 = arith.select %gt3A_528, %select_n3A_463, %select_n3A_527 : vector<16xi1>, vector<16xi32>
      %gt3A_533 = arith.cmpf ogt, %min3A_530, %max3A_466 : vector<16xf32>
      %max3A_534 = arith.maximumf %max3A_466, %min3A_530 : vector<16xf32>
      %min3A_535 = arith.minimumf %max3A_466, %min3A_530 : vector<16xf32>
      %select_n3A_536 = arith.select %gt3A_533, %select_n3A_532, %select_n3A_468 : vector<16xi1>, vector<16xi32>
      %select_n3A_537 = arith.select %gt3A_533, %select_n3A_468, %select_n3A_532 : vector<16xi1>, vector<16xi32>
      %gt3A_538 = arith.cmpf ogt, %min3A_535, %max3A_471 : vector<16xf32>
      %max3A_539 = arith.maximumf %max3A_471, %min3A_535 : vector<16xf32>
      %min3A_540 = arith.minimumf %max3A_471, %min3A_535 : vector<16xf32>
      %select_n3A_541 = arith.select %gt3A_538, %select_n3A_537, %select_n3A_473 : vector<16xi1>, vector<16xi32>
      %select_n3A_542 = arith.select %gt3A_538, %select_n3A_473, %select_n3A_537 : vector<16xi1>, vector<16xi32>
      scf.yield %max3A_494, %max3A_499, %max3A_504, %max3A_509, %max3A_514, %max3A_519, %max3A_524, %max3A_529, %max3A_534, %max3A_539, %select_n3A_496, %select_n3A_501, %select_n3A_506, %select_n3A_511, %select_n3A_516, %select_n3A_521, %select_n3A_526, %select_n3A_531, %select_n3A_536, %select_n3A_541 : vector<16xf32>, vector<16xf32>, vector<16xf32>, vector<16xf32>, vector<16xf32>, vector<16xf32>, vector<16xf32>, vector<16xf32>, vector<16xf32>, vector<16xf32>, vector<16xi32>, vector<16xi32>, vector<16xi32>, vector<16xi32>, vector<16xi32>, vector<16xi32>, vector<16xi32>, vector<16xi32>, vector<16xi32>, vector<16xi32>
    }
    %swap3A = arith.constant 0 : index
    %swap3A_168 = tpu.vector_load %arg6[%swap3A] {strides = array<i32>} : memref<160xf32, #tpu.memory_space<vmem>>, vector<16xf32>,
    %swap3A_169 = vector.shape_cast %swap3A_168 : vector<16xf32> to vector<16xf32>
    %swap3A_170 = vector.shape_cast %while3A_167#0 : vector<16xf32> to vector<16xf32>
    tpu.vector_store %arg6[%swap3A], %swap3A_170 {strides = array<i32>} : memref<160xf32, #tpu.memory_space<vmem>>, vector<16xf32>,
    %swap3A_171 = arith.constant 0 : index
    %swap3A_172 = tpu.vector_load %arg7[%swap3A_171] {strides = array<i32>} : memref<160xi32, #tpu.memory_space<vmem>>, vector<16xi32>,
    %swap3A_173 = vector.shape_cast %swap3A_172 : vector<16xi32> to vector<16xi32>
    %swap3A_174 = vector.shape_cast %while3A_167#10 : vector<16xi32> to vector<16xi32>
    tpu.vector_store %arg7[%swap3A_171], %swap3A_174 {strides = array<i32>} : memref<160xi32, #tpu.memory_space<vmem>>, vector<16xi32>,
    %swap3A_175 = arith.constant 16 : index
    %swap3A_176 = tpu.vector_load %arg6[%swap3A_175] {strides = array<i32>} : memref<160xf32, #tpu.memory_space<vmem>>, vector<16xf32>,
    %swap3A_177 = vector.shape_cast %swap3A_176 : vector<16xf32> to vector<16xf32>
    %swap3A_178 = vector.shape_cast %while3A_167#1 : vector<16xf32> to vector<16xf32>
    tpu.vector_store %arg6[%swap3A_175], %swap3A_178 {strides = array<i32>} : memref<160xf32, #tpu.memory_space<vmem>>, vector<16xf32>,
    %swap3A_179 = arith.constant 16 : index
    %swap3A_180 = tpu.vector_load %arg7[%swap3A_179] {strides = array<i32>} : memref<160xi32, #tpu.memory_space<vmem>>, vector<16xi32>,
    %swap3A_181 = vector.shape_cast %swap3A_180 : vector<16xi32> to vector<16xi32>
    %swap3A_182 = vector.shape_cast %while3A_167#11 : vector<16xi32> to vector<16xi32>
    tpu.vector_store %arg7[%swap3A_179], %swap3A_182 {strides = array<i32>} : memref<160xi32, #tpu.memory_space<vmem>>, vector<16xi32>,
    %swap3A_183 = arith.constant 32 : index
    %swap3A_184 = tpu.vector_load %arg6[%swap3A_183] {strides = array<i32>} : memref<160xf32, #tpu.memory_space<vmem>>, vector<16xf32>,
    %swap3A_185 = vector.shape_cast %swap3A_184 : vector<16xf32> to vector<16xf32>
    %swap3A_186 = vector.shape_cast %while3A_167#2 : vector<16xf32> to vector<16xf32>
    tpu.vector_store %arg6[%swap3A_183], %swap3A_186 {strides = array<i32>} : memref<160xf32, #tpu.memory_space<vmem>>, vector<16xf32>,
    %swap3A_187 = arith.constant 32 : index
    %swap3A_188 = tpu.vector_load %arg7[%swap3A_187] {strides = array<i32>} : memref<160xi32, #tpu.memory_space<vmem>>, vector<16xi32>,
    %swap3A_189 = vector.shape_cast %swap3A_188 : vector<16xi32> to vector<16xi32>
    %swap3A_190 = vector.shape_cast %while3A_167#12 : vector<16xi32> to vector<16xi32>
    tpu.vector_store %arg7[%swap3A_187], %swap3A_190 {strides = array<i32>} : memref<160xi32, #tpu.memory_space<vmem>>, vector<16xi32>,
    %swap3A_191 = arith.constant 48 : index
    %swap3A_192 = tpu.vector_load %arg6[%swap3A_191] {strides = array<i32>} : memref<160xf32, #tpu.memory_space<vmem>>, vector<16xf32>,
    %swap3A_193 = vector.shape_cast %swap3A_192 : vector<16xf32> to vector<16xf32>
    %swap3A_194 = vector.shape_cast %while3A_167#3 : vector<16xf32> to vector<16xf32>
    tpu.vector_store %arg6[%swap3A_191], %swap3A_194 {strides = array<i32>} : memref<160xf32, #tpu.memory_space<vmem>>, vector<16xf32>,
    %swap3A_195 = arith.constant 48 : index
    %swap3A_196 = tpu.vector_load %arg7[%swap3A_195] {strides = array<i32>} : memref<160xi32, #tpu.memory_space<vmem>>, vector<16xi32>,
    %swap3A_197 = vector.shape_cast %swap3A_196 : vector<16xi32> to vector<16xi32>
    %swap3A_198 = vector.shape_cast %while3A_167#13 : vector<16xi32> to vector<16xi32>
    tpu.vector_store %arg7[%swap3A_195], %swap3A_198 {strides = array<i32>} : memref<160xi32, #tpu.memory_space<vmem>>, vector<16xi32>,
    %swap3A_199 = arith.constant 64 : index
    %swap3A_200 = tpu.vector_load %arg6[%swap3A_199] {strides = array<i32>} : memref<160xf32, #tpu.memory_space<vmem>>, vector<16xf32>,
    %swap3A_201 = vector.shape_cast %swap3A_200 : vector<16xf32> to vector<16xf32>
    %swap3A_202 = vector.shape_cast %while3A_167#4 : vector<16xf32> to vector<16xf32>
    tpu.vector_store %arg6[%swap3A_199], %swap3A_202 {strides = array<i32>} : memref<160xf32, #tpu.memory_space<vmem>>, vector<16xf32>,
    %swap3A_203 = arith.constant 64 : index
    %swap3A_204 = tpu.vector_load %arg7[%swap3A_203] {strides = array<i32>} : memref<160xi32, #tpu.memory_space<vmem>>, vector<16xi32>,
    %swap3A_205 = vector.shape_cast %swap3A_204 : vector<16xi32> to vector<16xi32>
    %swap3A_206 = vector.shape_cast %while3A_167#14 : vector<16xi32> to vector<16xi32>
    tpu.vector_store %arg7[%swap3A_203], %swap3A_206 {strides = array<i32>} : memref<160xi32, #tpu.memory_space<vmem>>, vector<16xi32>,
    %swap3A_207 = arith.constant 80 : index
    %swap3A_208 = tpu.vector_load %arg6[%swap3A_207] {strides = array<i32>} : memref<160xf32, #tpu.memory_space<vmem>>, vector<16xf32>,
    %swap3A_209 = vector.shape_cast %swap3A_208 : vector<16xf32> to vector<16xf32>
    %swap3A_210 = vector.shape_cast %while3A_167#5 : vector<16xf32> to vector<16xf32>
    tpu.vector_store %arg6[%swap3A_207], %swap3A_210 {strides = array<i32>} : memref<160xf32, #tpu.memory_space<vmem>>, vector<16xf32>,
    %swap3A_211 = arith.constant 80 : index
    %swap3A_212 = tpu.vector_load %arg7[%swap3A_211] {strides = array<i32>} : memref<160xi32, #tpu.memory_space<vmem>>, vector<16xi32>,
    %swap3A_213 = vector.shape_cast %swap3A_212 : vector<16xi32> to vector<16xi32>
    %swap3A_214 = vector.shape_cast %while3A_167#15 : vector<16xi32> to vector<16xi32>
    tpu.vector_store %arg7[%swap3A_211], %swap3A_214 {strides = array<i32>} : memref<160xi32, #tpu.memory_space<vmem>>, vector<16xi32>,
    %swap3A_215 = arith.constant 96 : index
    %swap3A_216 = tpu.vector_load %arg6[%swap3A_215] {strides = array<i32>} : memref<160xf32, #tpu.memory_space<vmem>>, vector<16xf32>,
    %swap3A_217 = vector.shape_cast %swap3A_216 : vector<16xf32> to vector<16xf32>
    %swap3A_218 = vector.shape_cast %while3A_167#6 : vector<16xf32> to vector<16xf32>
    tpu.vector_store %arg6[%swap3A_215], %swap3A_218 {strides = array<i32>} : memref<160xf32, #tpu.memory_space<vmem>>, vector<16xf32>,
    %swap3A_219 = arith.constant 96 : index
    %swap3A_220 = tpu.vector_load %arg7[%swap3A_219] {strides = array<i32>} : memref<160xi32, #tpu.memory_space<vmem>>, vector<16xi32>,
    %swap3A_221 = vector.shape_cast %swap3A_220 : vector<16xi32> to vector<16xi32>
    %swap3A_222 = vector.shape_cast %while3A_167#16 : vector<16xi32> to vector<16xi32>
    tpu.vector_store %arg7[%swap3A_219], %swap3A_222 {strides = array<i32>} : memref<160xi32, #tpu.memory_space<vmem>>, vector<16xi32>,
    %swap3A_223 = arith.constant 112 : index
    %swap3A_224 = tpu.vector_load %arg6[%swap3A_223] {strides = array<i32>} : memref<160xf32, #tpu.memory_space<vmem>>, vector<16xf32>,
    %swap3A_225 = vector.shape_cast %swap3A_224 : vector<16xf32> to vector<16xf32>
    %swap3A_226 = vector.shape_cast %while3A_167#7 : vector<16xf32> to vector<16xf32>
    tpu.vector_store %arg6[%swap3A_223], %swap3A_226 {strides = array<i32>} : memref<160xf32, #tpu.memory_space<vmem>>, vector<16xf32>,
    %swap3A_227 = arith.constant 112 : index
    %swap3A_228 = tpu.vector_load %arg7[%swap3A_227] {strides = array<i32>} : memref<160xi32, #tpu.memory_space<vmem>>, vector<16xi32>,
    %swap3A_229 = vector.shape_cast %swap3A_228 : vector<16xi32> to vector<16xi32>
    %swap3A_230 = vector.shape_cast %while3A_167#17 : vector<16xi32> to vector<16xi32>
    tpu.vector_store %arg7[%swap3A_227], %swap3A_230 {strides = array<i32>} : memref<160xi32, #tpu.memory_space<vmem>>, vector<16xi32>,
    %swap3A_231 = arith.constant 128 : index
    %swap3A_232 = tpu.vector_load %arg6[%swap3A_231] {strides = array<i32>} : memref<160xf32, #tpu.memory_space<vmem>>, vector<16xf32>,
    %swap3A_233 = vector.shape_cast %swap3A_232 : vector<16xf32> to vector<16xf32>
    %swap3A_234 = vector.shape_cast %while3A_167#8 : vector<16xf32> to vector<16xf32>
    tpu.vector_store %arg6[%swap3A_231], %swap3A_234 {strides = array<i32>} : memref<160xf32, #tpu.memory_space<vmem>>, vector<16xf32>,
    %swap3A_235 = arith.constant 128 : index
    %swap3A_236 = tpu.vector_load %arg7[%swap3A_235] {strides = array<i32>} : memref<160xi32, #tpu.memory_space<vmem>>, vector<16xi32>,
    %swap3A_237 = vector.shape_cast %swap3A_236 : vector<16xi32> to vector<16xi32>
    %swap3A_238 = vector.shape_cast %while3A_167#18 : vector<16xi32> to vector<16xi32>
    tpu.vector_store %arg7[%swap3A_235], %swap3A_238 {strides = array<i32>} : memref<160xi32, #tpu.memory_space<vmem>>, vector<16xi32>,
    %swap3A_239 = arith.constant 144 : index
    %swap3A_240 = tpu.vector_load %arg6[%swap3A_239] {strides = array<i32>} : memref<160xf32, #tpu.memory_space<vmem>>, vector<16xf32>,
    %swap3A_241 = vector.shape_cast %swap3A_240 : vector<16xf32> to vector<16xf32>
    %swap3A_242 = vector.shape_cast %while3A_167#9 : vector<16xf32> to vector<16xf32>
    tpu.vector_store %arg6[%swap3A_239], %swap3A_242 {strides = array<i32>} : memref<160xf32, #tpu.memory_space<vmem>>, vector<16xf32>,
    %swap3A_243 = arith.constant 144 : index
    %swap3A_244 = tpu.vector_load %arg7[%swap3A_243] {strides = array<i32>} : memref<160xi32, #tpu.memory_space<vmem>>, vector<16xi32>,
    %swap3A_245 = vector.shape_cast %swap3A_244 : vector<16xi32> to vector<16xi32>
    %swap3A_246 = vector.shape_cast %while3A_167#19 : vector<16xi32> to vector<16xi32>
    tpu.vector_store %arg7[%swap3A_243], %swap3A_246 {strides = array<i32>} : memref<160xi32, #tpu.memory_space<vmem>>, vector<16xi32>,
    %mul3A_247 = arith.constant 320 : i32
    %mul3A_248 = arith.muli %select_n3A, %mul3A_247 : i32
    %mul3A_249 = arith.constant 160 : i32
    %mul3A_250 = arith.muli %select_n3A_30, %mul3A_249 : i32
    %add3A_251 = arith.addi %mul3A_248, %mul3A_250 : i32
    %multiple_of3A_252 = tpu.assume_multiple %add3A_251, 32 : i32
    "tpu.region"() ({
      %run_scoped3A = tpu.sem_alloc : memref<!tpu.dma_semaphore, #tpu.memory_space<semaphore_mem>>
      %dma_start3A_253 = tpu.memref_slice %arg3[%multiple_of3A_252] : memref<5120xf32, #tpu.memory_space<hbm>> -> memref<160xf32, #tpu.memory_space<hbm>>
      %dma_start3A_254 = tpu.memref_slice %arg3[%multiple_of3A_252] : memref<5120xf32, #tpu.memory_space<hbm>> -> memref<160xf32, #tpu.memory_space<hbm>>
      tpu.enqueue_dma source(%arg6 : memref<160xf32, #tpu.memory_space<vmem>>) target(%dma_start3A_254 : memref<160xf32, #tpu.memory_space<hbm>>) target_semaphore(%run_scoped3A : memref<!tpu.dma_semaphore, #tpu.memory_space<semaphore_mem>>)
      %dma_wait3A_255 = tpu.memref_slice %arg3[%multiple_of3A_252] : memref<5120xf32, #tpu.memory_space<hbm>> -> memref<160xf32, #tpu.memory_space<hbm>>
      %dma_wait3A_256 = tpu.memref_slice %arg3[%multiple_of3A_252] : memref<5120xf32, #tpu.memory_space<hbm>> -> memref<160xf32, #tpu.memory_space<hbm>>
      tpu.wait_dma2 semaphore(%run_scoped3A : memref<!tpu.dma_semaphore, #tpu.memory_space<semaphore_mem>>) src(%arg6 : memref<160xf32, #tpu.memory_space<vmem>>) dst(%dma_wait3A_256 : memref<160xf32, #tpu.memory_space<hbm>>)
      tpu.yield
    }) : () -> ()
    "tpu.region"() ({
      %run_scoped3A = tpu.sem_alloc : memref<!tpu.dma_semaphore, #tpu.memory_space<semaphore_mem>>
      %dma_start3A_253 = tpu.memref_slice %arg4[%multiple_of3A_252] : memref<5120xi32, #tpu.memory_space<hbm>> -> memref<160xi32, #tpu.memory_space<hbm>>
      %dma_start3A_254 = tpu.memref_slice %arg4[%multiple_of3A_252] : memref<5120xi32, #tpu.memory_space<hbm>> -> memref<160xi32, #tpu.memory_space<hbm>>
      tpu.enqueue_dma source(%arg7 : memref<160xi32, #tpu.memory_space<vmem>>) target(%dma_start3A_254 : memref<160xi32, #tpu.memory_space<hbm>>) target_semaphore(%run_scoped3A : memref<!tpu.dma_semaphore, #tpu.memory_space<semaphore_mem>>)
      %dma_wait3A_255 = tpu.memref_slice %arg4[%multiple_of3A_252] : memref<5120xi32, #tpu.memory_space<hbm>> -> memref<160xi32, #tpu.memory_space<hbm>>
      %dma_wait3A_256 = tpu.memref_slice %arg4[%multiple_of3A_252] : memref<5120xi32, #tpu.memory_space<hbm>> -> memref<160xi32, #tpu.memory_space<hbm>>
      tpu.wait_dma2 semaphore(%run_scoped3A : memref<!tpu.dma_semaphore, #tpu.memory_space<semaphore_mem>>) src(%arg7 : memref<160xi32, #tpu.memory_space<vmem>>) dst(%dma_wait3A_256 : memref<160xi32, #tpu.memory_space<hbm>>)
      tpu.yield
    }) : () -> ()
    return
  }
}

module attributes {stable_mosaic.version = 14 : i64} {
  func.func @_logits_a_body(%arg0: i32, %arg1: memref<16x64xf32, #tpu.memory_space<vmem>>, %arg2: memref<4096x64xf32, #tpu.memory_space<vmem>>, %arg3: memref<16x16xi32, #tpu.memory_space<vmem>>, %arg4: memref<16x4096xi32, #tpu.memory_space<vmem>>, %arg5: memref<16x4096xf32, #tpu.memory_space<vmem>>) attributes {dimension_semantics = [#tpu.dimension_semantics<parallel>], iteration_bounds = array<i64: 10>, scalar_prefetch = 0 : i64, scratch_operands = 0 : i64, tpu.core_type = #tpu.core_type<tc>, window_params = [{pipeline_mode = #tpu.pipeline_mode<synchronous>, transform_indices = @transform_0, window_bounds = array<i64: 16, 64>}, {transform_indices = @transform_1, window_bounds = array<i64: 4096, 64>}, {pipeline_mode = #tpu.pipeline_mode<synchronous>, transform_indices = @transform_2, window_bounds = array<i64: 16, 16>}, {transform_indices = @transform_3, window_bounds = array<i64: 16, 4096>}, {transform_indices = @transform_4, window_bounds = array<i64: 16, 4096>}]} {
    %mul3A = arith.constant 4096 : i32
    %mul3A_0 = arith.muli %arg0, %mul3A : i32
    %get3A = arith.constant 0 : index
    %get3A_1 = arith.constant 0 : index
    %get3A_2 = vector.load %arg2[%get3A, %get3A_1] : memref<4096x64xf32, #tpu.memory_space<vmem>>, vector<4096x64xf32>
    %mul3A_3 = arith.mulf %get3A_2, %get3A_2 : vector<4096x64xf32>
    %broadcast_in_dim3A = arith.constant 1.000000e+00 : f32
    %broadcast_in_dim3A_4 = vector.broadcast %broadcast_in_dim3A : f32 to vector<8x64xf32>
    %dot_general3A = arith.constant dense<0.000000e+00> : vector<8x4096xf32>
    %dot_general3A_5 = tpu.matmul %broadcast_in_dim3A_4, %mul3A_3, %dot_general3A {dimension_numbers = #tpu.dot_dimension_numbers<[1], [1], [0], [0], [0, 0, 1, 0], [], []>, precision = #tpu.contract_precision<fp32>, transpose_lhs_hint = false} : vector<8x64xf32>, vector<4096x64xf32>, vector<8x4096xf32> -> vector<8x4096xf32>
    %slice3A = vector.extract_strided_slice %dot_general3A_5 {offsets = [0, 0], sizes = [1, 4096], strides = [1, 1]} : vector<8x4096xf32> to vector<1x4096xf32>
    %sqrt3A = math.sqrt %slice3A : vector<1x4096xf32>
    %get3A_6 = arith.constant 0 : index
    %get3A_7 = arith.constant 0 : index
    %get3A_8 = vector.load %arg1[%get3A_6, %get3A_7] : memref<16x64xf32, #tpu.memory_space<vmem>>, vector<16x64xf32>
    %mul3A_9 = arith.mulf %get3A_8, %get3A_8 : vector<16x64xf32>
    %reduce_sum3A = arith.constant dense<0.000000e+00> : vector<16xf32>
    %reduce_sum3A_10 = vector.multi_reduction <add>, %mul3A_9, %reduce_sum3A [1] : vector<16x64xf32> to vector<16xf32>
    %broadcast_in_dim3A_11 = vector.shape_cast %reduce_sum3A_10 : vector<16xf32> to vector<16x1xf32>
    %sqrt3A_12 = math.sqrt %broadcast_in_dim3A_11 : vector<16x1xf32>
    %mul3A_13 = vector.broadcast %sqrt3A_12 : vector<16x1xf32> to vector<16x4096xf32>
    %mul3A_14 = vector.broadcast %sqrt3A : vector<1x4096xf32> to vector<16x4096xf32>
    %mul3A_15 = arith.mulf %mul3A_13, %mul3A_14 : vector<16x4096xf32>
    %get3A_16 = arith.constant 0 : index
    %get3A_17 = arith.constant 0 : index
    %get3A_18 = vector.load %arg3[%get3A_16, %get3A_17] : memref<16x16xi32, #tpu.memory_space<vmem>>, vector<16x16xi32>
    %get3A_19 = arith.constant 0 : index
    %get3A_20 = arith.constant 0 : index
    %get3A_21 = vector.load %arg4[%get3A_19, %get3A_20] : memref<16x4096xi32, #tpu.memory_space<vmem>>, vector<16x4096xi32>
    %broadcast_in_dim3A_22 = arith.constant 0 : i32
    %broadcast_in_dim3A_23 = vector.broadcast %broadcast_in_dim3A_22 : i32 to vector<16x4096xi32>
    %broadcast_in_dim3A_24 = arith.constant 0 : i32
    %broadcast_in_dim3A_25 = vector.broadcast %broadcast_in_dim3A_24 : i32 to vector<16x4096xi32>
    %slice3A_26 = vector.extract_strided_slice %get3A_18 {offsets = [0, 0], sizes = [16, 1], strides = [1, 1]} : vector<16x16xi32> to vector<16x1xi32>
    %slice3A_27 = vector.extract_strided_slice %get3A_21 {offsets = [0, 0], sizes = [1, 4096], strides = [1, 1]} : vector<16x4096xi32> to vector<1x4096xi32>
    %xor3A = vector.broadcast %slice3A_26 : vector<16x1xi32> to vector<16x4096xi32>
    %xor3A_28 = vector.broadcast %slice3A_27 : vector<1x4096xi32> to vector<16x4096xi32>
    %xor3A_29 = arith.xori %xor3A, %xor3A_28 : vector<16x4096xi32>
    %add3A = arith.constant 1 : i32
    %add3A_30 = vector.broadcast %add3A : i32 to vector<16x4096xi32>
    %add3A_31 = arith.addi %xor3A_29, %add3A_30 : vector<16x4096xi32>
    %clz3A = math.ctlz %add3A_31 : vector<16x4096xi32>
    %add3A_32 = arith.addi %broadcast_in_dim3A_23, %clz3A : vector<16x4096xi32>
    %slice3A_33 = vector.extract_strided_slice %get3A_18 {offsets = [0, 1], sizes = [16, 1], strides = [1, 1]} : vector<16x16xi32> to vector<16x1xi32>
    %slice3A_34 = vector.extract_strided_slice %get3A_21 {offsets = [1, 0], sizes = [1, 4096], strides = [1, 1]} : vector<16x4096xi32> to vector<1x4096xi32>
    %xor3A_35 = vector.broadcast %slice3A_33 : vector<16x1xi32> to vector<16x4096xi32>
    %xor3A_36 = vector.broadcast %slice3A_34 : vector<1x4096xi32> to vector<16x4096xi32>
    %xor3A_37 = arith.xori %xor3A_35, %xor3A_36 : vector<16x4096xi32>
    %add3A_38 = arith.constant 1 : i32
    %add3A_39 = vector.broadcast %add3A_38 : i32 to vector<16x4096xi32>
    %add3A_40 = arith.addi %xor3A_37, %add3A_39 : vector<16x4096xi32>
    %clz3A_41 = math.ctlz %add3A_40 : vector<16x4096xi32>
    %add3A_42 = arith.addi %broadcast_in_dim3A_25, %clz3A_41 : vector<16x4096xi32>
    %slice3A_43 = vector.extract_strided_slice %get3A_18 {offsets = [0, 2], sizes = [16, 1], strides = [1, 1]} : vector<16x16xi32> to vector<16x1xi32>
    %slice3A_44 = vector.extract_strided_slice %get3A_21 {offsets = [2, 0], sizes = [1, 4096], strides = [1, 1]} : vector<16x4096xi32> to vector<1x4096xi32>
    %xor3A_45 = vector.broadcast %slice3A_43 : vector<16x1xi32> to vector<16x4096xi32>
    %xor3A_46 = vector.broadcast %slice3A_44 : vector<1x4096xi32> to vector<16x4096xi32>
    %xor3A_47 = arith.xori %xor3A_45, %xor3A_46 : vector<16x4096xi32>
    %add3A_48 = arith.constant 1 : i32
    %add3A_49 = vector.broadcast %add3A_48 : i32 to vector<16x4096xi32>
    %add3A_50 = arith.addi %xor3A_47, %add3A_49 : vector<16x4096xi32>
    %clz3A_51 = math.ctlz %add3A_50 : vector<16x4096xi32>
    %add3A_52 = arith.addi %add3A_32, %clz3A_51 : vector<16x4096xi32>
    %slice3A_53 = vector.extract_strided_slice %get3A_18 {offsets = [0, 3], sizes = [16, 1], strides = [1, 1]} : vector<16x16xi32> to vector<16x1xi32>
    %slice3A_54 = vector.extract_strided_slice %get3A_21 {offsets = [3, 0], sizes = [1, 4096], strides = [1, 1]} : vector<16x4096xi32> to vector<1x4096xi32>
    %xor3A_55 = vector.broadcast %slice3A_53 : vector<16x1xi32> to vector<16x4096xi32>
    %xor3A_56 = vector.broadcast %slice3A_54 : vector<1x4096xi32> to vector<16x4096xi32>
    %xor3A_57 = arith.xori %xor3A_55, %xor3A_56 : vector<16x4096xi32>
    %add3A_58 = arith.constant 1 : i32
    %add3A_59 = vector.broadcast %add3A_58 : i32 to vector<16x4096xi32>
    %add3A_60 = arith.addi %xor3A_57, %add3A_59 : vector<16x4096xi32>
    %clz3A_61 = math.ctlz %add3A_60 : vector<16x4096xi32>
    %add3A_62 = arith.addi %add3A_42, %clz3A_61 : vector<16x4096xi32>
    %slice3A_63 = vector.extract_strided_slice %get3A_18 {offsets = [0, 4], sizes = [16, 1], strides = [1, 1]} : vector<16x16xi32> to vector<16x1xi32>
    %slice3A_64 = vector.extract_strided_slice %get3A_21 {offsets = [4, 0], sizes = [1, 4096], strides = [1, 1]} : vector<16x4096xi32> to vector<1x4096xi32>
    %xor3A_65 = vector.broadcast %slice3A_63 : vector<16x1xi32> to vector<16x4096xi32>
    %xor3A_66 = vector.broadcast %slice3A_64 : vector<1x4096xi32> to vector<16x4096xi32>
    %xor3A_67 = arith.xori %xor3A_65, %xor3A_66 : vector<16x4096xi32>
    %add3A_68 = arith.constant 1 : i32
    %add3A_69 = vector.broadcast %add3A_68 : i32 to vector<16x4096xi32>
    %add3A_70 = arith.addi %xor3A_67, %add3A_69 : vector<16x4096xi32>
    %clz3A_71 = math.ctlz %add3A_70 : vector<16x4096xi32>
    %add3A_72 = arith.addi %add3A_52, %clz3A_71 : vector<16x4096xi32>
    %slice3A_73 = vector.extract_strided_slice %get3A_18 {offsets = [0, 5], sizes = [16, 1], strides = [1, 1]} : vector<16x16xi32> to vector<16x1xi32>
    %slice3A_74 = vector.extract_strided_slice %get3A_21 {offsets = [5, 0], sizes = [1, 4096], strides = [1, 1]} : vector<16x4096xi32> to vector<1x4096xi32>
    %xor3A_75 = vector.broadcast %slice3A_73 : vector<16x1xi32> to vector<16x4096xi32>
    %xor3A_76 = vector.broadcast %slice3A_74 : vector<1x4096xi32> to vector<16x4096xi32>
    %xor3A_77 = arith.xori %xor3A_75, %xor3A_76 : vector<16x4096xi32>
    %add3A_78 = arith.constant 1 : i32
    %add3A_79 = vector.broadcast %add3A_78 : i32 to vector<16x4096xi32>
    %add3A_80 = arith.addi %xor3A_77, %add3A_79 : vector<16x4096xi32>
    %clz3A_81 = math.ctlz %add3A_80 : vector<16x4096xi32>
    %add3A_82 = arith.addi %add3A_62, %clz3A_81 : vector<16x4096xi32>
    %slice3A_83 = vector.extract_strided_slice %get3A_18 {offsets = [0, 6], sizes = [16, 1], strides = [1, 1]} : vector<16x16xi32> to vector<16x1xi32>
    %slice3A_84 = vector.extract_strided_slice %get3A_21 {offsets = [6, 0], sizes = [1, 4096], strides = [1, 1]} : vector<16x4096xi32> to vector<1x4096xi32>
    %xor3A_85 = vector.broadcast %slice3A_83 : vector<16x1xi32> to vector<16x4096xi32>
    %xor3A_86 = vector.broadcast %slice3A_84 : vector<1x4096xi32> to vector<16x4096xi32>
    %xor3A_87 = arith.xori %xor3A_85, %xor3A_86 : vector<16x4096xi32>
    %add3A_88 = arith.constant 1 : i32
    %add3A_89 = vector.broadcast %add3A_88 : i32 to vector<16x4096xi32>
    %add3A_90 = arith.addi %xor3A_87, %add3A_89 : vector<16x4096xi32>
    %clz3A_91 = math.ctlz %add3A_90 : vector<16x4096xi32>
    %add3A_92 = arith.addi %add3A_72, %clz3A_91 : vector<16x4096xi32>
    %slice3A_93 = vector.extract_strided_slice %get3A_18 {offsets = [0, 7], sizes = [16, 1], strides = [1, 1]} : vector<16x16xi32> to vector<16x1xi32>
    %slice3A_94 = vector.extract_strided_slice %get3A_21 {offsets = [7, 0], sizes = [1, 4096], strides = [1, 1]} : vector<16x4096xi32> to vector<1x4096xi32>
    %xor3A_95 = vector.broadcast %slice3A_93 : vector<16x1xi32> to vector<16x4096xi32>
    %xor3A_96 = vector.broadcast %slice3A_94 : vector<1x4096xi32> to vector<16x4096xi32>
    %xor3A_97 = arith.xori %xor3A_95, %xor3A_96 : vector<16x4096xi32>
    %add3A_98 = arith.constant 1 : i32
    %add3A_99 = vector.broadcast %add3A_98 : i32 to vector<16x4096xi32>
    %add3A_100 = arith.addi %xor3A_97, %add3A_99 : vector<16x4096xi32>
    %clz3A_101 = math.ctlz %add3A_100 : vector<16x4096xi32>
    %add3A_102 = arith.addi %add3A_82, %clz3A_101 : vector<16x4096xi32>
    %slice3A_103 = vector.extract_strided_slice %get3A_18 {offsets = [0, 8], sizes = [16, 1], strides = [1, 1]} : vector<16x16xi32> to vector<16x1xi32>
    %slice3A_104 = vector.extract_strided_slice %get3A_21 {offsets = [8, 0], sizes = [1, 4096], strides = [1, 1]} : vector<16x4096xi32> to vector<1x4096xi32>
    %xor3A_105 = vector.broadcast %slice3A_103 : vector<16x1xi32> to vector<16x4096xi32>
    %xor3A_106 = vector.broadcast %slice3A_104 : vector<1x4096xi32> to vector<16x4096xi32>
    %xor3A_107 = arith.xori %xor3A_105, %xor3A_106 : vector<16x4096xi32>
    %add3A_108 = arith.constant 1 : i32
    %add3A_109 = vector.broadcast %add3A_108 : i32 to vector<16x4096xi32>
    %add3A_110 = arith.addi %xor3A_107, %add3A_109 : vector<16x4096xi32>
    %clz3A_111 = math.ctlz %add3A_110 : vector<16x4096xi32>
    %add3A_112 = arith.addi %add3A_92, %clz3A_111 : vector<16x4096xi32>
    %slice3A_113 = vector.extract_strided_slice %get3A_18 {offsets = [0, 9], sizes = [16, 1], strides = [1, 1]} : vector<16x16xi32> to vector<16x1xi32>
    %slice3A_114 = vector.extract_strided_slice %get3A_21 {offsets = [9, 0], sizes = [1, 4096], strides = [1, 1]} : vector<16x4096xi32> to vector<1x4096xi32>
    %xor3A_115 = vector.broadcast %slice3A_113 : vector<16x1xi32> to vector<16x4096xi32>
    %xor3A_116 = vector.broadcast %slice3A_114 : vector<1x4096xi32> to vector<16x4096xi32>
    %xor3A_117 = arith.xori %xor3A_115, %xor3A_116 : vector<16x4096xi32>
    %add3A_118 = arith.constant 1 : i32
    %add3A_119 = vector.broadcast %add3A_118 : i32 to vector<16x4096xi32>
    %add3A_120 = arith.addi %xor3A_117, %add3A_119 : vector<16x4096xi32>
    %clz3A_121 = math.ctlz %add3A_120 : vector<16x4096xi32>
    %add3A_122 = arith.addi %add3A_102, %clz3A_121 : vector<16x4096xi32>
    %slice3A_123 = vector.extract_strided_slice %get3A_18 {offsets = [0, 10], sizes = [16, 1], strides = [1, 1]} : vector<16x16xi32> to vector<16x1xi32>
    %slice3A_124 = vector.extract_strided_slice %get3A_21 {offsets = [10, 0], sizes = [1, 4096], strides = [1, 1]} : vector<16x4096xi32> to vector<1x4096xi32>
    %xor3A_125 = vector.broadcast %slice3A_123 : vector<16x1xi32> to vector<16x4096xi32>
    %xor3A_126 = vector.broadcast %slice3A_124 : vector<1x4096xi32> to vector<16x4096xi32>
    %xor3A_127 = arith.xori %xor3A_125, %xor3A_126 : vector<16x4096xi32>
    %add3A_128 = arith.constant 1 : i32
    %add3A_129 = vector.broadcast %add3A_128 : i32 to vector<16x4096xi32>
    %add3A_130 = arith.addi %xor3A_127, %add3A_129 : vector<16x4096xi32>
    %clz3A_131 = math.ctlz %add3A_130 : vector<16x4096xi32>
    %add3A_132 = arith.addi %add3A_112, %clz3A_131 : vector<16x4096xi32>
    %slice3A_133 = vector.extract_strided_slice %get3A_18 {offsets = [0, 11], sizes = [16, 1], strides = [1, 1]} : vector<16x16xi32> to vector<16x1xi32>
    %slice3A_134 = vector.extract_strided_slice %get3A_21 {offsets = [11, 0], sizes = [1, 4096], strides = [1, 1]} : vector<16x4096xi32> to vector<1x4096xi32>
    %xor3A_135 = vector.broadcast %slice3A_133 : vector<16x1xi32> to vector<16x4096xi32>
    %xor3A_136 = vector.broadcast %slice3A_134 : vector<1x4096xi32> to vector<16x4096xi32>
    %xor3A_137 = arith.xori %xor3A_135, %xor3A_136 : vector<16x4096xi32>
    %add3A_138 = arith.constant 1 : i32
    %add3A_139 = vector.broadcast %add3A_138 : i32 to vector<16x4096xi32>
    %add3A_140 = arith.addi %xor3A_137, %add3A_139 : vector<16x4096xi32>
    %clz3A_141 = math.ctlz %add3A_140 : vector<16x4096xi32>
    %add3A_142 = arith.addi %add3A_122, %clz3A_141 : vector<16x4096xi32>
    %slice3A_143 = vector.extract_strided_slice %get3A_18 {offsets = [0, 12], sizes = [16, 1], strides = [1, 1]} : vector<16x16xi32> to vector<16x1xi32>
    %slice3A_144 = vector.extract_strided_slice %get3A_21 {offsets = [12, 0], sizes = [1, 4096], strides = [1, 1]} : vector<16x4096xi32> to vector<1x4096xi32>
    %xor3A_145 = vector.broadcast %slice3A_143 : vector<16x1xi32> to vector<16x4096xi32>
    %xor3A_146 = vector.broadcast %slice3A_144 : vector<1x4096xi32> to vector<16x4096xi32>
    %xor3A_147 = arith.xori %xor3A_145, %xor3A_146 : vector<16x4096xi32>
    %add3A_148 = arith.constant 1 : i32
    %add3A_149 = vector.broadcast %add3A_148 : i32 to vector<16x4096xi32>
    %add3A_150 = arith.addi %xor3A_147, %add3A_149 : vector<16x4096xi32>
    %clz3A_151 = math.ctlz %add3A_150 : vector<16x4096xi32>
    %add3A_152 = arith.addi %add3A_132, %clz3A_151 : vector<16x4096xi32>
    %slice3A_153 = vector.extract_strided_slice %get3A_18 {offsets = [0, 13], sizes = [16, 1], strides = [1, 1]} : vector<16x16xi32> to vector<16x1xi32>
    %slice3A_154 = vector.extract_strided_slice %get3A_21 {offsets = [13, 0], sizes = [1, 4096], strides = [1, 1]} : vector<16x4096xi32> to vector<1x4096xi32>
    %xor3A_155 = vector.broadcast %slice3A_153 : vector<16x1xi32> to vector<16x4096xi32>
    %xor3A_156 = vector.broadcast %slice3A_154 : vector<1x4096xi32> to vector<16x4096xi32>
    %xor3A_157 = arith.xori %xor3A_155, %xor3A_156 : vector<16x4096xi32>
    %add3A_158 = arith.constant 1 : i32
    %add3A_159 = vector.broadcast %add3A_158 : i32 to vector<16x4096xi32>
    %add3A_160 = arith.addi %xor3A_157, %add3A_159 : vector<16x4096xi32>
    %clz3A_161 = math.ctlz %add3A_160 : vector<16x4096xi32>
    %add3A_162 = arith.addi %add3A_142, %clz3A_161 : vector<16x4096xi32>
    %slice3A_163 = vector.extract_strided_slice %get3A_18 {offsets = [0, 14], sizes = [16, 1], strides = [1, 1]} : vector<16x16xi32> to vector<16x1xi32>
    %slice3A_164 = vector.extract_strided_slice %get3A_21 {offsets = [14, 0], sizes = [1, 4096], strides = [1, 1]} : vector<16x4096xi32> to vector<1x4096xi32>
    %xor3A_165 = vector.broadcast %slice3A_163 : vector<16x1xi32> to vector<16x4096xi32>
    %xor3A_166 = vector.broadcast %slice3A_164 : vector<1x4096xi32> to vector<16x4096xi32>
    %xor3A_167 = arith.xori %xor3A_165, %xor3A_166 : vector<16x4096xi32>
    %add3A_168 = arith.constant 1 : i32
    %add3A_169 = vector.broadcast %add3A_168 : i32 to vector<16x4096xi32>
    %add3A_170 = arith.addi %xor3A_167, %add3A_169 : vector<16x4096xi32>
    %clz3A_171 = math.ctlz %add3A_170 : vector<16x4096xi32>
    %add3A_172 = arith.addi %add3A_152, %clz3A_171 : vector<16x4096xi32>
    %slice3A_173 = vector.extract_strided_slice %get3A_18 {offsets = [0, 15], sizes = [16, 1], strides = [1, 1]} : vector<16x16xi32> to vector<16x1xi32>
    %slice3A_174 = vector.extract_strided_slice %get3A_21 {offsets = [15, 0], sizes = [1, 4096], strides = [1, 1]} : vector<16x4096xi32> to vector<1x4096xi32>
    %xor3A_175 = vector.broadcast %slice3A_173 : vector<16x1xi32> to vector<16x4096xi32>
    %xor3A_176 = vector.broadcast %slice3A_174 : vector<1x4096xi32> to vector<16x4096xi32>
    %xor3A_177 = arith.xori %xor3A_175, %xor3A_176 : vector<16x4096xi32>
    %add3A_178 = arith.constant 1 : i32
    %add3A_179 = vector.broadcast %add3A_178 : i32 to vector<16x4096xi32>
    %add3A_180 = arith.addi %xor3A_177, %add3A_179 : vector<16x4096xi32>
    %clz3A_181 = math.ctlz %add3A_180 : vector<16x4096xi32>
    %add3A_182 = arith.addi %add3A_162, %clz3A_181 : vector<16x4096xi32>
    %add3A_183 = arith.addi %add3A_172, %add3A_182 : vector<16x4096xi32>
    %sub3A = arith.constant 272 : i32
    %sub3A_184 = vector.broadcast %sub3A : i32 to vector<16x4096xi32>
    %sub3A_185 = arith.subi %add3A_183, %sub3A_184 : vector<16x4096xi32>
    %convert_element_type3A = arith.sitofp %sub3A_185 : vector<16x4096xi32> to vector<16x4096xf32>
    %mul3A_186 = arith.constant 0.00416666688 : f32
    %mul3A_187 = vector.broadcast %mul3A_186 : f32 to vector<16x4096xf32>
    %mul3A_188 = arith.mulf %convert_element_type3A, %mul3A_187 : vector<16x4096xf32>
    %mul3A_189 = arith.mulf %mul3A_188, %mul3A_15 : vector<16x4096xf32>
    %iota3A = tpu.iota {dimensions = array<i32: 1>} : vector<16x4096xi32>
    %add3A_190 = vector.broadcast %mul3A_0 : i32 to vector<16x4096xi32>
    %add3A_191 = arith.addi %iota3A, %add3A_190 : vector<16x4096xi32>
    %lt3A = arith.constant 100000 : i32
    %lt3A_192 = vector.broadcast %lt3A : i32 to vector<16x4096xi32>
    %lt3A_193 = arith.cmpi slt, %add3A_191, %lt3A_192 : vector<16x4096xi32>
    %jit3A = arith.constant 0xFF800000 : f32
    %broadcast_in_dim3A_194 = vector.broadcast %jit3A : f32 to vector<16x4096xf32>
    %select_n3A = arith.select %lt3A_193, %mul3A_189, %broadcast_in_dim3A_194 : vector<16x4096xi1>, vector<16x4096xf32>
    %swap3A = arith.constant 0 : index
    %swap3A_195 = arith.constant 0 : index
    %swap3A_196 = vector.load %arg5[%swap3A, %swap3A_195] : memref<16x4096xf32, #tpu.memory_space<vmem>>, vector<16x4096xf32>
    tpu.vector_store %arg5[%swap3A, %swap3A_195], %select_n3A {strides = array<i32>} : memref<16x4096xf32, #tpu.memory_space<vmem>>, vector<16x4096xf32>,
    return
  }
  func.func @transform_0(%arg0: i32) -> (i32, i32) {
    %c0_i32 = arith.constant 0 : i32
    %c0_i32_0 = arith.constant 0 : i32
    %c0_i32_1 = arith.constant 0 : i32
    return %c0_i32, %c0_i32_0 : i32, i32
  }
  func.func @transform_1(%arg0: i32) -> (i32, i32) {
    %c0_i32 = arith.constant 0 : i32
    %c0_i32_0 = arith.constant 0 : i32
    return %arg0, %c0_i32 : i32, i32
  }
  func.func @transform_2(%arg0: i32) -> (i32, i32) {
    %c0_i32 = arith.constant 0 : i32
    %c0_i32_0 = arith.constant 0 : i32
    %c0_i32_1 = arith.constant 0 : i32
    return %c0_i32, %c0_i32_0 : i32, i32
  }
  func.func @transform_3(%arg0: i32) -> (i32, i32) {
    %c0_i32 = arith.constant 0 : i32
    %c0_i32_0 = arith.constant 0 : i32
    return %c0_i32, %arg0 : i32, i32
  }
  func.func @transform_4(%arg0: i32) -> (i32, i32) {
    %c0_i32 = arith.constant 0 : i32
    %c0_i32_0 = arith.constant 0 : i32
    return %arg0, %c0_i32 : i32, i32
  }
}

module attributes {stable_mosaic.version = 14 : i64} {
  func.func @_tc_b_body(%arg0: i32, %arg1: memref<16x64xf32, #tpu.memory_space<vmem>>, %arg2: memref<4096x64xf32, #tpu.memory_space<vmem>>, %arg3: memref<16x16xi32, #tpu.memory_space<vmem>>, %arg4: memref<16x4096xi32, #tpu.memory_space<vmem>>, %arg5: memref<16x128xf32, #tpu.memory_space<vmem>>, %arg6: memref<16x128xi32, #tpu.memory_space<vmem>>, %arg7: memref<15x16x4096xf32, #tpu.memory_space<vmem>>, %arg8: memref<15x16x128xf32, #tpu.memory_space<vmem>>, %arg9: memref<16x4096xf32, #tpu.memory_space<vmem>>) attributes {dimension_semantics = [#tpu.dimension_semantics<arbitrary>], iteration_bounds = array<i64: 15>, scalar_prefetch = 0 : i64, scratch_operands = 3 : i64, tpu.core_type = #tpu.core_type<tc>, window_params = [{pipeline_mode = #tpu.pipeline_mode<synchronous>, transform_indices = @transform_0, window_bounds = array<i64: 16, 64>}, {transform_indices = @transform_1, window_bounds = array<i64: 4096, 64>}, {pipeline_mode = #tpu.pipeline_mode<synchronous>, transform_indices = @transform_2, window_bounds = array<i64: 16, 16>}, {transform_indices = @transform_3, window_bounds = array<i64: 16, 4096>}, {pipeline_mode = #tpu.pipeline_mode<synchronous>, transform_indices = @transform_4, window_bounds = array<i64: 16, 128>}, {pipeline_mode = #tpu.pipeline_mode<synchronous>, transform_indices = @transform_5, window_bounds = array<i64: 16, 128>}]} {
    %mul3A = arith.constant 4096 : i32
    %mul3A_0 = arith.muli %arg0, %mul3A : i32
    %add3A = arith.constant 40960 : i32
    %add3A_1 = arith.addi %add3A, %mul3A_0 : i32
    %get3A = arith.constant 0 : index
    %get3A_2 = arith.constant 0 : index
    %get3A_3 = vector.load %arg2[%get3A, %get3A_2] : memref<4096x64xf32, #tpu.memory_space<vmem>>, vector<4096x64xf32>
    %mul3A_4 = arith.mulf %get3A_3, %get3A_3 : vector<4096x64xf32>
    %broadcast_in_dim3A = arith.constant 1.000000e+00 : f32
    %broadcast_in_dim3A_5 = vector.broadcast %broadcast_in_dim3A : f32 to vector<8x64xf32>
    %dot_general3A = arith.constant dense<0.000000e+00> : vector<8x4096xf32>
    %dot_general3A_6 = tpu.matmul %broadcast_in_dim3A_5, %mul3A_4, %dot_general3A {dimension_numbers = #tpu.dot_dimension_numbers<[1], [1], [0], [0], [0, 0, 1, 0], [], []>, precision = #tpu.contract_precision<fp32>, transpose_lhs_hint = false} : vector<8x64xf32>, vector<4096x64xf32>, vector<8x4096xf32> -> vector<8x4096xf32>
    %slice3A = vector.extract_strided_slice %dot_general3A_6 {offsets = [0, 0], sizes = [1, 4096], strides = [1, 1]} : vector<8x4096xf32> to vector<1x4096xf32>
    %sqrt3A = math.sqrt %slice3A : vector<1x4096xf32>
    %get3A_7 = arith.constant 0 : index
    %get3A_8 = arith.constant 0 : index
    %get3A_9 = vector.load %arg1[%get3A_7, %get3A_8] : memref<16x64xf32, #tpu.memory_space<vmem>>, vector<16x64xf32>
    %mul3A_10 = arith.mulf %get3A_9, %get3A_9 : vector<16x64xf32>
    %reduce_sum3A = arith.constant dense<0.000000e+00> : vector<16xf32>
    %reduce_sum3A_11 = vector.multi_reduction <add>, %mul3A_10, %reduce_sum3A [1] : vector<16x64xf32> to vector<16xf32>
    %broadcast_in_dim3A_12 = vector.shape_cast %reduce_sum3A_11 : vector<16xf32> to vector<16x1xf32>
    %sqrt3A_13 = math.sqrt %broadcast_in_dim3A_12 : vector<16x1xf32>
    %mul3A_14 = vector.broadcast %sqrt3A_13 : vector<16x1xf32> to vector<16x4096xf32>
    %mul3A_15 = vector.broadcast %sqrt3A : vector<1x4096xf32> to vector<16x4096xf32>
    %mul3A_16 = arith.mulf %mul3A_14, %mul3A_15 : vector<16x4096xf32>
    %get3A_17 = arith.constant 0 : index
    %get3A_18 = arith.constant 0 : index
    %get3A_19 = vector.load %arg3[%get3A_17, %get3A_18] : memref<16x16xi32, #tpu.memory_space<vmem>>, vector<16x16xi32>
    %get3A_20 = arith.constant 0 : index
    %get3A_21 = arith.constant 0 : index
    %get3A_22 = vector.load %arg4[%get3A_20, %get3A_21] : memref<16x4096xi32, #tpu.memory_space<vmem>>, vector<16x4096xi32>
    %broadcast_in_dim3A_23 = arith.constant 0 : i32
    %broadcast_in_dim3A_24 = vector.broadcast %broadcast_in_dim3A_23 : i32 to vector<16x4096xi32>
    %broadcast_in_dim3A_25 = arith.constant 0 : i32
    %broadcast_in_dim3A_26 = vector.broadcast %broadcast_in_dim3A_25 : i32 to vector<16x4096xi32>
    %slice3A_27 = vector.extract_strided_slice %get3A_19 {offsets = [0, 0], sizes = [16, 1], strides = [1, 1]} : vector<16x16xi32> to vector<16x1xi32>
    %slice3A_28 = vector.extract_strided_slice %get3A_22 {offsets = [0, 0], sizes = [1, 4096], strides = [1, 1]} : vector<16x4096xi32> to vector<1x4096xi32>
    %xor3A = vector.broadcast %slice3A_27 : vector<16x1xi32> to vector<16x4096xi32>
    %xor3A_29 = vector.broadcast %slice3A_28 : vector<1x4096xi32> to vector<16x4096xi32>
    %xor3A_30 = arith.xori %xor3A, %xor3A_29 : vector<16x4096xi32>
    %add3A_31 = arith.constant 1 : i32
    %add3A_32 = vector.broadcast %add3A_31 : i32 to vector<16x4096xi32>
    %add3A_33 = arith.addi %xor3A_30, %add3A_32 : vector<16x4096xi32>
    %clz3A = math.ctlz %add3A_33 : vector<16x4096xi32>
    %add3A_34 = arith.addi %broadcast_in_dim3A_24, %clz3A : vector<16x4096xi32>
    %slice3A_35 = vector.extract_strided_slice %get3A_19 {offsets = [0, 1], sizes = [16, 1], strides = [1, 1]} : vector<16x16xi32> to vector<16x1xi32>
    %slice3A_36 = vector.extract_strided_slice %get3A_22 {offsets = [1, 0], sizes = [1, 4096], strides = [1, 1]} : vector<16x4096xi32> to vector<1x4096xi32>
    %xor3A_37 = vector.broadcast %slice3A_35 : vector<16x1xi32> to vector<16x4096xi32>
    %xor3A_38 = vector.broadcast %slice3A_36 : vector<1x4096xi32> to vector<16x4096xi32>
    %xor3A_39 = arith.xori %xor3A_37, %xor3A_38 : vector<16x4096xi32>
    %add3A_40 = arith.constant 1 : i32
    %add3A_41 = vector.broadcast %add3A_40 : i32 to vector<16x4096xi32>
    %add3A_42 = arith.addi %xor3A_39, %add3A_41 : vector<16x4096xi32>
    %clz3A_43 = math.ctlz %add3A_42 : vector<16x4096xi32>
    %add3A_44 = arith.addi %broadcast_in_dim3A_26, %clz3A_43 : vector<16x4096xi32>
    %slice3A_45 = vector.extract_strided_slice %get3A_19 {offsets = [0, 2], sizes = [16, 1], strides = [1, 1]} : vector<16x16xi32> to vector<16x1xi32>
    %slice3A_46 = vector.extract_strided_slice %get3A_22 {offsets = [2, 0], sizes = [1, 4096], strides = [1, 1]} : vector<16x4096xi32> to vector<1x4096xi32>
    %xor3A_47 = vector.broadcast %slice3A_45 : vector<16x1xi32> to vector<16x4096xi32>
    %xor3A_48 = vector.broadcast %slice3A_46 : vector<1x4096xi32> to vector<16x4096xi32>
    %xor3A_49 = arith.xori %xor3A_47, %xor3A_48 : vector<16x4096xi32>
    %add3A_50 = arith.constant 1 : i32
    %add3A_51 = vector.broadcast %add3A_50 : i32 to vector<16x4096xi32>
    %add3A_52 = arith.addi %xor3A_49, %add3A_51 : vector<16x4096xi32>
    %clz3A_53 = math.ctlz %add3A_52 : vector<16x4096xi32>
    %add3A_54 = arith.addi %add3A_34, %clz3A_53 : vector<16x4096xi32>
    %slice3A_55 = vector.extract_strided_slice %get3A_19 {offsets = [0, 3], sizes = [16, 1], strides = [1, 1]} : vector<16x16xi32> to vector<16x1xi32>
    %slice3A_56 = vector.extract_strided_slice %get3A_22 {offsets = [3, 0], sizes = [1, 4096], strides = [1, 1]} : vector<16x4096xi32> to vector<1x4096xi32>
    %xor3A_57 = vector.broadcast %slice3A_55 : vector<16x1xi32> to vector<16x4096xi32>
    %xor3A_58 = vector.broadcast %slice3A_56 : vector<1x4096xi32> to vector<16x4096xi32>
    %xor3A_59 = arith.xori %xor3A_57, %xor3A_58 : vector<16x4096xi32>
    %add3A_60 = arith.constant 1 : i32
    %add3A_61 = vector.broadcast %add3A_60 : i32 to vector<16x4096xi32>
    %add3A_62 = arith.addi %xor3A_59, %add3A_61 : vector<16x4096xi32>
    %clz3A_63 = math.ctlz %add3A_62 : vector<16x4096xi32>
    %add3A_64 = arith.addi %add3A_44, %clz3A_63 : vector<16x4096xi32>
    %slice3A_65 = vector.extract_strided_slice %get3A_19 {offsets = [0, 4], sizes = [16, 1], strides = [1, 1]} : vector<16x16xi32> to vector<16x1xi32>
    %slice3A_66 = vector.extract_strided_slice %get3A_22 {offsets = [4, 0], sizes = [1, 4096], strides = [1, 1]} : vector<16x4096xi32> to vector<1x4096xi32>
    %xor3A_67 = vector.broadcast %slice3A_65 : vector<16x1xi32> to vector<16x4096xi32>
    %xor3A_68 = vector.broadcast %slice3A_66 : vector<1x4096xi32> to vector<16x4096xi32>
    %xor3A_69 = arith.xori %xor3A_67, %xor3A_68 : vector<16x4096xi32>
    %add3A_70 = arith.constant 1 : i32
    %add3A_71 = vector.broadcast %add3A_70 : i32 to vector<16x4096xi32>
    %add3A_72 = arith.addi %xor3A_69, %add3A_71 : vector<16x4096xi32>
    %clz3A_73 = math.ctlz %add3A_72 : vector<16x4096xi32>
    %add3A_74 = arith.addi %add3A_54, %clz3A_73 : vector<16x4096xi32>
    %slice3A_75 = vector.extract_strided_slice %get3A_19 {offsets = [0, 5], sizes = [16, 1], strides = [1, 1]} : vector<16x16xi32> to vector<16x1xi32>
    %slice3A_76 = vector.extract_strided_slice %get3A_22 {offsets = [5, 0], sizes = [1, 4096], strides = [1, 1]} : vector<16x4096xi32> to vector<1x4096xi32>
    %xor3A_77 = vector.broadcast %slice3A_75 : vector<16x1xi32> to vector<16x4096xi32>
    %xor3A_78 = vector.broadcast %slice3A_76 : vector<1x4096xi32> to vector<16x4096xi32>
    %xor3A_79 = arith.xori %xor3A_77, %xor3A_78 : vector<16x4096xi32>
    %add3A_80 = arith.constant 1 : i32
    %add3A_81 = vector.broadcast %add3A_80 : i32 to vector<16x4096xi32>
    %add3A_82 = arith.addi %xor3A_79, %add3A_81 : vector<16x4096xi32>
    %clz3A_83 = math.ctlz %add3A_82 : vector<16x4096xi32>
    %add3A_84 = arith.addi %add3A_64, %clz3A_83 : vector<16x4096xi32>
    %slice3A_85 = vector.extract_strided_slice %get3A_19 {offsets = [0, 6], sizes = [16, 1], strides = [1, 1]} : vector<16x16xi32> to vector<16x1xi32>
    %slice3A_86 = vector.extract_strided_slice %get3A_22 {offsets = [6, 0], sizes = [1, 4096], strides = [1, 1]} : vector<16x4096xi32> to vector<1x4096xi32>
    %xor3A_87 = vector.broadcast %slice3A_85 : vector<16x1xi32> to vector<16x4096xi32>
    %xor3A_88 = vector.broadcast %slice3A_86 : vector<1x4096xi32> to vector<16x4096xi32>
    %xor3A_89 = arith.xori %xor3A_87, %xor3A_88 : vector<16x4096xi32>
    %add3A_90 = arith.constant 1 : i32
    %add3A_91 = vector.broadcast %add3A_90 : i32 to vector<16x4096xi32>
    %add3A_92 = arith.addi %xor3A_89, %add3A_91 : vector<16x4096xi32>
    %clz3A_93 = math.ctlz %add3A_92 : vector<16x4096xi32>
    %add3A_94 = arith.addi %add3A_74, %clz3A_93 : vector<16x4096xi32>
    %slice3A_95 = vector.extract_strided_slice %get3A_19 {offsets = [0, 7], sizes = [16, 1], strides = [1, 1]} : vector<16x16xi32> to vector<16x1xi32>
    %slice3A_96 = vector.extract_strided_slice %get3A_22 {offsets = [7, 0], sizes = [1, 4096], strides = [1, 1]} : vector<16x4096xi32> to vector<1x4096xi32>
    %xor3A_97 = vector.broadcast %slice3A_95 : vector<16x1xi32> to vector<16x4096xi32>
    %xor3A_98 = vector.broadcast %slice3A_96 : vector<1x4096xi32> to vector<16x4096xi32>
    %xor3A_99 = arith.xori %xor3A_97, %xor3A_98 : vector<16x4096xi32>
    %add3A_100 = arith.constant 1 : i32
    %add3A_101 = vector.broadcast %add3A_100 : i32 to vector<16x4096xi32>
    %add3A_102 = arith.addi %xor3A_99, %add3A_101 : vector<16x4096xi32>
    %clz3A_103 = math.ctlz %add3A_102 : vector<16x4096xi32>
    %add3A_104 = arith.addi %add3A_84, %clz3A_103 : vector<16x4096xi32>
    %slice3A_105 = vector.extract_strided_slice %get3A_19 {offsets = [0, 8], sizes = [16, 1], strides = [1, 1]} : vector<16x16xi32> to vector<16x1xi32>
    %slice3A_106 = vector.extract_strided_slice %get3A_22 {offsets = [8, 0], sizes = [1, 4096], strides = [1, 1]} : vector<16x4096xi32> to vector<1x4096xi32>
    %xor3A_107 = vector.broadcast %slice3A_105 : vector<16x1xi32> to vector<16x4096xi32>
    %xor3A_108 = vector.broadcast %slice3A_106 : vector<1x4096xi32> to vector<16x4096xi32>
    %xor3A_109 = arith.xori %xor3A_107, %xor3A_108 : vector<16x4096xi32>
    %add3A_110 = arith.constant 1 : i32
    %add3A_111 = vector.broadcast %add3A_110 : i32 to vector<16x4096xi32>
    %add3A_112 = arith.addi %xor3A_109, %add3A_111 : vector<16x4096xi32>
    %clz3A_113 = math.ctlz %add3A_112 : vector<16x4096xi32>
    %add3A_114 = arith.addi %add3A_94, %clz3A_113 : vector<16x4096xi32>
    %slice3A_115 = vector.extract_strided_slice %get3A_19 {offsets = [0, 9], sizes = [16, 1], strides = [1, 1]} : vector<16x16xi32> to vector<16x1xi32>
    %slice3A_116 = vector.extract_strided_slice %get3A_22 {offsets = [9, 0], sizes = [1, 4096], strides = [1, 1]} : vector<16x4096xi32> to vector<1x4096xi32>
    %xor3A_117 = vector.broadcast %slice3A_115 : vector<16x1xi32> to vector<16x4096xi32>
    %xor3A_118 = vector.broadcast %slice3A_116 : vector<1x4096xi32> to vector<16x4096xi32>
    %xor3A_119 = arith.xori %xor3A_117, %xor3A_118 : vector<16x4096xi32>
    %add3A_120 = arith.constant 1 : i32
    %add3A_121 = vector.broadcast %add3A_120 : i32 to vector<16x4096xi32>
    %add3A_122 = arith.addi %xor3A_119, %add3A_121 : vector<16x4096xi32>
    %clz3A_123 = math.ctlz %add3A_122 : vector<16x4096xi32>
    %add3A_124 = arith.addi %add3A_104, %clz3A_123 : vector<16x4096xi32>
    %slice3A_125 = vector.extract_strided_slice %get3A_19 {offsets = [0, 10], sizes = [16, 1], strides = [1, 1]} : vector<16x16xi32> to vector<16x1xi32>
    %slice3A_126 = vector.extract_strided_slice %get3A_22 {offsets = [10, 0], sizes = [1, 4096], strides = [1, 1]} : vector<16x4096xi32> to vector<1x4096xi32>
    %xor3A_127 = vector.broadcast %slice3A_125 : vector<16x1xi32> to vector<16x4096xi32>
    %xor3A_128 = vector.broadcast %slice3A_126 : vector<1x4096xi32> to vector<16x4096xi32>
    %xor3A_129 = arith.xori %xor3A_127, %xor3A_128 : vector<16x4096xi32>
    %add3A_130 = arith.constant 1 : i32
    %add3A_131 = vector.broadcast %add3A_130 : i32 to vector<16x4096xi32>
    %add3A_132 = arith.addi %xor3A_129, %add3A_131 : vector<16x4096xi32>
    %clz3A_133 = math.ctlz %add3A_132 : vector<16x4096xi32>
    %add3A_134 = arith.addi %add3A_114, %clz3A_133 : vector<16x4096xi32>
    %slice3A_135 = vector.extract_strided_slice %get3A_19 {offsets = [0, 11], sizes = [16, 1], strides = [1, 1]} : vector<16x16xi32> to vector<16x1xi32>
    %slice3A_136 = vector.extract_strided_slice %get3A_22 {offsets = [11, 0], sizes = [1, 4096], strides = [1, 1]} : vector<16x4096xi32> to vector<1x4096xi32>
    %xor3A_137 = vector.broadcast %slice3A_135 : vector<16x1xi32> to vector<16x4096xi32>
    %xor3A_138 = vector.broadcast %slice3A_136 : vector<1x4096xi32> to vector<16x4096xi32>
    %xor3A_139 = arith.xori %xor3A_137, %xor3A_138 : vector<16x4096xi32>
    %add3A_140 = arith.constant 1 : i32
    %add3A_141 = vector.broadcast %add3A_140 : i32 to vector<16x4096xi32>
    %add3A_142 = arith.addi %xor3A_139, %add3A_141 : vector<16x4096xi32>
    %clz3A_143 = math.ctlz %add3A_142 : vector<16x4096xi32>
    %add3A_144 = arith.addi %add3A_124, %clz3A_143 : vector<16x4096xi32>
    %slice3A_145 = vector.extract_strided_slice %get3A_19 {offsets = [0, 12], sizes = [16, 1], strides = [1, 1]} : vector<16x16xi32> to vector<16x1xi32>
    %slice3A_146 = vector.extract_strided_slice %get3A_22 {offsets = [12, 0], sizes = [1, 4096], strides = [1, 1]} : vector<16x4096xi32> to vector<1x4096xi32>
    %xor3A_147 = vector.broadcast %slice3A_145 : vector<16x1xi32> to vector<16x4096xi32>
    %xor3A_148 = vector.broadcast %slice3A_146 : vector<1x4096xi32> to vector<16x4096xi32>
    %xor3A_149 = arith.xori %xor3A_147, %xor3A_148 : vector<16x4096xi32>
    %add3A_150 = arith.constant 1 : i32
    %add3A_151 = vector.broadcast %add3A_150 : i32 to vector<16x4096xi32>
    %add3A_152 = arith.addi %xor3A_149, %add3A_151 : vector<16x4096xi32>
    %clz3A_153 = math.ctlz %add3A_152 : vector<16x4096xi32>
    %add3A_154 = arith.addi %add3A_134, %clz3A_153 : vector<16x4096xi32>
    %slice3A_155 = vector.extract_strided_slice %get3A_19 {offsets = [0, 13], sizes = [16, 1], strides = [1, 1]} : vector<16x16xi32> to vector<16x1xi32>
    %slice3A_156 = vector.extract_strided_slice %get3A_22 {offsets = [13, 0], sizes = [1, 4096], strides = [1, 1]} : vector<16x4096xi32> to vector<1x4096xi32>
    %xor3A_157 = vector.broadcast %slice3A_155 : vector<16x1xi32> to vector<16x4096xi32>
    %xor3A_158 = vector.broadcast %slice3A_156 : vector<1x4096xi32> to vector<16x4096xi32>
    %xor3A_159 = arith.xori %xor3A_157, %xor3A_158 : vector<16x4096xi32>
    %add3A_160 = arith.constant 1 : i32
    %add3A_161 = vector.broadcast %add3A_160 : i32 to vector<16x4096xi32>
    %add3A_162 = arith.addi %xor3A_159, %add3A_161 : vector<16x4096xi32>
    %clz3A_163 = math.ctlz %add3A_162 : vector<16x4096xi32>
    %add3A_164 = arith.addi %add3A_144, %clz3A_163 : vector<16x4096xi32>
    %slice3A_165 = vector.extract_strided_slice %get3A_19 {offsets = [0, 14], sizes = [16, 1], strides = [1, 1]} : vector<16x16xi32> to vector<16x1xi32>
    %slice3A_166 = vector.extract_strided_slice %get3A_22 {offsets = [14, 0], sizes = [1, 4096], strides = [1, 1]} : vector<16x4096xi32> to vector<1x4096xi32>
    %xor3A_167 = vector.broadcast %slice3A_165 : vector<16x1xi32> to vector<16x4096xi32>
    %xor3A_168 = vector.broadcast %slice3A_166 : vector<1x4096xi32> to vector<16x4096xi32>
    %xor3A_169 = arith.xori %xor3A_167, %xor3A_168 : vector<16x4096xi32>
    %add3A_170 = arith.constant 1 : i32
    %add3A_171 = vector.broadcast %add3A_170 : i32 to vector<16x4096xi32>
    %add3A_172 = arith.addi %xor3A_169, %add3A_171 : vector<16x4096xi32>
    %clz3A_173 = math.ctlz %add3A_172 : vector<16x4096xi32>
    %add3A_174 = arith.addi %add3A_154, %clz3A_173 : vector<16x4096xi32>
    %slice3A_175 = vector.extract_strided_slice %get3A_19 {offsets = [0, 15], sizes = [16, 1], strides = [1, 1]} : vector<16x16xi32> to vector<16x1xi32>
    %slice3A_176 = vector.extract_strided_slice %get3A_22 {offsets = [15, 0], sizes = [1, 4096], strides = [1, 1]} : vector<16x4096xi32> to vector<1x4096xi32>
    %xor3A_177 = vector.broadcast %slice3A_175 : vector<16x1xi32> to vector<16x4096xi32>
    %xor3A_178 = vector.broadcast %slice3A_176 : vector<1x4096xi32> to vector<16x4096xi32>
    %xor3A_179 = arith.xori %xor3A_177, %xor3A_178 : vector<16x4096xi32>
    %add3A_180 = arith.constant 1 : i32
    %add3A_181 = vector.broadcast %add3A_180 : i32 to vector<16x4096xi32>
    %add3A_182 = arith.addi %xor3A_179, %add3A_181 : vector<16x4096xi32>
    %clz3A_183 = math.ctlz %add3A_182 : vector<16x4096xi32>
    %add3A_184 = arith.addi %add3A_164, %clz3A_183 : vector<16x4096xi32>
    %add3A_185 = arith.addi %add3A_174, %add3A_184 : vector<16x4096xi32>
    %sub3A = arith.constant 272 : i32
    %sub3A_186 = vector.broadcast %sub3A : i32 to vector<16x4096xi32>
    %sub3A_187 = arith.subi %add3A_185, %sub3A_186 : vector<16x4096xi32>
    %convert_element_type3A = arith.sitofp %sub3A_187 : vector<16x4096xi32> to vector<16x4096xf32>
    %mul3A_188 = arith.constant 0.00416666688 : f32
    %mul3A_189 = vector.broadcast %mul3A_188 : f32 to vector<16x4096xf32>
    %mul3A_190 = arith.mulf %convert_element_type3A, %mul3A_189 : vector<16x4096xf32>
    %mul3A_191 = arith.mulf %mul3A_190, %mul3A_16 : vector<16x4096xf32>
    %iota3A = tpu.iota {dimensions = array<i32: 1>} : vector<16x4096xi32>
    %add3A_192 = vector.broadcast %add3A_1 : i32 to vector<16x4096xi32>
    %add3A_193 = arith.addi %iota3A, %add3A_192 : vector<16x4096xi32>
    %lt3A = arith.constant 100000 : i32
    %lt3A_194 = vector.broadcast %lt3A : i32 to vector<16x4096xi32>
    %lt3A_195 = arith.cmpi slt, %add3A_193, %lt3A_194 : vector<16x4096xi32>
    %jit3A = arith.constant 0xFF800000 : f32
    %broadcast_in_dim3A_196 = vector.broadcast %jit3A : f32 to vector<16x4096xf32>
    %select_n3A = arith.select %lt3A_195, %mul3A_191, %broadcast_in_dim3A_196 : vector<16x4096xi1>, vector<16x4096xf32>
    %swap3A = arith.index_cast %arg0 : i32 to index
    %swap3A_197 = arith.constant 0 : index
    %swap3A_198 = arith.constant 0 : index
    %swap3A_199 = vector.load %arg7[%swap3A, %swap3A_197, %swap3A_198] : memref<15x16x4096xf32, #tpu.memory_space<vmem>>, vector<1x16x4096xf32>
    %swap3A_200 = vector.shape_cast %swap3A_199 : vector<1x16x4096xf32> to vector<16x4096xf32>
    %swap3A_201 = vector.shape_cast %select_n3A : vector<16x4096xf32> to vector<1x16x4096xf32>
    tpu.vector_store %arg7[%swap3A, %swap3A_197, %swap3A_198], %swap3A_201 {strides = array<i32>} : memref<15x16x4096xf32, #tpu.memory_space<vmem>>, vector<1x16x4096xf32>,
    %reduce_max3A = arith.constant dense<0xFF800000> : vector<16xf32>
    %reduce_max3A_202 = vector.multi_reduction <maximumf>, %select_n3A, %reduce_max3A [1] : vector<16x4096xf32> to vector<16xf32>
    %broadcast_in_dim3A_203 = vector.shape_cast %reduce_max3A_202 : vector<16xf32> to vector<16x1xf32>
    %broadcast_in_dim3A_204 = vector.shape_cast %broadcast_in_dim3A_203 : vector<16x1xf32> to vector<16x1xf32>
    %broadcast_in_dim3A_205 = vector.broadcast %broadcast_in_dim3A_204 : vector<16x1xf32> to vector<16x128xf32>
    %swap3A_206 = arith.index_cast %arg0 : i32 to index
    %swap3A_207 = arith.constant 0 : index
    %swap3A_208 = arith.constant 0 : index
    %swap3A_209 = vector.load %arg8[%swap3A_206, %swap3A_207, %swap3A_208] : memref<15x16x128xf32, #tpu.memory_space<vmem>>, vector<1x16x128xf32>
    %swap3A_210 = vector.shape_cast %swap3A_209 : vector<1x16x128xf32> to vector<16x128xf32>
    %swap3A_211 = vector.shape_cast %broadcast_in_dim3A_205 : vector<16x128xf32> to vector<1x16x128xf32>
    tpu.vector_store %arg8[%swap3A_206, %swap3A_207, %swap3A_208], %swap3A_211 {strides = array<i32>} : memref<15x16x128xf32, #tpu.memory_space<vmem>>, vector<1x16x128xf32>,
    %eq3A = arith.constant 14 : i32
    %eq3A_212 = arith.cmpi eq, %arg0, %eq3A : i32
    %convert_element_type3A_213 = arith.extui %eq3A_212 : i1 to i32
    %cond3A = arith.constant 0 : i32
    %cond3A_214 = arith.cmpi ne, %convert_element_type3A_213, %cond3A : i32
    scf.if %cond3A_214 {
      %iota3A_215 = tpu.iota {dimensions = array<i32: 1>} : vector<16x64xi32>
      %broadcast_in_dim3A_216 = arith.constant 0xFF800000 : f32
      %broadcast_in_dim3A_217 = vector.broadcast %broadcast_in_dim3A_216 : f32 to vector<16x64xf32>
      %get3A_218 = arith.constant 0 : index
      %get3A_219 = arith.constant 0 : index
      %get3A_220 = arith.constant 0 : index
      %get3A_221 = vector.load %arg8[%get3A_218, %get3A_219, %get3A_220] : memref<15x16x128xf32, #tpu.memory_space<vmem>>, vector<1x16x128xf32>
      %get3A_222 = vector.shape_cast %get3A_221 : vector<1x16x128xf32> to vector<16x128xf32>
      %slice3A_223 = vector.extract_strided_slice %get3A_222 {offsets = [0, 0], sizes = [16, 1], strides = [1, 1]} : vector<16x128xf32> to vector<16x1xf32>
      %eq3A_224 = arith.constant 0 : i32
      %eq3A_225 = vector.broadcast %eq3A_224 : i32 to vector<16x64xi32>
      %eq3A_226 = arith.cmpi eq, %iota3A_215, %eq3A_225 : vector<16x64xi32>
      %broadcast_in_dim3A_227 = vector.shape_cast %slice3A_223 : vector<16x1xf32> to vector<16x1xf32>
      %broadcast_in_dim3A_228 = vector.broadcast %broadcast_in_dim3A_227 : vector<16x1xf32> to vector<16x64xf32>
      %select_n3A_229 = arith.select %eq3A_226, %broadcast_in_dim3A_228, %broadcast_in_dim3A_217 : vector<16x64xi1>, vector<16x64xf32>
      %get3A_230 = arith.constant 1 : index
      %get3A_231 = arith.constant 0 : index
      %get3A_232 = arith.constant 0 : index
      %get3A_233 = vector.load %arg8[%get3A_230, %get3A_231, %get3A_232] : memref<15x16x128xf32, #tpu.memory_space<vmem>>, vector<1x16x128xf32>
      %get3A_234 = vector.shape_cast %get3A_233 : vector<1x16x128xf32> to vector<16x128xf32>
      %slice3A_235 = vector.extract_strided_slice %get3A_234 {offsets = [0, 0], sizes = [16, 1], strides = [1, 1]} : vector<16x128xf32> to vector<16x1xf32>
      %eq3A_236 = arith.constant 1 : i32
      %eq3A_237 = vector.broadcast %eq3A_236 : i32 to vector<16x64xi32>
      %eq3A_238 = arith.cmpi eq, %iota3A_215, %eq3A_237 : vector<16x64xi32>
      %broadcast_in_dim3A_239 = vector.shape_cast %slice3A_235 : vector<16x1xf32> to vector<16x1xf32>
      %broadcast_in_dim3A_240 = vector.broadcast %broadcast_in_dim3A_239 : vector<16x1xf32> to vector<16x64xf32>
      %select_n3A_241 = arith.select %eq3A_238, %broadcast_in_dim3A_240, %select_n3A_229 : vector<16x64xi1>, vector<16x64xf32>
      %get3A_242 = arith.constant 2 : index
      %get3A_243 = arith.constant 0 : index
      %get3A_244 = arith.constant 0 : index
      %get3A_245 = vector.load %arg8[%get3A_242, %get3A_243, %get3A_244] : memref<15x16x128xf32, #tpu.memory_space<vmem>>, vector<1x16x128xf32>
      %get3A_246 = vector.shape_cast %get3A_245 : vector<1x16x128xf32> to vector<16x128xf32>
      %slice3A_247 = vector.extract_strided_slice %get3A_246 {offsets = [0, 0], sizes = [16, 1], strides = [1, 1]} : vector<16x128xf32> to vector<16x1xf32>
      %eq3A_248 = arith.constant 2 : i32
      %eq3A_249 = vector.broadcast %eq3A_248 : i32 to vector<16x64xi32>
      %eq3A_250 = arith.cmpi eq, %iota3A_215, %eq3A_249 : vector<16x64xi32>
      %broadcast_in_dim3A_251 = vector.shape_cast %slice3A_247 : vector<16x1xf32> to vector<16x1xf32>
      %broadcast_in_dim3A_252 = vector.broadcast %broadcast_in_dim3A_251 : vector<16x1xf32> to vector<16x64xf32>
      %select_n3A_253 = arith.select %eq3A_250, %broadcast_in_dim3A_252, %select_n3A_241 : vector<16x64xi1>, vector<16x64xf32>
      %get3A_254 = arith.constant 3 : index
      %get3A_255 = arith.constant 0 : index
      %get3A_256 = arith.constant 0 : index
      %get3A_257 = vector.load %arg8[%get3A_254, %get3A_255, %get3A_256] : memref<15x16x128xf32, #tpu.memory_space<vmem>>, vector<1x16x128xf32>
      %get3A_258 = vector.shape_cast %get3A_257 : vector<1x16x128xf32> to vector<16x128xf32>
      %slice3A_259 = vector.extract_strided_slice %get3A_258 {offsets = [0, 0], sizes = [16, 1], strides = [1, 1]} : vector<16x128xf32> to vector<16x1xf32>
      %eq3A_260 = arith.constant 3 : i32
      %eq3A_261 = vector.broadcast %eq3A_260 : i32 to vector<16x64xi32>
      %eq3A_262 = arith.cmpi eq, %iota3A_215, %eq3A_261 : vector<16x64xi32>
      %broadcast_in_dim3A_263 = vector.shape_cast %slice3A_259 : vector<16x1xf32> to vector<16x1xf32>
      %broadcast_in_dim3A_264 = vector.broadcast %broadcast_in_dim3A_263 : vector<16x1xf32> to vector<16x64xf32>
      %select_n3A_265 = arith.select %eq3A_262, %broadcast_in_dim3A_264, %select_n3A_253 : vector<16x64xi1>, vector<16x64xf32>
      %get3A_266 = arith.constant 4 : index
      %get3A_267 = arith.constant 0 : index
      %get3A_268 = arith.constant 0 : index
      %get3A_269 = vector.load %arg8[%get3A_266, %get3A_267, %get3A_268] : memref<15x16x128xf32, #tpu.memory_space<vmem>>, vector<1x16x128xf32>
      %get3A_270 = vector.shape_cast %get3A_269 : vector<1x16x128xf32> to vector<16x128xf32>
      %slice3A_271 = vector.extract_strided_slice %get3A_270 {offsets = [0, 0], sizes = [16, 1], strides = [1, 1]} : vector<16x128xf32> to vector<16x1xf32>
      %eq3A_272 = arith.constant 4 : i32
      %eq3A_273 = vector.broadcast %eq3A_272 : i32 to vector<16x64xi32>
      %eq3A_274 = arith.cmpi eq, %iota3A_215, %eq3A_273 : vector<16x64xi32>
      %broadcast_in_dim3A_275 = vector.shape_cast %slice3A_271 : vector<16x1xf32> to vector<16x1xf32>
      %broadcast_in_dim3A_276 = vector.broadcast %broadcast_in_dim3A_275 : vector<16x1xf32> to vector<16x64xf32>
      %select_n3A_277 = arith.select %eq3A_274, %broadcast_in_dim3A_276, %select_n3A_265 : vector<16x64xi1>, vector<16x64xf32>
      %get3A_278 = arith.constant 5 : index
      %get3A_279 = arith.constant 0 : index
      %get3A_280 = arith.constant 0 : index
      %get3A_281 = vector.load %arg8[%get3A_278, %get3A_279, %get3A_280] : memref<15x16x128xf32, #tpu.memory_space<vmem>>, vector<1x16x128xf32>
      %get3A_282 = vector.shape_cast %get3A_281 : vector<1x16x128xf32> to vector<16x128xf32>
      %slice3A_283 = vector.extract_strided_slice %get3A_282 {offsets = [0, 0], sizes = [16, 1], strides = [1, 1]} : vector<16x128xf32> to vector<16x1xf32>
      %eq3A_284 = arith.constant 5 : i32
      %eq3A_285 = vector.broadcast %eq3A_284 : i32 to vector<16x64xi32>
      %eq3A_286 = arith.cmpi eq, %iota3A_215, %eq3A_285 : vector<16x64xi32>
      %broadcast_in_dim3A_287 = vector.shape_cast %slice3A_283 : vector<16x1xf32> to vector<16x1xf32>
      %broadcast_in_dim3A_288 = vector.broadcast %broadcast_in_dim3A_287 : vector<16x1xf32> to vector<16x64xf32>
      %select_n3A_289 = arith.select %eq3A_286, %broadcast_in_dim3A_288, %select_n3A_277 : vector<16x64xi1>, vector<16x64xf32>
      %get3A_290 = arith.constant 6 : index
      %get3A_291 = arith.constant 0 : index
      %get3A_292 = arith.constant 0 : index
      %get3A_293 = vector.load %arg8[%get3A_290, %get3A_291, %get3A_292] : memref<15x16x128xf32, #tpu.memory_space<vmem>>, vector<1x16x128xf32>
      %get3A_294 = vector.shape_cast %get3A_293 : vector<1x16x128xf32> to vector<16x128xf32>
      %slice3A_295 = vector.extract_strided_slice %get3A_294 {offsets = [0, 0], sizes = [16, 1], strides = [1, 1]} : vector<16x128xf32> to vector<16x1xf32>
      %eq3A_296 = arith.constant 6 : i32
      %eq3A_297 = vector.broadcast %eq3A_296 : i32 to vector<16x64xi32>
      %eq3A_298 = arith.cmpi eq, %iota3A_215, %eq3A_297 : vector<16x64xi32>
      %broadcast_in_dim3A_299 = vector.shape_cast %slice3A_295 : vector<16x1xf32> to vector<16x1xf32>
      %broadcast_in_dim3A_300 = vector.broadcast %broadcast_in_dim3A_299 : vector<16x1xf32> to vector<16x64xf32>
      %select_n3A_301 = arith.select %eq3A_298, %broadcast_in_dim3A_300, %select_n3A_289 : vector<16x64xi1>, vector<16x64xf32>
      %get3A_302 = arith.constant 7 : index
      %get3A_303 = arith.constant 0 : index
      %get3A_304 = arith.constant 0 : index
      %get3A_305 = vector.load %arg8[%get3A_302, %get3A_303, %get3A_304] : memref<15x16x128xf32, #tpu.memory_space<vmem>>, vector<1x16x128xf32>
      %get3A_306 = vector.shape_cast %get3A_305 : vector<1x16x128xf32> to vector<16x128xf32>
      %slice3A_307 = vector.extract_strided_slice %get3A_306 {offsets = [0, 0], sizes = [16, 1], strides = [1, 1]} : vector<16x128xf32> to vector<16x1xf32>
      %eq3A_308 = arith.constant 7 : i32
      %eq3A_309 = vector.broadcast %eq3A_308 : i32 to vector<16x64xi32>
      %eq3A_310 = arith.cmpi eq, %iota3A_215, %eq3A_309 : vector<16x64xi32>
      %broadcast_in_dim3A_311 = vector.shape_cast %slice3A_307 : vector<16x1xf32> to vector<16x1xf32>
      %broadcast_in_dim3A_312 = vector.broadcast %broadcast_in_dim3A_311 : vector<16x1xf32> to vector<16x64xf32>
      %select_n3A_313 = arith.select %eq3A_310, %broadcast_in_dim3A_312, %select_n3A_301 : vector<16x64xi1>, vector<16x64xf32>
      %get3A_314 = arith.constant 8 : index
      %get3A_315 = arith.constant 0 : index
      %get3A_316 = arith.constant 0 : index
      %get3A_317 = vector.load %arg8[%get3A_314, %get3A_315, %get3A_316] : memref<15x16x128xf32, #tpu.memory_space<vmem>>, vector<1x16x128xf32>
      %get3A_318 = vector.shape_cast %get3A_317 : vector<1x16x128xf32> to vector<16x128xf32>
      %slice3A_319 = vector.extract_strided_slice %get3A_318 {offsets = [0, 0], sizes = [16, 1], strides = [1, 1]} : vector<16x128xf32> to vector<16x1xf32>
      %eq3A_320 = arith.constant 8 : i32
      %eq3A_321 = vector.broadcast %eq3A_320 : i32 to vector<16x64xi32>
      %eq3A_322 = arith.cmpi eq, %iota3A_215, %eq3A_321 : vector<16x64xi32>
      %broadcast_in_dim3A_323 = vector.shape_cast %slice3A_319 : vector<16x1xf32> to vector<16x1xf32>
      %broadcast_in_dim3A_324 = vector.broadcast %broadcast_in_dim3A_323 : vector<16x1xf32> to vector<16x64xf32>
      %select_n3A_325 = arith.select %eq3A_322, %broadcast_in_dim3A_324, %select_n3A_313 : vector<16x64xi1>, vector<16x64xf32>
      %get3A_326 = arith.constant 9 : index
      %get3A_327 = arith.constant 0 : index
      %get3A_328 = arith.constant 0 : index
      %get3A_329 = vector.load %arg8[%get3A_326, %get3A_327, %get3A_328] : memref<15x16x128xf32, #tpu.memory_space<vmem>>, vector<1x16x128xf32>
      %get3A_330 = vector.shape_cast %get3A_329 : vector<1x16x128xf32> to vector<16x128xf32>
      %slice3A_331 = vector.extract_strided_slice %get3A_330 {offsets = [0, 0], sizes = [16, 1], strides = [1, 1]} : vector<16x128xf32> to vector<16x1xf32>
      %eq3A_332 = arith.constant 9 : i32
      %eq3A_333 = vector.broadcast %eq3A_332 : i32 to vector<16x64xi32>
      %eq3A_334 = arith.cmpi eq, %iota3A_215, %eq3A_333 : vector<16x64xi32>
      %broadcast_in_dim3A_335 = vector.shape_cast %slice3A_331 : vector<16x1xf32> to vector<16x1xf32>
      %broadcast_in_dim3A_336 = vector.broadcast %broadcast_in_dim3A_335 : vector<16x1xf32> to vector<16x64xf32>
      %select_n3A_337 = arith.select %eq3A_334, %broadcast_in_dim3A_336, %select_n3A_325 : vector<16x64xi1>, vector<16x64xf32>
      %get3A_338 = arith.constant 10 : index
      %get3A_339 = arith.constant 0 : index
      %get3A_340 = arith.constant 0 : index
      %get3A_341 = vector.load %arg8[%get3A_338, %get3A_339, %get3A_340] : memref<15x16x128xf32, #tpu.memory_space<vmem>>, vector<1x16x128xf32>
      %get3A_342 = vector.shape_cast %get3A_341 : vector<1x16x128xf32> to vector<16x128xf32>
      %slice3A_343 = vector.extract_strided_slice %get3A_342 {offsets = [0, 0], sizes = [16, 1], strides = [1, 1]} : vector<16x128xf32> to vector<16x1xf32>
      %eq3A_344 = arith.constant 10 : i32
      %eq3A_345 = vector.broadcast %eq3A_344 : i32 to vector<16x64xi32>
      %eq3A_346 = arith.cmpi eq, %iota3A_215, %eq3A_345 : vector<16x64xi32>
      %broadcast_in_dim3A_347 = vector.shape_cast %slice3A_343 : vector<16x1xf32> to vector<16x1xf32>
      %broadcast_in_dim3A_348 = vector.broadcast %broadcast_in_dim3A_347 : vector<16x1xf32> to vector<16x64xf32>
      %select_n3A_349 = arith.select %eq3A_346, %broadcast_in_dim3A_348, %select_n3A_337 : vector<16x64xi1>, vector<16x64xf32>
      %get3A_350 = arith.constant 11 : index
      %get3A_351 = arith.constant 0 : index
      %get3A_352 = arith.constant 0 : index
      %get3A_353 = vector.load %arg8[%get3A_350, %get3A_351, %get3A_352] : memref<15x16x128xf32, #tpu.memory_space<vmem>>, vector<1x16x128xf32>
      %get3A_354 = vector.shape_cast %get3A_353 : vector<1x16x128xf32> to vector<16x128xf32>
      %slice3A_355 = vector.extract_strided_slice %get3A_354 {offsets = [0, 0], sizes = [16, 1], strides = [1, 1]} : vector<16x128xf32> to vector<16x1xf32>
      %eq3A_356 = arith.constant 11 : i32
      %eq3A_357 = vector.broadcast %eq3A_356 : i32 to vector<16x64xi32>
      %eq3A_358 = arith.cmpi eq, %iota3A_215, %eq3A_357 : vector<16x64xi32>
      %broadcast_in_dim3A_359 = vector.shape_cast %slice3A_355 : vector<16x1xf32> to vector<16x1xf32>
      %broadcast_in_dim3A_360 = vector.broadcast %broadcast_in_dim3A_359 : vector<16x1xf32> to vector<16x64xf32>
      %select_n3A_361 = arith.select %eq3A_358, %broadcast_in_dim3A_360, %select_n3A_349 : vector<16x64xi1>, vector<16x64xf32>
      %get3A_362 = arith.constant 12 : index
      %get3A_363 = arith.constant 0 : index
      %get3A_364 = arith.constant 0 : index
      %get3A_365 = vector.load %arg8[%get3A_362, %get3A_363, %get3A_364] : memref<15x16x128xf32, #tpu.memory_space<vmem>>, vector<1x16x128xf32>
      %get3A_366 = vector.shape_cast %get3A_365 : vector<1x16x128xf32> to vector<16x128xf32>
      %slice3A_367 = vector.extract_strided_slice %get3A_366 {offsets = [0, 0], sizes = [16, 1], strides = [1, 1]} : vector<16x128xf32> to vector<16x1xf32>
      %eq3A_368 = arith.constant 12 : i32
      %eq3A_369 = vector.broadcast %eq3A_368 : i32 to vector<16x64xi32>
      %eq3A_370 = arith.cmpi eq, %iota3A_215, %eq3A_369 : vector<16x64xi32>
      %broadcast_in_dim3A_371 = vector.shape_cast %slice3A_367 : vector<16x1xf32> to vector<16x1xf32>
      %broadcast_in_dim3A_372 = vector.broadcast %broadcast_in_dim3A_371 : vector<16x1xf32> to vector<16x64xf32>
      %select_n3A_373 = arith.select %eq3A_370, %broadcast_in_dim3A_372, %select_n3A_361 : vector<16x64xi1>, vector<16x64xf32>
      %get3A_374 = arith.constant 13 : index
      %get3A_375 = arith.constant 0 : index
      %get3A_376 = arith.constant 0 : index
      %get3A_377 = vector.load %arg8[%get3A_374, %get3A_375, %get3A_376] : memref<15x16x128xf32, #tpu.memory_space<vmem>>, vector<1x16x128xf32>
      %get3A_378 = vector.shape_cast %get3A_377 : vector<1x16x128xf32> to vector<16x128xf32>
      %slice3A_379 = vector.extract_strided_slice %get3A_378 {offsets = [0, 0], sizes = [16, 1], strides = [1, 1]} : vector<16x128xf32> to vector<16x1xf32>
      %eq3A_380 = arith.constant 13 : i32
      %eq3A_381 = vector.broadcast %eq3A_380 : i32 to vector<16x64xi32>
      %eq3A_382 = arith.cmpi eq, %iota3A_215, %eq3A_381 : vector<16x64xi32>
      %broadcast_in_dim3A_383 = vector.shape_cast %slice3A_379 : vector<16x1xf32> to vector<16x1xf32>
      %broadcast_in_dim3A_384 = vector.broadcast %broadcast_in_dim3A_383 : vector<16x1xf32> to vector<16x64xf32>
      %select_n3A_385 = arith.select %eq3A_382, %broadcast_in_dim3A_384, %select_n3A_373 : vector<16x64xi1>, vector<16x64xf32>
      %get3A_386 = arith.constant 14 : index
      %get3A_387 = arith.constant 0 : index
      %get3A_388 = arith.constant 0 : index
      %get3A_389 = vector.load %arg8[%get3A_386, %get3A_387, %get3A_388] : memref<15x16x128xf32, #tpu.memory_space<vmem>>, vector<1x16x128xf32>
      %get3A_390 = vector.shape_cast %get3A_389 : vector<1x16x128xf32> to vector<16x128xf32>
      %slice3A_391 = vector.extract_strided_slice %get3A_390 {offsets = [0, 0], sizes = [16, 1], strides = [1, 1]} : vector<16x128xf32> to vector<16x1xf32>
      %eq3A_392 = arith.constant 14 : i32
      %eq3A_393 = vector.broadcast %eq3A_392 : i32 to vector<16x64xi32>
      %eq3A_394 = arith.cmpi eq, %iota3A_215, %eq3A_393 : vector<16x64xi32>
      %broadcast_in_dim3A_395 = vector.shape_cast %slice3A_391 : vector<16x1xf32> to vector<16x1xf32>
      %broadcast_in_dim3A_396 = vector.broadcast %broadcast_in_dim3A_395 : vector<16x1xf32> to vector<16x64xf32>
      %select_n3A_397 = arith.select %eq3A_394, %broadcast_in_dim3A_396, %select_n3A_385 : vector<16x64xi1>, vector<16x64xf32>
      %broadcast_in_dim3A_398 = arith.constant 0x7F800000 : f32
      %broadcast_in_dim3A_399 = vector.broadcast %broadcast_in_dim3A_398 : f32 to vector<16x1xf32>
      %broadcast_in_dim3A_400 = arith.constant -1 : i32
      %broadcast_in_dim3A_401 = vector.broadcast %broadcast_in_dim3A_400 : i32 to vector<16x1xi32>
      %iota3A_402 = tpu.iota {dimensions = array<i32: 1>} : vector<16x4096xi32>
      %reduce_max3A_403 = arith.constant dense<0xFF800000> : vector<16xf32>
      %reduce_max3A_404 = vector.multi_reduction <maximumf>, %select_n3A_397, %reduce_max3A_403 [1] : vector<16x64xf32> to vector<16xf32>
      %broadcast_in_dim3A_405 = vector.shape_cast %reduce_max3A_404 : vector<16xf32> to vector<16x1xf32>
      %eq3A_406 = vector.broadcast %broadcast_in_dim3A_405 : vector<16x1xf32> to vector<16x64xf32>
      %eq3A_407 = arith.cmpf oeq, %select_n3A_397, %eq3A_406 : vector<16x64xf32>
      %jit3A_408 = arith.constant 1073741824 : i32
      %broadcast_in_dim3A_409 = vector.broadcast %jit3A_408 : i32 to vector<16x64xi32>
      %select_n3A_410 = arith.select %eq3A_407, %iota3A_215, %broadcast_in_dim3A_409 : vector<16x64xi1>, vector<16x64xi32>
      %reduce_min3A = arith.constant dense<2147483647> : vector<16xi32>
      %reduce_min3A_411 = vector.multi_reduction <minsi>, %select_n3A_410, %reduce_min3A [1] : vector<16x64xi32> to vector<16xi32>
      %broadcast_in_dim3A_412 = vector.shape_cast %reduce_min3A_411 : vector<16xi32> to vector<16x1xi32>
      %slice3A_413 = vector.extract_strided_slice %broadcast_in_dim3A_412 {offsets = [0, 0], sizes = [1, 1], strides = [1, 1]} : vector<16x1xi32> to vector<1x1xi32>
      %squeeze3A = vector.extract %slice3A_413[0, 0] : i32 from vector<1x1xi32>
      %get3A_414 = arith.index_cast %squeeze3A : i32 to index
      %get3A_415 = arith.constant 0 : index
      %get3A_416 = arith.constant 0 : index
      %get3A_417 = vector.load %arg7[%get3A_414, %get3A_415, %get3A_416] : memref<15x16x4096xf32, #tpu.memory_space<vmem>>, vector<1x1x4096xf32>
      %get3A_418 = vector.shape_cast %get3A_417 : vector<1x1x4096xf32> to vector<1x4096xf32>
      %swap3A_419 = arith.constant 0 : index
      %swap3A_420 = arith.constant 0 : index
      %swap3A_421 = vector.load %arg9[%swap3A_419, %swap3A_420] : memref<16x4096xf32, #tpu.memory_space<vmem>>, vector<1x4096xf32>
      tpu.vector_store %arg9[%swap3A_419, %swap3A_420], %get3A_418 {strides = array<i32>} : memref<16x4096xf32, #tpu.memory_space<vmem>>, vector<1x4096xf32>,
      %slice3A_422 = vector.extract_strided_slice %broadcast_in_dim3A_412 {offsets = [1, 0], sizes = [1, 1], strides = [1, 1]} : vector<16x1xi32> to vector<1x1xi32>
      %squeeze3A_423 = vector.extract %slice3A_422[0, 0] : i32 from vector<1x1xi32>
      %get3A_424 = arith.index_cast %squeeze3A_423 : i32 to index
      %get3A_425 = arith.constant 1 : index
      %get3A_426 = arith.constant 0 : index
      %get3A_427 = vector.load %arg7[%get3A_424, %get3A_425, %get3A_426] : memref<15x16x4096xf32, #tpu.memory_space<vmem>>, vector<1x1x4096xf32>
      %get3A_428 = vector.shape_cast %get3A_427 : vector<1x1x4096xf32> to vector<1x4096xf32>
      %swap3A_429 = arith.constant 1 : index
      %swap3A_430 = arith.constant 0 : index
      %swap3A_431 = vector.load %arg9[%swap3A_429, %swap3A_430] : memref<16x4096xf32, #tpu.memory_space<vmem>>, vector<1x4096xf32>
      tpu.vector_store %arg9[%swap3A_429, %swap3A_430], %get3A_428 {strides = array<i32>} : memref<16x4096xf32, #tpu.memory_space<vmem>>, vector<1x4096xf32>,
      %slice3A_432 = vector.extract_strided_slice %broadcast_in_dim3A_412 {offsets = [2, 0], sizes = [1, 1], strides = [1, 1]} : vector<16x1xi32> to vector<1x1xi32>
      %squeeze3A_433 = vector.extract %slice3A_432[0, 0] : i32 from vector<1x1xi32>
      %get3A_434 = arith.index_cast %squeeze3A_433 : i32 to index
      %get3A_435 = arith.constant 2 : index
      %get3A_436 = arith.constant 0 : index
      %get3A_437 = vector.load %arg7[%get3A_434, %get3A_435, %get3A_436] : memref<15x16x4096xf32, #tpu.memory_space<vmem>>, vector<1x1x4096xf32>
      %get3A_438 = vector.shape_cast %get3A_437 : vector<1x1x4096xf32> to vector<1x4096xf32>
      %swap3A_439 = arith.constant 2 : index
      %swap3A_440 = arith.constant 0 : index
      %swap3A_441 = vector.load %arg9[%swap3A_439, %swap3A_440] : memref<16x4096xf32, #tpu.memory_space<vmem>>, vector<1x4096xf32>
      tpu.vector_store %arg9[%swap3A_439, %swap3A_440], %get3A_438 {strides = array<i32>} : memref<16x4096xf32, #tpu.memory_space<vmem>>, vector<1x4096xf32>,
      %slice3A_442 = vector.extract_strided_slice %broadcast_in_dim3A_412 {offsets = [3, 0], sizes = [1, 1], strides = [1, 1]} : vector<16x1xi32> to vector<1x1xi32>
      %squeeze3A_443 = vector.extract %slice3A_442[0, 0] : i32 from vector<1x1xi32>
      %get3A_444 = arith.index_cast %squeeze3A_443 : i32 to index
      %get3A_445 = arith.constant 3 : index
      %get3A_446 = arith.constant 0 : index
      %get3A_447 = vector.load %arg7[%get3A_444, %get3A_445, %get3A_446] : memref<15x16x4096xf32, #tpu.memory_space<vmem>>, vector<1x1x4096xf32>
      %get3A_448 = vector.shape_cast %get3A_447 : vector<1x1x4096xf32> to vector<1x4096xf32>
      %swap3A_449 = arith.constant 3 : index
      %swap3A_450 = arith.constant 0 : index
      %swap3A_451 = vector.load %arg9[%swap3A_449, %swap3A_450] : memref<16x4096xf32, #tpu.memory_space<vmem>>, vector<1x4096xf32>
      tpu.vector_store %arg9[%swap3A_449, %swap3A_450], %get3A_448 {strides = array<i32>} : memref<16x4096xf32, #tpu.memory_space<vmem>>, vector<1x4096xf32>,
      %slice3A_452 = vector.extract_strided_slice %broadcast_in_dim3A_412 {offsets = [4, 0], sizes = [1, 1], strides = [1, 1]} : vector<16x1xi32> to vector<1x1xi32>
      %squeeze3A_453 = vector.extract %slice3A_452[0, 0] : i32 from vector<1x1xi32>
      %get3A_454 = arith.index_cast %squeeze3A_453 : i32 to index
      %get3A_455 = arith.constant 4 : index
      %get3A_456 = arith.constant 0 : index
      %get3A_457 = vector.load %arg7[%get3A_454, %get3A_455, %get3A_456] : memref<15x16x4096xf32, #tpu.memory_space<vmem>>, vector<1x1x4096xf32>
      %get3A_458 = vector.shape_cast %get3A_457 : vector<1x1x4096xf32> to vector<1x4096xf32>
      %swap3A_459 = arith.constant 4 : index
      %swap3A_460 = arith.constant 0 : index
      %swap3A_461 = vector.load %arg9[%swap3A_459, %swap3A_460] : memref<16x4096xf32, #tpu.memory_space<vmem>>, vector<1x4096xf32>
      tpu.vector_store %arg9[%swap3A_459, %swap3A_460], %get3A_458 {strides = array<i32>} : memref<16x4096xf32, #tpu.memory_space<vmem>>, vector<1x4096xf32>,
      %slice3A_462 = vector.extract_strided_slice %broadcast_in_dim3A_412 {offsets = [5, 0], sizes = [1, 1], strides = [1, 1]} : vector<16x1xi32> to vector<1x1xi32>
      %squeeze3A_463 = vector.extract %slice3A_462[0, 0] : i32 from vector<1x1xi32>
      %get3A_464 = arith.index_cast %squeeze3A_463 : i32 to index
      %get3A_465 = arith.constant 5 : index
      %get3A_466 = arith.constant 0 : index
      %get3A_467 = vector.load %arg7[%get3A_464, %get3A_465, %get3A_466] : memref<15x16x4096xf32, #tpu.memory_space<vmem>>, vector<1x1x4096xf32>
      %get3A_468 = vector.shape_cast %get3A_467 : vector<1x1x4096xf32> to vector<1x4096xf32>
      %swap3A_469 = arith.constant 5 : index
      %swap3A_470 = arith.constant 0 : index
      %swap3A_471 = vector.load %arg9[%swap3A_469, %swap3A_470] : memref<16x4096xf32, #tpu.memory_space<vmem>>, vector<1x4096xf32>
      tpu.vector_store %arg9[%swap3A_469, %swap3A_470], %get3A_468 {strides = array<i32>} : memref<16x4096xf32, #tpu.memory_space<vmem>>, vector<1x4096xf32>,
      %slice3A_472 = vector.extract_strided_slice %broadcast_in_dim3A_412 {offsets = [6, 0], sizes = [1, 1], strides = [1, 1]} : vector<16x1xi32> to vector<1x1xi32>
      %squeeze3A_473 = vector.extract %slice3A_472[0, 0] : i32 from vector<1x1xi32>
      %get3A_474 = arith.index_cast %squeeze3A_473 : i32 to index
      %get3A_475 = arith.constant 6 : index
      %get3A_476 = arith.constant 0 : index
      %get3A_477 = vector.load %arg7[%get3A_474, %get3A_475, %get3A_476] : memref<15x16x4096xf32, #tpu.memory_space<vmem>>, vector<1x1x4096xf32>
      %get3A_478 = vector.shape_cast %get3A_477 : vector<1x1x4096xf32> to vector<1x4096xf32>
      %swap3A_479 = arith.constant 6 : index
      %swap3A_480 = arith.constant 0 : index
      %swap3A_481 = vector.load %arg9[%swap3A_479, %swap3A_480] : memref<16x4096xf32, #tpu.memory_space<vmem>>, vector<1x4096xf32>
      tpu.vector_store %arg9[%swap3A_479, %swap3A_480], %get3A_478 {strides = array<i32>} : memref<16x4096xf32, #tpu.memory_space<vmem>>, vector<1x4096xf32>,
      %slice3A_482 = vector.extract_strided_slice %broadcast_in_dim3A_412 {offsets = [7, 0], sizes = [1, 1], strides = [1, 1]} : vector<16x1xi32> to vector<1x1xi32>
      %squeeze3A_483 = vector.extract %slice3A_482[0, 0] : i32 from vector<1x1xi32>
      %get3A_484 = arith.index_cast %squeeze3A_483 : i32 to index
      %get3A_485 = arith.constant 7 : index
      %get3A_486 = arith.constant 0 : index
      %get3A_487 = vector.load %arg7[%get3A_484, %get3A_485, %get3A_486] : memref<15x16x4096xf32, #tpu.memory_space<vmem>>, vector<1x1x4096xf32>
      %get3A_488 = vector.shape_cast %get3A_487 : vector<1x1x4096xf32> to vector<1x4096xf32>
      %swap3A_489 = arith.constant 7 : index
      %swap3A_490 = arith.constant 0 : index
      %swap3A_491 = vector.load %arg9[%swap3A_489, %swap3A_490] : memref<16x4096xf32, #tpu.memory_space<vmem>>, vector<1x4096xf32>
      tpu.vector_store %arg9[%swap3A_489, %swap3A_490], %get3A_488 {strides = array<i32>} : memref<16x4096xf32, #tpu.memory_space<vmem>>, vector<1x4096xf32>,
      %slice3A_492 = vector.extract_strided_slice %broadcast_in_dim3A_412 {offsets = [8, 0], sizes = [1, 1], strides = [1, 1]} : vector<16x1xi32> to vector<1x1xi32>
      %squeeze3A_493 = vector.extract %slice3A_492[0, 0] : i32 from vector<1x1xi32>
      %get3A_494 = arith.index_cast %squeeze3A_493 : i32 to index
      %get3A_495 = arith.constant 8 : index
      %get3A_496 = arith.constant 0 : index
      %get3A_497 = vector.load %arg7[%get3A_494, %get3A_495, %get3A_496] : memref<15x16x4096xf32, #tpu.memory_space<vmem>>, vector<1x1x4096xf32>
      %get3A_498 = vector.shape_cast %get3A_497 : vector<1x1x4096xf32> to vector<1x4096xf32>
      %swap3A_499 = arith.constant 8 : index
      %swap3A_500 = arith.constant 0 : index
      %swap3A_501 = vector.load %arg9[%swap3A_499, %swap3A_500] : memref<16x4096xf32, #tpu.memory_space<vmem>>, vector<1x4096xf32>
      tpu.vector_store %arg9[%swap3A_499, %swap3A_500], %get3A_498 {strides = array<i32>} : memref<16x4096xf32, #tpu.memory_space<vmem>>, vector<1x4096xf32>,
      %slice3A_502 = vector.extract_strided_slice %broadcast_in_dim3A_412 {offsets = [9, 0], sizes = [1, 1], strides = [1, 1]} : vector<16x1xi32> to vector<1x1xi32>
      %squeeze3A_503 = vector.extract %slice3A_502[0, 0] : i32 from vector<1x1xi32>
      %get3A_504 = arith.index_cast %squeeze3A_503 : i32 to index
      %get3A_505 = arith.constant 9 : index
      %get3A_506 = arith.constant 0 : index
      %get3A_507 = vector.load %arg7[%get3A_504, %get3A_505, %get3A_506] : memref<15x16x4096xf32, #tpu.memory_space<vmem>>, vector<1x1x4096xf32>
      %get3A_508 = vector.shape_cast %get3A_507 : vector<1x1x4096xf32> to vector<1x4096xf32>
      %swap3A_509 = arith.constant 9 : index
      %swap3A_510 = arith.constant 0 : index
      %swap3A_511 = vector.load %arg9[%swap3A_509, %swap3A_510] : memref<16x4096xf32, #tpu.memory_space<vmem>>, vector<1x4096xf32>
      tpu.vector_store %arg9[%swap3A_509, %swap3A_510], %get3A_508 {strides = array<i32>} : memref<16x4096xf32, #tpu.memory_space<vmem>>, vector<1x4096xf32>,
      %slice3A_512 = vector.extract_strided_slice %broadcast_in_dim3A_412 {offsets = [10, 0], sizes = [1, 1], strides = [1, 1]} : vector<16x1xi32> to vector<1x1xi32>
      %squeeze3A_513 = vector.extract %slice3A_512[0, 0] : i32 from vector<1x1xi32>
      %get3A_514 = arith.index_cast %squeeze3A_513 : i32 to index
      %get3A_515 = arith.constant 10 : index
      %get3A_516 = arith.constant 0 : index
      %get3A_517 = vector.load %arg7[%get3A_514, %get3A_515, %get3A_516] : memref<15x16x4096xf32, #tpu.memory_space<vmem>>, vector<1x1x4096xf32>
      %get3A_518 = vector.shape_cast %get3A_517 : vector<1x1x4096xf32> to vector<1x4096xf32>
      %swap3A_519 = arith.constant 10 : index
      %swap3A_520 = arith.constant 0 : index
      %swap3A_521 = vector.load %arg9[%swap3A_519, %swap3A_520] : memref<16x4096xf32, #tpu.memory_space<vmem>>, vector<1x4096xf32>
      tpu.vector_store %arg9[%swap3A_519, %swap3A_520], %get3A_518 {strides = array<i32>} : memref<16x4096xf32, #tpu.memory_space<vmem>>, vector<1x4096xf32>,
      %slice3A_522 = vector.extract_strided_slice %broadcast_in_dim3A_412 {offsets = [11, 0], sizes = [1, 1], strides = [1, 1]} : vector<16x1xi32> to vector<1x1xi32>
      %squeeze3A_523 = vector.extract %slice3A_522[0, 0] : i32 from vector<1x1xi32>
      %get3A_524 = arith.index_cast %squeeze3A_523 : i32 to index
      %get3A_525 = arith.constant 11 : index
      %get3A_526 = arith.constant 0 : index
      %get3A_527 = vector.load %arg7[%get3A_524, %get3A_525, %get3A_526] : memref<15x16x4096xf32, #tpu.memory_space<vmem>>, vector<1x1x4096xf32>
      %get3A_528 = vector.shape_cast %get3A_527 : vector<1x1x4096xf32> to vector<1x4096xf32>
      %swap3A_529 = arith.constant 11 : index
      %swap3A_530 = arith.constant 0 : index
      %swap3A_531 = vector.load %arg9[%swap3A_529, %swap3A_530] : memref<16x4096xf32, #tpu.memory_space<vmem>>, vector<1x4096xf32>
      tpu.vector_store %arg9[%swap3A_529, %swap3A_530], %get3A_528 {strides = array<i32>} : memref<16x4096xf32, #tpu.memory_space<vmem>>, vector<1x4096xf32>,
      %slice3A_532 = vector.extract_strided_slice %broadcast_in_dim3A_412 {offsets = [12, 0], sizes = [1, 1], strides = [1, 1]} : vector<16x1xi32> to vector<1x1xi32>
      %squeeze3A_533 = vector.extract %slice3A_532[0, 0] : i32 from vector<1x1xi32>
      %get3A_534 = arith.index_cast %squeeze3A_533 : i32 to index
      %get3A_535 = arith.constant 12 : index
      %get3A_536 = arith.constant 0 : index
      %get3A_537 = vector.load %arg7[%get3A_534, %get3A_535, %get3A_536] : memref<15x16x4096xf32, #tpu.memory_space<vmem>>, vector<1x1x4096xf32>
      %get3A_538 = vector.shape_cast %get3A_537 : vector<1x1x4096xf32> to vector<1x4096xf32>
      %swap3A_539 = arith.constant 12 : index
      %swap3A_540 = arith.constant 0 : index
      %swap3A_541 = vector.load %arg9[%swap3A_539, %swap3A_540] : memref<16x4096xf32, #tpu.memory_space<vmem>>, vector<1x4096xf32>
      tpu.vector_store %arg9[%swap3A_539, %swap3A_540], %get3A_538 {strides = array<i32>} : memref<16x4096xf32, #tpu.memory_space<vmem>>, vector<1x4096xf32>,
      %slice3A_542 = vector.extract_strided_slice %broadcast_in_dim3A_412 {offsets = [13, 0], sizes = [1, 1], strides = [1, 1]} : vector<16x1xi32> to vector<1x1xi32>
      %squeeze3A_543 = vector.extract %slice3A_542[0, 0] : i32 from vector<1x1xi32>
      %get3A_544 = arith.index_cast %squeeze3A_543 : i32 to index
      %get3A_545 = arith.constant 13 : index
      %get3A_546 = arith.constant 0 : index
      %get3A_547 = vector.load %arg7[%get3A_544, %get3A_545, %get3A_546] : memref<15x16x4096xf32, #tpu.memory_space<vmem>>, vector<1x1x4096xf32>
      %get3A_548 = vector.shape_cast %get3A_547 : vector<1x1x4096xf32> to vector<1x4096xf32>
      %swap3A_549 = arith.constant 13 : index
      %swap3A_550 = arith.constant 0 : index
      %swap3A_551 = vector.load %arg9[%swap3A_549, %swap3A_550] : memref<16x4096xf32, #tpu.memory_space<vmem>>, vector<1x4096xf32>
      tpu.vector_store %arg9[%swap3A_549, %swap3A_550], %get3A_548 {strides = array<i32>} : memref<16x4096xf32, #tpu.memory_space<vmem>>, vector<1x4096xf32>,
      %slice3A_552 = vector.extract_strided_slice %broadcast_in_dim3A_412 {offsets = [14, 0], sizes = [1, 1], strides = [1, 1]} : vector<16x1xi32> to vector<1x1xi32>
      %squeeze3A_553 = vector.extract %slice3A_552[0, 0] : i32 from vector<1x1xi32>
      %get3A_554 = arith.index_cast %squeeze3A_553 : i32 to index
      %get3A_555 = arith.constant 14 : index
      %get3A_556 = arith.constant 0 : index
      %get3A_557 = vector.load %arg7[%get3A_554, %get3A_555, %get3A_556] : memref<15x16x4096xf32, #tpu.memory_space<vmem>>, vector<1x1x4096xf32>
      %get3A_558 = vector.shape_cast %get3A_557 : vector<1x1x4096xf32> to vector<1x4096xf32>
      %swap3A_559 = arith.constant 14 : index
      %swap3A_560 = arith.constant 0 : index
      %swap3A_561 = vector.load %arg9[%swap3A_559, %swap3A_560] : memref<16x4096xf32, #tpu.memory_space<vmem>>, vector<1x4096xf32>
      tpu.vector_store %arg9[%swap3A_559, %swap3A_560], %get3A_558 {strides = array<i32>} : memref<16x4096xf32, #tpu.memory_space<vmem>>, vector<1x4096xf32>,
      %slice3A_562 = vector.extract_strided_slice %broadcast_in_dim3A_412 {offsets = [15, 0], sizes = [1, 1], strides = [1, 1]} : vector<16x1xi32> to vector<1x1xi32>
      %squeeze3A_563 = vector.extract %slice3A_562[0, 0] : i32 from vector<1x1xi32>
      %get3A_564 = arith.index_cast %squeeze3A_563 : i32 to index
      %get3A_565 = arith.constant 15 : index
      %get3A_566 = arith.constant 0 : index
      %get3A_567 = vector.load %arg7[%get3A_564, %get3A_565, %get3A_566] : memref<15x16x4096xf32, #tpu.memory_space<vmem>>, vector<1x1x4096xf32>
      %get3A_568 = vector.shape_cast %get3A_567 : vector<1x1x4096xf32> to vector<1x4096xf32>
      %swap3A_569 = arith.constant 15 : index
      %swap3A_570 = arith.constant 0 : index
      %swap3A_571 = vector.load %arg9[%swap3A_569, %swap3A_570] : memref<16x4096xf32, #tpu.memory_space<vmem>>, vector<1x4096xf32>
      tpu.vector_store %arg9[%swap3A_569, %swap3A_570], %get3A_568 {strides = array<i32>} : memref<16x4096xf32, #tpu.memory_space<vmem>>, vector<1x4096xf32>,
      %get3A_572 = arith.constant 0 : index
      %get3A_573 = arith.constant 0 : index
      %get3A_574 = vector.load %arg9[%get3A_572, %get3A_573] : memref<16x4096xf32, #tpu.memory_space<vmem>>, vector<16x4096xf32>
      %add3A_575 = arith.constant 40960 : i32
      %add3A_576 = vector.broadcast %add3A_575 : i32 to vector<16x4096xi32>
      %add3A_577 = arith.addi %iota3A_402, %add3A_576 : vector<16x4096xi32>
      %mul3A_578 = arith.constant 4096 : i32
      %mul3A_579 = vector.broadcast %mul3A_578 : i32 to vector<16x1xi32>
      %mul3A_580 = arith.muli %broadcast_in_dim3A_412, %mul3A_579 : vector<16x1xi32>
      %add3A_581 = vector.broadcast %mul3A_580 : vector<16x1xi32> to vector<16x4096xi32>
      %add3A_582 = arith.addi %add3A_577, %add3A_581 : vector<16x4096xi32>
      %lt3A_583 = vector.broadcast %broadcast_in_dim3A_399 : vector<16x1xf32> to vector<16x4096xf32>
      %lt3A_584 = arith.cmpf olt, %get3A_574, %lt3A_583 : vector<16x4096xf32>
      %eq3A_585 = vector.broadcast %broadcast_in_dim3A_399 : vector<16x1xf32> to vector<16x4096xf32>
      %eq3A_586 = arith.cmpf oeq, %get3A_574, %eq3A_585 : vector<16x4096xf32>
      %gt3A = vector.broadcast %broadcast_in_dim3A_401 : vector<16x1xi32> to vector<16x4096xi32>
      %gt3A_587 = arith.cmpi sgt, %add3A_582, %gt3A : vector<16x4096xi32>
      %and3A = arith.andi %eq3A_586, %gt3A_587 : vector<16x4096xi1>
      %or3A = arith.ori %lt3A_584, %and3A : vector<16x4096xi1>
      %eq3A_588 = vector.broadcast %broadcast_in_dim3A_405 : vector<16x1xf32> to vector<16x4096xf32>
      %eq3A_589 = arith.cmpf oeq, %get3A_574, %eq3A_588 : vector<16x4096xf32>
      %and3A_590 = arith.andi %eq3A_589, %or3A : vector<16x4096xi1>
      %jit3A_591 = arith.constant 1073741824 : i32
      %broadcast_in_dim3A_592 = vector.broadcast %jit3A_591 : i32 to vector<16x4096xi32>
      %select_n3A_593 = arith.select %and3A_590, %add3A_582, %broadcast_in_dim3A_592 : vector<16x4096xi1>, vector<16x4096xi32>
      %reduce_min3A_594 = arith.constant dense<2147483647> : vector<16xi32>
      %reduce_min3A_595 = vector.multi_reduction <minsi>, %select_n3A_593, %reduce_min3A_594 [1] : vector<16x4096xi32> to vector<16xi32>
      %broadcast_in_dim3A_596 = vector.shape_cast %reduce_min3A_595 : vector<16xi32> to vector<16x1xi32>
      %lt3A_597 = vector.broadcast %broadcast_in_dim3A_405 : vector<16x1xf32> to vector<16x4096xf32>
      %lt3A_598 = arith.cmpf olt, %get3A_574, %lt3A_597 : vector<16x4096xf32>
      %eq3A_599 = vector.broadcast %broadcast_in_dim3A_405 : vector<16x1xf32> to vector<16x4096xf32>
      %eq3A_600 = arith.cmpf oeq, %get3A_574, %eq3A_599 : vector<16x4096xf32>
      %gt3A_601 = vector.broadcast %broadcast_in_dim3A_596 : vector<16x1xi32> to vector<16x4096xi32>
      %gt3A_602 = arith.cmpi sgt, %add3A_582, %gt3A_601 : vector<16x4096xi32>
      %and3A_603 = arith.andi %eq3A_600, %gt3A_602 : vector<16x4096xi1>
      %or3A_604 = arith.ori %lt3A_598, %and3A_603 : vector<16x4096xi1>
      %jit3A_605 = arith.constant 0xFF800000 : f32
      %broadcast_in_dim3A_606 = vector.broadcast %jit3A_605 : f32 to vector<16x4096xf32>
      %select_n3A_607 = arith.select %or3A_604, %get3A_574, %broadcast_in_dim3A_606 : vector<16x4096xi1>, vector<16x4096xf32>
      %reduce_max3A_608 = arith.constant dense<0xFF800000> : vector<16xf32>
      %reduce_max3A_609 = vector.multi_reduction <maximumf>, %select_n3A_607, %reduce_max3A_608 [1] : vector<16x4096xf32> to vector<16xf32>
      %broadcast_in_dim3A_610 = vector.shape_cast %reduce_max3A_609 : vector<16xf32> to vector<16x1xf32>
      %eq3A_611 = vector.broadcast %broadcast_in_dim3A_412 : vector<16x1xi32> to vector<16x64xi32>
      %eq3A_612 = arith.cmpi eq, %iota3A_215, %eq3A_611 : vector<16x64xi32>
      %broadcast_in_dim3A_613 = vector.shape_cast %broadcast_in_dim3A_610 : vector<16x1xf32> to vector<16x1xf32>
      %broadcast_in_dim3A_614 = vector.broadcast %broadcast_in_dim3A_613 : vector<16x1xf32> to vector<16x64xf32>
      %select_n3A_615 = arith.select %eq3A_612, %broadcast_in_dim3A_614, %select_n3A_397 : vector<16x64xi1>, vector<16x64xf32>
      %reduce_max3A_616 = arith.constant dense<0xFF800000> : vector<16xf32>
      %reduce_max3A_617 = vector.multi_reduction <maximumf>, %select_n3A_615, %reduce_max3A_616 [1] : vector<16x64xf32> to vector<16xf32>
      %broadcast_in_dim3A_618 = vector.shape_cast %reduce_max3A_617 : vector<16xf32> to vector<16x1xf32>
      %eq3A_619 = vector.broadcast %broadcast_in_dim3A_618 : vector<16x1xf32> to vector<16x64xf32>
      %eq3A_620 = arith.cmpf oeq, %select_n3A_615, %eq3A_619 : vector<16x64xf32>
      %jit3A_621 = arith.constant 1073741824 : i32
      %broadcast_in_dim3A_622 = vector.broadcast %jit3A_621 : i32 to vector<16x64xi32>
      %select_n3A_623 = arith.select %eq3A_620, %iota3A_215, %broadcast_in_dim3A_622 : vector<16x64xi1>, vector<16x64xi32>
      %reduce_min3A_624 = arith.constant dense<2147483647> : vector<16xi32>
      %reduce_min3A_625 = vector.multi_reduction <minsi>, %select_n3A_623, %reduce_min3A_624 [1] : vector<16x64xi32> to vector<16xi32>
      %broadcast_in_dim3A_626 = vector.shape_cast %reduce_min3A_625 : vector<16xi32> to vector<16x1xi32>
      %slice3A_627 = vector.extract_strided_slice %broadcast_in_dim3A_626 {offsets = [0, 0], sizes = [1, 1], strides = [1, 1]} : vector<16x1xi32> to vector<1x1xi32>
      %squeeze3A_628 = vector.extract %slice3A_627[0, 0] : i32 from vector<1x1xi32>
      %get3A_629 = arith.index_cast %squeeze3A_628 : i32 to index
      %get3A_630 = arith.constant 0 : index
      %get3A_631 = arith.constant 0 : index
      %get3A_632 = vector.load %arg7[%get3A_629, %get3A_630, %get3A_631] : memref<15x16x4096xf32, #tpu.memory_space<vmem>>, vector<1x1x4096xf32>
      %get3A_633 = vector.shape_cast %get3A_632 : vector<1x1x4096xf32> to vector<1x4096xf32>
      %swap3A_634 = arith.constant 0 : index
      %swap3A_635 = arith.constant 0 : index
      %swap3A_636 = vector.load %arg9[%swap3A_634, %swap3A_635] : memref<16x4096xf32, #tpu.memory_space<vmem>>, vector<1x4096xf32>
      tpu.vector_store %arg9[%swap3A_634, %swap3A_635], %get3A_633 {strides = array<i32>} : memref<16x4096xf32, #tpu.memory_space<vmem>>, vector<1x4096xf32>,
      %slice3A_637 = vector.extract_strided_slice %broadcast_in_dim3A_626 {offsets = [1, 0], sizes = [1, 1], strides = [1, 1]} : vector<16x1xi32> to vector<1x1xi32>
      %squeeze3A_638 = vector.extract %slice3A_637[0, 0] : i32 from vector<1x1xi32>
      %get3A_639 = arith.index_cast %squeeze3A_638 : i32 to index
      %get3A_640 = arith.constant 1 : index
      %get3A_641 = arith.constant 0 : index
      %get3A_642 = vector.load %arg7[%get3A_639, %get3A_640, %get3A_641] : memref<15x16x4096xf32, #tpu.memory_space<vmem>>, vector<1x1x4096xf32>
      %get3A_643 = vector.shape_cast %get3A_642 : vector<1x1x4096xf32> to vector<1x4096xf32>
      %swap3A_644 = arith.constant 1 : index
      %swap3A_645 = arith.constant 0 : index
      %swap3A_646 = vector.load %arg9[%swap3A_644, %swap3A_645] : memref<16x4096xf32, #tpu.memory_space<vmem>>, vector<1x4096xf32>
      tpu.vector_store %arg9[%swap3A_644, %swap3A_645], %get3A_643 {strides = array<i32>} : memref<16x4096xf32, #tpu.memory_space<vmem>>, vector<1x4096xf32>,
      %slice3A_647 = vector.extract_strided_slice %broadcast_in_dim3A_626 {offsets = [2, 0], sizes = [1, 1], strides = [1, 1]} : vector<16x1xi32> to vector<1x1xi32>
      %squeeze3A_648 = vector.extract %slice3A_647[0, 0] : i32 from vector<1x1xi32>
      %get3A_649 = arith.index_cast %squeeze3A_648 : i32 to index
      %get3A_650 = arith.constant 2 : index
      %get3A_651 = arith.constant 0 : index
      %get3A_652 = vector.load %arg7[%get3A_649, %get3A_650, %get3A_651] : memref<15x16x4096xf32, #tpu.memory_space<vmem>>, vector<1x1x4096xf32>
      %get3A_653 = vector.shape_cast %get3A_652 : vector<1x1x4096xf32> to vector<1x4096xf32>
      %swap3A_654 = arith.constant 2 : index
      %swap3A_655 = arith.constant 0 : index
      %swap3A_656 = vector.load %arg9[%swap3A_654, %swap3A_655] : memref<16x4096xf32, #tpu.memory_space<vmem>>, vector<1x4096xf32>
      tpu.vector_store %arg9[%swap3A_654, %swap3A_655], %get3A_653 {strides = array<i32>} : memref<16x4096xf32, #tpu.memory_space<vmem>>, vector<1x4096xf32>,
      %slice3A_657 = vector.extract_strided_slice %broadcast_in_dim3A_626 {offsets = [3, 0], sizes = [1, 1], strides = [1, 1]} : vector<16x1xi32> to vector<1x1xi32>
      %squeeze3A_658 = vector.extract %slice3A_657[0, 0] : i32 from vector<1x1xi32>
      %get3A_659 = arith.index_cast %squeeze3A_658 : i32 to index
      %get3A_660 = arith.constant 3 : index
      %get3A_661 = arith.constant 0 : index
      %get3A_662 = vector.load %arg7[%get3A_659, %get3A_660, %get3A_661] : memref<15x16x4096xf32, #tpu.memory_space<vmem>>, vector<1x1x4096xf32>
      %get3A_663 = vector.shape_cast %get3A_662 : vector<1x1x4096xf32> to vector<1x4096xf32>
      %swap3A_664 = arith.constant 3 : index
      %swap3A_665 = arith.constant 0 : index
      %swap3A_666 = vector.load %arg9[%swap3A_664, %swap3A_665] : memref<16x4096xf32, #tpu.memory_space<vmem>>, vector<1x4096xf32>
      tpu.vector_store %arg9[%swap3A_664, %swap3A_665], %get3A_663 {strides = array<i32>} : memref<16x4096xf32, #tpu.memory_space<vmem>>, vector<1x4096xf32>,
      %slice3A_667 = vector.extract_strided_slice %broadcast_in_dim3A_626 {offsets = [4, 0], sizes = [1, 1], strides = [1, 1]} : vector<16x1xi32> to vector<1x1xi32>
      %squeeze3A_668 = vector.extract %slice3A_667[0, 0] : i32 from vector<1x1xi32>
      %get3A_669 = arith.index_cast %squeeze3A_668 : i32 to index
      %get3A_670 = arith.constant 4 : index
      %get3A_671 = arith.constant 0 : index
      %get3A_672 = vector.load %arg7[%get3A_669, %get3A_670, %get3A_671] : memref<15x16x4096xf32, #tpu.memory_space<vmem>>, vector<1x1x4096xf32>
      %get3A_673 = vector.shape_cast %get3A_672 : vector<1x1x4096xf32> to vector<1x4096xf32>
      %swap3A_674 = arith.constant 4 : index
      %swap3A_675 = arith.constant 0 : index
      %swap3A_676 = vector.load %arg9[%swap3A_674, %swap3A_675] : memref<16x4096xf32, #tpu.memory_space<vmem>>, vector<1x4096xf32>
      tpu.vector_store %arg9[%swap3A_674, %swap3A_675], %get3A_673 {strides = array<i32>} : memref<16x4096xf32, #tpu.memory_space<vmem>>, vector<1x4096xf32>,
      %slice3A_677 = vector.extract_strided_slice %broadcast_in_dim3A_626 {offsets = [5, 0], sizes = [1, 1], strides = [1, 1]} : vector<16x1xi32> to vector<1x1xi32>
      %squeeze3A_678 = vector.extract %slice3A_677[0, 0] : i32 from vector<1x1xi32>
      %get3A_679 = arith.index_cast %squeeze3A_678 : i32 to index
      %get3A_680 = arith.constant 5 : index
      %get3A_681 = arith.constant 0 : index
      %get3A_682 = vector.load %arg7[%get3A_679, %get3A_680, %get3A_681] : memref<15x16x4096xf32, #tpu.memory_space<vmem>>, vector<1x1x4096xf32>
      %get3A_683 = vector.shape_cast %get3A_682 : vector<1x1x4096xf32> to vector<1x4096xf32>
      %swap3A_684 = arith.constant 5 : index
      %swap3A_685 = arith.constant 0 : index
      %swap3A_686 = vector.load %arg9[%swap3A_684, %swap3A_685] : memref<16x4096xf32, #tpu.memory_space<vmem>>, vector<1x4096xf32>
      tpu.vector_store %arg9[%swap3A_684, %swap3A_685], %get3A_683 {strides = array<i32>} : memref<16x4096xf32, #tpu.memory_space<vmem>>, vector<1x4096xf32>,
      %slice3A_687 = vector.extract_strided_slice %broadcast_in_dim3A_626 {offsets = [6, 0], sizes = [1, 1], strides = [1, 1]} : vector<16x1xi32> to vector<1x1xi32>
      %squeeze3A_688 = vector.extract %slice3A_687[0, 0] : i32 from vector<1x1xi32>
      %get3A_689 = arith.index_cast %squeeze3A_688 : i32 to index
      %get3A_690 = arith.constant 6 : index
      %get3A_691 = arith.constant 0 : index
      %get3A_692 = vector.load %arg7[%get3A_689, %get3A_690, %get3A_691] : memref<15x16x4096xf32, #tpu.memory_space<vmem>>, vector<1x1x4096xf32>
      %get3A_693 = vector.shape_cast %get3A_692 : vector<1x1x4096xf32> to vector<1x4096xf32>
      %swap3A_694 = arith.constant 6 : index
      %swap3A_695 = arith.constant 0 : index
      %swap3A_696 = vector.load %arg9[%swap3A_694, %swap3A_695] : memref<16x4096xf32, #tpu.memory_space<vmem>>, vector<1x4096xf32>
      tpu.vector_store %arg9[%swap3A_694, %swap3A_695], %get3A_693 {strides = array<i32>} : memref<16x4096xf32, #tpu.memory_space<vmem>>, vector<1x4096xf32>,
      %slice3A_697 = vector.extract_strided_slice %broadcast_in_dim3A_626 {offsets = [7, 0], sizes = [1, 1], strides = [1, 1]} : vector<16x1xi32> to vector<1x1xi32>
      %squeeze3A_698 = vector.extract %slice3A_697[0, 0] : i32 from vector<1x1xi32>
      %get3A_699 = arith.index_cast %squeeze3A_698 : i32 to index
      %get3A_700 = arith.constant 7 : index
      %get3A_701 = arith.constant 0 : index
      %get3A_702 = vector.load %arg7[%get3A_699, %get3A_700, %get3A_701] : memref<15x16x4096xf32, #tpu.memory_space<vmem>>, vector<1x1x4096xf32>
      %get3A_703 = vector.shape_cast %get3A_702 : vector<1x1x4096xf32> to vector<1x4096xf32>
      %swap3A_704 = arith.constant 7 : index
      %swap3A_705 = arith.constant 0 : index
      %swap3A_706 = vector.load %arg9[%swap3A_704, %swap3A_705] : memref<16x4096xf32, #tpu.memory_space<vmem>>, vector<1x4096xf32>
      tpu.vector_store %arg9[%swap3A_704, %swap3A_705], %get3A_703 {strides = array<i32>} : memref<16x4096xf32, #tpu.memory_space<vmem>>, vector<1x4096xf32>,
      %slice3A_707 = vector.extract_strided_slice %broadcast_in_dim3A_626 {offsets = [8, 0], sizes = [1, 1], strides = [1, 1]} : vector<16x1xi32> to vector<1x1xi32>
      %squeeze3A_708 = vector.extract %slice3A_707[0, 0] : i32 from vector<1x1xi32>
      %get3A_709 = arith.index_cast %squeeze3A_708 : i32 to index
      %get3A_710 = arith.constant 8 : index
      %get3A_711 = arith.constant 0 : index
      %get3A_712 = vector.load %arg7[%get3A_709, %get3A_710, %get3A_711] : memref<15x16x4096xf32, #tpu.memory_space<vmem>>, vector<1x1x4096xf32>
      %get3A_713 = vector.shape_cast %get3A_712 : vector<1x1x4096xf32> to vector<1x4096xf32>
      %swap3A_714 = arith.constant 8 : index
      %swap3A_715 = arith.constant 0 : index
      %swap3A_716 = vector.load %arg9[%swap3A_714, %swap3A_715] : memref<16x4096xf32, #tpu.memory_space<vmem>>, vector<1x4096xf32>
      tpu.vector_store %arg9[%swap3A_714, %swap3A_715], %get3A_713 {strides = array<i32>} : memref<16x4096xf32, #tpu.memory_space<vmem>>, vector<1x4096xf32>,
      %slice3A_717 = vector.extract_strided_slice %broadcast_in_dim3A_626 {offsets = [9, 0], sizes = [1, 1], strides = [1, 1]} : vector<16x1xi32> to vector<1x1xi32>
      %squeeze3A_718 = vector.extract %slice3A_717[0, 0] : i32 from vector<1x1xi32>
      %get3A_719 = arith.index_cast %squeeze3A_718 : i32 to index
      %get3A_720 = arith.constant 9 : index
      %get3A_721 = arith.constant 0 : index
      %get3A_722 = vector.load %arg7[%get3A_719, %get3A_720, %get3A_721] : memref<15x16x4096xf32, #tpu.memory_space<vmem>>, vector<1x1x4096xf32>
      %get3A_723 = vector.shape_cast %get3A_722 : vector<1x1x4096xf32> to vector<1x4096xf32>
      %swap3A_724 = arith.constant 9 : index
      %swap3A_725 = arith.constant 0 : index
      %swap3A_726 = vector.load %arg9[%swap3A_724, %swap3A_725] : memref<16x4096xf32, #tpu.memory_space<vmem>>, vector<1x4096xf32>
      tpu.vector_store %arg9[%swap3A_724, %swap3A_725], %get3A_723 {strides = array<i32>} : memref<16x4096xf32, #tpu.memory_space<vmem>>, vector<1x4096xf32>,
      %slice3A_727 = vector.extract_strided_slice %broadcast_in_dim3A_626 {offsets = [10, 0], sizes = [1, 1], strides = [1, 1]} : vector<16x1xi32> to vector<1x1xi32>
      %squeeze3A_728 = vector.extract %slice3A_727[0, 0] : i32 from vector<1x1xi32>
      %get3A_729 = arith.index_cast %squeeze3A_728 : i32 to index
      %get3A_730 = arith.constant 10 : index
      %get3A_731 = arith.constant 0 : index
      %get3A_732 = vector.load %arg7[%get3A_729, %get3A_730, %get3A_731] : memref<15x16x4096xf32, #tpu.memory_space<vmem>>, vector<1x1x4096xf32>
      %get3A_733 = vector.shape_cast %get3A_732 : vector<1x1x4096xf32> to vector<1x4096xf32>
      %swap3A_734 = arith.constant 10 : index
      %swap3A_735 = arith.constant 0 : index
      %swap3A_736 = vector.load %arg9[%swap3A_734, %swap3A_735] : memref<16x4096xf32, #tpu.memory_space<vmem>>, vector<1x4096xf32>
      tpu.vector_store %arg9[%swap3A_734, %swap3A_735], %get3A_733 {strides = array<i32>} : memref<16x4096xf32, #tpu.memory_space<vmem>>, vector<1x4096xf32>,
      %slice3A_737 = vector.extract_strided_slice %broadcast_in_dim3A_626 {offsets = [11, 0], sizes = [1, 1], strides = [1, 1]} : vector<16x1xi32> to vector<1x1xi32>
      %squeeze3A_738 = vector.extract %slice3A_737[0, 0] : i32 from vector<1x1xi32>
      %get3A_739 = arith.index_cast %squeeze3A_738 : i32 to index
      %get3A_740 = arith.constant 11 : index
      %get3A_741 = arith.constant 0 : index
      %get3A_742 = vector.load %arg7[%get3A_739, %get3A_740, %get3A_741] : memref<15x16x4096xf32, #tpu.memory_space<vmem>>, vector<1x1x4096xf32>
      %get3A_743 = vector.shape_cast %get3A_742 : vector<1x1x4096xf32> to vector<1x4096xf32>
      %swap3A_744 = arith.constant 11 : index
      %swap3A_745 = arith.constant 0 : index
      %swap3A_746 = vector.load %arg9[%swap3A_744, %swap3A_745] : memref<16x4096xf32, #tpu.memory_space<vmem>>, vector<1x4096xf32>
      tpu.vector_store %arg9[%swap3A_744, %swap3A_745], %get3A_743 {strides = array<i32>} : memref<16x4096xf32, #tpu.memory_space<vmem>>, vector<1x4096xf32>,
      %slice3A_747 = vector.extract_strided_slice %broadcast_in_dim3A_626 {offsets = [12, 0], sizes = [1, 1], strides = [1, 1]} : vector<16x1xi32> to vector<1x1xi32>
      %squeeze3A_748 = vector.extract %slice3A_747[0, 0] : i32 from vector<1x1xi32>
      %get3A_749 = arith.index_cast %squeeze3A_748 : i32 to index
      %get3A_750 = arith.constant 12 : index
      %get3A_751 = arith.constant 0 : index
      %get3A_752 = vector.load %arg7[%get3A_749, %get3A_750, %get3A_751] : memref<15x16x4096xf32, #tpu.memory_space<vmem>>, vector<1x1x4096xf32>
      %get3A_753 = vector.shape_cast %get3A_752 : vector<1x1x4096xf32> to vector<1x4096xf32>
      %swap3A_754 = arith.constant 12 : index
      %swap3A_755 = arith.constant 0 : index
      %swap3A_756 = vector.load %arg9[%swap3A_754, %swap3A_755] : memref<16x4096xf32, #tpu.memory_space<vmem>>, vector<1x4096xf32>
      tpu.vector_store %arg9[%swap3A_754, %swap3A_755], %get3A_753 {strides = array<i32>} : memref<16x4096xf32, #tpu.memory_space<vmem>>, vector<1x4096xf32>,
      %slice3A_757 = vector.extract_strided_slice %broadcast_in_dim3A_626 {offsets = [13, 0], sizes = [1, 1], strides = [1, 1]} : vector<16x1xi32> to vector<1x1xi32>
      %squeeze3A_758 = vector.extract %slice3A_757[0, 0] : i32 from vector<1x1xi32>
      %get3A_759 = arith.index_cast %squeeze3A_758 : i32 to index
      %get3A_760 = arith.constant 13 : index
      %get3A_761 = arith.constant 0 : index
      %get3A_762 = vector.load %arg7[%get3A_759, %get3A_760, %get3A_761] : memref<15x16x4096xf32, #tpu.memory_space<vmem>>, vector<1x1x4096xf32>
      %get3A_763 = vector.shape_cast %get3A_762 : vector<1x1x4096xf32> to vector<1x4096xf32>
      %swap3A_764 = arith.constant 13 : index
      %swap3A_765 = arith.constant 0 : index
      %swap3A_766 = vector.load %arg9[%swap3A_764, %swap3A_765] : memref<16x4096xf32, #tpu.memory_space<vmem>>, vector<1x4096xf32>
      tpu.vector_store %arg9[%swap3A_764, %swap3A_765], %get3A_763 {strides = array<i32>} : memref<16x4096xf32, #tpu.memory_space<vmem>>, vector<1x4096xf32>,
      %slice3A_767 = vector.extract_strided_slice %broadcast_in_dim3A_626 {offsets = [14, 0], sizes = [1, 1], strides = [1, 1]} : vector<16x1xi32> to vector<1x1xi32>
      %squeeze3A_768 = vector.extract %slice3A_767[0, 0] : i32 from vector<1x1xi32>
      %get3A_769 = arith.index_cast %squeeze3A_768 : i32 to index
      %get3A_770 = arith.constant 14 : index
      %get3A_771 = arith.constant 0 : index
      %get3A_772 = vector.load %arg7[%get3A_769, %get3A_770, %get3A_771] : memref<15x16x4096xf32, #tpu.memory_space<vmem>>, vector<1x1x4096xf32>
      %get3A_773 = vector.shape_cast %get3A_772 : vector<1x1x4096xf32> to vector<1x4096xf32>
      %swap3A_774 = arith.constant 14 : index
      %swap3A_775 = arith.constant 0 : index
      %swap3A_776 = vector.load %arg9[%swap3A_774, %swap3A_775] : memref<16x4096xf32, #tpu.memory_space<vmem>>, vector<1x4096xf32>
      tpu.vector_store %arg9[%swap3A_774, %swap3A_775], %get3A_773 {strides = array<i32>} : memref<16x4096xf32, #tpu.memory_space<vmem>>, vector<1x4096xf32>,
      %slice3A_777 = vector.extract_strided_slice %broadcast_in_dim3A_626 {offsets = [15, 0], sizes = [1, 1], strides = [1, 1]} : vector<16x1xi32> to vector<1x1xi32>
      %squeeze3A_778 = vector.extract %slice3A_777[0, 0] : i32 from vector<1x1xi32>
      %get3A_779 = arith.index_cast %squeeze3A_778 : i32 to index
      %get3A_780 = arith.constant 15 : index
      %get3A_781 = arith.constant 0 : index
      %get3A_782 = vector.load %arg7[%get3A_779, %get3A_780, %get3A_781] : memref<15x16x4096xf32, #tpu.memory_space<vmem>>, vector<1x1x4096xf32>
      %get3A_783 = vector.shape_cast %get3A_782 : vector<1x1x4096xf32> to vector<1x4096xf32>
      %swap3A_784 = arith.constant 15 : index
      %swap3A_785 = arith.constant 0 : index
      %swap3A_786 = vector.load %arg9[%swap3A_784, %swap3A_785] : memref<16x4096xf32, #tpu.memory_space<vmem>>, vector<1x4096xf32>
      tpu.vector_store %arg9[%swap3A_784, %swap3A_785], %get3A_783 {strides = array<i32>} : memref<16x4096xf32, #tpu.memory_space<vmem>>, vector<1x4096xf32>,
      %get3A_787 = arith.constant 0 : index
      %get3A_788 = arith.constant 0 : index
      %get3A_789 = vector.load %arg9[%get3A_787, %get3A_788] : memref<16x4096xf32, #tpu.memory_space<vmem>>, vector<16x4096xf32>
      %add3A_790 = arith.constant 40960 : i32
      %add3A_791 = vector.broadcast %add3A_790 : i32 to vector<16x4096xi32>
      %add3A_792 = arith.addi %iota3A_402, %add3A_791 : vector<16x4096xi32>
      %mul3A_793 = arith.constant 4096 : i32
      %mul3A_794 = vector.broadcast %mul3A_793 : i32 to vector<16x1xi32>
      %mul3A_795 = arith.muli %broadcast_in_dim3A_626, %mul3A_794 : vector<16x1xi32>
      %add3A_796 = vector.broadcast %mul3A_795 : vector<16x1xi32> to vector<16x4096xi32>
      %add3A_797 = arith.addi %add3A_792, %add3A_796 : vector<16x4096xi32>
      %lt3A_798 = vector.broadcast %broadcast_in_dim3A_405 : vector<16x1xf32> to vector<16x4096xf32>
      %lt3A_799 = arith.cmpf olt, %get3A_789, %lt3A_798 : vector<16x4096xf32>
      %eq3A_800 = vector.broadcast %broadcast_in_dim3A_405 : vector<16x1xf32> to vector<16x4096xf32>
      %eq3A_801 = arith.cmpf oeq, %get3A_789, %eq3A_800 : vector<16x4096xf32>
      %gt3A_802 = vector.broadcast %broadcast_in_dim3A_596 : vector<16x1xi32> to vector<16x4096xi32>
      %gt3A_803 = arith.cmpi sgt, %add3A_797, %gt3A_802 : vector<16x4096xi32>
      %and3A_804 = arith.andi %eq3A_801, %gt3A_803 : vector<16x4096xi1>
      %or3A_805 = arith.ori %lt3A_799, %and3A_804 : vector<16x4096xi1>
      %eq3A_806 = vector.broadcast %broadcast_in_dim3A_618 : vector<16x1xf32> to vector<16x4096xf32>
      %eq3A_807 = arith.cmpf oeq, %get3A_789, %eq3A_806 : vector<16x4096xf32>
      %and3A_808 = arith.andi %eq3A_807, %or3A_805 : vector<16x4096xi1>
      %jit3A_809 = arith.constant 1073741824 : i32
      %broadcast_in_dim3A_810 = vector.broadcast %jit3A_809 : i32 to vector<16x4096xi32>
      %select_n3A_811 = arith.select %and3A_808, %add3A_797, %broadcast_in_dim3A_810 : vector<16x4096xi1>, vector<16x4096xi32>
      %reduce_min3A_812 = arith.constant dense<2147483647> : vector<16xi32>
      %reduce_min3A_813 = vector.multi_reduction <minsi>, %select_n3A_811, %reduce_min3A_812 [1] : vector<16x4096xi32> to vector<16xi32>
      %broadcast_in_dim3A_814 = vector.shape_cast %reduce_min3A_813 : vector<16xi32> to vector<16x1xi32>
      %lt3A_815 = vector.broadcast %broadcast_in_dim3A_618 : vector<16x1xf32> to vector<16x4096xf32>
      %lt3A_816 = arith.cmpf olt, %get3A_789, %lt3A_815 : vector<16x4096xf32>
      %eq3A_817 = vector.broadcast %broadcast_in_dim3A_618 : vector<16x1xf32> to vector<16x4096xf32>
      %eq3A_818 = arith.cmpf oeq, %get3A_789, %eq3A_817 : vector<16x4096xf32>
      %gt3A_819 = vector.broadcast %broadcast_in_dim3A_814 : vector<16x1xi32> to vector<16x4096xi32>
      %gt3A_820 = arith.cmpi sgt, %add3A_797, %gt3A_819 : vector<16x4096xi32>
      %and3A_821 = arith.andi %eq3A_818, %gt3A_820 : vector<16x4096xi1>
      %or3A_822 = arith.ori %lt3A_816, %and3A_821 : vector<16x4096xi1>
      %jit3A_823 = arith.constant 0xFF800000 : f32
      %broadcast_in_dim3A_824 = vector.broadcast %jit3A_823 : f32 to vector<16x4096xf32>
      %select_n3A_825 = arith.select %or3A_822, %get3A_789, %broadcast_in_dim3A_824 : vector<16x4096xi1>, vector<16x4096xf32>
      %reduce_max3A_826 = arith.constant dense<0xFF800000> : vector<16xf32>
      %reduce_max3A_827 = vector.multi_reduction <maximumf>, %select_n3A_825, %reduce_max3A_826 [1] : vector<16x4096xf32> to vector<16xf32>
      %broadcast_in_dim3A_828 = vector.shape_cast %reduce_max3A_827 : vector<16xf32> to vector<16x1xf32>
      %eq3A_829 = vector.broadcast %broadcast_in_dim3A_626 : vector<16x1xi32> to vector<16x64xi32>
      %eq3A_830 = arith.cmpi eq, %iota3A_215, %eq3A_829 : vector<16x64xi32>
      %broadcast_in_dim3A_831 = vector.shape_cast %broadcast_in_dim3A_828 : vector<16x1xf32> to vector<16x1xf32>
      %broadcast_in_dim3A_832 = vector.broadcast %broadcast_in_dim3A_831 : vector<16x1xf32> to vector<16x64xf32>
      %select_n3A_833 = arith.select %eq3A_830, %broadcast_in_dim3A_832, %select_n3A_615 : vector<16x64xi1>, vector<16x64xf32>
      %reduce_max3A_834 = arith.constant dense<0xFF800000> : vector<16xf32>
      %reduce_max3A_835 = vector.multi_reduction <maximumf>, %select_n3A_833, %reduce_max3A_834 [1] : vector<16x64xf32> to vector<16xf32>
      %broadcast_in_dim3A_836 = vector.shape_cast %reduce_max3A_835 : vector<16xf32> to vector<16x1xf32>
      %eq3A_837 = vector.broadcast %broadcast_in_dim3A_836 : vector<16x1xf32> to vector<16x64xf32>
      %eq3A_838 = arith.cmpf oeq, %select_n3A_833, %eq3A_837 : vector<16x64xf32>
      %jit3A_839 = arith.constant 1073741824 : i32
      %broadcast_in_dim3A_840 = vector.broadcast %jit3A_839 : i32 to vector<16x64xi32>
      %select_n3A_841 = arith.select %eq3A_838, %iota3A_215, %broadcast_in_dim3A_840 : vector<16x64xi1>, vector<16x64xi32>
      %reduce_min3A_842 = arith.constant dense<2147483647> : vector<16xi32>
      %reduce_min3A_843 = vector.multi_reduction <minsi>, %select_n3A_841, %reduce_min3A_842 [1] : vector<16x64xi32> to vector<16xi32>
      %broadcast_in_dim3A_844 = vector.shape_cast %reduce_min3A_843 : vector<16xi32> to vector<16x1xi32>
      %slice3A_845 = vector.extract_strided_slice %broadcast_in_dim3A_844 {offsets = [0, 0], sizes = [1, 1], strides = [1, 1]} : vector<16x1xi32> to vector<1x1xi32>
      %squeeze3A_846 = vector.extract %slice3A_845[0, 0] : i32 from vector<1x1xi32>
      %get3A_847 = arith.index_cast %squeeze3A_846 : i32 to index
      %get3A_848 = arith.constant 0 : index
      %get3A_849 = arith.constant 0 : index
      %get3A_850 = vector.load %arg7[%get3A_847, %get3A_848, %get3A_849] : memref<15x16x4096xf32, #tpu.memory_space<vmem>>, vector<1x1x4096xf32>
      %get3A_851 = vector.shape_cast %get3A_850 : vector<1x1x4096xf32> to vector<1x4096xf32>
      %swap3A_852 = arith.constant 0 : index
      %swap3A_853 = arith.constant 0 : index
      %swap3A_854 = vector.load %arg9[%swap3A_852, %swap3A_853] : memref<16x4096xf32, #tpu.memory_space<vmem>>, vector<1x4096xf32>
      tpu.vector_store %arg9[%swap3A_852, %swap3A_853], %get3A_851 {strides = array<i32>} : memref<16x4096xf32, #tpu.memory_space<vmem>>, vector<1x4096xf32>,
      %slice3A_855 = vector.extract_strided_slice %broadcast_in_dim3A_844 {offsets = [1, 0], sizes = [1, 1], strides = [1, 1]} : vector<16x1xi32> to vector<1x1xi32>
      %squeeze3A_856 = vector.extract %slice3A_855[0, 0] : i32 from vector<1x1xi32>
      %get3A_857 = arith.index_cast %squeeze3A_856 : i32 to index
      %get3A_858 = arith.constant 1 : index
      %get3A_859 = arith.constant 0 : index
      %get3A_860 = vector.load %arg7[%get3A_857, %get3A_858, %get3A_859] : memref<15x16x4096xf32, #tpu.memory_space<vmem>>, vector<1x1x4096xf32>
      %get3A_861 = vector.shape_cast %get3A_860 : vector<1x1x4096xf32> to vector<1x4096xf32>
      %swap3A_862 = arith.constant 1 : index
      %swap3A_863 = arith.constant 0 : index
      %swap3A_864 = vector.load %arg9[%swap3A_862, %swap3A_863] : memref<16x4096xf32, #tpu.memory_space<vmem>>, vector<1x4096xf32>
      tpu.vector_store %arg9[%swap3A_862, %swap3A_863], %get3A_861 {strides = array<i32>} : memref<16x4096xf32, #tpu.memory_space<vmem>>, vector<1x4096xf32>,
      %slice3A_865 = vector.extract_strided_slice %broadcast_in_dim3A_844 {offsets = [2, 0], sizes = [1, 1], strides = [1, 1]} : vector<16x1xi32> to vector<1x1xi32>
      %squeeze3A_866 = vector.extract %slice3A_865[0, 0] : i32 from vector<1x1xi32>
      %get3A_867 = arith.index_cast %squeeze3A_866 : i32 to index
      %get3A_868 = arith.constant 2 : index
      %get3A_869 = arith.constant 0 : index
      %get3A_870 = vector.load %arg7[%get3A_867, %get3A_868, %get3A_869] : memref<15x16x4096xf32, #tpu.memory_space<vmem>>, vector<1x1x4096xf32>
      %get3A_871 = vector.shape_cast %get3A_870 : vector<1x1x4096xf32> to vector<1x4096xf32>
      %swap3A_872 = arith.constant 2 : index
      %swap3A_873 = arith.constant 0 : index
      %swap3A_874 = vector.load %arg9[%swap3A_872, %swap3A_873] : memref<16x4096xf32, #tpu.memory_space<vmem>>, vector<1x4096xf32>
      tpu.vector_store %arg9[%swap3A_872, %swap3A_873], %get3A_871 {strides = array<i32>} : memref<16x4096xf32, #tpu.memory_space<vmem>>, vector<1x4096xf32>,
      %slice3A_875 = vector.extract_strided_slice %broadcast_in_dim3A_844 {offsets = [3, 0], sizes = [1, 1], strides = [1, 1]} : vector<16x1xi32> to vector<1x1xi32>
      %squeeze3A_876 = vector.extract %slice3A_875[0, 0] : i32 from vector<1x1xi32>
      %get3A_877 = arith.index_cast %squeeze3A_876 : i32 to index
      %get3A_878 = arith.constant 3 : index
      %get3A_879 = arith.constant 0 : index
      %get3A_880 = vector.load %arg7[%get3A_877, %get3A_878, %get3A_879] : memref<15x16x4096xf32, #tpu.memory_space<vmem>>, vector<1x1x4096xf32>
      %get3A_881 = vector.shape_cast %get3A_880 : vector<1x1x4096xf32> to vector<1x4096xf32>
      %swap3A_882 = arith.constant 3 : index
      %swap3A_883 = arith.constant 0 : index
      %swap3A_884 = vector.load %arg9[%swap3A_882, %swap3A_883] : memref<16x4096xf32, #tpu.memory_space<vmem>>, vector<1x4096xf32>
      tpu.vector_store %arg9[%swap3A_882, %swap3A_883], %get3A_881 {strides = array<i32>} : memref<16x4096xf32, #tpu.memory_space<vmem>>, vector<1x4096xf32>,
      %slice3A_885 = vector.extract_strided_slice %broadcast_in_dim3A_844 {offsets = [4, 0], sizes = [1, 1], strides = [1, 1]} : vector<16x1xi32> to vector<1x1xi32>
      %squeeze3A_886 = vector.extract %slice3A_885[0, 0] : i32 from vector<1x1xi32>
      %get3A_887 = arith.index_cast %squeeze3A_886 : i32 to index
      %get3A_888 = arith.constant 4 : index
      %get3A_889 = arith.constant 0 : index
      %get3A_890 = vector.load %arg7[%get3A_887, %get3A_888, %get3A_889] : memref<15x16x4096xf32, #tpu.memory_space<vmem>>, vector<1x1x4096xf32>
      %get3A_891 = vector.shape_cast %get3A_890 : vector<1x1x4096xf32> to vector<1x4096xf32>
      %swap3A_892 = arith.constant 4 : index
      %swap3A_893 = arith.constant 0 : index
      %swap3A_894 = vector.load %arg9[%swap3A_892, %swap3A_893] : memref<16x4096xf32, #tpu.memory_space<vmem>>, vector<1x4096xf32>
      tpu.vector_store %arg9[%swap3A_892, %swap3A_893], %get3A_891 {strides = array<i32>} : memref<16x4096xf32, #tpu.memory_space<vmem>>, vector<1x4096xf32>,
      %slice3A_895 = vector.extract_strided_slice %broadcast_in_dim3A_844 {offsets = [5, 0], sizes = [1, 1], strides = [1, 1]} : vector<16x1xi32> to vector<1x1xi32>
      %squeeze3A_896 = vector.extract %slice3A_895[0, 0] : i32 from vector<1x1xi32>
      %get3A_897 = arith.index_cast %squeeze3A_896 : i32 to index
      %get3A_898 = arith.constant 5 : index
      %get3A_899 = arith.constant 0 : index
      %get3A_900 = vector.load %arg7[%get3A_897, %get3A_898, %get3A_899] : memref<15x16x4096xf32, #tpu.memory_space<vmem>>, vector<1x1x4096xf32>
      %get3A_901 = vector.shape_cast %get3A_900 : vector<1x1x4096xf32> to vector<1x4096xf32>
      %swap3A_902 = arith.constant 5 : index
      %swap3A_903 = arith.constant 0 : index
      %swap3A_904 = vector.load %arg9[%swap3A_902, %swap3A_903] : memref<16x4096xf32, #tpu.memory_space<vmem>>, vector<1x4096xf32>
      tpu.vector_store %arg9[%swap3A_902, %swap3A_903], %get3A_901 {strides = array<i32>} : memref<16x4096xf32, #tpu.memory_space<vmem>>, vector<1x4096xf32>,
      %slice3A_905 = vector.extract_strided_slice %broadcast_in_dim3A_844 {offsets = [6, 0], sizes = [1, 1], strides = [1, 1]} : vector<16x1xi32> to vector<1x1xi32>
      %squeeze3A_906 = vector.extract %slice3A_905[0, 0] : i32 from vector<1x1xi32>
      %get3A_907 = arith.index_cast %squeeze3A_906 : i32 to index
      %get3A_908 = arith.constant 6 : index
      %get3A_909 = arith.constant 0 : index
      %get3A_910 = vector.load %arg7[%get3A_907, %get3A_908, %get3A_909] : memref<15x16x4096xf32, #tpu.memory_space<vmem>>, vector<1x1x4096xf32>
      %get3A_911 = vector.shape_cast %get3A_910 : vector<1x1x4096xf32> to vector<1x4096xf32>
      %swap3A_912 = arith.constant 6 : index
      %swap3A_913 = arith.constant 0 : index
      %swap3A_914 = vector.load %arg9[%swap3A_912, %swap3A_913] : memref<16x4096xf32, #tpu.memory_space<vmem>>, vector<1x4096xf32>
      tpu.vector_store %arg9[%swap3A_912, %swap3A_913], %get3A_911 {strides = array<i32>} : memref<16x4096xf32, #tpu.memory_space<vmem>>, vector<1x4096xf32>,
      %slice3A_915 = vector.extract_strided_slice %broadcast_in_dim3A_844 {offsets = [7, 0], sizes = [1, 1], strides = [1, 1]} : vector<16x1xi32> to vector<1x1xi32>
      %squeeze3A_916 = vector.extract %slice3A_915[0, 0] : i32 from vector<1x1xi32>
      %get3A_917 = arith.index_cast %squeeze3A_916 : i32 to index
      %get3A_918 = arith.constant 7 : index
      %get3A_919 = arith.constant 0 : index
      %get3A_920 = vector.load %arg7[%get3A_917, %get3A_918, %get3A_919] : memref<15x16x4096xf32, #tpu.memory_space<vmem>>, vector<1x1x4096xf32>
      %get3A_921 = vector.shape_cast %get3A_920 : vector<1x1x4096xf32> to vector<1x4096xf32>
      %swap3A_922 = arith.constant 7 : index
      %swap3A_923 = arith.constant 0 : index
      %swap3A_924 = vector.load %arg9[%swap3A_922, %swap3A_923] : memref<16x4096xf32, #tpu.memory_space<vmem>>, vector<1x4096xf32>
      tpu.vector_store %arg9[%swap3A_922, %swap3A_923], %get3A_921 {strides = array<i32>} : memref<16x4096xf32, #tpu.memory_space<vmem>>, vector<1x4096xf32>,
      %slice3A_925 = vector.extract_strided_slice %broadcast_in_dim3A_844 {offsets = [8, 0], sizes = [1, 1], strides = [1, 1]} : vector<16x1xi32> to vector<1x1xi32>
      %squeeze3A_926 = vector.extract %slice3A_925[0, 0] : i32 from vector<1x1xi32>
      %get3A_927 = arith.index_cast %squeeze3A_926 : i32 to index
      %get3A_928 = arith.constant 8 : index
      %get3A_929 = arith.constant 0 : index
      %get3A_930 = vector.load %arg7[%get3A_927, %get3A_928, %get3A_929] : memref<15x16x4096xf32, #tpu.memory_space<vmem>>, vector<1x1x4096xf32>
      %get3A_931 = vector.shape_cast %get3A_930 : vector<1x1x4096xf32> to vector<1x4096xf32>
      %swap3A_932 = arith.constant 8 : index
      %swap3A_933 = arith.constant 0 : index
      %swap3A_934 = vector.load %arg9[%swap3A_932, %swap3A_933] : memref<16x4096xf32, #tpu.memory_space<vmem>>, vector<1x4096xf32>
      tpu.vector_store %arg9[%swap3A_932, %swap3A_933], %get3A_931 {strides = array<i32>} : memref<16x4096xf32, #tpu.memory_space<vmem>>, vector<1x4096xf32>,
      %slice3A_935 = vector.extract_strided_slice %broadcast_in_dim3A_844 {offsets = [9, 0], sizes = [1, 1], strides = [1, 1]} : vector<16x1xi32> to vector<1x1xi32>
      %squeeze3A_936 = vector.extract %slice3A_935[0, 0] : i32 from vector<1x1xi32>
      %get3A_937 = arith.index_cast %squeeze3A_936 : i32 to index
      %get3A_938 = arith.constant 9 : index
      %get3A_939 = arith.constant 0 : index
      %get3A_940 = vector.load %arg7[%get3A_937, %get3A_938, %get3A_939] : memref<15x16x4096xf32, #tpu.memory_space<vmem>>, vector<1x1x4096xf32>
      %get3A_941 = vector.shape_cast %get3A_940 : vector<1x1x4096xf32> to vector<1x4096xf32>
      %swap3A_942 = arith.constant 9 : index
      %swap3A_943 = arith.constant 0 : index
      %swap3A_944 = vector.load %arg9[%swap3A_942, %swap3A_943] : memref<16x4096xf32, #tpu.memory_space<vmem>>, vector<1x4096xf32>
      tpu.vector_store %arg9[%swap3A_942, %swap3A_943], %get3A_941 {strides = array<i32>} : memref<16x4096xf32, #tpu.memory_space<vmem>>, vector<1x4096xf32>,
      %slice3A_945 = vector.extract_strided_slice %broadcast_in_dim3A_844 {offsets = [10, 0], sizes = [1, 1], strides = [1, 1]} : vector<16x1xi32> to vector<1x1xi32>
      %squeeze3A_946 = vector.extract %slice3A_945[0, 0] : i32 from vector<1x1xi32>
      %get3A_947 = arith.index_cast %squeeze3A_946 : i32 to index
      %get3A_948 = arith.constant 10 : index
      %get3A_949 = arith.constant 0 : index
      %get3A_950 = vector.load %arg7[%get3A_947, %get3A_948, %get3A_949] : memref<15x16x4096xf32, #tpu.memory_space<vmem>>, vector<1x1x4096xf32>
      %get3A_951 = vector.shape_cast %get3A_950 : vector<1x1x4096xf32> to vector<1x4096xf32>
      %swap3A_952 = arith.constant 10 : index
      %swap3A_953 = arith.constant 0 : index
      %swap3A_954 = vector.load %arg9[%swap3A_952, %swap3A_953] : memref<16x4096xf32, #tpu.memory_space<vmem>>, vector<1x4096xf32>
      tpu.vector_store %arg9[%swap3A_952, %swap3A_953], %get3A_951 {strides = array<i32>} : memref<16x4096xf32, #tpu.memory_space<vmem>>, vector<1x4096xf32>,
      %slice3A_955 = vector.extract_strided_slice %broadcast_in_dim3A_844 {offsets = [11, 0], sizes = [1, 1], strides = [1, 1]} : vector<16x1xi32> to vector<1x1xi32>
      %squeeze3A_956 = vector.extract %slice3A_955[0, 0] : i32 from vector<1x1xi32>
      %get3A_957 = arith.index_cast %squeeze3A_956 : i32 to index
      %get3A_958 = arith.constant 11 : index
      %get3A_959 = arith.constant 0 : index
      %get3A_960 = vector.load %arg7[%get3A_957, %get3A_958, %get3A_959] : memref<15x16x4096xf32, #tpu.memory_space<vmem>>, vector<1x1x4096xf32>
      %get3A_961 = vector.shape_cast %get3A_960 : vector<1x1x4096xf32> to vector<1x4096xf32>
      %swap3A_962 = arith.constant 11 : index
      %swap3A_963 = arith.constant 0 : index
      %swap3A_964 = vector.load %arg9[%swap3A_962, %swap3A_963] : memref<16x4096xf32, #tpu.memory_space<vmem>>, vector<1x4096xf32>
      tpu.vector_store %arg9[%swap3A_962, %swap3A_963], %get3A_961 {strides = array<i32>} : memref<16x4096xf32, #tpu.memory_space<vmem>>, vector<1x4096xf32>,
      %slice3A_965 = vector.extract_strided_slice %broadcast_in_dim3A_844 {offsets = [12, 0], sizes = [1, 1], strides = [1, 1]} : vector<16x1xi32> to vector<1x1xi32>
      %squeeze3A_966 = vector.extract %slice3A_965[0, 0] : i32 from vector<1x1xi32>
      %get3A_967 = arith.index_cast %squeeze3A_966 : i32 to index
      %get3A_968 = arith.constant 12 : index
      %get3A_969 = arith.constant 0 : index
      %get3A_970 = vector.load %arg7[%get3A_967, %get3A_968, %get3A_969] : memref<15x16x4096xf32, #tpu.memory_space<vmem>>, vector<1x1x4096xf32>
      %get3A_971 = vector.shape_cast %get3A_970 : vector<1x1x4096xf32> to vector<1x4096xf32>
      %swap3A_972 = arith.constant 12 : index
      %swap3A_973 = arith.constant 0 : index
      %swap3A_974 = vector.load %arg9[%swap3A_972, %swap3A_973] : memref<16x4096xf32, #tpu.memory_space<vmem>>, vector<1x4096xf32>
      tpu.vector_store %arg9[%swap3A_972, %swap3A_973], %get3A_971 {strides = array<i32>} : memref<16x4096xf32, #tpu.memory_space<vmem>>, vector<1x4096xf32>,
      %slice3A_975 = vector.extract_strided_slice %broadcast_in_dim3A_844 {offsets = [13, 0], sizes = [1, 1], strides = [1, 1]} : vector<16x1xi32> to vector<1x1xi32>
      %squeeze3A_976 = vector.extract %slice3A_975[0, 0] : i32 from vector<1x1xi32>
      %get3A_977 = arith.index_cast %squeeze3A_976 : i32 to index
      %get3A_978 = arith.constant 13 : index
      %get3A_979 = arith.constant 0 : index
      %get3A_980 = vector.load %arg7[%get3A_977, %get3A_978, %get3A_979] : memref<15x16x4096xf32, #tpu.memory_space<vmem>>, vector<1x1x4096xf32>
      %get3A_981 = vector.shape_cast %get3A_980 : vector<1x1x4096xf32> to vector<1x4096xf32>
      %swap3A_982 = arith.constant 13 : index
      %swap3A_983 = arith.constant 0 : index
      %swap3A_984 = vector.load %arg9[%swap3A_982, %swap3A_983] : memref<16x4096xf32, #tpu.memory_space<vmem>>, vector<1x4096xf32>
      tpu.vector_store %arg9[%swap3A_982, %swap3A_983], %get3A_981 {strides = array<i32>} : memref<16x4096xf32, #tpu.memory_space<vmem>>, vector<1x4096xf32>,
      %slice3A_985 = vector.extract_strided_slice %broadcast_in_dim3A_844 {offsets = [14, 0], sizes = [1, 1], strides = [1, 1]} : vector<16x1xi32> to vector<1x1xi32>
      %squeeze3A_986 = vector.extract %slice3A_985[0, 0] : i32 from vector<1x1xi32>
      %get3A_987 = arith.index_cast %squeeze3A_986 : i32 to index
      %get3A_988 = arith.constant 14 : index
      %get3A_989 = arith.constant 0 : index
      %get3A_990 = vector.load %arg7[%get3A_987, %get3A_988, %get3A_989] : memref<15x16x4096xf32, #tpu.memory_space<vmem>>, vector<1x1x4096xf32>
      %get3A_991 = vector.shape_cast %get3A_990 : vector<1x1x4096xf32> to vector<1x4096xf32>
      %swap3A_992 = arith.constant 14 : index
      %swap3A_993 = arith.constant 0 : index
      %swap3A_994 = vector.load %arg9[%swap3A_992, %swap3A_993] : memref<16x4096xf32, #tpu.memory_space<vmem>>, vector<1x4096xf32>
      tpu.vector_store %arg9[%swap3A_992, %swap3A_993], %get3A_991 {strides = array<i32>} : memref<16x4096xf32, #tpu.memory_space<vmem>>, vector<1x4096xf32>,
      %slice3A_995 = vector.extract_strided_slice %broadcast_in_dim3A_844 {offsets = [15, 0], sizes = [1, 1], strides = [1, 1]} : vector<16x1xi32> to vector<1x1xi32>
      %squeeze3A_996 = vector.extract %slice3A_995[0, 0] : i32 from vector<1x1xi32>
      %get3A_997 = arith.index_cast %squeeze3A_996 : i32 to index
      %get3A_998 = arith.constant 15 : index
      %get3A_999 = arith.constant 0 : index
      %get3A_1000 = vector.load %arg7[%get3A_997, %get3A_998, %get3A_999] : memref<15x16x4096xf32, #tpu.memory_space<vmem>>, vector<1x1x4096xf32>
      %get3A_1001 = vector.shape_cast %get3A_1000 : vector<1x1x4096xf32> to vector<1x4096xf32>
      %swap3A_1002 = arith.constant 15 : index
      %swap3A_1003 = arith.constant 0 : index
      %swap3A_1004 = vector.load %arg9[%swap3A_1002, %swap3A_1003] : memref<16x4096xf32, #tpu.memory_space<vmem>>, vector<1x4096xf32>
      tpu.vector_store %arg9[%swap3A_1002, %swap3A_1003], %get3A_1001 {strides = array<i32>} : memref<16x4096xf32, #tpu.memory_space<vmem>>, vector<1x4096xf32>,
      %get3A_1005 = arith.constant 0 : index
      %get3A_1006 = arith.constant 0 : index
      %get3A_1007 = vector.load %arg9[%get3A_1005, %get3A_1006] : memref<16x4096xf32, #tpu.memory_space<vmem>>, vector<16x4096xf32>
      %add3A_1008 = arith.constant 40960 : i32
      %add3A_1009 = vector.broadcast %add3A_1008 : i32 to vector<16x4096xi32>
      %add3A_1010 = arith.addi %iota3A_402, %add3A_1009 : vector<16x4096xi32>
      %mul3A_1011 = arith.constant 4096 : i32
      %mul3A_1012 = vector.broadcast %mul3A_1011 : i32 to vector<16x1xi32>
      %mul3A_1013 = arith.muli %broadcast_in_dim3A_844, %mul3A_1012 : vector<16x1xi32>
      %add3A_1014 = vector.broadcast %mul3A_1013 : vector<16x1xi32> to vector<16x4096xi32>
      %add3A_1015 = arith.addi %add3A_1010, %add3A_1014 : vector<16x4096xi32>
      %lt3A_1016 = vector.broadcast %broadcast_in_dim3A_618 : vector<16x1xf32> to vector<16x4096xf32>
      %lt3A_1017 = arith.cmpf olt, %get3A_1007, %lt3A_1016 : vector<16x4096xf32>
      %eq3A_1018 = vector.broadcast %broadcast_in_dim3A_618 : vector<16x1xf32> to vector<16x4096xf32>
      %eq3A_1019 = arith.cmpf oeq, %get3A_1007, %eq3A_1018 : vector<16x4096xf32>
      %gt3A_1020 = vector.broadcast %broadcast_in_dim3A_814 : vector<16x1xi32> to vector<16x4096xi32>
      %gt3A_1021 = arith.cmpi sgt, %add3A_1015, %gt3A_1020 : vector<16x4096xi32>
      %and3A_1022 = arith.andi %eq3A_1019, %gt3A_1021 : vector<16x4096xi1>
      %or3A_1023 = arith.ori %lt3A_1017, %and3A_1022 : vector<16x4096xi1>
      %eq3A_1024 = vector.broadcast %broadcast_in_dim3A_836 : vector<16x1xf32> to vector<16x4096xf32>
      %eq3A_1025 = arith.cmpf oeq, %get3A_1007, %eq3A_1024 : vector<16x4096xf32>
      %and3A_1026 = arith.andi %eq3A_1025, %or3A_1023 : vector<16x4096xi1>
      %jit3A_1027 = arith.constant 1073741824 : i32
      %broadcast_in_dim3A_1028 = vector.broadcast %jit3A_1027 : i32 to vector<16x4096xi32>
      %select_n3A_1029 = arith.select %and3A_1026, %add3A_1015, %broadcast_in_dim3A_1028 : vector<16x4096xi1>, vector<16x4096xi32>
      %reduce_min3A_1030 = arith.constant dense<2147483647> : vector<16xi32>
      %reduce_min3A_1031 = vector.multi_reduction <minsi>, %select_n3A_1029, %reduce_min3A_1030 [1] : vector<16x4096xi32> to vector<16xi32>
      %broadcast_in_dim3A_1032 = vector.shape_cast %reduce_min3A_1031 : vector<16xi32> to vector<16x1xi32>
      %lt3A_1033 = vector.broadcast %broadcast_in_dim3A_836 : vector<16x1xf32> to vector<16x4096xf32>
      %lt3A_1034 = arith.cmpf olt, %get3A_1007, %lt3A_1033 : vector<16x4096xf32>
      %eq3A_1035 = vector.broadcast %broadcast_in_dim3A_836 : vector<16x1xf32> to vector<16x4096xf32>
      %eq3A_1036 = arith.cmpf oeq, %get3A_1007, %eq3A_1035 : vector<16x4096xf32>
      %gt3A_1037 = vector.broadcast %broadcast_in_dim3A_1032 : vector<16x1xi32> to vector<16x4096xi32>
      %gt3A_1038 = arith.cmpi sgt, %add3A_1015, %gt3A_1037 : vector<16x4096xi32>
      %and3A_1039 = arith.andi %eq3A_1036, %gt3A_1038 : vector<16x4096xi1>
      %or3A_1040 = arith.ori %lt3A_1034, %and3A_1039 : vector<16x4096xi1>
      %jit3A_1041 = arith.constant 0xFF800000 : f32
      %broadcast_in_dim3A_1042 = vector.broadcast %jit3A_1041 : f32 to vector<16x4096xf32>
      %select_n3A_1043 = arith.select %or3A_1040, %get3A_1007, %broadcast_in_dim3A_1042 : vector<16x4096xi1>, vector<16x4096xf32>
      %reduce_max3A_1044 = arith.constant dense<0xFF800000> : vector<16xf32>
      %reduce_max3A_1045 = vector.multi_reduction <maximumf>, %select_n3A_1043, %reduce_max3A_1044 [1] : vector<16x4096xf32> to vector<16xf32>
      %broadcast_in_dim3A_1046 = vector.shape_cast %reduce_max3A_1045 : vector<16xf32> to vector<16x1xf32>
      %eq3A_1047 = vector.broadcast %broadcast_in_dim3A_844 : vector<16x1xi32> to vector<16x64xi32>
      %eq3A_1048 = arith.cmpi eq, %iota3A_215, %eq3A_1047 : vector<16x64xi32>
      %broadcast_in_dim3A_1049 = vector.shape_cast %broadcast_in_dim3A_1046 : vector<16x1xf32> to vector<16x1xf32>
      %broadcast_in_dim3A_1050 = vector.broadcast %broadcast_in_dim3A_1049 : vector<16x1xf32> to vector<16x64xf32>
      %select_n3A_1051 = arith.select %eq3A_1048, %broadcast_in_dim3A_1050, %select_n3A_833 : vector<16x64xi1>, vector<16x64xf32>
      %reduce_max3A_1052 = arith.constant dense<0xFF800000> : vector<16xf32>
      %reduce_max3A_1053 = vector.multi_reduction <maximumf>, %select_n3A_1051, %reduce_max3A_1052 [1] : vector<16x64xf32> to vector<16xf32>
      %broadcast_in_dim3A_1054 = vector.shape_cast %reduce_max3A_1053 : vector<16xf32> to vector<16x1xf32>
      %eq3A_1055 = vector.broadcast %broadcast_in_dim3A_1054 : vector<16x1xf32> to vector<16x64xf32>
      %eq3A_1056 = arith.cmpf oeq, %select_n3A_1051, %eq3A_1055 : vector<16x64xf32>
      %jit3A_1057 = arith.constant 1073741824 : i32
      %broadcast_in_dim3A_1058 = vector.broadcast %jit3A_1057 : i32 to vector<16x64xi32>
      %select_n3A_1059 = arith.select %eq3A_1056, %iota3A_215, %broadcast_in_dim3A_1058 : vector<16x64xi1>, vector<16x64xi32>
      %reduce_min3A_1060 = arith.constant dense<2147483647> : vector<16xi32>
      %reduce_min3A_1061 = vector.multi_reduction <minsi>, %select_n3A_1059, %reduce_min3A_1060 [1] : vector<16x64xi32> to vector<16xi32>
      %broadcast_in_dim3A_1062 = vector.shape_cast %reduce_min3A_1061 : vector<16xi32> to vector<16x1xi32>
      %slice3A_1063 = vector.extract_strided_slice %broadcast_in_dim3A_1062 {offsets = [0, 0], sizes = [1, 1], strides = [1, 1]} : vector<16x1xi32> to vector<1x1xi32>
      %squeeze3A_1064 = vector.extract %slice3A_1063[0, 0] : i32 from vector<1x1xi32>
      %get3A_1065 = arith.index_cast %squeeze3A_1064 : i32 to index
      %get3A_1066 = arith.constant 0 : index
      %get3A_1067 = arith.constant 0 : index
      %get3A_1068 = vector.load %arg7[%get3A_1065, %get3A_1066, %get3A_1067] : memref<15x16x4096xf32, #tpu.memory_space<vmem>>, vector<1x1x4096xf32>
      %get3A_1069 = vector.shape_cast %get3A_1068 : vector<1x1x4096xf32> to vector<1x4096xf32>
      %swap3A_1070 = arith.constant 0 : index
      %swap3A_1071 = arith.constant 0 : index
      %swap3A_1072 = vector.load %arg9[%swap3A_1070, %swap3A_1071] : memref<16x4096xf32, #tpu.memory_space<vmem>>, vector<1x4096xf32>
      tpu.vector_store %arg9[%swap3A_1070, %swap3A_1071], %get3A_1069 {strides = array<i32>} : memref<16x4096xf32, #tpu.memory_space<vmem>>, vector<1x4096xf32>,
      %slice3A_1073 = vector.extract_strided_slice %broadcast_in_dim3A_1062 {offsets = [1, 0], sizes = [1, 1], strides = [1, 1]} : vector<16x1xi32> to vector<1x1xi32>
      %squeeze3A_1074 = vector.extract %slice3A_1073[0, 0] : i32 from vector<1x1xi32>
      %get3A_1075 = arith.index_cast %squeeze3A_1074 : i32 to index
      %get3A_1076 = arith.constant 1 : index
      %get3A_1077 = arith.constant 0 : index
      %get3A_1078 = vector.load %arg7[%get3A_1075, %get3A_1076, %get3A_1077] : memref<15x16x4096xf32, #tpu.memory_space<vmem>>, vector<1x1x4096xf32>
      %get3A_1079 = vector.shape_cast %get3A_1078 : vector<1x1x4096xf32> to vector<1x4096xf32>
      %swap3A_1080 = arith.constant 1 : index
      %swap3A_1081 = arith.constant 0 : index
      %swap3A_1082 = vector.load %arg9[%swap3A_1080, %swap3A_1081] : memref<16x4096xf32, #tpu.memory_space<vmem>>, vector<1x4096xf32>
      tpu.vector_store %arg9[%swap3A_1080, %swap3A_1081], %get3A_1079 {strides = array<i32>} : memref<16x4096xf32, #tpu.memory_space<vmem>>, vector<1x4096xf32>,
      %slice3A_1083 = vector.extract_strided_slice %broadcast_in_dim3A_1062 {offsets = [2, 0], sizes = [1, 1], strides = [1, 1]} : vector<16x1xi32> to vector<1x1xi32>
      %squeeze3A_1084 = vector.extract %slice3A_1083[0, 0] : i32 from vector<1x1xi32>
      %get3A_1085 = arith.index_cast %squeeze3A_1084 : i32 to index
      %get3A_1086 = arith.constant 2 : index
      %get3A_1087 = arith.constant 0 : index
      %get3A_1088 = vector.load %arg7[%get3A_1085, %get3A_1086, %get3A_1087] : memref<15x16x4096xf32, #tpu.memory_space<vmem>>, vector<1x1x4096xf32>
      %get3A_1089 = vector.shape_cast %get3A_1088 : vector<1x1x4096xf32> to vector<1x4096xf32>
      %swap3A_1090 = arith.constant 2 : index
      %swap3A_1091 = arith.constant 0 : index
      %swap3A_1092 = vector.load %arg9[%swap3A_1090, %swap3A_1091] : memref<16x4096xf32, #tpu.memory_space<vmem>>, vector<1x4096xf32>
      tpu.vector_store %arg9[%swap3A_1090, %swap3A_1091], %get3A_1089 {strides = array<i32>} : memref<16x4096xf32, #tpu.memory_space<vmem>>, vector<1x4096xf32>,
      %slice3A_1093 = vector.extract_strided_slice %broadcast_in_dim3A_1062 {offsets = [3, 0], sizes = [1, 1], strides = [1, 1]} : vector<16x1xi32> to vector<1x1xi32>
      %squeeze3A_1094 = vector.extract %slice3A_1093[0, 0] : i32 from vector<1x1xi32>
      %get3A_1095 = arith.index_cast %squeeze3A_1094 : i32 to index
      %get3A_1096 = arith.constant 3 : index
      %get3A_1097 = arith.constant 0 : index
      %get3A_1098 = vector.load %arg7[%get3A_1095, %get3A_1096, %get3A_1097] : memref<15x16x4096xf32, #tpu.memory_space<vmem>>, vector<1x1x4096xf32>
      %get3A_1099 = vector.shape_cast %get3A_1098 : vector<1x1x4096xf32> to vector<1x4096xf32>
      %swap3A_1100 = arith.constant 3 : index
      %swap3A_1101 = arith.constant 0 : index
      %swap3A_1102 = vector.load %arg9[%swap3A_1100, %swap3A_1101] : memref<16x4096xf32, #tpu.memory_space<vmem>>, vector<1x4096xf32>
      tpu.vector_store %arg9[%swap3A_1100, %swap3A_1101], %get3A_1099 {strides = array<i32>} : memref<16x4096xf32, #tpu.memory_space<vmem>>, vector<1x4096xf32>,
      %slice3A_1103 = vector.extract_strided_slice %broadcast_in_dim3A_1062 {offsets = [4, 0], sizes = [1, 1], strides = [1, 1]} : vector<16x1xi32> to vector<1x1xi32>
      %squeeze3A_1104 = vector.extract %slice3A_1103[0, 0] : i32 from vector<1x1xi32>
      %get3A_1105 = arith.index_cast %squeeze3A_1104 : i32 to index
      %get3A_1106 = arith.constant 4 : index
      %get3A_1107 = arith.constant 0 : index
      %get3A_1108 = vector.load %arg7[%get3A_1105, %get3A_1106, %get3A_1107] : memref<15x16x4096xf32, #tpu.memory_space<vmem>>, vector<1x1x4096xf32>
      %get3A_1109 = vector.shape_cast %get3A_1108 : vector<1x1x4096xf32> to vector<1x4096xf32>
      %swap3A_1110 = arith.constant 4 : index
      %swap3A_1111 = arith.constant 0 : index
      %swap3A_1112 = vector.load %arg9[%swap3A_1110, %swap3A_1111] : memref<16x4096xf32, #tpu.memory_space<vmem>>, vector<1x4096xf32>
      tpu.vector_store %arg9[%swap3A_1110, %swap3A_1111], %get3A_1109 {strides = array<i32>} : memref<16x4096xf32, #tpu.memory_space<vmem>>, vector<1x4096xf32>,
      %slice3A_1113 = vector.extract_strided_slice %broadcast_in_dim3A_1062 {offsets = [5, 0], sizes = [1, 1], strides = [1, 1]} : vector<16x1xi32> to vector<1x1xi32>
      %squeeze3A_1114 = vector.extract %slice3A_1113[0, 0] : i32 from vector<1x1xi32>
      %get3A_1115 = arith.index_cast %squeeze3A_1114 : i32 to index
      %get3A_1116 = arith.constant 5 : index
      %get3A_1117 = arith.constant 0 : index
      %get3A_1118 = vector.load %arg7[%get3A_1115, %get3A_1116, %get3A_1117] : memref<15x16x4096xf32, #tpu.memory_space<vmem>>, vector<1x1x4096xf32>
      %get3A_1119 = vector.shape_cast %get3A_1118 : vector<1x1x4096xf32> to vector<1x4096xf32>
      %swap3A_1120 = arith.constant 5 : index
      %swap3A_1121 = arith.constant 0 : index
      %swap3A_1122 = vector.load %arg9[%swap3A_1120, %swap3A_1121] : memref<16x4096xf32, #tpu.memory_space<vmem>>, vector<1x4096xf32>
      tpu.vector_store %arg9[%swap3A_1120, %swap3A_1121], %get3A_1119 {strides = array<i32>} : memref<16x4096xf32, #tpu.memory_space<vmem>>, vector<1x4096xf32>,
      %slice3A_1123 = vector.extract_strided_slice %broadcast_in_dim3A_1062 {offsets = [6, 0], sizes = [1, 1], strides = [1, 1]} : vector<16x1xi32> to vector<1x1xi32>
      %squeeze3A_1124 = vector.extract %slice3A_1123[0, 0] : i32 from vector<1x1xi32>
      %get3A_1125 = arith.index_cast %squeeze3A_1124 : i32 to index
      %get3A_1126 = arith.constant 6 : index
      %get3A_1127 = arith.constant 0 : index
      %get3A_1128 = vector.load %arg7[%get3A_1125, %get3A_1126, %get3A_1127] : memref<15x16x4096xf32, #tpu.memory_space<vmem>>, vector<1x1x4096xf32>
      %get3A_1129 = vector.shape_cast %get3A_1128 : vector<1x1x4096xf32> to vector<1x4096xf32>
      %swap3A_1130 = arith.constant 6 : index
      %swap3A_1131 = arith.constant 0 : index
      %swap3A_1132 = vector.load %arg9[%swap3A_1130, %swap3A_1131] : memref<16x4096xf32, #tpu.memory_space<vmem>>, vector<1x4096xf32>
      tpu.vector_store %arg9[%swap3A_1130, %swap3A_1131], %get3A_1129 {strides = array<i32>} : memref<16x4096xf32, #tpu.memory_space<vmem>>, vector<1x4096xf32>,
      %slice3A_1133 = vector.extract_strided_slice %broadcast_in_dim3A_1062 {offsets = [7, 0], sizes = [1, 1], strides = [1, 1]} : vector<16x1xi32> to vector<1x1xi32>
      %squeeze3A_1134 = vector.extract %slice3A_1133[0, 0] : i32 from vector<1x1xi32>
      %get3A_1135 = arith.index_cast %squeeze3A_1134 : i32 to index
      %get3A_1136 = arith.constant 7 : index
      %get3A_1137 = arith.constant 0 : index
      %get3A_1138 = vector.load %arg7[%get3A_1135, %get3A_1136, %get3A_1137] : memref<15x16x4096xf32, #tpu.memory_space<vmem>>, vector<1x1x4096xf32>
      %get3A_1139 = vector.shape_cast %get3A_1138 : vector<1x1x4096xf32> to vector<1x4096xf32>
      %swap3A_1140 = arith.constant 7 : index
      %swap3A_1141 = arith.constant 0 : index
      %swap3A_1142 = vector.load %arg9[%swap3A_1140, %swap3A_1141] : memref<16x4096xf32, #tpu.memory_space<vmem>>, vector<1x4096xf32>
      tpu.vector_store %arg9[%swap3A_1140, %swap3A_1141], %get3A_1139 {strides = array<i32>} : memref<16x4096xf32, #tpu.memory_space<vmem>>, vector<1x4096xf32>,
      %slice3A_1143 = vector.extract_strided_slice %broadcast_in_dim3A_1062 {offsets = [8, 0], sizes = [1, 1], strides = [1, 1]} : vector<16x1xi32> to vector<1x1xi32>
      %squeeze3A_1144 = vector.extract %slice3A_1143[0, 0] : i32 from vector<1x1xi32>
      %get3A_1145 = arith.index_cast %squeeze3A_1144 : i32 to index
      %get3A_1146 = arith.constant 8 : index
      %get3A_1147 = arith.constant 0 : index
      %get3A_1148 = vector.load %arg7[%get3A_1145, %get3A_1146, %get3A_1147] : memref<15x16x4096xf32, #tpu.memory_space<vmem>>, vector<1x1x4096xf32>
      %get3A_1149 = vector.shape_cast %get3A_1148 : vector<1x1x4096xf32> to vector<1x4096xf32>
      %swap3A_1150 = arith.constant 8 : index
      %swap3A_1151 = arith.constant 0 : index
      %swap3A_1152 = vector.load %arg9[%swap3A_1150, %swap3A_1151] : memref<16x4096xf32, #tpu.memory_space<vmem>>, vector<1x4096xf32>
      tpu.vector_store %arg9[%swap3A_1150, %swap3A_1151], %get3A_1149 {strides = array<i32>} : memref<16x4096xf32, #tpu.memory_space<vmem>>, vector<1x4096xf32>,
      %slice3A_1153 = vector.extract_strided_slice %broadcast_in_dim3A_1062 {offsets = [9, 0], sizes = [1, 1], strides = [1, 1]} : vector<16x1xi32> to vector<1x1xi32>
      %squeeze3A_1154 = vector.extract %slice3A_1153[0, 0] : i32 from vector<1x1xi32>
      %get3A_1155 = arith.index_cast %squeeze3A_1154 : i32 to index
      %get3A_1156 = arith.constant 9 : index
      %get3A_1157 = arith.constant 0 : index
      %get3A_1158 = vector.load %arg7[%get3A_1155, %get3A_1156, %get3A_1157] : memref<15x16x4096xf32, #tpu.memory_space<vmem>>, vector<1x1x4096xf32>
      %get3A_1159 = vector.shape_cast %get3A_1158 : vector<1x1x4096xf32> to vector<1x4096xf32>
      %swap3A_1160 = arith.constant 9 : index
      %swap3A_1161 = arith.constant 0 : index
      %swap3A_1162 = vector.load %arg9[%swap3A_1160, %swap3A_1161] : memref<16x4096xf32, #tpu.memory_space<vmem>>, vector<1x4096xf32>
      tpu.vector_store %arg9[%swap3A_1160, %swap3A_1161], %get3A_1159 {strides = array<i32>} : memref<16x4096xf32, #tpu.memory_space<vmem>>, vector<1x4096xf32>,
      %slice3A_1163 = vector.extract_strided_slice %broadcast_in_dim3A_1062 {offsets = [10, 0], sizes = [1, 1], strides = [1, 1]} : vector<16x1xi32> to vector<1x1xi32>
      %squeeze3A_1164 = vector.extract %slice3A_1163[0, 0] : i32 from vector<1x1xi32>
      %get3A_1165 = arith.index_cast %squeeze3A_1164 : i32 to index
      %get3A_1166 = arith.constant 10 : index
      %get3A_1167 = arith.constant 0 : index
      %get3A_1168 = vector.load %arg7[%get3A_1165, %get3A_1166, %get3A_1167] : memref<15x16x4096xf32, #tpu.memory_space<vmem>>, vector<1x1x4096xf32>
      %get3A_1169 = vector.shape_cast %get3A_1168 : vector<1x1x4096xf32> to vector<1x4096xf32>
      %swap3A_1170 = arith.constant 10 : index
      %swap3A_1171 = arith.constant 0 : index
      %swap3A_1172 = vector.load %arg9[%swap3A_1170, %swap3A_1171] : memref<16x4096xf32, #tpu.memory_space<vmem>>, vector<1x4096xf32>
      tpu.vector_store %arg9[%swap3A_1170, %swap3A_1171], %get3A_1169 {strides = array<i32>} : memref<16x4096xf32, #tpu.memory_space<vmem>>, vector<1x4096xf32>,
      %slice3A_1173 = vector.extract_strided_slice %broadcast_in_dim3A_1062 {offsets = [11, 0], sizes = [1, 1], strides = [1, 1]} : vector<16x1xi32> to vector<1x1xi32>
      %squeeze3A_1174 = vector.extract %slice3A_1173[0, 0] : i32 from vector<1x1xi32>
      %get3A_1175 = arith.index_cast %squeeze3A_1174 : i32 to index
      %get3A_1176 = arith.constant 11 : index
      %get3A_1177 = arith.constant 0 : index
      %get3A_1178 = vector.load %arg7[%get3A_1175, %get3A_1176, %get3A_1177] : memref<15x16x4096xf32, #tpu.memory_space<vmem>>, vector<1x1x4096xf32>
      %get3A_1179 = vector.shape_cast %get3A_1178 : vector<1x1x4096xf32> to vector<1x4096xf32>
      %swap3A_1180 = arith.constant 11 : index
      %swap3A_1181 = arith.constant 0 : index
      %swap3A_1182 = vector.load %arg9[%swap3A_1180, %swap3A_1181] : memref<16x4096xf32, #tpu.memory_space<vmem>>, vector<1x4096xf32>
      tpu.vector_store %arg9[%swap3A_1180, %swap3A_1181], %get3A_1179 {strides = array<i32>} : memref<16x4096xf32, #tpu.memory_space<vmem>>, vector<1x4096xf32>,
      %slice3A_1183 = vector.extract_strided_slice %broadcast_in_dim3A_1062 {offsets = [12, 0], sizes = [1, 1], strides = [1, 1]} : vector<16x1xi32> to vector<1x1xi32>
      %squeeze3A_1184 = vector.extract %slice3A_1183[0, 0] : i32 from vector<1x1xi32>
      %get3A_1185 = arith.index_cast %squeeze3A_1184 : i32 to index
      %get3A_1186 = arith.constant 12 : index
      %get3A_1187 = arith.constant 0 : index
      %get3A_1188 = vector.load %arg7[%get3A_1185, %get3A_1186, %get3A_1187] : memref<15x16x4096xf32, #tpu.memory_space<vmem>>, vector<1x1x4096xf32>
      %get3A_1189 = vector.shape_cast %get3A_1188 : vector<1x1x4096xf32> to vector<1x4096xf32>
      %swap3A_1190 = arith.constant 12 : index
      %swap3A_1191 = arith.constant 0 : index
      %swap3A_1192 = vector.load %arg9[%swap3A_1190, %swap3A_1191] : memref<16x4096xf32, #tpu.memory_space<vmem>>, vector<1x4096xf32>
      tpu.vector_store %arg9[%swap3A_1190, %swap3A_1191], %get3A_1189 {strides = array<i32>} : memref<16x4096xf32, #tpu.memory_space<vmem>>, vector<1x4096xf32>,
      %slice3A_1193 = vector.extract_strided_slice %broadcast_in_dim3A_1062 {offsets = [13, 0], sizes = [1, 1], strides = [1, 1]} : vector<16x1xi32> to vector<1x1xi32>
      %squeeze3A_1194 = vector.extract %slice3A_1193[0, 0] : i32 from vector<1x1xi32>
      %get3A_1195 = arith.index_cast %squeeze3A_1194 : i32 to index
      %get3A_1196 = arith.constant 13 : index
      %get3A_1197 = arith.constant 0 : index
      %get3A_1198 = vector.load %arg7[%get3A_1195, %get3A_1196, %get3A_1197] : memref<15x16x4096xf32, #tpu.memory_space<vmem>>, vector<1x1x4096xf32>
      %get3A_1199 = vector.shape_cast %get3A_1198 : vector<1x1x4096xf32> to vector<1x4096xf32>
      %swap3A_1200 = arith.constant 13 : index
      %swap3A_1201 = arith.constant 0 : index
      %swap3A_1202 = vector.load %arg9[%swap3A_1200, %swap3A_1201] : memref<16x4096xf32, #tpu.memory_space<vmem>>, vector<1x4096xf32>
      tpu.vector_store %arg9[%swap3A_1200, %swap3A_1201], %get3A_1199 {strides = array<i32>} : memref<16x4096xf32, #tpu.memory_space<vmem>>, vector<1x4096xf32>,
      %slice3A_1203 = vector.extract_strided_slice %broadcast_in_dim3A_1062 {offsets = [14, 0], sizes = [1, 1], strides = [1, 1]} : vector<16x1xi32> to vector<1x1xi32>
      %squeeze3A_1204 = vector.extract %slice3A_1203[0, 0] : i32 from vector<1x1xi32>
      %get3A_1205 = arith.index_cast %squeeze3A_1204 : i32 to index
      %get3A_1206 = arith.constant 14 : index
      %get3A_1207 = arith.constant 0 : index
      %get3A_1208 = vector.load %arg7[%get3A_1205, %get3A_1206, %get3A_1207] : memref<15x16x4096xf32, #tpu.memory_space<vmem>>, vector<1x1x4096xf32>
      %get3A_1209 = vector.shape_cast %get3A_1208 : vector<1x1x4096xf32> to vector<1x4096xf32>
      %swap3A_1210 = arith.constant 14 : index
      %swap3A_1211 = arith.constant 0 : index
      %swap3A_1212 = vector.load %arg9[%swap3A_1210, %swap3A_1211] : memref<16x4096xf32, #tpu.memory_space<vmem>>, vector<1x4096xf32>
      tpu.vector_store %arg9[%swap3A_1210, %swap3A_1211], %get3A_1209 {strides = array<i32>} : memref<16x4096xf32, #tpu.memory_space<vmem>>, vector<1x4096xf32>,
      %slice3A_1213 = vector.extract_strided_slice %broadcast_in_dim3A_1062 {offsets = [15, 0], sizes = [1, 1], strides = [1, 1]} : vector<16x1xi32> to vector<1x1xi32>
      %squeeze3A_1214 = vector.extract %slice3A_1213[0, 0] : i32 from vector<1x1xi32>
      %get3A_1215 = arith.index_cast %squeeze3A_1214 : i32 to index
      %get3A_1216 = arith.constant 15 : index
      %get3A_1217 = arith.constant 0 : index
      %get3A_1218 = vector.load %arg7[%get3A_1215, %get3A_1216, %get3A_1217] : memref<15x16x4096xf32, #tpu.memory_space<vmem>>, vector<1x1x4096xf32>
      %get3A_1219 = vector.shape_cast %get3A_1218 : vector<1x1x4096xf32> to vector<1x4096xf32>
      %swap3A_1220 = arith.constant 15 : index
      %swap3A_1221 = arith.constant 0 : index
      %swap3A_1222 = vector.load %arg9[%swap3A_1220, %swap3A_1221] : memref<16x4096xf32, #tpu.memory_space<vmem>>, vector<1x4096xf32>
      tpu.vector_store %arg9[%swap3A_1220, %swap3A_1221], %get3A_1219 {strides = array<i32>} : memref<16x4096xf32, #tpu.memory_space<vmem>>, vector<1x4096xf32>,
      %get3A_1223 = arith.constant 0 : index
      %get3A_1224 = arith.constant 0 : index
      %get3A_1225 = vector.load %arg9[%get3A_1223, %get3A_1224] : memref<16x4096xf32, #tpu.memory_space<vmem>>, vector<16x4096xf32>
      %add3A_1226 = arith.constant 40960 : i32
      %add3A_1227 = vector.broadcast %add3A_1226 : i32 to vector<16x4096xi32>
      %add3A_1228 = arith.addi %iota3A_402, %add3A_1227 : vector<16x4096xi32>
      %mul3A_1229 = arith.constant 4096 : i32
      %mul3A_1230 = vector.broadcast %mul3A_1229 : i32 to vector<16x1xi32>
      %mul3A_1231 = arith.muli %broadcast_in_dim3A_1062, %mul3A_1230 : vector<16x1xi32>
      %add3A_1232 = vector.broadcast %mul3A_1231 : vector<16x1xi32> to vector<16x4096xi32>
      %add3A_1233 = arith.addi %add3A_1228, %add3A_1232 : vector<16x4096xi32>
      %lt3A_1234 = vector.broadcast %broadcast_in_dim3A_836 : vector<16x1xf32> to vector<16x4096xf32>
      %lt3A_1235 = arith.cmpf olt, %get3A_1225, %lt3A_1234 : vector<16x4096xf32>
      %eq3A_1236 = vector.broadcast %broadcast_in_dim3A_836 : vector<16x1xf32> to vector<16x4096xf32>
      %eq3A_1237 = arith.cmpf oeq, %get3A_1225, %eq3A_1236 : vector<16x4096xf32>
      %gt3A_1238 = vector.broadcast %broadcast_in_dim3A_1032 : vector<16x1xi32> to vector<16x4096xi32>
      %gt3A_1239 = arith.cmpi sgt, %add3A_1233, %gt3A_1238 : vector<16x4096xi32>
      %and3A_1240 = arith.andi %eq3A_1237, %gt3A_1239 : vector<16x4096xi1>
      %or3A_1241 = arith.ori %lt3A_1235, %and3A_1240 : vector<16x4096xi1>
      %eq3A_1242 = vector.broadcast %broadcast_in_dim3A_1054 : vector<16x1xf32> to vector<16x4096xf32>
      %eq3A_1243 = arith.cmpf oeq, %get3A_1225, %eq3A_1242 : vector<16x4096xf32>
      %and3A_1244 = arith.andi %eq3A_1243, %or3A_1241 : vector<16x4096xi1>
      %jit3A_1245 = arith.constant 1073741824 : i32
      %broadcast_in_dim3A_1246 = vector.broadcast %jit3A_1245 : i32 to vector<16x4096xi32>
      %select_n3A_1247 = arith.select %and3A_1244, %add3A_1233, %broadcast_in_dim3A_1246 : vector<16x4096xi1>, vector<16x4096xi32>
      %reduce_min3A_1248 = arith.constant dense<2147483647> : vector<16xi32>
      %reduce_min3A_1249 = vector.multi_reduction <minsi>, %select_n3A_1247, %reduce_min3A_1248 [1] : vector<16x4096xi32> to vector<16xi32>
      %broadcast_in_dim3A_1250 = vector.shape_cast %reduce_min3A_1249 : vector<16xi32> to vector<16x1xi32>
      %lt3A_1251 = vector.broadcast %broadcast_in_dim3A_1054 : vector<16x1xf32> to vector<16x4096xf32>
      %lt3A_1252 = arith.cmpf olt, %get3A_1225, %lt3A_1251 : vector<16x4096xf32>
      %eq3A_1253 = vector.broadcast %broadcast_in_dim3A_1054 : vector<16x1xf32> to vector<16x4096xf32>
      %eq3A_1254 = arith.cmpf oeq, %get3A_1225, %eq3A_1253 : vector<16x4096xf32>
      %gt3A_1255 = vector.broadcast %broadcast_in_dim3A_1250 : vector<16x1xi32> to vector<16x4096xi32>
      %gt3A_1256 = arith.cmpi sgt, %add3A_1233, %gt3A_1255 : vector<16x4096xi32>
      %and3A_1257 = arith.andi %eq3A_1254, %gt3A_1256 : vector<16x4096xi1>
      %or3A_1258 = arith.ori %lt3A_1252, %and3A_1257 : vector<16x4096xi1>
      %jit3A_1259 = arith.constant 0xFF800000 : f32
      %broadcast_in_dim3A_1260 = vector.broadcast %jit3A_1259 : f32 to vector<16x4096xf32>
      %select_n3A_1261 = arith.select %or3A_1258, %get3A_1225, %broadcast_in_dim3A_1260 : vector<16x4096xi1>, vector<16x4096xf32>
      %reduce_max3A_1262 = arith.constant dense<0xFF800000> : vector<16xf32>
      %reduce_max3A_1263 = vector.multi_reduction <maximumf>, %select_n3A_1261, %reduce_max3A_1262 [1] : vector<16x4096xf32> to vector<16xf32>
      %broadcast_in_dim3A_1264 = vector.shape_cast %reduce_max3A_1263 : vector<16xf32> to vector<16x1xf32>
      %eq3A_1265 = vector.broadcast %broadcast_in_dim3A_1062 : vector<16x1xi32> to vector<16x64xi32>
      %eq3A_1266 = arith.cmpi eq, %iota3A_215, %eq3A_1265 : vector<16x64xi32>
      %broadcast_in_dim3A_1267 = vector.shape_cast %broadcast_in_dim3A_1264 : vector<16x1xf32> to vector<16x1xf32>
      %broadcast_in_dim3A_1268 = vector.broadcast %broadcast_in_dim3A_1267 : vector<16x1xf32> to vector<16x64xf32>
      %select_n3A_1269 = arith.select %eq3A_1266, %broadcast_in_dim3A_1268, %select_n3A_1051 : vector<16x64xi1>, vector<16x64xf32>
      %reduce_max3A_1270 = arith.constant dense<0xFF800000> : vector<16xf32>
      %reduce_max3A_1271 = vector.multi_reduction <maximumf>, %select_n3A_1269, %reduce_max3A_1270 [1] : vector<16x64xf32> to vector<16xf32>
      %broadcast_in_dim3A_1272 = vector.shape_cast %reduce_max3A_1271 : vector<16xf32> to vector<16x1xf32>
      %eq3A_1273 = vector.broadcast %broadcast_in_dim3A_1272 : vector<16x1xf32> to vector<16x64xf32>
      %eq3A_1274 = arith.cmpf oeq, %select_n3A_1269, %eq3A_1273 : vector<16x64xf32>
      %jit3A_1275 = arith.constant 1073741824 : i32
      %broadcast_in_dim3A_1276 = vector.broadcast %jit3A_1275 : i32 to vector<16x64xi32>
      %select_n3A_1277 = arith.select %eq3A_1274, %iota3A_215, %broadcast_in_dim3A_1276 : vector<16x64xi1>, vector<16x64xi32>
      %reduce_min3A_1278 = arith.constant dense<2147483647> : vector<16xi32>
      %reduce_min3A_1279 = vector.multi_reduction <minsi>, %select_n3A_1277, %reduce_min3A_1278 [1] : vector<16x64xi32> to vector<16xi32>
      %broadcast_in_dim3A_1280 = vector.shape_cast %reduce_min3A_1279 : vector<16xi32> to vector<16x1xi32>
      %slice3A_1281 = vector.extract_strided_slice %broadcast_in_dim3A_1280 {offsets = [0, 0], sizes = [1, 1], strides = [1, 1]} : vector<16x1xi32> to vector<1x1xi32>
      %squeeze3A_1282 = vector.extract %slice3A_1281[0, 0] : i32 from vector<1x1xi32>
      %get3A_1283 = arith.index_cast %squeeze3A_1282 : i32 to index
      %get3A_1284 = arith.constant 0 : index
      %get3A_1285 = arith.constant 0 : index
      %get3A_1286 = vector.load %arg7[%get3A_1283, %get3A_1284, %get3A_1285] : memref<15x16x4096xf32, #tpu.memory_space<vmem>>, vector<1x1x4096xf32>
      %get3A_1287 = vector.shape_cast %get3A_1286 : vector<1x1x4096xf32> to vector<1x4096xf32>
      %swap3A_1288 = arith.constant 0 : index
      %swap3A_1289 = arith.constant 0 : index
      %swap3A_1290 = vector.load %arg9[%swap3A_1288, %swap3A_1289] : memref<16x4096xf32, #tpu.memory_space<vmem>>, vector<1x4096xf32>
      tpu.vector_store %arg9[%swap3A_1288, %swap3A_1289], %get3A_1287 {strides = array<i32>} : memref<16x4096xf32, #tpu.memory_space<vmem>>, vector<1x4096xf32>,
      %slice3A_1291 = vector.extract_strided_slice %broadcast_in_dim3A_1280 {offsets = [1, 0], sizes = [1, 1], strides = [1, 1]} : vector<16x1xi32> to vector<1x1xi32>
      %squeeze3A_1292 = vector.extract %slice3A_1291[0, 0] : i32 from vector<1x1xi32>
      %get3A_1293 = arith.index_cast %squeeze3A_1292 : i32 to index
      %get3A_1294 = arith.constant 1 : index
      %get3A_1295 = arith.constant 0 : index
      %get3A_1296 = vector.load %arg7[%get3A_1293, %get3A_1294, %get3A_1295] : memref<15x16x4096xf32, #tpu.memory_space<vmem>>, vector<1x1x4096xf32>
      %get3A_1297 = vector.shape_cast %get3A_1296 : vector<1x1x4096xf32> to vector<1x4096xf32>
      %swap3A_1298 = arith.constant 1 : index
      %swap3A_1299 = arith.constant 0 : index
      %swap3A_1300 = vector.load %arg9[%swap3A_1298, %swap3A_1299] : memref<16x4096xf32, #tpu.memory_space<vmem>>, vector<1x4096xf32>
      tpu.vector_store %arg9[%swap3A_1298, %swap3A_1299], %get3A_1297 {strides = array<i32>} : memref<16x4096xf32, #tpu.memory_space<vmem>>, vector<1x4096xf32>,
      %slice3A_1301 = vector.extract_strided_slice %broadcast_in_dim3A_1280 {offsets = [2, 0], sizes = [1, 1], strides = [1, 1]} : vector<16x1xi32> to vector<1x1xi32>
      %squeeze3A_1302 = vector.extract %slice3A_1301[0, 0] : i32 from vector<1x1xi32>
      %get3A_1303 = arith.index_cast %squeeze3A_1302 : i32 to index
      %get3A_1304 = arith.constant 2 : index
      %get3A_1305 = arith.constant 0 : index
      %get3A_1306 = vector.load %arg7[%get3A_1303, %get3A_1304, %get3A_1305] : memref<15x16x4096xf32, #tpu.memory_space<vmem>>, vector<1x1x4096xf32>
      %get3A_1307 = vector.shape_cast %get3A_1306 : vector<1x1x4096xf32> to vector<1x4096xf32>
      %swap3A_1308 = arith.constant 2 : index
      %swap3A_1309 = arith.constant 0 : index
      %swap3A_1310 = vector.load %arg9[%swap3A_1308, %swap3A_1309] : memref<16x4096xf32, #tpu.memory_space<vmem>>, vector<1x4096xf32>
      tpu.vector_store %arg9[%swap3A_1308, %swap3A_1309], %get3A_1307 {strides = array<i32>} : memref<16x4096xf32, #tpu.memory_space<vmem>>, vector<1x4096xf32>,
      %slice3A_1311 = vector.extract_strided_slice %broadcast_in_dim3A_1280 {offsets = [3, 0], sizes = [1, 1], strides = [1, 1]} : vector<16x1xi32> to vector<1x1xi32>
      %squeeze3A_1312 = vector.extract %slice3A_1311[0, 0] : i32 from vector<1x1xi32>
      %get3A_1313 = arith.index_cast %squeeze3A_1312 : i32 to index
      %get3A_1314 = arith.constant 3 : index
      %get3A_1315 = arith.constant 0 : index
      %get3A_1316 = vector.load %arg7[%get3A_1313, %get3A_1314, %get3A_1315] : memref<15x16x4096xf32, #tpu.memory_space<vmem>>, vector<1x1x4096xf32>
      %get3A_1317 = vector.shape_cast %get3A_1316 : vector<1x1x4096xf32> to vector<1x4096xf32>
      %swap3A_1318 = arith.constant 3 : index
      %swap3A_1319 = arith.constant 0 : index
      %swap3A_1320 = vector.load %arg9[%swap3A_1318, %swap3A_1319] : memref<16x4096xf32, #tpu.memory_space<vmem>>, vector<1x4096xf32>
      tpu.vector_store %arg9[%swap3A_1318, %swap3A_1319], %get3A_1317 {strides = array<i32>} : memref<16x4096xf32, #tpu.memory_space<vmem>>, vector<1x4096xf32>,
      %slice3A_1321 = vector.extract_strided_slice %broadcast_in_dim3A_1280 {offsets = [4, 0], sizes = [1, 1], strides = [1, 1]} : vector<16x1xi32> to vector<1x1xi32>
      %squeeze3A_1322 = vector.extract %slice3A_1321[0, 0] : i32 from vector<1x1xi32>
      %get3A_1323 = arith.index_cast %squeeze3A_1322 : i32 to index
      %get3A_1324 = arith.constant 4 : index
      %get3A_1325 = arith.constant 0 : index
      %get3A_1326 = vector.load %arg7[%get3A_1323, %get3A_1324, %get3A_1325] : memref<15x16x4096xf32, #tpu.memory_space<vmem>>, vector<1x1x4096xf32>
      %get3A_1327 = vector.shape_cast %get3A_1326 : vector<1x1x4096xf32> to vector<1x4096xf32>
      %swap3A_1328 = arith.constant 4 : index
      %swap3A_1329 = arith.constant 0 : index
      %swap3A_1330 = vector.load %arg9[%swap3A_1328, %swap3A_1329] : memref<16x4096xf32, #tpu.memory_space<vmem>>, vector<1x4096xf32>
      tpu.vector_store %arg9[%swap3A_1328, %swap3A_1329], %get3A_1327 {strides = array<i32>} : memref<16x4096xf32, #tpu.memory_space<vmem>>, vector<1x4096xf32>,
      %slice3A_1331 = vector.extract_strided_slice %broadcast_in_dim3A_1280 {offsets = [5, 0], sizes = [1, 1], strides = [1, 1]} : vector<16x1xi32> to vector<1x1xi32>
      %squeeze3A_1332 = vector.extract %slice3A_1331[0, 0] : i32 from vector<1x1xi32>
      %get3A_1333 = arith.index_cast %squeeze3A_1332 : i32 to index
      %get3A_1334 = arith.constant 5 : index
      %get3A_1335 = arith.constant 0 : index
      %get3A_1336 = vector.load %arg7[%get3A_1333, %get3A_1334, %get3A_1335] : memref<15x16x4096xf32, #tpu.memory_space<vmem>>, vector<1x1x4096xf32>
      %get3A_1337 = vector.shape_cast %get3A_1336 : vector<1x1x4096xf32> to vector<1x4096xf32>
      %swap3A_1338 = arith.constant 5 : index
      %swap3A_1339 = arith.constant 0 : index
      %swap3A_1340 = vector.load %arg9[%swap3A_1338, %swap3A_1339] : memref<16x4096xf32, #tpu.memory_space<vmem>>, vector<1x4096xf32>
      tpu.vector_store %arg9[%swap3A_1338, %swap3A_1339], %get3A_1337 {strides = array<i32>} : memref<16x4096xf32, #tpu.memory_space<vmem>>, vector<1x4096xf32>,
      %slice3A_1341 = vector.extract_strided_slice %broadcast_in_dim3A_1280 {offsets = [6, 0], sizes = [1, 1], strides = [1, 1]} : vector<16x1xi32> to vector<1x1xi32>
      %squeeze3A_1342 = vector.extract %slice3A_1341[0, 0] : i32 from vector<1x1xi32>
      %get3A_1343 = arith.index_cast %squeeze3A_1342 : i32 to index
      %get3A_1344 = arith.constant 6 : index
      %get3A_1345 = arith.constant 0 : index
      %get3A_1346 = vector.load %arg7[%get3A_1343, %get3A_1344, %get3A_1345] : memref<15x16x4096xf32, #tpu.memory_space<vmem>>, vector<1x1x4096xf32>
      %get3A_1347 = vector.shape_cast %get3A_1346 : vector<1x1x4096xf32> to vector<1x4096xf32>
      %swap3A_1348 = arith.constant 6 : index
      %swap3A_1349 = arith.constant 0 : index
      %swap3A_1350 = vector.load %arg9[%swap3A_1348, %swap3A_1349] : memref<16x4096xf32, #tpu.memory_space<vmem>>, vector<1x4096xf32>
      tpu.vector_store %arg9[%swap3A_1348, %swap3A_1349], %get3A_1347 {strides = array<i32>} : memref<16x4096xf32, #tpu.memory_space<vmem>>, vector<1x4096xf32>,
      %slice3A_1351 = vector.extract_strided_slice %broadcast_in_dim3A_1280 {offsets = [7, 0], sizes = [1, 1], strides = [1, 1]} : vector<16x1xi32> to vector<1x1xi32>
      %squeeze3A_1352 = vector.extract %slice3A_1351[0, 0] : i32 from vector<1x1xi32>
      %get3A_1353 = arith.index_cast %squeeze3A_1352 : i32 to index
      %get3A_1354 = arith.constant 7 : index
      %get3A_1355 = arith.constant 0 : index
      %get3A_1356 = vector.load %arg7[%get3A_1353, %get3A_1354, %get3A_1355] : memref<15x16x4096xf32, #tpu.memory_space<vmem>>, vector<1x1x4096xf32>
      %get3A_1357 = vector.shape_cast %get3A_1356 : vector<1x1x4096xf32> to vector<1x4096xf32>
      %swap3A_1358 = arith.constant 7 : index
      %swap3A_1359 = arith.constant 0 : index
      %swap3A_1360 = vector.load %arg9[%swap3A_1358, %swap3A_1359] : memref<16x4096xf32, #tpu.memory_space<vmem>>, vector<1x4096xf32>
      tpu.vector_store %arg9[%swap3A_1358, %swap3A_1359], %get3A_1357 {strides = array<i32>} : memref<16x4096xf32, #tpu.memory_space<vmem>>, vector<1x4096xf32>,
      %slice3A_1361 = vector.extract_strided_slice %broadcast_in_dim3A_1280 {offsets = [8, 0], sizes = [1, 1], strides = [1, 1]} : vector<16x1xi32> to vector<1x1xi32>
      %squeeze3A_1362 = vector.extract %slice3A_1361[0, 0] : i32 from vector<1x1xi32>
      %get3A_1363 = arith.index_cast %squeeze3A_1362 : i32 to index
      %get3A_1364 = arith.constant 8 : index
      %get3A_1365 = arith.constant 0 : index
      %get3A_1366 = vector.load %arg7[%get3A_1363, %get3A_1364, %get3A_1365] : memref<15x16x4096xf32, #tpu.memory_space<vmem>>, vector<1x1x4096xf32>
      %get3A_1367 = vector.shape_cast %get3A_1366 : vector<1x1x4096xf32> to vector<1x4096xf32>
      %swap3A_1368 = arith.constant 8 : index
      %swap3A_1369 = arith.constant 0 : index
      %swap3A_1370 = vector.load %arg9[%swap3A_1368, %swap3A_1369] : memref<16x4096xf32, #tpu.memory_space<vmem>>, vector<1x4096xf32>
      tpu.vector_store %arg9[%swap3A_1368, %swap3A_1369], %get3A_1367 {strides = array<i32>} : memref<16x4096xf32, #tpu.memory_space<vmem>>, vector<1x4096xf32>,
      %slice3A_1371 = vector.extract_strided_slice %broadcast_in_dim3A_1280 {offsets = [9, 0], sizes = [1, 1], strides = [1, 1]} : vector<16x1xi32> to vector<1x1xi32>
      %squeeze3A_1372 = vector.extract %slice3A_1371[0, 0] : i32 from vector<1x1xi32>
      %get3A_1373 = arith.index_cast %squeeze3A_1372 : i32 to index
      %get3A_1374 = arith.constant 9 : index
      %get3A_1375 = arith.constant 0 : index
      %get3A_1376 = vector.load %arg7[%get3A_1373, %get3A_1374, %get3A_1375] : memref<15x16x4096xf32, #tpu.memory_space<vmem>>, vector<1x1x4096xf32>
      %get3A_1377 = vector.shape_cast %get3A_1376 : vector<1x1x4096xf32> to vector<1x4096xf32>
      %swap3A_1378 = arith.constant 9 : index
      %swap3A_1379 = arith.constant 0 : index
      %swap3A_1380 = vector.load %arg9[%swap3A_1378, %swap3A_1379] : memref<16x4096xf32, #tpu.memory_space<vmem>>, vector<1x4096xf32>
      tpu.vector_store %arg9[%swap3A_1378, %swap3A_1379], %get3A_1377 {strides = array<i32>} : memref<16x4096xf32, #tpu.memory_space<vmem>>, vector<1x4096xf32>,
      %slice3A_1381 = vector.extract_strided_slice %broadcast_in_dim3A_1280 {offsets = [10, 0], sizes = [1, 1], strides = [1, 1]} : vector<16x1xi32> to vector<1x1xi32>
      %squeeze3A_1382 = vector.extract %slice3A_1381[0, 0] : i32 from vector<1x1xi32>
      %get3A_1383 = arith.index_cast %squeeze3A_1382 : i32 to index
      %get3A_1384 = arith.constant 10 : index
      %get3A_1385 = arith.constant 0 : index
      %get3A_1386 = vector.load %arg7[%get3A_1383, %get3A_1384, %get3A_1385] : memref<15x16x4096xf32, #tpu.memory_space<vmem>>, vector<1x1x4096xf32>
      %get3A_1387 = vector.shape_cast %get3A_1386 : vector<1x1x4096xf32> to vector<1x4096xf32>
      %swap3A_1388 = arith.constant 10 : index
      %swap3A_1389 = arith.constant 0 : index
      %swap3A_1390 = vector.load %arg9[%swap3A_1388, %swap3A_1389] : memref<16x4096xf32, #tpu.memory_space<vmem>>, vector<1x4096xf32>
      tpu.vector_store %arg9[%swap3A_1388, %swap3A_1389], %get3A_1387 {strides = array<i32>} : memref<16x4096xf32, #tpu.memory_space<vmem>>, vector<1x4096xf32>,
      %slice3A_1391 = vector.extract_strided_slice %broadcast_in_dim3A_1280 {offsets = [11, 0], sizes = [1, 1], strides = [1, 1]} : vector<16x1xi32> to vector<1x1xi32>
      %squeeze3A_1392 = vector.extract %slice3A_1391[0, 0] : i32 from vector<1x1xi32>
      %get3A_1393 = arith.index_cast %squeeze3A_1392 : i32 to index
      %get3A_1394 = arith.constant 11 : index
      %get3A_1395 = arith.constant 0 : index
      %get3A_1396 = vector.load %arg7[%get3A_1393, %get3A_1394, %get3A_1395] : memref<15x16x4096xf32, #tpu.memory_space<vmem>>, vector<1x1x4096xf32>
      %get3A_1397 = vector.shape_cast %get3A_1396 : vector<1x1x4096xf32> to vector<1x4096xf32>
      %swap3A_1398 = arith.constant 11 : index
      %swap3A_1399 = arith.constant 0 : index
      %swap3A_1400 = vector.load %arg9[%swap3A_1398, %swap3A_1399] : memref<16x4096xf32, #tpu.memory_space<vmem>>, vector<1x4096xf32>
      tpu.vector_store %arg9[%swap3A_1398, %swap3A_1399], %get3A_1397 {strides = array<i32>} : memref<16x4096xf32, #tpu.memory_space<vmem>>, vector<1x4096xf32>,
      %slice3A_1401 = vector.extract_strided_slice %broadcast_in_dim3A_1280 {offsets = [12, 0], sizes = [1, 1], strides = [1, 1]} : vector<16x1xi32> to vector<1x1xi32>
      %squeeze3A_1402 = vector.extract %slice3A_1401[0, 0] : i32 from vector<1x1xi32>
      %get3A_1403 = arith.index_cast %squeeze3A_1402 : i32 to index
      %get3A_1404 = arith.constant 12 : index
      %get3A_1405 = arith.constant 0 : index
      %get3A_1406 = vector.load %arg7[%get3A_1403, %get3A_1404, %get3A_1405] : memref<15x16x4096xf32, #tpu.memory_space<vmem>>, vector<1x1x4096xf32>
      %get3A_1407 = vector.shape_cast %get3A_1406 : vector<1x1x4096xf32> to vector<1x4096xf32>
      %swap3A_1408 = arith.constant 12 : index
      %swap3A_1409 = arith.constant 0 : index
      %swap3A_1410 = vector.load %arg9[%swap3A_1408, %swap3A_1409] : memref<16x4096xf32, #tpu.memory_space<vmem>>, vector<1x4096xf32>
      tpu.vector_store %arg9[%swap3A_1408, %swap3A_1409], %get3A_1407 {strides = array<i32>} : memref<16x4096xf32, #tpu.memory_space<vmem>>, vector<1x4096xf32>,
      %slice3A_1411 = vector.extract_strided_slice %broadcast_in_dim3A_1280 {offsets = [13, 0], sizes = [1, 1], strides = [1, 1]} : vector<16x1xi32> to vector<1x1xi32>
      %squeeze3A_1412 = vector.extract %slice3A_1411[0, 0] : i32 from vector<1x1xi32>
      %get3A_1413 = arith.index_cast %squeeze3A_1412 : i32 to index
      %get3A_1414 = arith.constant 13 : index
      %get3A_1415 = arith.constant 0 : index
      %get3A_1416 = vector.load %arg7[%get3A_1413, %get3A_1414, %get3A_1415] : memref<15x16x4096xf32, #tpu.memory_space<vmem>>, vector<1x1x4096xf32>
      %get3A_1417 = vector.shape_cast %get3A_1416 : vector<1x1x4096xf32> to vector<1x4096xf32>
      %swap3A_1418 = arith.constant 13 : index
      %swap3A_1419 = arith.constant 0 : index
      %swap3A_1420 = vector.load %arg9[%swap3A_1418, %swap3A_1419] : memref<16x4096xf32, #tpu.memory_space<vmem>>, vector<1x4096xf32>
      tpu.vector_store %arg9[%swap3A_1418, %swap3A_1419], %get3A_1417 {strides = array<i32>} : memref<16x4096xf32, #tpu.memory_space<vmem>>, vector<1x4096xf32>,
      %slice3A_1421 = vector.extract_strided_slice %broadcast_in_dim3A_1280 {offsets = [14, 0], sizes = [1, 1], strides = [1, 1]} : vector<16x1xi32> to vector<1x1xi32>
      %squeeze3A_1422 = vector.extract %slice3A_1421[0, 0] : i32 from vector<1x1xi32>
      %get3A_1423 = arith.index_cast %squeeze3A_1422 : i32 to index
      %get3A_1424 = arith.constant 14 : index
      %get3A_1425 = arith.constant 0 : index
      %get3A_1426 = vector.load %arg7[%get3A_1423, %get3A_1424, %get3A_1425] : memref<15x16x4096xf32, #tpu.memory_space<vmem>>, vector<1x1x4096xf32>
      %get3A_1427 = vector.shape_cast %get3A_1426 : vector<1x1x4096xf32> to vector<1x4096xf32>
      %swap3A_1428 = arith.constant 14 : index
      %swap3A_1429 = arith.constant 0 : index
      %swap3A_1430 = vector.load %arg9[%swap3A_1428, %swap3A_1429] : memref<16x4096xf32, #tpu.memory_space<vmem>>, vector<1x4096xf32>
      tpu.vector_store %arg9[%swap3A_1428, %swap3A_1429], %get3A_1427 {strides = array<i32>} : memref<16x4096xf32, #tpu.memory_space<vmem>>, vector<1x4096xf32>,
      %slice3A_1431 = vector.extract_strided_slice %broadcast_in_dim3A_1280 {offsets = [15, 0], sizes = [1, 1], strides = [1, 1]} : vector<16x1xi32> to vector<1x1xi32>
      %squeeze3A_1432 = vector.extract %slice3A_1431[0, 0] : i32 from vector<1x1xi32>
      %get3A_1433 = arith.index_cast %squeeze3A_1432 : i32 to index
      %get3A_1434 = arith.constant 15 : index
      %get3A_1435 = arith.constant 0 : index
      %get3A_1436 = vector.load %arg7[%get3A_1433, %get3A_1434, %get3A_1435] : memref<15x16x4096xf32, #tpu.memory_space<vmem>>, vector<1x1x4096xf32>
      %get3A_1437 = vector.shape_cast %get3A_1436 : vector<1x1x4096xf32> to vector<1x4096xf32>
      %swap3A_1438 = arith.constant 15 : index
      %swap3A_1439 = arith.constant 0 : index
      %swap3A_1440 = vector.load %arg9[%swap3A_1438, %swap3A_1439] : memref<16x4096xf32, #tpu.memory_space<vmem>>, vector<1x4096xf32>
      tpu.vector_store %arg9[%swap3A_1438, %swap3A_1439], %get3A_1437 {strides = array<i32>} : memref<16x4096xf32, #tpu.memory_space<vmem>>, vector<1x4096xf32>,
      %get3A_1441 = arith.constant 0 : index
      %get3A_1442 = arith.constant 0 : index
      %get3A_1443 = vector.load %arg9[%get3A_1441, %get3A_1442] : memref<16x4096xf32, #tpu.memory_space<vmem>>, vector<16x4096xf32>
      %add3A_1444 = arith.constant 40960 : i32
      %add3A_1445 = vector.broadcast %add3A_1444 : i32 to vector<16x4096xi32>
      %add3A_1446 = arith.addi %iota3A_402, %add3A_1445 : vector<16x4096xi32>
      %mul3A_1447 = arith.constant 4096 : i32
      %mul3A_1448 = vector.broadcast %mul3A_1447 : i32 to vector<16x1xi32>
      %mul3A_1449 = arith.muli %broadcast_in_dim3A_1280, %mul3A_1448 : vector<16x1xi32>
      %add3A_1450 = vector.broadcast %mul3A_1449 : vector<16x1xi32> to vector<16x4096xi32>
      %add3A_1451 = arith.addi %add3A_1446, %add3A_1450 : vector<16x4096xi32>
      %lt3A_1452 = vector.broadcast %broadcast_in_dim3A_1054 : vector<16x1xf32> to vector<16x4096xf32>
      %lt3A_1453 = arith.cmpf olt, %get3A_1443, %lt3A_1452 : vector<16x4096xf32>
      %eq3A_1454 = vector.broadcast %broadcast_in_dim3A_1054 : vector<16x1xf32> to vector<16x4096xf32>
      %eq3A_1455 = arith.cmpf oeq, %get3A_1443, %eq3A_1454 : vector<16x4096xf32>
      %gt3A_1456 = vector.broadcast %broadcast_in_dim3A_1250 : vector<16x1xi32> to vector<16x4096xi32>
      %gt3A_1457 = arith.cmpi sgt, %add3A_1451, %gt3A_1456 : vector<16x4096xi32>
      %and3A_1458 = arith.andi %eq3A_1455, %gt3A_1457 : vector<16x4096xi1>
      %or3A_1459 = arith.ori %lt3A_1453, %and3A_1458 : vector<16x4096xi1>
      %eq3A_1460 = vector.broadcast %broadcast_in_dim3A_1272 : vector<16x1xf32> to vector<16x4096xf32>
      %eq3A_1461 = arith.cmpf oeq, %get3A_1443, %eq3A_1460 : vector<16x4096xf32>
      %and3A_1462 = arith.andi %eq3A_1461, %or3A_1459 : vector<16x4096xi1>
      %jit3A_1463 = arith.constant 1073741824 : i32
      %broadcast_in_dim3A_1464 = vector.broadcast %jit3A_1463 : i32 to vector<16x4096xi32>
      %select_n3A_1465 = arith.select %and3A_1462, %add3A_1451, %broadcast_in_dim3A_1464 : vector<16x4096xi1>, vector<16x4096xi32>
      %reduce_min3A_1466 = arith.constant dense<2147483647> : vector<16xi32>
      %reduce_min3A_1467 = vector.multi_reduction <minsi>, %select_n3A_1465, %reduce_min3A_1466 [1] : vector<16x4096xi32> to vector<16xi32>
      %broadcast_in_dim3A_1468 = vector.shape_cast %reduce_min3A_1467 : vector<16xi32> to vector<16x1xi32>
      %lt3A_1469 = vector.broadcast %broadcast_in_dim3A_1272 : vector<16x1xf32> to vector<16x4096xf32>
      %lt3A_1470 = arith.cmpf olt, %get3A_1443, %lt3A_1469 : vector<16x4096xf32>
      %eq3A_1471 = vector.broadcast %broadcast_in_dim3A_1272 : vector<16x1xf32> to vector<16x4096xf32>
      %eq3A_1472 = arith.cmpf oeq, %get3A_1443, %eq3A_1471 : vector<16x4096xf32>
      %gt3A_1473 = vector.broadcast %broadcast_in_dim3A_1468 : vector<16x1xi32> to vector<16x4096xi32>
      %gt3A_1474 = arith.cmpi sgt, %add3A_1451, %gt3A_1473 : vector<16x4096xi32>
      %and3A_1475 = arith.andi %eq3A_1472, %gt3A_1474 : vector<16x4096xi1>
      %or3A_1476 = arith.ori %lt3A_1470, %and3A_1475 : vector<16x4096xi1>
      %jit3A_1477 = arith.constant 0xFF800000 : f32
      %broadcast_in_dim3A_1478 = vector.broadcast %jit3A_1477 : f32 to vector<16x4096xf32>
      %select_n3A_1479 = arith.select %or3A_1476, %get3A_1443, %broadcast_in_dim3A_1478 : vector<16x4096xi1>, vector<16x4096xf32>
      %reduce_max3A_1480 = arith.constant dense<0xFF800000> : vector<16xf32>
      %reduce_max3A_1481 = vector.multi_reduction <maximumf>, %select_n3A_1479, %reduce_max3A_1480 [1] : vector<16x4096xf32> to vector<16xf32>
      %broadcast_in_dim3A_1482 = vector.shape_cast %reduce_max3A_1481 : vector<16xf32> to vector<16x1xf32>
      %eq3A_1483 = vector.broadcast %broadcast_in_dim3A_1280 : vector<16x1xi32> to vector<16x64xi32>
      %eq3A_1484 = arith.cmpi eq, %iota3A_215, %eq3A_1483 : vector<16x64xi32>
      %broadcast_in_dim3A_1485 = vector.shape_cast %broadcast_in_dim3A_1482 : vector<16x1xf32> to vector<16x1xf32>
      %broadcast_in_dim3A_1486 = vector.broadcast %broadcast_in_dim3A_1485 : vector<16x1xf32> to vector<16x64xf32>
      %select_n3A_1487 = arith.select %eq3A_1484, %broadcast_in_dim3A_1486, %select_n3A_1269 : vector<16x64xi1>, vector<16x64xf32>
      %reduce_max3A_1488 = arith.constant dense<0xFF800000> : vector<16xf32>
      %reduce_max3A_1489 = vector.multi_reduction <maximumf>, %select_n3A_1487, %reduce_max3A_1488 [1] : vector<16x64xf32> to vector<16xf32>
      %broadcast_in_dim3A_1490 = vector.shape_cast %reduce_max3A_1489 : vector<16xf32> to vector<16x1xf32>
      %eq3A_1491 = vector.broadcast %broadcast_in_dim3A_1490 : vector<16x1xf32> to vector<16x64xf32>
      %eq3A_1492 = arith.cmpf oeq, %select_n3A_1487, %eq3A_1491 : vector<16x64xf32>
      %jit3A_1493 = arith.constant 1073741824 : i32
      %broadcast_in_dim3A_1494 = vector.broadcast %jit3A_1493 : i32 to vector<16x64xi32>
      %select_n3A_1495 = arith.select %eq3A_1492, %iota3A_215, %broadcast_in_dim3A_1494 : vector<16x64xi1>, vector<16x64xi32>
      %reduce_min3A_1496 = arith.constant dense<2147483647> : vector<16xi32>
      %reduce_min3A_1497 = vector.multi_reduction <minsi>, %select_n3A_1495, %reduce_min3A_1496 [1] : vector<16x64xi32> to vector<16xi32>
      %broadcast_in_dim3A_1498 = vector.shape_cast %reduce_min3A_1497 : vector<16xi32> to vector<16x1xi32>
      %slice3A_1499 = vector.extract_strided_slice %broadcast_in_dim3A_1498 {offsets = [0, 0], sizes = [1, 1], strides = [1, 1]} : vector<16x1xi32> to vector<1x1xi32>
      %squeeze3A_1500 = vector.extract %slice3A_1499[0, 0] : i32 from vector<1x1xi32>
      %get3A_1501 = arith.index_cast %squeeze3A_1500 : i32 to index
      %get3A_1502 = arith.constant 0 : index
      %get3A_1503 = arith.constant 0 : index
      %get3A_1504 = vector.load %arg7[%get3A_1501, %get3A_1502, %get3A_1503] : memref<15x16x4096xf32, #tpu.memory_space<vmem>>, vector<1x1x4096xf32>
      %get3A_1505 = vector.shape_cast %get3A_1504 : vector<1x1x4096xf32> to vector<1x4096xf32>
      %swap3A_1506 = arith.constant 0 : index
      %swap3A_1507 = arith.constant 0 : index
      %swap3A_1508 = vector.load %arg9[%swap3A_1506, %swap3A_1507] : memref<16x4096xf32, #tpu.memory_space<vmem>>, vector<1x4096xf32>
      tpu.vector_store %arg9[%swap3A_1506, %swap3A_1507], %get3A_1505 {strides = array<i32>} : memref<16x4096xf32, #tpu.memory_space<vmem>>, vector<1x4096xf32>,
      %slice3A_1509 = vector.extract_strided_slice %broadcast_in_dim3A_1498 {offsets = [1, 0], sizes = [1, 1], strides = [1, 1]} : vector<16x1xi32> to vector<1x1xi32>
      %squeeze3A_1510 = vector.extract %slice3A_1509[0, 0] : i32 from vector<1x1xi32>
      %get3A_1511 = arith.index_cast %squeeze3A_1510 : i32 to index
      %get3A_1512 = arith.constant 1 : index
      %get3A_1513 = arith.constant 0 : index
      %get3A_1514 = vector.load %arg7[%get3A_1511, %get3A_1512, %get3A_1513] : memref<15x16x4096xf32, #tpu.memory_space<vmem>>, vector<1x1x4096xf32>
      %get3A_1515 = vector.shape_cast %get3A_1514 : vector<1x1x4096xf32> to vector<1x4096xf32>
      %swap3A_1516 = arith.constant 1 : index
      %swap3A_1517 = arith.constant 0 : index
      %swap3A_1518 = vector.load %arg9[%swap3A_1516, %swap3A_1517] : memref<16x4096xf32, #tpu.memory_space<vmem>>, vector<1x4096xf32>
      tpu.vector_store %arg9[%swap3A_1516, %swap3A_1517], %get3A_1515 {strides = array<i32>} : memref<16x4096xf32, #tpu.memory_space<vmem>>, vector<1x4096xf32>,
      %slice3A_1519 = vector.extract_strided_slice %broadcast_in_dim3A_1498 {offsets = [2, 0], sizes = [1, 1], strides = [1, 1]} : vector<16x1xi32> to vector<1x1xi32>
      %squeeze3A_1520 = vector.extract %slice3A_1519[0, 0] : i32 from vector<1x1xi32>
      %get3A_1521 = arith.index_cast %squeeze3A_1520 : i32 to index
      %get3A_1522 = arith.constant 2 : index
      %get3A_1523 = arith.constant 0 : index
      %get3A_1524 = vector.load %arg7[%get3A_1521, %get3A_1522, %get3A_1523] : memref<15x16x4096xf32, #tpu.memory_space<vmem>>, vector<1x1x4096xf32>
      %get3A_1525 = vector.shape_cast %get3A_1524 : vector<1x1x4096xf32> to vector<1x4096xf32>
      %swap3A_1526 = arith.constant 2 : index
      %swap3A_1527 = arith.constant 0 : index
      %swap3A_1528 = vector.load %arg9[%swap3A_1526, %swap3A_1527] : memref<16x4096xf32, #tpu.memory_space<vmem>>, vector<1x4096xf32>
      tpu.vector_store %arg9[%swap3A_1526, %swap3A_1527], %get3A_1525 {strides = array<i32>} : memref<16x4096xf32, #tpu.memory_space<vmem>>, vector<1x4096xf32>,
      %slice3A_1529 = vector.extract_strided_slice %broadcast_in_dim3A_1498 {offsets = [3, 0], sizes = [1, 1], strides = [1, 1]} : vector<16x1xi32> to vector<1x1xi32>
      %squeeze3A_1530 = vector.extract %slice3A_1529[0, 0] : i32 from vector<1x1xi32>
      %get3A_1531 = arith.index_cast %squeeze3A_1530 : i32 to index
      %get3A_1532 = arith.constant 3 : index
      %get3A_1533 = arith.constant 0 : index
      %get3A_1534 = vector.load %arg7[%get3A_1531, %get3A_1532, %get3A_1533] : memref<15x16x4096xf32, #tpu.memory_space<vmem>>, vector<1x1x4096xf32>
      %get3A_1535 = vector.shape_cast %get3A_1534 : vector<1x1x4096xf32> to vector<1x4096xf32>
      %swap3A_1536 = arith.constant 3 : index
      %swap3A_1537 = arith.constant 0 : index
      %swap3A_1538 = vector.load %arg9[%swap3A_1536, %swap3A_1537] : memref<16x4096xf32, #tpu.memory_space<vmem>>, vector<1x4096xf32>
      tpu.vector_store %arg9[%swap3A_1536, %swap3A_1537], %get3A_1535 {strides = array<i32>} : memref<16x4096xf32, #tpu.memory_space<vmem>>, vector<1x4096xf32>,
      %slice3A_1539 = vector.extract_strided_slice %broadcast_in_dim3A_1498 {offsets = [4, 0], sizes = [1, 1], strides = [1, 1]} : vector<16x1xi32> to vector<1x1xi32>
      %squeeze3A_1540 = vector.extract %slice3A_1539[0, 0] : i32 from vector<1x1xi32>
      %get3A_1541 = arith.index_cast %squeeze3A_1540 : i32 to index
      %get3A_1542 = arith.constant 4 : index
      %get3A_1543 = arith.constant 0 : index
      %get3A_1544 = vector.load %arg7[%get3A_1541, %get3A_1542, %get3A_1543] : memref<15x16x4096xf32, #tpu.memory_space<vmem>>, vector<1x1x4096xf32>
      %get3A_1545 = vector.shape_cast %get3A_1544 : vector<1x1x4096xf32> to vector<1x4096xf32>
      %swap3A_1546 = arith.constant 4 : index
      %swap3A_1547 = arith.constant 0 : index
      %swap3A_1548 = vector.load %arg9[%swap3A_1546, %swap3A_1547] : memref<16x4096xf32, #tpu.memory_space<vmem>>, vector<1x4096xf32>
      tpu.vector_store %arg9[%swap3A_1546, %swap3A_1547], %get3A_1545 {strides = array<i32>} : memref<16x4096xf32, #tpu.memory_space<vmem>>, vector<1x4096xf32>,
      %slice3A_1549 = vector.extract_strided_slice %broadcast_in_dim3A_1498 {offsets = [5, 0], sizes = [1, 1], strides = [1, 1]} : vector<16x1xi32> to vector<1x1xi32>
      %squeeze3A_1550 = vector.extract %slice3A_1549[0, 0] : i32 from vector<1x1xi32>
      %get3A_1551 = arith.index_cast %squeeze3A_1550 : i32 to index
      %get3A_1552 = arith.constant 5 : index
      %get3A_1553 = arith.constant 0 : index
      %get3A_1554 = vector.load %arg7[%get3A_1551, %get3A_1552, %get3A_1553] : memref<15x16x4096xf32, #tpu.memory_space<vmem>>, vector<1x1x4096xf32>
      %get3A_1555 = vector.shape_cast %get3A_1554 : vector<1x1x4096xf32> to vector<1x4096xf32>
      %swap3A_1556 = arith.constant 5 : index
      %swap3A_1557 = arith.constant 0 : index
      %swap3A_1558 = vector.load %arg9[%swap3A_1556, %swap3A_1557] : memref<16x4096xf32, #tpu.memory_space<vmem>>, vector<1x4096xf32>
      tpu.vector_store %arg9[%swap3A_1556, %swap3A_1557], %get3A_1555 {strides = array<i32>} : memref<16x4096xf32, #tpu.memory_space<vmem>>, vector<1x4096xf32>,
      %slice3A_1559 = vector.extract_strided_slice %broadcast_in_dim3A_1498 {offsets = [6, 0], sizes = [1, 1], strides = [1, 1]} : vector<16x1xi32> to vector<1x1xi32>
      %squeeze3A_1560 = vector.extract %slice3A_1559[0, 0] : i32 from vector<1x1xi32>
      %get3A_1561 = arith.index_cast %squeeze3A_1560 : i32 to index
      %get3A_1562 = arith.constant 6 : index
      %get3A_1563 = arith.constant 0 : index
      %get3A_1564 = vector.load %arg7[%get3A_1561, %get3A_1562, %get3A_1563] : memref<15x16x4096xf32, #tpu.memory_space<vmem>>, vector<1x1x4096xf32>
      %get3A_1565 = vector.shape_cast %get3A_1564 : vector<1x1x4096xf32> to vector<1x4096xf32>
      %swap3A_1566 = arith.constant 6 : index
      %swap3A_1567 = arith.constant 0 : index
      %swap3A_1568 = vector.load %arg9[%swap3A_1566, %swap3A_1567] : memref<16x4096xf32, #tpu.memory_space<vmem>>, vector<1x4096xf32>
      tpu.vector_store %arg9[%swap3A_1566, %swap3A_1567], %get3A_1565 {strides = array<i32>} : memref<16x4096xf32, #tpu.memory_space<vmem>>, vector<1x4096xf32>,
      %slice3A_1569 = vector.extract_strided_slice %broadcast_in_dim3A_1498 {offsets = [7, 0], sizes = [1, 1], strides = [1, 1]} : vector<16x1xi32> to vector<1x1xi32>
      %squeeze3A_1570 = vector.extract %slice3A_1569[0, 0] : i32 from vector<1x1xi32>
      %get3A_1571 = arith.index_cast %squeeze3A_1570 : i32 to index
      %get3A_1572 = arith.constant 7 : index
      %get3A_1573 = arith.constant 0 : index
      %get3A_1574 = vector.load %arg7[%get3A_1571, %get3A_1572, %get3A_1573] : memref<15x16x4096xf32, #tpu.memory_space<vmem>>, vector<1x1x4096xf32>
      %get3A_1575 = vector.shape_cast %get3A_1574 : vector<1x1x4096xf32> to vector<1x4096xf32>
      %swap3A_1576 = arith.constant 7 : index
      %swap3A_1577 = arith.constant 0 : index
      %swap3A_1578 = vector.load %arg9[%swap3A_1576, %swap3A_1577] : memref<16x4096xf32, #tpu.memory_space<vmem>>, vector<1x4096xf32>
      tpu.vector_store %arg9[%swap3A_1576, %swap3A_1577], %get3A_1575 {strides = array<i32>} : memref<16x4096xf32, #tpu.memory_space<vmem>>, vector<1x4096xf32>,
      %slice3A_1579 = vector.extract_strided_slice %broadcast_in_dim3A_1498 {offsets = [8, 0], sizes = [1, 1], strides = [1, 1]} : vector<16x1xi32> to vector<1x1xi32>
      %squeeze3A_1580 = vector.extract %slice3A_1579[0, 0] : i32 from vector<1x1xi32>
      %get3A_1581 = arith.index_cast %squeeze3A_1580 : i32 to index
      %get3A_1582 = arith.constant 8 : index
      %get3A_1583 = arith.constant 0 : index
      %get3A_1584 = vector.load %arg7[%get3A_1581, %get3A_1582, %get3A_1583] : memref<15x16x4096xf32, #tpu.memory_space<vmem>>, vector<1x1x4096xf32>
      %get3A_1585 = vector.shape_cast %get3A_1584 : vector<1x1x4096xf32> to vector<1x4096xf32>
      %swap3A_1586 = arith.constant 8 : index
      %swap3A_1587 = arith.constant 0 : index
      %swap3A_1588 = vector.load %arg9[%swap3A_1586, %swap3A_1587] : memref<16x4096xf32, #tpu.memory_space<vmem>>, vector<1x4096xf32>
      tpu.vector_store %arg9[%swap3A_1586, %swap3A_1587], %get3A_1585 {strides = array<i32>} : memref<16x4096xf32, #tpu.memory_space<vmem>>, vector<1x4096xf32>,
      %slice3A_1589 = vector.extract_strided_slice %broadcast_in_dim3A_1498 {offsets = [9, 0], sizes = [1, 1], strides = [1, 1]} : vector<16x1xi32> to vector<1x1xi32>
      %squeeze3A_1590 = vector.extract %slice3A_1589[0, 0] : i32 from vector<1x1xi32>
      %get3A_1591 = arith.index_cast %squeeze3A_1590 : i32 to index
      %get3A_1592 = arith.constant 9 : index
      %get3A_1593 = arith.constant 0 : index
      %get3A_1594 = vector.load %arg7[%get3A_1591, %get3A_1592, %get3A_1593] : memref<15x16x4096xf32, #tpu.memory_space<vmem>>, vector<1x1x4096xf32>
      %get3A_1595 = vector.shape_cast %get3A_1594 : vector<1x1x4096xf32> to vector<1x4096xf32>
      %swap3A_1596 = arith.constant 9 : index
      %swap3A_1597 = arith.constant 0 : index
      %swap3A_1598 = vector.load %arg9[%swap3A_1596, %swap3A_1597] : memref<16x4096xf32, #tpu.memory_space<vmem>>, vector<1x4096xf32>
      tpu.vector_store %arg9[%swap3A_1596, %swap3A_1597], %get3A_1595 {strides = array<i32>} : memref<16x4096xf32, #tpu.memory_space<vmem>>, vector<1x4096xf32>,
      %slice3A_1599 = vector.extract_strided_slice %broadcast_in_dim3A_1498 {offsets = [10, 0], sizes = [1, 1], strides = [1, 1]} : vector<16x1xi32> to vector<1x1xi32>
      %squeeze3A_1600 = vector.extract %slice3A_1599[0, 0] : i32 from vector<1x1xi32>
      %get3A_1601 = arith.index_cast %squeeze3A_1600 : i32 to index
      %get3A_1602 = arith.constant 10 : index
      %get3A_1603 = arith.constant 0 : index
      %get3A_1604 = vector.load %arg7[%get3A_1601, %get3A_1602, %get3A_1603] : memref<15x16x4096xf32, #tpu.memory_space<vmem>>, vector<1x1x4096xf32>
      %get3A_1605 = vector.shape_cast %get3A_1604 : vector<1x1x4096xf32> to vector<1x4096xf32>
      %swap3A_1606 = arith.constant 10 : index
      %swap3A_1607 = arith.constant 0 : index
      %swap3A_1608 = vector.load %arg9[%swap3A_1606, %swap3A_1607] : memref<16x4096xf32, #tpu.memory_space<vmem>>, vector<1x4096xf32>
      tpu.vector_store %arg9[%swap3A_1606, %swap3A_1607], %get3A_1605 {strides = array<i32>} : memref<16x4096xf32, #tpu.memory_space<vmem>>, vector<1x4096xf32>,
      %slice3A_1609 = vector.extract_strided_slice %broadcast_in_dim3A_1498 {offsets = [11, 0], sizes = [1, 1], strides = [1, 1]} : vector<16x1xi32> to vector<1x1xi32>
      %squeeze3A_1610 = vector.extract %slice3A_1609[0, 0] : i32 from vector<1x1xi32>
      %get3A_1611 = arith.index_cast %squeeze3A_1610 : i32 to index
      %get3A_1612 = arith.constant 11 : index
      %get3A_1613 = arith.constant 0 : index
      %get3A_1614 = vector.load %arg7[%get3A_1611, %get3A_1612, %get3A_1613] : memref<15x16x4096xf32, #tpu.memory_space<vmem>>, vector<1x1x4096xf32>
      %get3A_1615 = vector.shape_cast %get3A_1614 : vector<1x1x4096xf32> to vector<1x4096xf32>
      %swap3A_1616 = arith.constant 11 : index
      %swap3A_1617 = arith.constant 0 : index
      %swap3A_1618 = vector.load %arg9[%swap3A_1616, %swap3A_1617] : memref<16x4096xf32, #tpu.memory_space<vmem>>, vector<1x4096xf32>
      tpu.vector_store %arg9[%swap3A_1616, %swap3A_1617], %get3A_1615 {strides = array<i32>} : memref<16x4096xf32, #tpu.memory_space<vmem>>, vector<1x4096xf32>,
      %slice3A_1619 = vector.extract_strided_slice %broadcast_in_dim3A_1498 {offsets = [12, 0], sizes = [1, 1], strides = [1, 1]} : vector<16x1xi32> to vector<1x1xi32>
      %squeeze3A_1620 = vector.extract %slice3A_1619[0, 0] : i32 from vector<1x1xi32>
      %get3A_1621 = arith.index_cast %squeeze3A_1620 : i32 to index
      %get3A_1622 = arith.constant 12 : index
      %get3A_1623 = arith.constant 0 : index
      %get3A_1624 = vector.load %arg7[%get3A_1621, %get3A_1622, %get3A_1623] : memref<15x16x4096xf32, #tpu.memory_space<vmem>>, vector<1x1x4096xf32>
      %get3A_1625 = vector.shape_cast %get3A_1624 : vector<1x1x4096xf32> to vector<1x4096xf32>
      %swap3A_1626 = arith.constant 12 : index
      %swap3A_1627 = arith.constant 0 : index
      %swap3A_1628 = vector.load %arg9[%swap3A_1626, %swap3A_1627] : memref<16x4096xf32, #tpu.memory_space<vmem>>, vector<1x4096xf32>
      tpu.vector_store %arg9[%swap3A_1626, %swap3A_1627], %get3A_1625 {strides = array<i32>} : memref<16x4096xf32, #tpu.memory_space<vmem>>, vector<1x4096xf32>,
      %slice3A_1629 = vector.extract_strided_slice %broadcast_in_dim3A_1498 {offsets = [13, 0], sizes = [1, 1], strides = [1, 1]} : vector<16x1xi32> to vector<1x1xi32>
      %squeeze3A_1630 = vector.extract %slice3A_1629[0, 0] : i32 from vector<1x1xi32>
      %get3A_1631 = arith.index_cast %squeeze3A_1630 : i32 to index
      %get3A_1632 = arith.constant 13 : index
      %get3A_1633 = arith.constant 0 : index
      %get3A_1634 = vector.load %arg7[%get3A_1631, %get3A_1632, %get3A_1633] : memref<15x16x4096xf32, #tpu.memory_space<vmem>>, vector<1x1x4096xf32>
      %get3A_1635 = vector.shape_cast %get3A_1634 : vector<1x1x4096xf32> to vector<1x4096xf32>
      %swap3A_1636 = arith.constant 13 : index
      %swap3A_1637 = arith.constant 0 : index
      %swap3A_1638 = vector.load %arg9[%swap3A_1636, %swap3A_1637] : memref<16x4096xf32, #tpu.memory_space<vmem>>, vector<1x4096xf32>
      tpu.vector_store %arg9[%swap3A_1636, %swap3A_1637], %get3A_1635 {strides = array<i32>} : memref<16x4096xf32, #tpu.memory_space<vmem>>, vector<1x4096xf32>,
      %slice3A_1639 = vector.extract_strided_slice %broadcast_in_dim3A_1498 {offsets = [14, 0], sizes = [1, 1], strides = [1, 1]} : vector<16x1xi32> to vector<1x1xi32>
      %squeeze3A_1640 = vector.extract %slice3A_1639[0, 0] : i32 from vector<1x1xi32>
      %get3A_1641 = arith.index_cast %squeeze3A_1640 : i32 to index
      %get3A_1642 = arith.constant 14 : index
      %get3A_1643 = arith.constant 0 : index
      %get3A_1644 = vector.load %arg7[%get3A_1641, %get3A_1642, %get3A_1643] : memref<15x16x4096xf32, #tpu.memory_space<vmem>>, vector<1x1x4096xf32>
      %get3A_1645 = vector.shape_cast %get3A_1644 : vector<1x1x4096xf32> to vector<1x4096xf32>
      %swap3A_1646 = arith.constant 14 : index
      %swap3A_1647 = arith.constant 0 : index
      %swap3A_1648 = vector.load %arg9[%swap3A_1646, %swap3A_1647] : memref<16x4096xf32, #tpu.memory_space<vmem>>, vector<1x4096xf32>
      tpu.vector_store %arg9[%swap3A_1646, %swap3A_1647], %get3A_1645 {strides = array<i32>} : memref<16x4096xf32, #tpu.memory_space<vmem>>, vector<1x4096xf32>,
      %slice3A_1649 = vector.extract_strided_slice %broadcast_in_dim3A_1498 {offsets = [15, 0], sizes = [1, 1], strides = [1, 1]} : vector<16x1xi32> to vector<1x1xi32>
      %squeeze3A_1650 = vector.extract %slice3A_1649[0, 0] : i32 from vector<1x1xi32>
      %get3A_1651 = arith.index_cast %squeeze3A_1650 : i32 to index
      %get3A_1652 = arith.constant 15 : index
      %get3A_1653 = arith.constant 0 : index
      %get3A_1654 = vector.load %arg7[%get3A_1651, %get3A_1652, %get3A_1653] : memref<15x16x4096xf32, #tpu.memory_space<vmem>>, vector<1x1x4096xf32>
      %get3A_1655 = vector.shape_cast %get3A_1654 : vector<1x1x4096xf32> to vector<1x4096xf32>
      %swap3A_1656 = arith.constant 15 : index
      %swap3A_1657 = arith.constant 0 : index
      %swap3A_1658 = vector.load %arg9[%swap3A_1656, %swap3A_1657] : memref<16x4096xf32, #tpu.memory_space<vmem>>, vector<1x4096xf32>
      tpu.vector_store %arg9[%swap3A_1656, %swap3A_1657], %get3A_1655 {strides = array<i32>} : memref<16x4096xf32, #tpu.memory_space<vmem>>, vector<1x4096xf32>,
      %get3A_1659 = arith.constant 0 : index
      %get3A_1660 = arith.constant 0 : index
      %get3A_1661 = vector.load %arg9[%get3A_1659, %get3A_1660] : memref<16x4096xf32, #tpu.memory_space<vmem>>, vector<16x4096xf32>
      %add3A_1662 = arith.constant 40960 : i32
      %add3A_1663 = vector.broadcast %add3A_1662 : i32 to vector<16x4096xi32>
      %add3A_1664 = arith.addi %iota3A_402, %add3A_1663 : vector<16x4096xi32>
      %mul3A_1665 = arith.constant 4096 : i32
      %mul3A_1666 = vector.broadcast %mul3A_1665 : i32 to vector<16x1xi32>
      %mul3A_1667 = arith.muli %broadcast_in_dim3A_1498, %mul3A_1666 : vector<16x1xi32>
      %add3A_1668 = vector.broadcast %mul3A_1667 : vector<16x1xi32> to vector<16x4096xi32>
      %add3A_1669 = arith.addi %add3A_1664, %add3A_1668 : vector<16x4096xi32>
      %lt3A_1670 = vector.broadcast %broadcast_in_dim3A_1272 : vector<16x1xf32> to vector<16x4096xf32>
      %lt3A_1671 = arith.cmpf olt, %get3A_1661, %lt3A_1670 : vector<16x4096xf32>
      %eq3A_1672 = vector.broadcast %broadcast_in_dim3A_1272 : vector<16x1xf32> to vector<16x4096xf32>
      %eq3A_1673 = arith.cmpf oeq, %get3A_1661, %eq3A_1672 : vector<16x4096xf32>
      %gt3A_1674 = vector.broadcast %broadcast_in_dim3A_1468 : vector<16x1xi32> to vector<16x4096xi32>
      %gt3A_1675 = arith.cmpi sgt, %add3A_1669, %gt3A_1674 : vector<16x4096xi32>
      %and3A_1676 = arith.andi %eq3A_1673, %gt3A_1675 : vector<16x4096xi1>
      %or3A_1677 = arith.ori %lt3A_1671, %and3A_1676 : vector<16x4096xi1>
      %eq3A_1678 = vector.broadcast %broadcast_in_dim3A_1490 : vector<16x1xf32> to vector<16x4096xf32>
      %eq3A_1679 = arith.cmpf oeq, %get3A_1661, %eq3A_1678 : vector<16x4096xf32>
      %and3A_1680 = arith.andi %eq3A_1679, %or3A_1677 : vector<16x4096xi1>
      %jit3A_1681 = arith.constant 1073741824 : i32
      %broadcast_in_dim3A_1682 = vector.broadcast %jit3A_1681 : i32 to vector<16x4096xi32>
      %select_n3A_1683 = arith.select %and3A_1680, %add3A_1669, %broadcast_in_dim3A_1682 : vector<16x4096xi1>, vector<16x4096xi32>
      %reduce_min3A_1684 = arith.constant dense<2147483647> : vector<16xi32>
      %reduce_min3A_1685 = vector.multi_reduction <minsi>, %select_n3A_1683, %reduce_min3A_1684 [1] : vector<16x4096xi32> to vector<16xi32>
      %broadcast_in_dim3A_1686 = vector.shape_cast %reduce_min3A_1685 : vector<16xi32> to vector<16x1xi32>
      %lt3A_1687 = vector.broadcast %broadcast_in_dim3A_1490 : vector<16x1xf32> to vector<16x4096xf32>
      %lt3A_1688 = arith.cmpf olt, %get3A_1661, %lt3A_1687 : vector<16x4096xf32>
      %eq3A_1689 = vector.broadcast %broadcast_in_dim3A_1490 : vector<16x1xf32> to vector<16x4096xf32>
      %eq3A_1690 = arith.cmpf oeq, %get3A_1661, %eq3A_1689 : vector<16x4096xf32>
      %gt3A_1691 = vector.broadcast %broadcast_in_dim3A_1686 : vector<16x1xi32> to vector<16x4096xi32>
      %gt3A_1692 = arith.cmpi sgt, %add3A_1669, %gt3A_1691 : vector<16x4096xi32>
      %and3A_1693 = arith.andi %eq3A_1690, %gt3A_1692 : vector<16x4096xi1>
      %or3A_1694 = arith.ori %lt3A_1688, %and3A_1693 : vector<16x4096xi1>
      %jit3A_1695 = arith.constant 0xFF800000 : f32
      %broadcast_in_dim3A_1696 = vector.broadcast %jit3A_1695 : f32 to vector<16x4096xf32>
      %select_n3A_1697 = arith.select %or3A_1694, %get3A_1661, %broadcast_in_dim3A_1696 : vector<16x4096xi1>, vector<16x4096xf32>
      %reduce_max3A_1698 = arith.constant dense<0xFF800000> : vector<16xf32>
      %reduce_max3A_1699 = vector.multi_reduction <maximumf>, %select_n3A_1697, %reduce_max3A_1698 [1] : vector<16x4096xf32> to vector<16xf32>
      %broadcast_in_dim3A_1700 = vector.shape_cast %reduce_max3A_1699 : vector<16xf32> to vector<16x1xf32>
      %eq3A_1701 = vector.broadcast %broadcast_in_dim3A_1498 : vector<16x1xi32> to vector<16x64xi32>
      %eq3A_1702 = arith.cmpi eq, %iota3A_215, %eq3A_1701 : vector<16x64xi32>
      %broadcast_in_dim3A_1703 = vector.shape_cast %broadcast_in_dim3A_1700 : vector<16x1xf32> to vector<16x1xf32>
      %broadcast_in_dim3A_1704 = vector.broadcast %broadcast_in_dim3A_1703 : vector<16x1xf32> to vector<16x64xf32>
      %select_n3A_1705 = arith.select %eq3A_1702, %broadcast_in_dim3A_1704, %select_n3A_1487 : vector<16x64xi1>, vector<16x64xf32>
      %reduce_max3A_1706 = arith.constant dense<0xFF800000> : vector<16xf32>
      %reduce_max3A_1707 = vector.multi_reduction <maximumf>, %select_n3A_1705, %reduce_max3A_1706 [1] : vector<16x64xf32> to vector<16xf32>
      %broadcast_in_dim3A_1708 = vector.shape_cast %reduce_max3A_1707 : vector<16xf32> to vector<16x1xf32>
      %eq3A_1709 = vector.broadcast %broadcast_in_dim3A_1708 : vector<16x1xf32> to vector<16x64xf32>
      %eq3A_1710 = arith.cmpf oeq, %select_n3A_1705, %eq3A_1709 : vector<16x64xf32>
      %jit3A_1711 = arith.constant 1073741824 : i32
      %broadcast_in_dim3A_1712 = vector.broadcast %jit3A_1711 : i32 to vector<16x64xi32>
      %select_n3A_1713 = arith.select %eq3A_1710, %iota3A_215, %broadcast_in_dim3A_1712 : vector<16x64xi1>, vector<16x64xi32>
      %reduce_min3A_1714 = arith.constant dense<2147483647> : vector<16xi32>
      %reduce_min3A_1715 = vector.multi_reduction <minsi>, %select_n3A_1713, %reduce_min3A_1714 [1] : vector<16x64xi32> to vector<16xi32>
      %broadcast_in_dim3A_1716 = vector.shape_cast %reduce_min3A_1715 : vector<16xi32> to vector<16x1xi32>
      %slice3A_1717 = vector.extract_strided_slice %broadcast_in_dim3A_1716 {offsets = [0, 0], sizes = [1, 1], strides = [1, 1]} : vector<16x1xi32> to vector<1x1xi32>
      %squeeze3A_1718 = vector.extract %slice3A_1717[0, 0] : i32 from vector<1x1xi32>
      %get3A_1719 = arith.index_cast %squeeze3A_1718 : i32 to index
      %get3A_1720 = arith.constant 0 : index
      %get3A_1721 = arith.constant 0 : index
      %get3A_1722 = vector.load %arg7[%get3A_1719, %get3A_1720, %get3A_1721] : memref<15x16x4096xf32, #tpu.memory_space<vmem>>, vector<1x1x4096xf32>
      %get3A_1723 = vector.shape_cast %get3A_1722 : vector<1x1x4096xf32> to vector<1x4096xf32>
      %swap3A_1724 = arith.constant 0 : index
      %swap3A_1725 = arith.constant 0 : index
      %swap3A_1726 = vector.load %arg9[%swap3A_1724, %swap3A_1725] : memref<16x4096xf32, #tpu.memory_space<vmem>>, vector<1x4096xf32>
      tpu.vector_store %arg9[%swap3A_1724, %swap3A_1725], %get3A_1723 {strides = array<i32>} : memref<16x4096xf32, #tpu.memory_space<vmem>>, vector<1x4096xf32>,
      %slice3A_1727 = vector.extract_strided_slice %broadcast_in_dim3A_1716 {offsets = [1, 0], sizes = [1, 1], strides = [1, 1]} : vector<16x1xi32> to vector<1x1xi32>
      %squeeze3A_1728 = vector.extract %slice3A_1727[0, 0] : i32 from vector<1x1xi32>
      %get3A_1729 = arith.index_cast %squeeze3A_1728 : i32 to index
      %get3A_1730 = arith.constant 1 : index
      %get3A_1731 = arith.constant 0 : index
      %get3A_1732 = vector.load %arg7[%get3A_1729, %get3A_1730, %get3A_1731] : memref<15x16x4096xf32, #tpu.memory_space<vmem>>, vector<1x1x4096xf32>
      %get3A_1733 = vector.shape_cast %get3A_1732 : vector<1x1x4096xf32> to vector<1x4096xf32>
      %swap3A_1734 = arith.constant 1 : index
      %swap3A_1735 = arith.constant 0 : index
      %swap3A_1736 = vector.load %arg9[%swap3A_1734, %swap3A_1735] : memref<16x4096xf32, #tpu.memory_space<vmem>>, vector<1x4096xf32>
      tpu.vector_store %arg9[%swap3A_1734, %swap3A_1735], %get3A_1733 {strides = array<i32>} : memref<16x4096xf32, #tpu.memory_space<vmem>>, vector<1x4096xf32>,
      %slice3A_1737 = vector.extract_strided_slice %broadcast_in_dim3A_1716 {offsets = [2, 0], sizes = [1, 1], strides = [1, 1]} : vector<16x1xi32> to vector<1x1xi32>
      %squeeze3A_1738 = vector.extract %slice3A_1737[0, 0] : i32 from vector<1x1xi32>
      %get3A_1739 = arith.index_cast %squeeze3A_1738 : i32 to index
      %get3A_1740 = arith.constant 2 : index
      %get3A_1741 = arith.constant 0 : index
      %get3A_1742 = vector.load %arg7[%get3A_1739, %get3A_1740, %get3A_1741] : memref<15x16x4096xf32, #tpu.memory_space<vmem>>, vector<1x1x4096xf32>
      %get3A_1743 = vector.shape_cast %get3A_1742 : vector<1x1x4096xf32> to vector<1x4096xf32>
      %swap3A_1744 = arith.constant 2 : index
      %swap3A_1745 = arith.constant 0 : index
      %swap3A_1746 = vector.load %arg9[%swap3A_1744, %swap3A_1745] : memref<16x4096xf32, #tpu.memory_space<vmem>>, vector<1x4096xf32>
      tpu.vector_store %arg9[%swap3A_1744, %swap3A_1745], %get3A_1743 {strides = array<i32>} : memref<16x4096xf32, #tpu.memory_space<vmem>>, vector<1x4096xf32>,
      %slice3A_1747 = vector.extract_strided_slice %broadcast_in_dim3A_1716 {offsets = [3, 0], sizes = [1, 1], strides = [1, 1]} : vector<16x1xi32> to vector<1x1xi32>
      %squeeze3A_1748 = vector.extract %slice3A_1747[0, 0] : i32 from vector<1x1xi32>
      %get3A_1749 = arith.index_cast %squeeze3A_1748 : i32 to index
      %get3A_1750 = arith.constant 3 : index
      %get3A_1751 = arith.constant 0 : index
      %get3A_1752 = vector.load %arg7[%get3A_1749, %get3A_1750, %get3A_1751] : memref<15x16x4096xf32, #tpu.memory_space<vmem>>, vector<1x1x4096xf32>
      %get3A_1753 = vector.shape_cast %get3A_1752 : vector<1x1x4096xf32> to vector<1x4096xf32>
      %swap3A_1754 = arith.constant 3 : index
      %swap3A_1755 = arith.constant 0 : index
      %swap3A_1756 = vector.load %arg9[%swap3A_1754, %swap3A_1755] : memref<16x4096xf32, #tpu.memory_space<vmem>>, vector<1x4096xf32>
      tpu.vector_store %arg9[%swap3A_1754, %swap3A_1755], %get3A_1753 {strides = array<i32>} : memref<16x4096xf32, #tpu.memory_space<vmem>>, vector<1x4096xf32>,
      %slice3A_1757 = vector.extract_strided_slice %broadcast_in_dim3A_1716 {offsets = [4, 0], sizes = [1, 1], strides = [1, 1]} : vector<16x1xi32> to vector<1x1xi32>
      %squeeze3A_1758 = vector.extract %slice3A_1757[0, 0] : i32 from vector<1x1xi32>
      %get3A_1759 = arith.index_cast %squeeze3A_1758 : i32 to index
      %get3A_1760 = arith.constant 4 : index
      %get3A_1761 = arith.constant 0 : index
      %get3A_1762 = vector.load %arg7[%get3A_1759, %get3A_1760, %get3A_1761] : memref<15x16x4096xf32, #tpu.memory_space<vmem>>, vector<1x1x4096xf32>
      %get3A_1763 = vector.shape_cast %get3A_1762 : vector<1x1x4096xf32> to vector<1x4096xf32>
      %swap3A_1764 = arith.constant 4 : index
      %swap3A_1765 = arith.constant 0 : index
      %swap3A_1766 = vector.load %arg9[%swap3A_1764, %swap3A_1765] : memref<16x4096xf32, #tpu.memory_space<vmem>>, vector<1x4096xf32>
      tpu.vector_store %arg9[%swap3A_1764, %swap3A_1765], %get3A_1763 {strides = array<i32>} : memref<16x4096xf32, #tpu.memory_space<vmem>>, vector<1x4096xf32>,
      %slice3A_1767 = vector.extract_strided_slice %broadcast_in_dim3A_1716 {offsets = [5, 0], sizes = [1, 1], strides = [1, 1]} : vector<16x1xi32> to vector<1x1xi32>
      %squeeze3A_1768 = vector.extract %slice3A_1767[0, 0] : i32 from vector<1x1xi32>
      %get3A_1769 = arith.index_cast %squeeze3A_1768 : i32 to index
      %get3A_1770 = arith.constant 5 : index
      %get3A_1771 = arith.constant 0 : index
      %get3A_1772 = vector.load %arg7[%get3A_1769, %get3A_1770, %get3A_1771] : memref<15x16x4096xf32, #tpu.memory_space<vmem>>, vector<1x1x4096xf32>
      %get3A_1773 = vector.shape_cast %get3A_1772 : vector<1x1x4096xf32> to vector<1x4096xf32>
      %swap3A_1774 = arith.constant 5 : index
      %swap3A_1775 = arith.constant 0 : index
      %swap3A_1776 = vector.load %arg9[%swap3A_1774, %swap3A_1775] : memref<16x4096xf32, #tpu.memory_space<vmem>>, vector<1x4096xf32>
      tpu.vector_store %arg9[%swap3A_1774, %swap3A_1775], %get3A_1773 {strides = array<i32>} : memref<16x4096xf32, #tpu.memory_space<vmem>>, vector<1x4096xf32>,
      %slice3A_1777 = vector.extract_strided_slice %broadcast_in_dim3A_1716 {offsets = [6, 0], sizes = [1, 1], strides = [1, 1]} : vector<16x1xi32> to vector<1x1xi32>
      %squeeze3A_1778 = vector.extract %slice3A_1777[0, 0] : i32 from vector<1x1xi32>
      %get3A_1779 = arith.index_cast %squeeze3A_1778 : i32 to index
      %get3A_1780 = arith.constant 6 : index
      %get3A_1781 = arith.constant 0 : index
      %get3A_1782 = vector.load %arg7[%get3A_1779, %get3A_1780, %get3A_1781] : memref<15x16x4096xf32, #tpu.memory_space<vmem>>, vector<1x1x4096xf32>
      %get3A_1783 = vector.shape_cast %get3A_1782 : vector<1x1x4096xf32> to vector<1x4096xf32>
      %swap3A_1784 = arith.constant 6 : index
      %swap3A_1785 = arith.constant 0 : index
      %swap3A_1786 = vector.load %arg9[%swap3A_1784, %swap3A_1785] : memref<16x4096xf32, #tpu.memory_space<vmem>>, vector<1x4096xf32>
      tpu.vector_store %arg9[%swap3A_1784, %swap3A_1785], %get3A_1783 {strides = array<i32>} : memref<16x4096xf32, #tpu.memory_space<vmem>>, vector<1x4096xf32>,
      %slice3A_1787 = vector.extract_strided_slice %broadcast_in_dim3A_1716 {offsets = [7, 0], sizes = [1, 1], strides = [1, 1]} : vector<16x1xi32> to vector<1x1xi32>
      %squeeze3A_1788 = vector.extract %slice3A_1787[0, 0] : i32 from vector<1x1xi32>
      %get3A_1789 = arith.index_cast %squeeze3A_1788 : i32 to index
      %get3A_1790 = arith.constant 7 : index
      %get3A_1791 = arith.constant 0 : index
      %get3A_1792 = vector.load %arg7[%get3A_1789, %get3A_1790, %get3A_1791] : memref<15x16x4096xf32, #tpu.memory_space<vmem>>, vector<1x1x4096xf32>
      %get3A_1793 = vector.shape_cast %get3A_1792 : vector<1x1x4096xf32> to vector<1x4096xf32>
      %swap3A_1794 = arith.constant 7 : index
      %swap3A_1795 = arith.constant 0 : index
      %swap3A_1796 = vector.load %arg9[%swap3A_1794, %swap3A_1795] : memref<16x4096xf32, #tpu.memory_space<vmem>>, vector<1x4096xf32>
      tpu.vector_store %arg9[%swap3A_1794, %swap3A_1795], %get3A_1793 {strides = array<i32>} : memref<16x4096xf32, #tpu.memory_space<vmem>>, vector<1x4096xf32>,
      %slice3A_1797 = vector.extract_strided_slice %broadcast_in_dim3A_1716 {offsets = [8, 0], sizes = [1, 1], strides = [1, 1]} : vector<16x1xi32> to vector<1x1xi32>
      %squeeze3A_1798 = vector.extract %slice3A_1797[0, 0] : i32 from vector<1x1xi32>
      %get3A_1799 = arith.index_cast %squeeze3A_1798 : i32 to index
      %get3A_1800 = arith.constant 8 : index
      %get3A_1801 = arith.constant 0 : index
      %get3A_1802 = vector.load %arg7[%get3A_1799, %get3A_1800, %get3A_1801] : memref<15x16x4096xf32, #tpu.memory_space<vmem>>, vector<1x1x4096xf32>
      %get3A_1803 = vector.shape_cast %get3A_1802 : vector<1x1x4096xf32> to vector<1x4096xf32>
      %swap3A_1804 = arith.constant 8 : index
      %swap3A_1805 = arith.constant 0 : index
      %swap3A_1806 = vector.load %arg9[%swap3A_1804, %swap3A_1805] : memref<16x4096xf32, #tpu.memory_space<vmem>>, vector<1x4096xf32>
      tpu.vector_store %arg9[%swap3A_1804, %swap3A_1805], %get3A_1803 {strides = array<i32>} : memref<16x4096xf32, #tpu.memory_space<vmem>>, vector<1x4096xf32>,
      %slice3A_1807 = vector.extract_strided_slice %broadcast_in_dim3A_1716 {offsets = [9, 0], sizes = [1, 1], strides = [1, 1]} : vector<16x1xi32> to vector<1x1xi32>
      %squeeze3A_1808 = vector.extract %slice3A_1807[0, 0] : i32 from vector<1x1xi32>
      %get3A_1809 = arith.index_cast %squeeze3A_1808 : i32 to index
      %get3A_1810 = arith.constant 9 : index
      %get3A_1811 = arith.constant 0 : index
      %get3A_1812 = vector.load %arg7[%get3A_1809, %get3A_1810, %get3A_1811] : memref<15x16x4096xf32, #tpu.memory_space<vmem>>, vector<1x1x4096xf32>
      %get3A_1813 = vector.shape_cast %get3A_1812 : vector<1x1x4096xf32> to vector<1x4096xf32>
      %swap3A_1814 = arith.constant 9 : index
      %swap3A_1815 = arith.constant 0 : index
      %swap3A_1816 = vector.load %arg9[%swap3A_1814, %swap3A_1815] : memref<16x4096xf32, #tpu.memory_space<vmem>>, vector<1x4096xf32>
      tpu.vector_store %arg9[%swap3A_1814, %swap3A_1815], %get3A_1813 {strides = array<i32>} : memref<16x4096xf32, #tpu.memory_space<vmem>>, vector<1x4096xf32>,
      %slice3A_1817 = vector.extract_strided_slice %broadcast_in_dim3A_1716 {offsets = [10, 0], sizes = [1, 1], strides = [1, 1]} : vector<16x1xi32> to vector<1x1xi32>
      %squeeze3A_1818 = vector.extract %slice3A_1817[0, 0] : i32 from vector<1x1xi32>
      %get3A_1819 = arith.index_cast %squeeze3A_1818 : i32 to index
      %get3A_1820 = arith.constant 10 : index
      %get3A_1821 = arith.constant 0 : index
      %get3A_1822 = vector.load %arg7[%get3A_1819, %get3A_1820, %get3A_1821] : memref<15x16x4096xf32, #tpu.memory_space<vmem>>, vector<1x1x4096xf32>
      %get3A_1823 = vector.shape_cast %get3A_1822 : vector<1x1x4096xf32> to vector<1x4096xf32>
      %swap3A_1824 = arith.constant 10 : index
      %swap3A_1825 = arith.constant 0 : index
      %swap3A_1826 = vector.load %arg9[%swap3A_1824, %swap3A_1825] : memref<16x4096xf32, #tpu.memory_space<vmem>>, vector<1x4096xf32>
      tpu.vector_store %arg9[%swap3A_1824, %swap3A_1825], %get3A_1823 {strides = array<i32>} : memref<16x4096xf32, #tpu.memory_space<vmem>>, vector<1x4096xf32>,
      %slice3A_1827 = vector.extract_strided_slice %broadcast_in_dim3A_1716 {offsets = [11, 0], sizes = [1, 1], strides = [1, 1]} : vector<16x1xi32> to vector<1x1xi32>
      %squeeze3A_1828 = vector.extract %slice3A_1827[0, 0] : i32 from vector<1x1xi32>
      %get3A_1829 = arith.index_cast %squeeze3A_1828 : i32 to index
      %get3A_1830 = arith.constant 11 : index
      %get3A_1831 = arith.constant 0 : index
      %get3A_1832 = vector.load %arg7[%get3A_1829, %get3A_1830, %get3A_1831] : memref<15x16x4096xf32, #tpu.memory_space<vmem>>, vector<1x1x4096xf32>
      %get3A_1833 = vector.shape_cast %get3A_1832 : vector<1x1x4096xf32> to vector<1x4096xf32>
      %swap3A_1834 = arith.constant 11 : index
      %swap3A_1835 = arith.constant 0 : index
      %swap3A_1836 = vector.load %arg9[%swap3A_1834, %swap3A_1835] : memref<16x4096xf32, #tpu.memory_space<vmem>>, vector<1x4096xf32>
      tpu.vector_store %arg9[%swap3A_1834, %swap3A_1835], %get3A_1833 {strides = array<i32>} : memref<16x4096xf32, #tpu.memory_space<vmem>>, vector<1x4096xf32>,
      %slice3A_1837 = vector.extract_strided_slice %broadcast_in_dim3A_1716 {offsets = [12, 0], sizes = [1, 1], strides = [1, 1]} : vector<16x1xi32> to vector<1x1xi32>
      %squeeze3A_1838 = vector.extract %slice3A_1837[0, 0] : i32 from vector<1x1xi32>
      %get3A_1839 = arith.index_cast %squeeze3A_1838 : i32 to index
      %get3A_1840 = arith.constant 12 : index
      %get3A_1841 = arith.constant 0 : index
      %get3A_1842 = vector.load %arg7[%get3A_1839, %get3A_1840, %get3A_1841] : memref<15x16x4096xf32, #tpu.memory_space<vmem>>, vector<1x1x4096xf32>
      %get3A_1843 = vector.shape_cast %get3A_1842 : vector<1x1x4096xf32> to vector<1x4096xf32>
      %swap3A_1844 = arith.constant 12 : index
      %swap3A_1845 = arith.constant 0 : index
      %swap3A_1846 = vector.load %arg9[%swap3A_1844, %swap3A_1845] : memref<16x4096xf32, #tpu.memory_space<vmem>>, vector<1x4096xf32>
      tpu.vector_store %arg9[%swap3A_1844, %swap3A_1845], %get3A_1843 {strides = array<i32>} : memref<16x4096xf32, #tpu.memory_space<vmem>>, vector<1x4096xf32>,
      %slice3A_1847 = vector.extract_strided_slice %broadcast_in_dim3A_1716 {offsets = [13, 0], sizes = [1, 1], strides = [1, 1]} : vector<16x1xi32> to vector<1x1xi32>
      %squeeze3A_1848 = vector.extract %slice3A_1847[0, 0] : i32 from vector<1x1xi32>
      %get3A_1849 = arith.index_cast %squeeze3A_1848 : i32 to index
      %get3A_1850 = arith.constant 13 : index
      %get3A_1851 = arith.constant 0 : index
      %get3A_1852 = vector.load %arg7[%get3A_1849, %get3A_1850, %get3A_1851] : memref<15x16x4096xf32, #tpu.memory_space<vmem>>, vector<1x1x4096xf32>
      %get3A_1853 = vector.shape_cast %get3A_1852 : vector<1x1x4096xf32> to vector<1x4096xf32>
      %swap3A_1854 = arith.constant 13 : index
      %swap3A_1855 = arith.constant 0 : index
      %swap3A_1856 = vector.load %arg9[%swap3A_1854, %swap3A_1855] : memref<16x4096xf32, #tpu.memory_space<vmem>>, vector<1x4096xf32>
      tpu.vector_store %arg9[%swap3A_1854, %swap3A_1855], %get3A_1853 {strides = array<i32>} : memref<16x4096xf32, #tpu.memory_space<vmem>>, vector<1x4096xf32>,
      %slice3A_1857 = vector.extract_strided_slice %broadcast_in_dim3A_1716 {offsets = [14, 0], sizes = [1, 1], strides = [1, 1]} : vector<16x1xi32> to vector<1x1xi32>
      %squeeze3A_1858 = vector.extract %slice3A_1857[0, 0] : i32 from vector<1x1xi32>
      %get3A_1859 = arith.index_cast %squeeze3A_1858 : i32 to index
      %get3A_1860 = arith.constant 14 : index
      %get3A_1861 = arith.constant 0 : index
      %get3A_1862 = vector.load %arg7[%get3A_1859, %get3A_1860, %get3A_1861] : memref<15x16x4096xf32, #tpu.memory_space<vmem>>, vector<1x1x4096xf32>
      %get3A_1863 = vector.shape_cast %get3A_1862 : vector<1x1x4096xf32> to vector<1x4096xf32>
      %swap3A_1864 = arith.constant 14 : index
      %swap3A_1865 = arith.constant 0 : index
      %swap3A_1866 = vector.load %arg9[%swap3A_1864, %swap3A_1865] : memref<16x4096xf32, #tpu.memory_space<vmem>>, vector<1x4096xf32>
      tpu.vector_store %arg9[%swap3A_1864, %swap3A_1865], %get3A_1863 {strides = array<i32>} : memref<16x4096xf32, #tpu.memory_space<vmem>>, vector<1x4096xf32>,
      %slice3A_1867 = vector.extract_strided_slice %broadcast_in_dim3A_1716 {offsets = [15, 0], sizes = [1, 1], strides = [1, 1]} : vector<16x1xi32> to vector<1x1xi32>
      %squeeze3A_1868 = vector.extract %slice3A_1867[0, 0] : i32 from vector<1x1xi32>
      %get3A_1869 = arith.index_cast %squeeze3A_1868 : i32 to index
      %get3A_1870 = arith.constant 15 : index
      %get3A_1871 = arith.constant 0 : index
      %get3A_1872 = vector.load %arg7[%get3A_1869, %get3A_1870, %get3A_1871] : memref<15x16x4096xf32, #tpu.memory_space<vmem>>, vector<1x1x4096xf32>
      %get3A_1873 = vector.shape_cast %get3A_1872 : vector<1x1x4096xf32> to vector<1x4096xf32>
      %swap3A_1874 = arith.constant 15 : index
      %swap3A_1875 = arith.constant 0 : index
      %swap3A_1876 = vector.load %arg9[%swap3A_1874, %swap3A_1875] : memref<16x4096xf32, #tpu.memory_space<vmem>>, vector<1x4096xf32>
      tpu.vector_store %arg9[%swap3A_1874, %swap3A_1875], %get3A_1873 {strides = array<i32>} : memref<16x4096xf32, #tpu.memory_space<vmem>>, vector<1x4096xf32>,
      %get3A_1877 = arith.constant 0 : index
      %get3A_1878 = arith.constant 0 : index
      %get3A_1879 = vector.load %arg9[%get3A_1877, %get3A_1878] : memref<16x4096xf32, #tpu.memory_space<vmem>>, vector<16x4096xf32>
      %add3A_1880 = arith.constant 40960 : i32
      %add3A_1881 = vector.broadcast %add3A_1880 : i32 to vector<16x4096xi32>
      %add3A_1882 = arith.addi %iota3A_402, %add3A_1881 : vector<16x4096xi32>
      %mul3A_1883 = arith.constant 4096 : i32
      %mul3A_1884 = vector.broadcast %mul3A_1883 : i32 to vector<16x1xi32>
      %mul3A_1885 = arith.muli %broadcast_in_dim3A_1716, %mul3A_1884 : vector<16x1xi32>
      %add3A_1886 = vector.broadcast %mul3A_1885 : vector<16x1xi32> to vector<16x4096xi32>
      %add3A_1887 = arith.addi %add3A_1882, %add3A_1886 : vector<16x4096xi32>
      %lt3A_1888 = vector.broadcast %broadcast_in_dim3A_1490 : vector<16x1xf32> to vector<16x4096xf32>
      %lt3A_1889 = arith.cmpf olt, %get3A_1879, %lt3A_1888 : vector<16x4096xf32>
      %eq3A_1890 = vector.broadcast %broadcast_in_dim3A_1490 : vector<16x1xf32> to vector<16x4096xf32>
      %eq3A_1891 = arith.cmpf oeq, %get3A_1879, %eq3A_1890 : vector<16x4096xf32>
      %gt3A_1892 = vector.broadcast %broadcast_in_dim3A_1686 : vector<16x1xi32> to vector<16x4096xi32>
      %gt3A_1893 = arith.cmpi sgt, %add3A_1887, %gt3A_1892 : vector<16x4096xi32>
      %and3A_1894 = arith.andi %eq3A_1891, %gt3A_1893 : vector<16x4096xi1>
      %or3A_1895 = arith.ori %lt3A_1889, %and3A_1894 : vector<16x4096xi1>
      %eq3A_1896 = vector.broadcast %broadcast_in_dim3A_1708 : vector<16x1xf32> to vector<16x4096xf32>
      %eq3A_1897 = arith.cmpf oeq, %get3A_1879, %eq3A_1896 : vector<16x4096xf32>
      %and3A_1898 = arith.andi %eq3A_1897, %or3A_1895 : vector<16x4096xi1>
      %jit3A_1899 = arith.constant 1073741824 : i32
      %broadcast_in_dim3A_1900 = vector.broadcast %jit3A_1899 : i32 to vector<16x4096xi32>
      %select_n3A_1901 = arith.select %and3A_1898, %add3A_1887, %broadcast_in_dim3A_1900 : vector<16x4096xi1>, vector<16x4096xi32>
      %reduce_min3A_1902 = arith.constant dense<2147483647> : vector<16xi32>
      %reduce_min3A_1903 = vector.multi_reduction <minsi>, %select_n3A_1901, %reduce_min3A_1902 [1] : vector<16x4096xi32> to vector<16xi32>
      %broadcast_in_dim3A_1904 = vector.shape_cast %reduce_min3A_1903 : vector<16xi32> to vector<16x1xi32>
      %lt3A_1905 = vector.broadcast %broadcast_in_dim3A_1708 : vector<16x1xf32> to vector<16x4096xf32>
      %lt3A_1906 = arith.cmpf olt, %get3A_1879, %lt3A_1905 : vector<16x4096xf32>
      %eq3A_1907 = vector.broadcast %broadcast_in_dim3A_1708 : vector<16x1xf32> to vector<16x4096xf32>
      %eq3A_1908 = arith.cmpf oeq, %get3A_1879, %eq3A_1907 : vector<16x4096xf32>
      %gt3A_1909 = vector.broadcast %broadcast_in_dim3A_1904 : vector<16x1xi32> to vector<16x4096xi32>
      %gt3A_1910 = arith.cmpi sgt, %add3A_1887, %gt3A_1909 : vector<16x4096xi32>
      %and3A_1911 = arith.andi %eq3A_1908, %gt3A_1910 : vector<16x4096xi1>
      %or3A_1912 = arith.ori %lt3A_1906, %and3A_1911 : vector<16x4096xi1>
      %jit3A_1913 = arith.constant 0xFF800000 : f32
      %broadcast_in_dim3A_1914 = vector.broadcast %jit3A_1913 : f32 to vector<16x4096xf32>
      %select_n3A_1915 = arith.select %or3A_1912, %get3A_1879, %broadcast_in_dim3A_1914 : vector<16x4096xi1>, vector<16x4096xf32>
      %reduce_max3A_1916 = arith.constant dense<0xFF800000> : vector<16xf32>
      %reduce_max3A_1917 = vector.multi_reduction <maximumf>, %select_n3A_1915, %reduce_max3A_1916 [1] : vector<16x4096xf32> to vector<16xf32>
      %broadcast_in_dim3A_1918 = vector.shape_cast %reduce_max3A_1917 : vector<16xf32> to vector<16x1xf32>
      %eq3A_1919 = vector.broadcast %broadcast_in_dim3A_1716 : vector<16x1xi32> to vector<16x64xi32>
      %eq3A_1920 = arith.cmpi eq, %iota3A_215, %eq3A_1919 : vector<16x64xi32>
      %broadcast_in_dim3A_1921 = vector.shape_cast %broadcast_in_dim3A_1918 : vector<16x1xf32> to vector<16x1xf32>
      %broadcast_in_dim3A_1922 = vector.broadcast %broadcast_in_dim3A_1921 : vector<16x1xf32> to vector<16x64xf32>
      %select_n3A_1923 = arith.select %eq3A_1920, %broadcast_in_dim3A_1922, %select_n3A_1705 : vector<16x64xi1>, vector<16x64xf32>
      %reduce_max3A_1924 = arith.constant dense<0xFF800000> : vector<16xf32>
      %reduce_max3A_1925 = vector.multi_reduction <maximumf>, %select_n3A_1923, %reduce_max3A_1924 [1] : vector<16x64xf32> to vector<16xf32>
      %broadcast_in_dim3A_1926 = vector.shape_cast %reduce_max3A_1925 : vector<16xf32> to vector<16x1xf32>
      %eq3A_1927 = vector.broadcast %broadcast_in_dim3A_1926 : vector<16x1xf32> to vector<16x64xf32>
      %eq3A_1928 = arith.cmpf oeq, %select_n3A_1923, %eq3A_1927 : vector<16x64xf32>
      %jit3A_1929 = arith.constant 1073741824 : i32
      %broadcast_in_dim3A_1930 = vector.broadcast %jit3A_1929 : i32 to vector<16x64xi32>
      %select_n3A_1931 = arith.select %eq3A_1928, %iota3A_215, %broadcast_in_dim3A_1930 : vector<16x64xi1>, vector<16x64xi32>
      %reduce_min3A_1932 = arith.constant dense<2147483647> : vector<16xi32>
      %reduce_min3A_1933 = vector.multi_reduction <minsi>, %select_n3A_1931, %reduce_min3A_1932 [1] : vector<16x64xi32> to vector<16xi32>
      %broadcast_in_dim3A_1934 = vector.shape_cast %reduce_min3A_1933 : vector<16xi32> to vector<16x1xi32>
      %slice3A_1935 = vector.extract_strided_slice %broadcast_in_dim3A_1934 {offsets = [0, 0], sizes = [1, 1], strides = [1, 1]} : vector<16x1xi32> to vector<1x1xi32>
      %squeeze3A_1936 = vector.extract %slice3A_1935[0, 0] : i32 from vector<1x1xi32>
      %get3A_1937 = arith.index_cast %squeeze3A_1936 : i32 to index
      %get3A_1938 = arith.constant 0 : index
      %get3A_1939 = arith.constant 0 : index
      %get3A_1940 = vector.load %arg7[%get3A_1937, %get3A_1938, %get3A_1939] : memref<15x16x4096xf32, #tpu.memory_space<vmem>>, vector<1x1x4096xf32>
      %get3A_1941 = vector.shape_cast %get3A_1940 : vector<1x1x4096xf32> to vector<1x4096xf32>
      %swap3A_1942 = arith.constant 0 : index
      %swap3A_1943 = arith.constant 0 : index
      %swap3A_1944 = vector.load %arg9[%swap3A_1942, %swap3A_1943] : memref<16x4096xf32, #tpu.memory_space<vmem>>, vector<1x4096xf32>
      tpu.vector_store %arg9[%swap3A_1942, %swap3A_1943], %get3A_1941 {strides = array<i32>} : memref<16x4096xf32, #tpu.memory_space<vmem>>, vector<1x4096xf32>,
      %slice3A_1945 = vector.extract_strided_slice %broadcast_in_dim3A_1934 {offsets = [1, 0], sizes = [1, 1], strides = [1, 1]} : vector<16x1xi32> to vector<1x1xi32>
      %squeeze3A_1946 = vector.extract %slice3A_1945[0, 0] : i32 from vector<1x1xi32>
      %get3A_1947 = arith.index_cast %squeeze3A_1946 : i32 to index
      %get3A_1948 = arith.constant 1 : index
      %get3A_1949 = arith.constant 0 : index
      %get3A_1950 = vector.load %arg7[%get3A_1947, %get3A_1948, %get3A_1949] : memref<15x16x4096xf32, #tpu.memory_space<vmem>>, vector<1x1x4096xf32>
      %get3A_1951 = vector.shape_cast %get3A_1950 : vector<1x1x4096xf32> to vector<1x4096xf32>
      %swap3A_1952 = arith.constant 1 : index
      %swap3A_1953 = arith.constant 0 : index
      %swap3A_1954 = vector.load %arg9[%swap3A_1952, %swap3A_1953] : memref<16x4096xf32, #tpu.memory_space<vmem>>, vector<1x4096xf32>
      tpu.vector_store %arg9[%swap3A_1952, %swap3A_1953], %get3A_1951 {strides = array<i32>} : memref<16x4096xf32, #tpu.memory_space<vmem>>, vector<1x4096xf32>,
      %slice3A_1955 = vector.extract_strided_slice %broadcast_in_dim3A_1934 {offsets = [2, 0], sizes = [1, 1], strides = [1, 1]} : vector<16x1xi32> to vector<1x1xi32>
      %squeeze3A_1956 = vector.extract %slice3A_1955[0, 0] : i32 from vector<1x1xi32>
      %get3A_1957 = arith.index_cast %squeeze3A_1956 : i32 to index
      %get3A_1958 = arith.constant 2 : index
      %get3A_1959 = arith.constant 0 : index
      %get3A_1960 = vector.load %arg7[%get3A_1957, %get3A_1958, %get3A_1959] : memref<15x16x4096xf32, #tpu.memory_space<vmem>>, vector<1x1x4096xf32>
      %get3A_1961 = vector.shape_cast %get3A_1960 : vector<1x1x4096xf32> to vector<1x4096xf32>
      %swap3A_1962 = arith.constant 2 : index
      %swap3A_1963 = arith.constant 0 : index
      %swap3A_1964 = vector.load %arg9[%swap3A_1962, %swap3A_1963] : memref<16x4096xf32, #tpu.memory_space<vmem>>, vector<1x4096xf32>
      tpu.vector_store %arg9[%swap3A_1962, %swap3A_1963], %get3A_1961 {strides = array<i32>} : memref<16x4096xf32, #tpu.memory_space<vmem>>, vector<1x4096xf32>,
      %slice3A_1965 = vector.extract_strided_slice %broadcast_in_dim3A_1934 {offsets = [3, 0], sizes = [1, 1], strides = [1, 1]} : vector<16x1xi32> to vector<1x1xi32>
      %squeeze3A_1966 = vector.extract %slice3A_1965[0, 0] : i32 from vector<1x1xi32>
      %get3A_1967 = arith.index_cast %squeeze3A_1966 : i32 to index
      %get3A_1968 = arith.constant 3 : index
      %get3A_1969 = arith.constant 0 : index
      %get3A_1970 = vector.load %arg7[%get3A_1967, %get3A_1968, %get3A_1969] : memref<15x16x4096xf32, #tpu.memory_space<vmem>>, vector<1x1x4096xf32>
      %get3A_1971 = vector.shape_cast %get3A_1970 : vector<1x1x4096xf32> to vector<1x4096xf32>
      %swap3A_1972 = arith.constant 3 : index
      %swap3A_1973 = arith.constant 0 : index
      %swap3A_1974 = vector.load %arg9[%swap3A_1972, %swap3A_1973] : memref<16x4096xf32, #tpu.memory_space<vmem>>, vector<1x4096xf32>
      tpu.vector_store %arg9[%swap3A_1972, %swap3A_1973], %get3A_1971 {strides = array<i32>} : memref<16x4096xf32, #tpu.memory_space<vmem>>, vector<1x4096xf32>,
      %slice3A_1975 = vector.extract_strided_slice %broadcast_in_dim3A_1934 {offsets = [4, 0], sizes = [1, 1], strides = [1, 1]} : vector<16x1xi32> to vector<1x1xi32>
      %squeeze3A_1976 = vector.extract %slice3A_1975[0, 0] : i32 from vector<1x1xi32>
      %get3A_1977 = arith.index_cast %squeeze3A_1976 : i32 to index
      %get3A_1978 = arith.constant 4 : index
      %get3A_1979 = arith.constant 0 : index
      %get3A_1980 = vector.load %arg7[%get3A_1977, %get3A_1978, %get3A_1979] : memref<15x16x4096xf32, #tpu.memory_space<vmem>>, vector<1x1x4096xf32>
      %get3A_1981 = vector.shape_cast %get3A_1980 : vector<1x1x4096xf32> to vector<1x4096xf32>
      %swap3A_1982 = arith.constant 4 : index
      %swap3A_1983 = arith.constant 0 : index
      %swap3A_1984 = vector.load %arg9[%swap3A_1982, %swap3A_1983] : memref<16x4096xf32, #tpu.memory_space<vmem>>, vector<1x4096xf32>
      tpu.vector_store %arg9[%swap3A_1982, %swap3A_1983], %get3A_1981 {strides = array<i32>} : memref<16x4096xf32, #tpu.memory_space<vmem>>, vector<1x4096xf32>,
      %slice3A_1985 = vector.extract_strided_slice %broadcast_in_dim3A_1934 {offsets = [5, 0], sizes = [1, 1], strides = [1, 1]} : vector<16x1xi32> to vector<1x1xi32>
      %squeeze3A_1986 = vector.extract %slice3A_1985[0, 0] : i32 from vector<1x1xi32>
      %get3A_1987 = arith.index_cast %squeeze3A_1986 : i32 to index
      %get3A_1988 = arith.constant 5 : index
      %get3A_1989 = arith.constant 0 : index
      %get3A_1990 = vector.load %arg7[%get3A_1987, %get3A_1988, %get3A_1989] : memref<15x16x4096xf32, #tpu.memory_space<vmem>>, vector<1x1x4096xf32>
      %get3A_1991 = vector.shape_cast %get3A_1990 : vector<1x1x4096xf32> to vector<1x4096xf32>
      %swap3A_1992 = arith.constant 5 : index
      %swap3A_1993 = arith.constant 0 : index
      %swap3A_1994 = vector.load %arg9[%swap3A_1992, %swap3A_1993] : memref<16x4096xf32, #tpu.memory_space<vmem>>, vector<1x4096xf32>
      tpu.vector_store %arg9[%swap3A_1992, %swap3A_1993], %get3A_1991 {strides = array<i32>} : memref<16x4096xf32, #tpu.memory_space<vmem>>, vector<1x4096xf32>,
      %slice3A_1995 = vector.extract_strided_slice %broadcast_in_dim3A_1934 {offsets = [6, 0], sizes = [1, 1], strides = [1, 1]} : vector<16x1xi32> to vector<1x1xi32>
      %squeeze3A_1996 = vector.extract %slice3A_1995[0, 0] : i32 from vector<1x1xi32>
      %get3A_1997 = arith.index_cast %squeeze3A_1996 : i32 to index
      %get3A_1998 = arith.constant 6 : index
      %get3A_1999 = arith.constant 0 : index
      %get3A_2000 = vector.load %arg7[%get3A_1997, %get3A_1998, %get3A_1999] : memref<15x16x4096xf32, #tpu.memory_space<vmem>>, vector<1x1x4096xf32>
      %get3A_2001 = vector.shape_cast %get3A_2000 : vector<1x1x4096xf32> to vector<1x4096xf32>
      %swap3A_2002 = arith.constant 6 : index
      %swap3A_2003 = arith.constant 0 : index
      %swap3A_2004 = vector.load %arg9[%swap3A_2002, %swap3A_2003] : memref<16x4096xf32, #tpu.memory_space<vmem>>, vector<1x4096xf32>
      tpu.vector_store %arg9[%swap3A_2002, %swap3A_2003], %get3A_2001 {strides = array<i32>} : memref<16x4096xf32, #tpu.memory_space<vmem>>, vector<1x4096xf32>,
      %slice3A_2005 = vector.extract_strided_slice %broadcast_in_dim3A_1934 {offsets = [7, 0], sizes = [1, 1], strides = [1, 1]} : vector<16x1xi32> to vector<1x1xi32>
      %squeeze3A_2006 = vector.extract %slice3A_2005[0, 0] : i32 from vector<1x1xi32>
      %get3A_2007 = arith.index_cast %squeeze3A_2006 : i32 to index
      %get3A_2008 = arith.constant 7 : index
      %get3A_2009 = arith.constant 0 : index
      %get3A_2010 = vector.load %arg7[%get3A_2007, %get3A_2008, %get3A_2009] : memref<15x16x4096xf32, #tpu.memory_space<vmem>>, vector<1x1x4096xf32>
      %get3A_2011 = vector.shape_cast %get3A_2010 : vector<1x1x4096xf32> to vector<1x4096xf32>
      %swap3A_2012 = arith.constant 7 : index
      %swap3A_2013 = arith.constant 0 : index
      %swap3A_2014 = vector.load %arg9[%swap3A_2012, %swap3A_2013] : memref<16x4096xf32, #tpu.memory_space<vmem>>, vector<1x4096xf32>
      tpu.vector_store %arg9[%swap3A_2012, %swap3A_2013], %get3A_2011 {strides = array<i32>} : memref<16x4096xf32, #tpu.memory_space<vmem>>, vector<1x4096xf32>,
      %slice3A_2015 = vector.extract_strided_slice %broadcast_in_dim3A_1934 {offsets = [8, 0], sizes = [1, 1], strides = [1, 1]} : vector<16x1xi32> to vector<1x1xi32>
      %squeeze3A_2016 = vector.extract %slice3A_2015[0, 0] : i32 from vector<1x1xi32>
      %get3A_2017 = arith.index_cast %squeeze3A_2016 : i32 to index
      %get3A_2018 = arith.constant 8 : index
      %get3A_2019 = arith.constant 0 : index
      %get3A_2020 = vector.load %arg7[%get3A_2017, %get3A_2018, %get3A_2019] : memref<15x16x4096xf32, #tpu.memory_space<vmem>>, vector<1x1x4096xf32>
      %get3A_2021 = vector.shape_cast %get3A_2020 : vector<1x1x4096xf32> to vector<1x4096xf32>
      %swap3A_2022 = arith.constant 8 : index
      %swap3A_2023 = arith.constant 0 : index
      %swap3A_2024 = vector.load %arg9[%swap3A_2022, %swap3A_2023] : memref<16x4096xf32, #tpu.memory_space<vmem>>, vector<1x4096xf32>
      tpu.vector_store %arg9[%swap3A_2022, %swap3A_2023], %get3A_2021 {strides = array<i32>} : memref<16x4096xf32, #tpu.memory_space<vmem>>, vector<1x4096xf32>,
      %slice3A_2025 = vector.extract_strided_slice %broadcast_in_dim3A_1934 {offsets = [9, 0], sizes = [1, 1], strides = [1, 1]} : vector<16x1xi32> to vector<1x1xi32>
      %squeeze3A_2026 = vector.extract %slice3A_2025[0, 0] : i32 from vector<1x1xi32>
      %get3A_2027 = arith.index_cast %squeeze3A_2026 : i32 to index
      %get3A_2028 = arith.constant 9 : index
      %get3A_2029 = arith.constant 0 : index
      %get3A_2030 = vector.load %arg7[%get3A_2027, %get3A_2028, %get3A_2029] : memref<15x16x4096xf32, #tpu.memory_space<vmem>>, vector<1x1x4096xf32>
      %get3A_2031 = vector.shape_cast %get3A_2030 : vector<1x1x4096xf32> to vector<1x4096xf32>
      %swap3A_2032 = arith.constant 9 : index
      %swap3A_2033 = arith.constant 0 : index
      %swap3A_2034 = vector.load %arg9[%swap3A_2032, %swap3A_2033] : memref<16x4096xf32, #tpu.memory_space<vmem>>, vector<1x4096xf32>
      tpu.vector_store %arg9[%swap3A_2032, %swap3A_2033], %get3A_2031 {strides = array<i32>} : memref<16x4096xf32, #tpu.memory_space<vmem>>, vector<1x4096xf32>,
      %slice3A_2035 = vector.extract_strided_slice %broadcast_in_dim3A_1934 {offsets = [10, 0], sizes = [1, 1], strides = [1, 1]} : vector<16x1xi32> to vector<1x1xi32>
      %squeeze3A_2036 = vector.extract %slice3A_2035[0, 0] : i32 from vector<1x1xi32>
      %get3A_2037 = arith.index_cast %squeeze3A_2036 : i32 to index
      %get3A_2038 = arith.constant 10 : index
      %get3A_2039 = arith.constant 0 : index
      %get3A_2040 = vector.load %arg7[%get3A_2037, %get3A_2038, %get3A_2039] : memref<15x16x4096xf32, #tpu.memory_space<vmem>>, vector<1x1x4096xf32>
      %get3A_2041 = vector.shape_cast %get3A_2040 : vector<1x1x4096xf32> to vector<1x4096xf32>
      %swap3A_2042 = arith.constant 10 : index
      %swap3A_2043 = arith.constant 0 : index
      %swap3A_2044 = vector.load %arg9[%swap3A_2042, %swap3A_2043] : memref<16x4096xf32, #tpu.memory_space<vmem>>, vector<1x4096xf32>
      tpu.vector_store %arg9[%swap3A_2042, %swap3A_2043], %get3A_2041 {strides = array<i32>} : memref<16x4096xf32, #tpu.memory_space<vmem>>, vector<1x4096xf32>,
      %slice3A_2045 = vector.extract_strided_slice %broadcast_in_dim3A_1934 {offsets = [11, 0], sizes = [1, 1], strides = [1, 1]} : vector<16x1xi32> to vector<1x1xi32>
      %squeeze3A_2046 = vector.extract %slice3A_2045[0, 0] : i32 from vector<1x1xi32>
      %get3A_2047 = arith.index_cast %squeeze3A_2046 : i32 to index
      %get3A_2048 = arith.constant 11 : index
      %get3A_2049 = arith.constant 0 : index
      %get3A_2050 = vector.load %arg7[%get3A_2047, %get3A_2048, %get3A_2049] : memref<15x16x4096xf32, #tpu.memory_space<vmem>>, vector<1x1x4096xf32>
      %get3A_2051 = vector.shape_cast %get3A_2050 : vector<1x1x4096xf32> to vector<1x4096xf32>
      %swap3A_2052 = arith.constant 11 : index
      %swap3A_2053 = arith.constant 0 : index
      %swap3A_2054 = vector.load %arg9[%swap3A_2052, %swap3A_2053] : memref<16x4096xf32, #tpu.memory_space<vmem>>, vector<1x4096xf32>
      tpu.vector_store %arg9[%swap3A_2052, %swap3A_2053], %get3A_2051 {strides = array<i32>} : memref<16x4096xf32, #tpu.memory_space<vmem>>, vector<1x4096xf32>,
      %slice3A_2055 = vector.extract_strided_slice %broadcast_in_dim3A_1934 {offsets = [12, 0], sizes = [1, 1], strides = [1, 1]} : vector<16x1xi32> to vector<1x1xi32>
      %squeeze3A_2056 = vector.extract %slice3A_2055[0, 0] : i32 from vector<1x1xi32>
      %get3A_2057 = arith.index_cast %squeeze3A_2056 : i32 to index
      %get3A_2058 = arith.constant 12 : index
      %get3A_2059 = arith.constant 0 : index
      %get3A_2060 = vector.load %arg7[%get3A_2057, %get3A_2058, %get3A_2059] : memref<15x16x4096xf32, #tpu.memory_space<vmem>>, vector<1x1x4096xf32>
      %get3A_2061 = vector.shape_cast %get3A_2060 : vector<1x1x4096xf32> to vector<1x4096xf32>
      %swap3A_2062 = arith.constant 12 : index
      %swap3A_2063 = arith.constant 0 : index
      %swap3A_2064 = vector.load %arg9[%swap3A_2062, %swap3A_2063] : memref<16x4096xf32, #tpu.memory_space<vmem>>, vector<1x4096xf32>
      tpu.vector_store %arg9[%swap3A_2062, %swap3A_2063], %get3A_2061 {strides = array<i32>} : memref<16x4096xf32, #tpu.memory_space<vmem>>, vector<1x4096xf32>,
      %slice3A_2065 = vector.extract_strided_slice %broadcast_in_dim3A_1934 {offsets = [13, 0], sizes = [1, 1], strides = [1, 1]} : vector<16x1xi32> to vector<1x1xi32>
      %squeeze3A_2066 = vector.extract %slice3A_2065[0, 0] : i32 from vector<1x1xi32>
      %get3A_2067 = arith.index_cast %squeeze3A_2066 : i32 to index
      %get3A_2068 = arith.constant 13 : index
      %get3A_2069 = arith.constant 0 : index
      %get3A_2070 = vector.load %arg7[%get3A_2067, %get3A_2068, %get3A_2069] : memref<15x16x4096xf32, #tpu.memory_space<vmem>>, vector<1x1x4096xf32>
      %get3A_2071 = vector.shape_cast %get3A_2070 : vector<1x1x4096xf32> to vector<1x4096xf32>
      %swap3A_2072 = arith.constant 13 : index
      %swap3A_2073 = arith.constant 0 : index
      %swap3A_2074 = vector.load %arg9[%swap3A_2072, %swap3A_2073] : memref<16x4096xf32, #tpu.memory_space<vmem>>, vector<1x4096xf32>
      tpu.vector_store %arg9[%swap3A_2072, %swap3A_2073], %get3A_2071 {strides = array<i32>} : memref<16x4096xf32, #tpu.memory_space<vmem>>, vector<1x4096xf32>,
      %slice3A_2075 = vector.extract_strided_slice %broadcast_in_dim3A_1934 {offsets = [14, 0], sizes = [1, 1], strides = [1, 1]} : vector<16x1xi32> to vector<1x1xi32>
      %squeeze3A_2076 = vector.extract %slice3A_2075[0, 0] : i32 from vector<1x1xi32>
      %get3A_2077 = arith.index_cast %squeeze3A_2076 : i32 to index
      %get3A_2078 = arith.constant 14 : index
      %get3A_2079 = arith.constant 0 : index
      %get3A_2080 = vector.load %arg7[%get3A_2077, %get3A_2078, %get3A_2079] : memref<15x16x4096xf32, #tpu.memory_space<vmem>>, vector<1x1x4096xf32>
      %get3A_2081 = vector.shape_cast %get3A_2080 : vector<1x1x4096xf32> to vector<1x4096xf32>
      %swap3A_2082 = arith.constant 14 : index
      %swap3A_2083 = arith.constant 0 : index
      %swap3A_2084 = vector.load %arg9[%swap3A_2082, %swap3A_2083] : memref<16x4096xf32, #tpu.memory_space<vmem>>, vector<1x4096xf32>
      tpu.vector_store %arg9[%swap3A_2082, %swap3A_2083], %get3A_2081 {strides = array<i32>} : memref<16x4096xf32, #tpu.memory_space<vmem>>, vector<1x4096xf32>,
      %slice3A_2085 = vector.extract_strided_slice %broadcast_in_dim3A_1934 {offsets = [15, 0], sizes = [1, 1], strides = [1, 1]} : vector<16x1xi32> to vector<1x1xi32>
      %squeeze3A_2086 = vector.extract %slice3A_2085[0, 0] : i32 from vector<1x1xi32>
      %get3A_2087 = arith.index_cast %squeeze3A_2086 : i32 to index
      %get3A_2088 = arith.constant 15 : index
      %get3A_2089 = arith.constant 0 : index
      %get3A_2090 = vector.load %arg7[%get3A_2087, %get3A_2088, %get3A_2089] : memref<15x16x4096xf32, #tpu.memory_space<vmem>>, vector<1x1x4096xf32>
      %get3A_2091 = vector.shape_cast %get3A_2090 : vector<1x1x4096xf32> to vector<1x4096xf32>
      %swap3A_2092 = arith.constant 15 : index
      %swap3A_2093 = arith.constant 0 : index
      %swap3A_2094 = vector.load %arg9[%swap3A_2092, %swap3A_2093] : memref<16x4096xf32, #tpu.memory_space<vmem>>, vector<1x4096xf32>
      tpu.vector_store %arg9[%swap3A_2092, %swap3A_2093], %get3A_2091 {strides = array<i32>} : memref<16x4096xf32, #tpu.memory_space<vmem>>, vector<1x4096xf32>,
      %get3A_2095 = arith.constant 0 : index
      %get3A_2096 = arith.constant 0 : index
      %get3A_2097 = vector.load %arg9[%get3A_2095, %get3A_2096] : memref<16x4096xf32, #tpu.memory_space<vmem>>, vector<16x4096xf32>
      %add3A_2098 = arith.constant 40960 : i32
      %add3A_2099 = vector.broadcast %add3A_2098 : i32 to vector<16x4096xi32>
      %add3A_2100 = arith.addi %iota3A_402, %add3A_2099 : vector<16x4096xi32>
      %mul3A_2101 = arith.constant 4096 : i32
      %mul3A_2102 = vector.broadcast %mul3A_2101 : i32 to vector<16x1xi32>
      %mul3A_2103 = arith.muli %broadcast_in_dim3A_1934, %mul3A_2102 : vector<16x1xi32>
      %add3A_2104 = vector.broadcast %mul3A_2103 : vector<16x1xi32> to vector<16x4096xi32>
      %add3A_2105 = arith.addi %add3A_2100, %add3A_2104 : vector<16x4096xi32>
      %lt3A_2106 = vector.broadcast %broadcast_in_dim3A_1708 : vector<16x1xf32> to vector<16x4096xf32>
      %lt3A_2107 = arith.cmpf olt, %get3A_2097, %lt3A_2106 : vector<16x4096xf32>
      %eq3A_2108 = vector.broadcast %broadcast_in_dim3A_1708 : vector<16x1xf32> to vector<16x4096xf32>
      %eq3A_2109 = arith.cmpf oeq, %get3A_2097, %eq3A_2108 : vector<16x4096xf32>
      %gt3A_2110 = vector.broadcast %broadcast_in_dim3A_1904 : vector<16x1xi32> to vector<16x4096xi32>
      %gt3A_2111 = arith.cmpi sgt, %add3A_2105, %gt3A_2110 : vector<16x4096xi32>
      %and3A_2112 = arith.andi %eq3A_2109, %gt3A_2111 : vector<16x4096xi1>
      %or3A_2113 = arith.ori %lt3A_2107, %and3A_2112 : vector<16x4096xi1>
      %eq3A_2114 = vector.broadcast %broadcast_in_dim3A_1926 : vector<16x1xf32> to vector<16x4096xf32>
      %eq3A_2115 = arith.cmpf oeq, %get3A_2097, %eq3A_2114 : vector<16x4096xf32>
      %and3A_2116 = arith.andi %eq3A_2115, %or3A_2113 : vector<16x4096xi1>
      %jit3A_2117 = arith.constant 1073741824 : i32
      %broadcast_in_dim3A_2118 = vector.broadcast %jit3A_2117 : i32 to vector<16x4096xi32>
      %select_n3A_2119 = arith.select %and3A_2116, %add3A_2105, %broadcast_in_dim3A_2118 : vector<16x4096xi1>, vector<16x4096xi32>
      %reduce_min3A_2120 = arith.constant dense<2147483647> : vector<16xi32>
      %reduce_min3A_2121 = vector.multi_reduction <minsi>, %select_n3A_2119, %reduce_min3A_2120 [1] : vector<16x4096xi32> to vector<16xi32>
      %broadcast_in_dim3A_2122 = vector.shape_cast %reduce_min3A_2121 : vector<16xi32> to vector<16x1xi32>
      %lt3A_2123 = vector.broadcast %broadcast_in_dim3A_1926 : vector<16x1xf32> to vector<16x4096xf32>
      %lt3A_2124 = arith.cmpf olt, %get3A_2097, %lt3A_2123 : vector<16x4096xf32>
      %eq3A_2125 = vector.broadcast %broadcast_in_dim3A_1926 : vector<16x1xf32> to vector<16x4096xf32>
      %eq3A_2126 = arith.cmpf oeq, %get3A_2097, %eq3A_2125 : vector<16x4096xf32>
      %gt3A_2127 = vector.broadcast %broadcast_in_dim3A_2122 : vector<16x1xi32> to vector<16x4096xi32>
      %gt3A_2128 = arith.cmpi sgt, %add3A_2105, %gt3A_2127 : vector<16x4096xi32>
      %and3A_2129 = arith.andi %eq3A_2126, %gt3A_2128 : vector<16x4096xi1>
      %or3A_2130 = arith.ori %lt3A_2124, %and3A_2129 : vector<16x4096xi1>
      %jit3A_2131 = arith.constant 0xFF800000 : f32
      %broadcast_in_dim3A_2132 = vector.broadcast %jit3A_2131 : f32 to vector<16x4096xf32>
      %select_n3A_2133 = arith.select %or3A_2130, %get3A_2097, %broadcast_in_dim3A_2132 : vector<16x4096xi1>, vector<16x4096xf32>
      %reduce_max3A_2134 = arith.constant dense<0xFF800000> : vector<16xf32>
      %reduce_max3A_2135 = vector.multi_reduction <maximumf>, %select_n3A_2133, %reduce_max3A_2134 [1] : vector<16x4096xf32> to vector<16xf32>
      %broadcast_in_dim3A_2136 = vector.shape_cast %reduce_max3A_2135 : vector<16xf32> to vector<16x1xf32>
      %eq3A_2137 = vector.broadcast %broadcast_in_dim3A_1934 : vector<16x1xi32> to vector<16x64xi32>
      %eq3A_2138 = arith.cmpi eq, %iota3A_215, %eq3A_2137 : vector<16x64xi32>
      %broadcast_in_dim3A_2139 = vector.shape_cast %broadcast_in_dim3A_2136 : vector<16x1xf32> to vector<16x1xf32>
      %broadcast_in_dim3A_2140 = vector.broadcast %broadcast_in_dim3A_2139 : vector<16x1xf32> to vector<16x64xf32>
      %select_n3A_2141 = arith.select %eq3A_2138, %broadcast_in_dim3A_2140, %select_n3A_1923 : vector<16x64xi1>, vector<16x64xf32>
      %reduce_max3A_2142 = arith.constant dense<0xFF800000> : vector<16xf32>
      %reduce_max3A_2143 = vector.multi_reduction <maximumf>, %select_n3A_2141, %reduce_max3A_2142 [1] : vector<16x64xf32> to vector<16xf32>
      %broadcast_in_dim3A_2144 = vector.shape_cast %reduce_max3A_2143 : vector<16xf32> to vector<16x1xf32>
      %eq3A_2145 = vector.broadcast %broadcast_in_dim3A_2144 : vector<16x1xf32> to vector<16x64xf32>
      %eq3A_2146 = arith.cmpf oeq, %select_n3A_2141, %eq3A_2145 : vector<16x64xf32>
      %jit3A_2147 = arith.constant 1073741824 : i32
      %broadcast_in_dim3A_2148 = vector.broadcast %jit3A_2147 : i32 to vector<16x64xi32>
      %select_n3A_2149 = arith.select %eq3A_2146, %iota3A_215, %broadcast_in_dim3A_2148 : vector<16x64xi1>, vector<16x64xi32>
      %reduce_min3A_2150 = arith.constant dense<2147483647> : vector<16xi32>
      %reduce_min3A_2151 = vector.multi_reduction <minsi>, %select_n3A_2149, %reduce_min3A_2150 [1] : vector<16x64xi32> to vector<16xi32>
      %broadcast_in_dim3A_2152 = vector.shape_cast %reduce_min3A_2151 : vector<16xi32> to vector<16x1xi32>
      %slice3A_2153 = vector.extract_strided_slice %broadcast_in_dim3A_2152 {offsets = [0, 0], sizes = [1, 1], strides = [1, 1]} : vector<16x1xi32> to vector<1x1xi32>
      %squeeze3A_2154 = vector.extract %slice3A_2153[0, 0] : i32 from vector<1x1xi32>
      %get3A_2155 = arith.index_cast %squeeze3A_2154 : i32 to index
      %get3A_2156 = arith.constant 0 : index
      %get3A_2157 = arith.constant 0 : index
      %get3A_2158 = vector.load %arg7[%get3A_2155, %get3A_2156, %get3A_2157] : memref<15x16x4096xf32, #tpu.memory_space<vmem>>, vector<1x1x4096xf32>
      %get3A_2159 = vector.shape_cast %get3A_2158 : vector<1x1x4096xf32> to vector<1x4096xf32>
      %swap3A_2160 = arith.constant 0 : index
      %swap3A_2161 = arith.constant 0 : index
      %swap3A_2162 = vector.load %arg9[%swap3A_2160, %swap3A_2161] : memref<16x4096xf32, #tpu.memory_space<vmem>>, vector<1x4096xf32>
      tpu.vector_store %arg9[%swap3A_2160, %swap3A_2161], %get3A_2159 {strides = array<i32>} : memref<16x4096xf32, #tpu.memory_space<vmem>>, vector<1x4096xf32>,
      %slice3A_2163 = vector.extract_strided_slice %broadcast_in_dim3A_2152 {offsets = [1, 0], sizes = [1, 1], strides = [1, 1]} : vector<16x1xi32> to vector<1x1xi32>
      %squeeze3A_2164 = vector.extract %slice3A_2163[0, 0] : i32 from vector<1x1xi32>
      %get3A_2165 = arith.index_cast %squeeze3A_2164 : i32 to index
      %get3A_2166 = arith.constant 1 : index
      %get3A_2167 = arith.constant 0 : index
      %get3A_2168 = vector.load %arg7[%get3A_2165, %get3A_2166, %get3A_2167] : memref<15x16x4096xf32, #tpu.memory_space<vmem>>, vector<1x1x4096xf32>
      %get3A_2169 = vector.shape_cast %get3A_2168 : vector<1x1x4096xf32> to vector<1x4096xf32>
      %swap3A_2170 = arith.constant 1 : index
      %swap3A_2171 = arith.constant 0 : index
      %swap3A_2172 = vector.load %arg9[%swap3A_2170, %swap3A_2171] : memref<16x4096xf32, #tpu.memory_space<vmem>>, vector<1x4096xf32>
      tpu.vector_store %arg9[%swap3A_2170, %swap3A_2171], %get3A_2169 {strides = array<i32>} : memref<16x4096xf32, #tpu.memory_space<vmem>>, vector<1x4096xf32>,
      %slice3A_2173 = vector.extract_strided_slice %broadcast_in_dim3A_2152 {offsets = [2, 0], sizes = [1, 1], strides = [1, 1]} : vector<16x1xi32> to vector<1x1xi32>
      %squeeze3A_2174 = vector.extract %slice3A_2173[0, 0] : i32 from vector<1x1xi32>
      %get3A_2175 = arith.index_cast %squeeze3A_2174 : i32 to index
      %get3A_2176 = arith.constant 2 : index
      %get3A_2177 = arith.constant 0 : index
      %get3A_2178 = vector.load %arg7[%get3A_2175, %get3A_2176, %get3A_2177] : memref<15x16x4096xf32, #tpu.memory_space<vmem>>, vector<1x1x4096xf32>
      %get3A_2179 = vector.shape_cast %get3A_2178 : vector<1x1x4096xf32> to vector<1x4096xf32>
      %swap3A_2180 = arith.constant 2 : index
      %swap3A_2181 = arith.constant 0 : index
      %swap3A_2182 = vector.load %arg9[%swap3A_2180, %swap3A_2181] : memref<16x4096xf32, #tpu.memory_space<vmem>>, vector<1x4096xf32>
      tpu.vector_store %arg9[%swap3A_2180, %swap3A_2181], %get3A_2179 {strides = array<i32>} : memref<16x4096xf32, #tpu.memory_space<vmem>>, vector<1x4096xf32>,
      %slice3A_2183 = vector.extract_strided_slice %broadcast_in_dim3A_2152 {offsets = [3, 0], sizes = [1, 1], strides = [1, 1]} : vector<16x1xi32> to vector<1x1xi32>
      %squeeze3A_2184 = vector.extract %slice3A_2183[0, 0] : i32 from vector<1x1xi32>
      %get3A_2185 = arith.index_cast %squeeze3A_2184 : i32 to index
      %get3A_2186 = arith.constant 3 : index
      %get3A_2187 = arith.constant 0 : index
      %get3A_2188 = vector.load %arg7[%get3A_2185, %get3A_2186, %get3A_2187] : memref<15x16x4096xf32, #tpu.memory_space<vmem>>, vector<1x1x4096xf32>
      %get3A_2189 = vector.shape_cast %get3A_2188 : vector<1x1x4096xf32> to vector<1x4096xf32>
      %swap3A_2190 = arith.constant 3 : index
      %swap3A_2191 = arith.constant 0 : index
      %swap3A_2192 = vector.load %arg9[%swap3A_2190, %swap3A_2191] : memref<16x4096xf32, #tpu.memory_space<vmem>>, vector<1x4096xf32>
      tpu.vector_store %arg9[%swap3A_2190, %swap3A_2191], %get3A_2189 {strides = array<i32>} : memref<16x4096xf32, #tpu.memory_space<vmem>>, vector<1x4096xf32>,
      %slice3A_2193 = vector.extract_strided_slice %broadcast_in_dim3A_2152 {offsets = [4, 0], sizes = [1, 1], strides = [1, 1]} : vector<16x1xi32> to vector<1x1xi32>
      %squeeze3A_2194 = vector.extract %slice3A_2193[0, 0] : i32 from vector<1x1xi32>
      %get3A_2195 = arith.index_cast %squeeze3A_2194 : i32 to index
      %get3A_2196 = arith.constant 4 : index
      %get3A_2197 = arith.constant 0 : index
      %get3A_2198 = vector.load %arg7[%get3A_2195, %get3A_2196, %get3A_2197] : memref<15x16x4096xf32, #tpu.memory_space<vmem>>, vector<1x1x4096xf32>
      %get3A_2199 = vector.shape_cast %get3A_2198 : vector<1x1x4096xf32> to vector<1x4096xf32>
      %swap3A_2200 = arith.constant 4 : index
      %swap3A_2201 = arith.constant 0 : index
      %swap3A_2202 = vector.load %arg9[%swap3A_2200, %swap3A_2201] : memref<16x4096xf32, #tpu.memory_space<vmem>>, vector<1x4096xf32>
      tpu.vector_store %arg9[%swap3A_2200, %swap3A_2201], %get3A_2199 {strides = array<i32>} : memref<16x4096xf32, #tpu.memory_space<vmem>>, vector<1x4096xf32>,
      %slice3A_2203 = vector.extract_strided_slice %broadcast_in_dim3A_2152 {offsets = [5, 0], sizes = [1, 1], strides = [1, 1]} : vector<16x1xi32> to vector<1x1xi32>
      %squeeze3A_2204 = vector.extract %slice3A_2203[0, 0] : i32 from vector<1x1xi32>
      %get3A_2205 = arith.index_cast %squeeze3A_2204 : i32 to index
      %get3A_2206 = arith.constant 5 : index
      %get3A_2207 = arith.constant 0 : index
      %get3A_2208 = vector.load %arg7[%get3A_2205, %get3A_2206, %get3A_2207] : memref<15x16x4096xf32, #tpu.memory_space<vmem>>, vector<1x1x4096xf32>
      %get3A_2209 = vector.shape_cast %get3A_2208 : vector<1x1x4096xf32> to vector<1x4096xf32>
      %swap3A_2210 = arith.constant 5 : index
      %swap3A_2211 = arith.constant 0 : index
      %swap3A_2212 = vector.load %arg9[%swap3A_2210, %swap3A_2211] : memref<16x4096xf32, #tpu.memory_space<vmem>>, vector<1x4096xf32>
      tpu.vector_store %arg9[%swap3A_2210, %swap3A_2211], %get3A_2209 {strides = array<i32>} : memref<16x4096xf32, #tpu.memory_space<vmem>>, vector<1x4096xf32>,
      %slice3A_2213 = vector.extract_strided_slice %broadcast_in_dim3A_2152 {offsets = [6, 0], sizes = [1, 1], strides = [1, 1]} : vector<16x1xi32> to vector<1x1xi32>
      %squeeze3A_2214 = vector.extract %slice3A_2213[0, 0] : i32 from vector<1x1xi32>
      %get3A_2215 = arith.index_cast %squeeze3A_2214 : i32 to index
      %get3A_2216 = arith.constant 6 : index
      %get3A_2217 = arith.constant 0 : index
      %get3A_2218 = vector.load %arg7[%get3A_2215, %get3A_2216, %get3A_2217] : memref<15x16x4096xf32, #tpu.memory_space<vmem>>, vector<1x1x4096xf32>
      %get3A_2219 = vector.shape_cast %get3A_2218 : vector<1x1x4096xf32> to vector<1x4096xf32>
      %swap3A_2220 = arith.constant 6 : index
      %swap3A_2221 = arith.constant 0 : index
      %swap3A_2222 = vector.load %arg9[%swap3A_2220, %swap3A_2221] : memref<16x4096xf32, #tpu.memory_space<vmem>>, vector<1x4096xf32>
      tpu.vector_store %arg9[%swap3A_2220, %swap3A_2221], %get3A_2219 {strides = array<i32>} : memref<16x4096xf32, #tpu.memory_space<vmem>>, vector<1x4096xf32>,
      %slice3A_2223 = vector.extract_strided_slice %broadcast_in_dim3A_2152 {offsets = [7, 0], sizes = [1, 1], strides = [1, 1]} : vector<16x1xi32> to vector<1x1xi32>
      %squeeze3A_2224 = vector.extract %slice3A_2223[0, 0] : i32 from vector<1x1xi32>
      %get3A_2225 = arith.index_cast %squeeze3A_2224 : i32 to index
      %get3A_2226 = arith.constant 7 : index
      %get3A_2227 = arith.constant 0 : index
      %get3A_2228 = vector.load %arg7[%get3A_2225, %get3A_2226, %get3A_2227] : memref<15x16x4096xf32, #tpu.memory_space<vmem>>, vector<1x1x4096xf32>
      %get3A_2229 = vector.shape_cast %get3A_2228 : vector<1x1x4096xf32> to vector<1x4096xf32>
      %swap3A_2230 = arith.constant 7 : index
      %swap3A_2231 = arith.constant 0 : index
      %swap3A_2232 = vector.load %arg9[%swap3A_2230, %swap3A_2231] : memref<16x4096xf32, #tpu.memory_space<vmem>>, vector<1x4096xf32>
      tpu.vector_store %arg9[%swap3A_2230, %swap3A_2231], %get3A_2229 {strides = array<i32>} : memref<16x4096xf32, #tpu.memory_space<vmem>>, vector<1x4096xf32>,
      %slice3A_2233 = vector.extract_strided_slice %broadcast_in_dim3A_2152 {offsets = [8, 0], sizes = [1, 1], strides = [1, 1]} : vector<16x1xi32> to vector<1x1xi32>
      %squeeze3A_2234 = vector.extract %slice3A_2233[0, 0] : i32 from vector<1x1xi32>
      %get3A_2235 = arith.index_cast %squeeze3A_2234 : i32 to index
      %get3A_2236 = arith.constant 8 : index
      %get3A_2237 = arith.constant 0 : index
      %get3A_2238 = vector.load %arg7[%get3A_2235, %get3A_2236, %get3A_2237] : memref<15x16x4096xf32, #tpu.memory_space<vmem>>, vector<1x1x4096xf32>
      %get3A_2239 = vector.shape_cast %get3A_2238 : vector<1x1x4096xf32> to vector<1x4096xf32>
      %swap3A_2240 = arith.constant 8 : index
      %swap3A_2241 = arith.constant 0 : index
      %swap3A_2242 = vector.load %arg9[%swap3A_2240, %swap3A_2241] : memref<16x4096xf32, #tpu.memory_space<vmem>>, vector<1x4096xf32>
      tpu.vector_store %arg9[%swap3A_2240, %swap3A_2241], %get3A_2239 {strides = array<i32>} : memref<16x4096xf32, #tpu.memory_space<vmem>>, vector<1x4096xf32>,
      %slice3A_2243 = vector.extract_strided_slice %broadcast_in_dim3A_2152 {offsets = [9, 0], sizes = [1, 1], strides = [1, 1]} : vector<16x1xi32> to vector<1x1xi32>
      %squeeze3A_2244 = vector.extract %slice3A_2243[0, 0] : i32 from vector<1x1xi32>
      %get3A_2245 = arith.index_cast %squeeze3A_2244 : i32 to index
      %get3A_2246 = arith.constant 9 : index
      %get3A_2247 = arith.constant 0 : index
      %get3A_2248 = vector.load %arg7[%get3A_2245, %get3A_2246, %get3A_2247] : memref<15x16x4096xf32, #tpu.memory_space<vmem>>, vector<1x1x4096xf32>
      %get3A_2249 = vector.shape_cast %get3A_2248 : vector<1x1x4096xf32> to vector<1x4096xf32>
      %swap3A_2250 = arith.constant 9 : index
      %swap3A_2251 = arith.constant 0 : index
      %swap3A_2252 = vector.load %arg9[%swap3A_2250, %swap3A_2251] : memref<16x4096xf32, #tpu.memory_space<vmem>>, vector<1x4096xf32>
      tpu.vector_store %arg9[%swap3A_2250, %swap3A_2251], %get3A_2249 {strides = array<i32>} : memref<16x4096xf32, #tpu.memory_space<vmem>>, vector<1x4096xf32>,
      %slice3A_2253 = vector.extract_strided_slice %broadcast_in_dim3A_2152 {offsets = [10, 0], sizes = [1, 1], strides = [1, 1]} : vector<16x1xi32> to vector<1x1xi32>
      %squeeze3A_2254 = vector.extract %slice3A_2253[0, 0] : i32 from vector<1x1xi32>
      %get3A_2255 = arith.index_cast %squeeze3A_2254 : i32 to index
      %get3A_2256 = arith.constant 10 : index
      %get3A_2257 = arith.constant 0 : index
      %get3A_2258 = vector.load %arg7[%get3A_2255, %get3A_2256, %get3A_2257] : memref<15x16x4096xf32, #tpu.memory_space<vmem>>, vector<1x1x4096xf32>
      %get3A_2259 = vector.shape_cast %get3A_2258 : vector<1x1x4096xf32> to vector<1x4096xf32>
      %swap3A_2260 = arith.constant 10 : index
      %swap3A_2261 = arith.constant 0 : index
      %swap3A_2262 = vector.load %arg9[%swap3A_2260, %swap3A_2261] : memref<16x4096xf32, #tpu.memory_space<vmem>>, vector<1x4096xf32>
      tpu.vector_store %arg9[%swap3A_2260, %swap3A_2261], %get3A_2259 {strides = array<i32>} : memref<16x4096xf32, #tpu.memory_space<vmem>>, vector<1x4096xf32>,
      %slice3A_2263 = vector.extract_strided_slice %broadcast_in_dim3A_2152 {offsets = [11, 0], sizes = [1, 1], strides = [1, 1]} : vector<16x1xi32> to vector<1x1xi32>
      %squeeze3A_2264 = vector.extract %slice3A_2263[0, 0] : i32 from vector<1x1xi32>
      %get3A_2265 = arith.index_cast %squeeze3A_2264 : i32 to index
      %get3A_2266 = arith.constant 11 : index
      %get3A_2267 = arith.constant 0 : index
      %get3A_2268 = vector.load %arg7[%get3A_2265, %get3A_2266, %get3A_2267] : memref<15x16x4096xf32, #tpu.memory_space<vmem>>, vector<1x1x4096xf32>
      %get3A_2269 = vector.shape_cast %get3A_2268 : vector<1x1x4096xf32> to vector<1x4096xf32>
      %swap3A_2270 = arith.constant 11 : index
      %swap3A_2271 = arith.constant 0 : index
      %swap3A_2272 = vector.load %arg9[%swap3A_2270, %swap3A_2271] : memref<16x4096xf32, #tpu.memory_space<vmem>>, vector<1x4096xf32>
      tpu.vector_store %arg9[%swap3A_2270, %swap3A_2271], %get3A_2269 {strides = array<i32>} : memref<16x4096xf32, #tpu.memory_space<vmem>>, vector<1x4096xf32>,
      %slice3A_2273 = vector.extract_strided_slice %broadcast_in_dim3A_2152 {offsets = [12, 0], sizes = [1, 1], strides = [1, 1]} : vector<16x1xi32> to vector<1x1xi32>
      %squeeze3A_2274 = vector.extract %slice3A_2273[0, 0] : i32 from vector<1x1xi32>
      %get3A_2275 = arith.index_cast %squeeze3A_2274 : i32 to index
      %get3A_2276 = arith.constant 12 : index
      %get3A_2277 = arith.constant 0 : index
      %get3A_2278 = vector.load %arg7[%get3A_2275, %get3A_2276, %get3A_2277] : memref<15x16x4096xf32, #tpu.memory_space<vmem>>, vector<1x1x4096xf32>
      %get3A_2279 = vector.shape_cast %get3A_2278 : vector<1x1x4096xf32> to vector<1x4096xf32>
      %swap3A_2280 = arith.constant 12 : index
      %swap3A_2281 = arith.constant 0 : index
      %swap3A_2282 = vector.load %arg9[%swap3A_2280, %swap3A_2281] : memref<16x4096xf32, #tpu.memory_space<vmem>>, vector<1x4096xf32>
      tpu.vector_store %arg9[%swap3A_2280, %swap3A_2281], %get3A_2279 {strides = array<i32>} : memref<16x4096xf32, #tpu.memory_space<vmem>>, vector<1x4096xf32>,
      %slice3A_2283 = vector.extract_strided_slice %broadcast_in_dim3A_2152 {offsets = [13, 0], sizes = [1, 1], strides = [1, 1]} : vector<16x1xi32> to vector<1x1xi32>
      %squeeze3A_2284 = vector.extract %slice3A_2283[0, 0] : i32 from vector<1x1xi32>
      %get3A_2285 = arith.index_cast %squeeze3A_2284 : i32 to index
      %get3A_2286 = arith.constant 13 : index
      %get3A_2287 = arith.constant 0 : index
      %get3A_2288 = vector.load %arg7[%get3A_2285, %get3A_2286, %get3A_2287] : memref<15x16x4096xf32, #tpu.memory_space<vmem>>, vector<1x1x4096xf32>
      %get3A_2289 = vector.shape_cast %get3A_2288 : vector<1x1x4096xf32> to vector<1x4096xf32>
      %swap3A_2290 = arith.constant 13 : index
      %swap3A_2291 = arith.constant 0 : index
      %swap3A_2292 = vector.load %arg9[%swap3A_2290, %swap3A_2291] : memref<16x4096xf32, #tpu.memory_space<vmem>>, vector<1x4096xf32>
      tpu.vector_store %arg9[%swap3A_2290, %swap3A_2291], %get3A_2289 {strides = array<i32>} : memref<16x4096xf32, #tpu.memory_space<vmem>>, vector<1x4096xf32>,
      %slice3A_2293 = vector.extract_strided_slice %broadcast_in_dim3A_2152 {offsets = [14, 0], sizes = [1, 1], strides = [1, 1]} : vector<16x1xi32> to vector<1x1xi32>
      %squeeze3A_2294 = vector.extract %slice3A_2293[0, 0] : i32 from vector<1x1xi32>
      %get3A_2295 = arith.index_cast %squeeze3A_2294 : i32 to index
      %get3A_2296 = arith.constant 14 : index
      %get3A_2297 = arith.constant 0 : index
      %get3A_2298 = vector.load %arg7[%get3A_2295, %get3A_2296, %get3A_2297] : memref<15x16x4096xf32, #tpu.memory_space<vmem>>, vector<1x1x4096xf32>
      %get3A_2299 = vector.shape_cast %get3A_2298 : vector<1x1x4096xf32> to vector<1x4096xf32>
      %swap3A_2300 = arith.constant 14 : index
      %swap3A_2301 = arith.constant 0 : index
      %swap3A_2302 = vector.load %arg9[%swap3A_2300, %swap3A_2301] : memref<16x4096xf32, #tpu.memory_space<vmem>>, vector<1x4096xf32>
      tpu.vector_store %arg9[%swap3A_2300, %swap3A_2301], %get3A_2299 {strides = array<i32>} : memref<16x4096xf32, #tpu.memory_space<vmem>>, vector<1x4096xf32>,
      %slice3A_2303 = vector.extract_strided_slice %broadcast_in_dim3A_2152 {offsets = [15, 0], sizes = [1, 1], strides = [1, 1]} : vector<16x1xi32> to vector<1x1xi32>
      %squeeze3A_2304 = vector.extract %slice3A_2303[0, 0] : i32 from vector<1x1xi32>
      %get3A_2305 = arith.index_cast %squeeze3A_2304 : i32 to index
      %get3A_2306 = arith.constant 15 : index
      %get3A_2307 = arith.constant 0 : index
      %get3A_2308 = vector.load %arg7[%get3A_2305, %get3A_2306, %get3A_2307] : memref<15x16x4096xf32, #tpu.memory_space<vmem>>, vector<1x1x4096xf32>
      %get3A_2309 = vector.shape_cast %get3A_2308 : vector<1x1x4096xf32> to vector<1x4096xf32>
      %swap3A_2310 = arith.constant 15 : index
      %swap3A_2311 = arith.constant 0 : index
      %swap3A_2312 = vector.load %arg9[%swap3A_2310, %swap3A_2311] : memref<16x4096xf32, #tpu.memory_space<vmem>>, vector<1x4096xf32>
      tpu.vector_store %arg9[%swap3A_2310, %swap3A_2311], %get3A_2309 {strides = array<i32>} : memref<16x4096xf32, #tpu.memory_space<vmem>>, vector<1x4096xf32>,
      %get3A_2313 = arith.constant 0 : index
      %get3A_2314 = arith.constant 0 : index
      %get3A_2315 = vector.load %arg9[%get3A_2313, %get3A_2314] : memref<16x4096xf32, #tpu.memory_space<vmem>>, vector<16x4096xf32>
      %add3A_2316 = arith.constant 40960 : i32
      %add3A_2317 = vector.broadcast %add3A_2316 : i32 to vector<16x4096xi32>
      %add3A_2318 = arith.addi %iota3A_402, %add3A_2317 : vector<16x4096xi32>
      %mul3A_2319 = arith.constant 4096 : i32
      %mul3A_2320 = vector.broadcast %mul3A_2319 : i32 to vector<16x1xi32>
      %mul3A_2321 = arith.muli %broadcast_in_dim3A_2152, %mul3A_2320 : vector<16x1xi32>
      %add3A_2322 = vector.broadcast %mul3A_2321 : vector<16x1xi32> to vector<16x4096xi32>
      %add3A_2323 = arith.addi %add3A_2318, %add3A_2322 : vector<16x4096xi32>
      %lt3A_2324 = vector.broadcast %broadcast_in_dim3A_1926 : vector<16x1xf32> to vector<16x4096xf32>
      %lt3A_2325 = arith.cmpf olt, %get3A_2315, %lt3A_2324 : vector<16x4096xf32>
      %eq3A_2326 = vector.broadcast %broadcast_in_dim3A_1926 : vector<16x1xf32> to vector<16x4096xf32>
      %eq3A_2327 = arith.cmpf oeq, %get3A_2315, %eq3A_2326 : vector<16x4096xf32>
      %gt3A_2328 = vector.broadcast %broadcast_in_dim3A_2122 : vector<16x1xi32> to vector<16x4096xi32>
      %gt3A_2329 = arith.cmpi sgt, %add3A_2323, %gt3A_2328 : vector<16x4096xi32>
      %and3A_2330 = arith.andi %eq3A_2327, %gt3A_2329 : vector<16x4096xi1>
      %or3A_2331 = arith.ori %lt3A_2325, %and3A_2330 : vector<16x4096xi1>
      %eq3A_2332 = vector.broadcast %broadcast_in_dim3A_2144 : vector<16x1xf32> to vector<16x4096xf32>
      %eq3A_2333 = arith.cmpf oeq, %get3A_2315, %eq3A_2332 : vector<16x4096xf32>
      %and3A_2334 = arith.andi %eq3A_2333, %or3A_2331 : vector<16x4096xi1>
      %jit3A_2335 = arith.constant 1073741824 : i32
      %broadcast_in_dim3A_2336 = vector.broadcast %jit3A_2335 : i32 to vector<16x4096xi32>
      %select_n3A_2337 = arith.select %and3A_2334, %add3A_2323, %broadcast_in_dim3A_2336 : vector<16x4096xi1>, vector<16x4096xi32>
      %reduce_min3A_2338 = arith.constant dense<2147483647> : vector<16xi32>
      %reduce_min3A_2339 = vector.multi_reduction <minsi>, %select_n3A_2337, %reduce_min3A_2338 [1] : vector<16x4096xi32> to vector<16xi32>
      %broadcast_in_dim3A_2340 = vector.shape_cast %reduce_min3A_2339 : vector<16xi32> to vector<16x1xi32>
      %lt3A_2341 = vector.broadcast %broadcast_in_dim3A_2144 : vector<16x1xf32> to vector<16x4096xf32>
      %lt3A_2342 = arith.cmpf olt, %get3A_2315, %lt3A_2341 : vector<16x4096xf32>
      %eq3A_2343 = vector.broadcast %broadcast_in_dim3A_2144 : vector<16x1xf32> to vector<16x4096xf32>
      %eq3A_2344 = arith.cmpf oeq, %get3A_2315, %eq3A_2343 : vector<16x4096xf32>
      %gt3A_2345 = vector.broadcast %broadcast_in_dim3A_2340 : vector<16x1xi32> to vector<16x4096xi32>
      %gt3A_2346 = arith.cmpi sgt, %add3A_2323, %gt3A_2345 : vector<16x4096xi32>
      %and3A_2347 = arith.andi %eq3A_2344, %gt3A_2346 : vector<16x4096xi1>
      %or3A_2348 = arith.ori %lt3A_2342, %and3A_2347 : vector<16x4096xi1>
      %jit3A_2349 = arith.constant 0xFF800000 : f32
      %broadcast_in_dim3A_2350 = vector.broadcast %jit3A_2349 : f32 to vector<16x4096xf32>
      %select_n3A_2351 = arith.select %or3A_2348, %get3A_2315, %broadcast_in_dim3A_2350 : vector<16x4096xi1>, vector<16x4096xf32>
      %reduce_max3A_2352 = arith.constant dense<0xFF800000> : vector<16xf32>
      %reduce_max3A_2353 = vector.multi_reduction <maximumf>, %select_n3A_2351, %reduce_max3A_2352 [1] : vector<16x4096xf32> to vector<16xf32>
      %broadcast_in_dim3A_2354 = vector.shape_cast %reduce_max3A_2353 : vector<16xf32> to vector<16x1xf32>
      %eq3A_2355 = vector.broadcast %broadcast_in_dim3A_2152 : vector<16x1xi32> to vector<16x64xi32>
      %eq3A_2356 = arith.cmpi eq, %iota3A_215, %eq3A_2355 : vector<16x64xi32>
      %broadcast_in_dim3A_2357 = vector.shape_cast %broadcast_in_dim3A_2354 : vector<16x1xf32> to vector<16x1xf32>
      %broadcast_in_dim3A_2358 = vector.broadcast %broadcast_in_dim3A_2357 : vector<16x1xf32> to vector<16x64xf32>
      %select_n3A_2359 = arith.select %eq3A_2356, %broadcast_in_dim3A_2358, %select_n3A_2141 : vector<16x64xi1>, vector<16x64xf32>
      %reduce_max3A_2360 = arith.constant dense<0xFF800000> : vector<16xf32>
      %reduce_max3A_2361 = vector.multi_reduction <maximumf>, %select_n3A_2359, %reduce_max3A_2360 [1] : vector<16x64xf32> to vector<16xf32>
      %broadcast_in_dim3A_2362 = vector.shape_cast %reduce_max3A_2361 : vector<16xf32> to vector<16x1xf32>
      %eq3A_2363 = vector.broadcast %broadcast_in_dim3A_2362 : vector<16x1xf32> to vector<16x64xf32>
      %eq3A_2364 = arith.cmpf oeq, %select_n3A_2359, %eq3A_2363 : vector<16x64xf32>
      %jit3A_2365 = arith.constant 1073741824 : i32
      %broadcast_in_dim3A_2366 = vector.broadcast %jit3A_2365 : i32 to vector<16x64xi32>
      %select_n3A_2367 = arith.select %eq3A_2364, %iota3A_215, %broadcast_in_dim3A_2366 : vector<16x64xi1>, vector<16x64xi32>
      %reduce_min3A_2368 = arith.constant dense<2147483647> : vector<16xi32>
      %reduce_min3A_2369 = vector.multi_reduction <minsi>, %select_n3A_2367, %reduce_min3A_2368 [1] : vector<16x64xi32> to vector<16xi32>
      %broadcast_in_dim3A_2370 = vector.shape_cast %reduce_min3A_2369 : vector<16xi32> to vector<16x1xi32>
      %slice3A_2371 = vector.extract_strided_slice %broadcast_in_dim3A_2370 {offsets = [0, 0], sizes = [1, 1], strides = [1, 1]} : vector<16x1xi32> to vector<1x1xi32>
      %squeeze3A_2372 = vector.extract %slice3A_2371[0, 0] : i32 from vector<1x1xi32>
      %get3A_2373 = arith.index_cast %squeeze3A_2372 : i32 to index
      %get3A_2374 = arith.constant 0 : index
      %get3A_2375 = arith.constant 0 : index
      %get3A_2376 = vector.load %arg7[%get3A_2373, %get3A_2374, %get3A_2375] : memref<15x16x4096xf32, #tpu.memory_space<vmem>>, vector<1x1x4096xf32>
      %get3A_2377 = vector.shape_cast %get3A_2376 : vector<1x1x4096xf32> to vector<1x4096xf32>
      %swap3A_2378 = arith.constant 0 : index
      %swap3A_2379 = arith.constant 0 : index
      %swap3A_2380 = vector.load %arg9[%swap3A_2378, %swap3A_2379] : memref<16x4096xf32, #tpu.memory_space<vmem>>, vector<1x4096xf32>
      tpu.vector_store %arg9[%swap3A_2378, %swap3A_2379], %get3A_2377 {strides = array<i32>} : memref<16x4096xf32, #tpu.memory_space<vmem>>, vector<1x4096xf32>,
      %slice3A_2381 = vector.extract_strided_slice %broadcast_in_dim3A_2370 {offsets = [1, 0], sizes = [1, 1], strides = [1, 1]} : vector<16x1xi32> to vector<1x1xi32>
      %squeeze3A_2382 = vector.extract %slice3A_2381[0, 0] : i32 from vector<1x1xi32>
      %get3A_2383 = arith.index_cast %squeeze3A_2382 : i32 to index
      %get3A_2384 = arith.constant 1 : index
      %get3A_2385 = arith.constant 0 : index
      %get3A_2386 = vector.load %arg7[%get3A_2383, %get3A_2384, %get3A_2385] : memref<15x16x4096xf32, #tpu.memory_space<vmem>>, vector<1x1x4096xf32>
      %get3A_2387 = vector.shape_cast %get3A_2386 : vector<1x1x4096xf32> to vector<1x4096xf32>
      %swap3A_2388 = arith.constant 1 : index
      %swap3A_2389 = arith.constant 0 : index
      %swap3A_2390 = vector.load %arg9[%swap3A_2388, %swap3A_2389] : memref<16x4096xf32, #tpu.memory_space<vmem>>, vector<1x4096xf32>
      tpu.vector_store %arg9[%swap3A_2388, %swap3A_2389], %get3A_2387 {strides = array<i32>} : memref<16x4096xf32, #tpu.memory_space<vmem>>, vector<1x4096xf32>,
      %slice3A_2391 = vector.extract_strided_slice %broadcast_in_dim3A_2370 {offsets = [2, 0], sizes = [1, 1], strides = [1, 1]} : vector<16x1xi32> to vector<1x1xi32>
      %squeeze3A_2392 = vector.extract %slice3A_2391[0, 0] : i32 from vector<1x1xi32>
      %get3A_2393 = arith.index_cast %squeeze3A_2392 : i32 to index
      %get3A_2394 = arith.constant 2 : index
      %get3A_2395 = arith.constant 0 : index
      %get3A_2396 = vector.load %arg7[%get3A_2393, %get3A_2394, %get3A_2395] : memref<15x16x4096xf32, #tpu.memory_space<vmem>>, vector<1x1x4096xf32>
      %get3A_2397 = vector.shape_cast %get3A_2396 : vector<1x1x4096xf32> to vector<1x4096xf32>
      %swap3A_2398 = arith.constant 2 : index
      %swap3A_2399 = arith.constant 0 : index
      %swap3A_2400 = vector.load %arg9[%swap3A_2398, %swap3A_2399] : memref<16x4096xf32, #tpu.memory_space<vmem>>, vector<1x4096xf32>
      tpu.vector_store %arg9[%swap3A_2398, %swap3A_2399], %get3A_2397 {strides = array<i32>} : memref<16x4096xf32, #tpu.memory_space<vmem>>, vector<1x4096xf32>,
      %slice3A_2401 = vector.extract_strided_slice %broadcast_in_dim3A_2370 {offsets = [3, 0], sizes = [1, 1], strides = [1, 1]} : vector<16x1xi32> to vector<1x1xi32>
      %squeeze3A_2402 = vector.extract %slice3A_2401[0, 0] : i32 from vector<1x1xi32>
      %get3A_2403 = arith.index_cast %squeeze3A_2402 : i32 to index
      %get3A_2404 = arith.constant 3 : index
      %get3A_2405 = arith.constant 0 : index
      %get3A_2406 = vector.load %arg7[%get3A_2403, %get3A_2404, %get3A_2405] : memref<15x16x4096xf32, #tpu.memory_space<vmem>>, vector<1x1x4096xf32>
      %get3A_2407 = vector.shape_cast %get3A_2406 : vector<1x1x4096xf32> to vector<1x4096xf32>
      %swap3A_2408 = arith.constant 3 : index
      %swap3A_2409 = arith.constant 0 : index
      %swap3A_2410 = vector.load %arg9[%swap3A_2408, %swap3A_2409] : memref<16x4096xf32, #tpu.memory_space<vmem>>, vector<1x4096xf32>
      tpu.vector_store %arg9[%swap3A_2408, %swap3A_2409], %get3A_2407 {strides = array<i32>} : memref<16x4096xf32, #tpu.memory_space<vmem>>, vector<1x4096xf32>,
      %slice3A_2411 = vector.extract_strided_slice %broadcast_in_dim3A_2370 {offsets = [4, 0], sizes = [1, 1], strides = [1, 1]} : vector<16x1xi32> to vector<1x1xi32>
      %squeeze3A_2412 = vector.extract %slice3A_2411[0, 0] : i32 from vector<1x1xi32>
      %get3A_2413 = arith.index_cast %squeeze3A_2412 : i32 to index
      %get3A_2414 = arith.constant 4 : index
      %get3A_2415 = arith.constant 0 : index
      %get3A_2416 = vector.load %arg7[%get3A_2413, %get3A_2414, %get3A_2415] : memref<15x16x4096xf32, #tpu.memory_space<vmem>>, vector<1x1x4096xf32>
      %get3A_2417 = vector.shape_cast %get3A_2416 : vector<1x1x4096xf32> to vector<1x4096xf32>
      %swap3A_2418 = arith.constant 4 : index
      %swap3A_2419 = arith.constant 0 : index
      %swap3A_2420 = vector.load %arg9[%swap3A_2418, %swap3A_2419] : memref<16x4096xf32, #tpu.memory_space<vmem>>, vector<1x4096xf32>
      tpu.vector_store %arg9[%swap3A_2418, %swap3A_2419], %get3A_2417 {strides = array<i32>} : memref<16x4096xf32, #tpu.memory_space<vmem>>, vector<1x4096xf32>,
      %slice3A_2421 = vector.extract_strided_slice %broadcast_in_dim3A_2370 {offsets = [5, 0], sizes = [1, 1], strides = [1, 1]} : vector<16x1xi32> to vector<1x1xi32>
      %squeeze3A_2422 = vector.extract %slice3A_2421[0, 0] : i32 from vector<1x1xi32>
      %get3A_2423 = arith.index_cast %squeeze3A_2422 : i32 to index
      %get3A_2424 = arith.constant 5 : index
      %get3A_2425 = arith.constant 0 : index
      %get3A_2426 = vector.load %arg7[%get3A_2423, %get3A_2424, %get3A_2425] : memref<15x16x4096xf32, #tpu.memory_space<vmem>>, vector<1x1x4096xf32>
      %get3A_2427 = vector.shape_cast %get3A_2426 : vector<1x1x4096xf32> to vector<1x4096xf32>
      %swap3A_2428 = arith.constant 5 : index
      %swap3A_2429 = arith.constant 0 : index
      %swap3A_2430 = vector.load %arg9[%swap3A_2428, %swap3A_2429] : memref<16x4096xf32, #tpu.memory_space<vmem>>, vector<1x4096xf32>
      tpu.vector_store %arg9[%swap3A_2428, %swap3A_2429], %get3A_2427 {strides = array<i32>} : memref<16x4096xf32, #tpu.memory_space<vmem>>, vector<1x4096xf32>,
      %slice3A_2431 = vector.extract_strided_slice %broadcast_in_dim3A_2370 {offsets = [6, 0], sizes = [1, 1], strides = [1, 1]} : vector<16x1xi32> to vector<1x1xi32>
      %squeeze3A_2432 = vector.extract %slice3A_2431[0, 0] : i32 from vector<1x1xi32>
      %get3A_2433 = arith.index_cast %squeeze3A_2432 : i32 to index
      %get3A_2434 = arith.constant 6 : index
      %get3A_2435 = arith.constant 0 : index
      %get3A_2436 = vector.load %arg7[%get3A_2433, %get3A_2434, %get3A_2435] : memref<15x16x4096xf32, #tpu.memory_space<vmem>>, vector<1x1x4096xf32>
      %get3A_2437 = vector.shape_cast %get3A_2436 : vector<1x1x4096xf32> to vector<1x4096xf32>
      %swap3A_2438 = arith.constant 6 : index
      %swap3A_2439 = arith.constant 0 : index
      %swap3A_2440 = vector.load %arg9[%swap3A_2438, %swap3A_2439] : memref<16x4096xf32, #tpu.memory_space<vmem>>, vector<1x4096xf32>
      tpu.vector_store %arg9[%swap3A_2438, %swap3A_2439], %get3A_2437 {strides = array<i32>} : memref<16x4096xf32, #tpu.memory_space<vmem>>, vector<1x4096xf32>,
      %slice3A_2441 = vector.extract_strided_slice %broadcast_in_dim3A_2370 {offsets = [7, 0], sizes = [1, 1], strides = [1, 1]} : vector<16x1xi32> to vector<1x1xi32>
      %squeeze3A_2442 = vector.extract %slice3A_2441[0, 0] : i32 from vector<1x1xi32>
      %get3A_2443 = arith.index_cast %squeeze3A_2442 : i32 to index
      %get3A_2444 = arith.constant 7 : index
      %get3A_2445 = arith.constant 0 : index
      %get3A_2446 = vector.load %arg7[%get3A_2443, %get3A_2444, %get3A_2445] : memref<15x16x4096xf32, #tpu.memory_space<vmem>>, vector<1x1x4096xf32>
      %get3A_2447 = vector.shape_cast %get3A_2446 : vector<1x1x4096xf32> to vector<1x4096xf32>
      %swap3A_2448 = arith.constant 7 : index
      %swap3A_2449 = arith.constant 0 : index
      %swap3A_2450 = vector.load %arg9[%swap3A_2448, %swap3A_2449] : memref<16x4096xf32, #tpu.memory_space<vmem>>, vector<1x4096xf32>
      tpu.vector_store %arg9[%swap3A_2448, %swap3A_2449], %get3A_2447 {strides = array<i32>} : memref<16x4096xf32, #tpu.memory_space<vmem>>, vector<1x4096xf32>,
      %slice3A_2451 = vector.extract_strided_slice %broadcast_in_dim3A_2370 {offsets = [8, 0], sizes = [1, 1], strides = [1, 1]} : vector<16x1xi32> to vector<1x1xi32>
      %squeeze3A_2452 = vector.extract %slice3A_2451[0, 0] : i32 from vector<1x1xi32>
      %get3A_2453 = arith.index_cast %squeeze3A_2452 : i32 to index
      %get3A_2454 = arith.constant 8 : index
      %get3A_2455 = arith.constant 0 : index
      %get3A_2456 = vector.load %arg7[%get3A_2453, %get3A_2454, %get3A_2455] : memref<15x16x4096xf32, #tpu.memory_space<vmem>>, vector<1x1x4096xf32>
      %get3A_2457 = vector.shape_cast %get3A_2456 : vector<1x1x4096xf32> to vector<1x4096xf32>
      %swap3A_2458 = arith.constant 8 : index
      %swap3A_2459 = arith.constant 0 : index
      %swap3A_2460 = vector.load %arg9[%swap3A_2458, %swap3A_2459] : memref<16x4096xf32, #tpu.memory_space<vmem>>, vector<1x4096xf32>
      tpu.vector_store %arg9[%swap3A_2458, %swap3A_2459], %get3A_2457 {strides = array<i32>} : memref<16x4096xf32, #tpu.memory_space<vmem>>, vector<1x4096xf32>,
      %slice3A_2461 = vector.extract_strided_slice %broadcast_in_dim3A_2370 {offsets = [9, 0], sizes = [1, 1], strides = [1, 1]} : vector<16x1xi32> to vector<1x1xi32>
      %squeeze3A_2462 = vector.extract %slice3A_2461[0, 0] : i32 from vector<1x1xi32>
      %get3A_2463 = arith.index_cast %squeeze3A_2462 : i32 to index
      %get3A_2464 = arith.constant 9 : index
      %get3A_2465 = arith.constant 0 : index
      %get3A_2466 = vector.load %arg7[%get3A_2463, %get3A_2464, %get3A_2465] : memref<15x16x4096xf32, #tpu.memory_space<vmem>>, vector<1x1x4096xf32>
      %get3A_2467 = vector.shape_cast %get3A_2466 : vector<1x1x4096xf32> to vector<1x4096xf32>
      %swap3A_2468 = arith.constant 9 : index
      %swap3A_2469 = arith.constant 0 : index
      %swap3A_2470 = vector.load %arg9[%swap3A_2468, %swap3A_2469] : memref<16x4096xf32, #tpu.memory_space<vmem>>, vector<1x4096xf32>
      tpu.vector_store %arg9[%swap3A_2468, %swap3A_2469], %get3A_2467 {strides = array<i32>} : memref<16x4096xf32, #tpu.memory_space<vmem>>, vector<1x4096xf32>,
      %slice3A_2471 = vector.extract_strided_slice %broadcast_in_dim3A_2370 {offsets = [10, 0], sizes = [1, 1], strides = [1, 1]} : vector<16x1xi32> to vector<1x1xi32>
      %squeeze3A_2472 = vector.extract %slice3A_2471[0, 0] : i32 from vector<1x1xi32>
      %get3A_2473 = arith.index_cast %squeeze3A_2472 : i32 to index
      %get3A_2474 = arith.constant 10 : index
      %get3A_2475 = arith.constant 0 : index
      %get3A_2476 = vector.load %arg7[%get3A_2473, %get3A_2474, %get3A_2475] : memref<15x16x4096xf32, #tpu.memory_space<vmem>>, vector<1x1x4096xf32>
      %get3A_2477 = vector.shape_cast %get3A_2476 : vector<1x1x4096xf32> to vector<1x4096xf32>
      %swap3A_2478 = arith.constant 10 : index
      %swap3A_2479 = arith.constant 0 : index
      %swap3A_2480 = vector.load %arg9[%swap3A_2478, %swap3A_2479] : memref<16x4096xf32, #tpu.memory_space<vmem>>, vector<1x4096xf32>
      tpu.vector_store %arg9[%swap3A_2478, %swap3A_2479], %get3A_2477 {strides = array<i32>} : memref<16x4096xf32, #tpu.memory_space<vmem>>, vector<1x4096xf32>,
      %slice3A_2481 = vector.extract_strided_slice %broadcast_in_dim3A_2370 {offsets = [11, 0], sizes = [1, 1], strides = [1, 1]} : vector<16x1xi32> to vector<1x1xi32>
      %squeeze3A_2482 = vector.extract %slice3A_2481[0, 0] : i32 from vector<1x1xi32>
      %get3A_2483 = arith.index_cast %squeeze3A_2482 : i32 to index
      %get3A_2484 = arith.constant 11 : index
      %get3A_2485 = arith.constant 0 : index
      %get3A_2486 = vector.load %arg7[%get3A_2483, %get3A_2484, %get3A_2485] : memref<15x16x4096xf32, #tpu.memory_space<vmem>>, vector<1x1x4096xf32>
      %get3A_2487 = vector.shape_cast %get3A_2486 : vector<1x1x4096xf32> to vector<1x4096xf32>
      %swap3A_2488 = arith.constant 11 : index
      %swap3A_2489 = arith.constant 0 : index
      %swap3A_2490 = vector.load %arg9[%swap3A_2488, %swap3A_2489] : memref<16x4096xf32, #tpu.memory_space<vmem>>, vector<1x4096xf32>
      tpu.vector_store %arg9[%swap3A_2488, %swap3A_2489], %get3A_2487 {strides = array<i32>} : memref<16x4096xf32, #tpu.memory_space<vmem>>, vector<1x4096xf32>,
      %slice3A_2491 = vector.extract_strided_slice %broadcast_in_dim3A_2370 {offsets = [12, 0], sizes = [1, 1], strides = [1, 1]} : vector<16x1xi32> to vector<1x1xi32>
      %squeeze3A_2492 = vector.extract %slice3A_2491[0, 0] : i32 from vector<1x1xi32>
      %get3A_2493 = arith.index_cast %squeeze3A_2492 : i32 to index
      %get3A_2494 = arith.constant 12 : index
      %get3A_2495 = arith.constant 0 : index
      %get3A_2496 = vector.load %arg7[%get3A_2493, %get3A_2494, %get3A_2495] : memref<15x16x4096xf32, #tpu.memory_space<vmem>>, vector<1x1x4096xf32>
      %get3A_2497 = vector.shape_cast %get3A_2496 : vector<1x1x4096xf32> to vector<1x4096xf32>
      %swap3A_2498 = arith.constant 12 : index
      %swap3A_2499 = arith.constant 0 : index
      %swap3A_2500 = vector.load %arg9[%swap3A_2498, %swap3A_2499] : memref<16x4096xf32, #tpu.memory_space<vmem>>, vector<1x4096xf32>
      tpu.vector_store %arg9[%swap3A_2498, %swap3A_2499], %get3A_2497 {strides = array<i32>} : memref<16x4096xf32, #tpu.memory_space<vmem>>, vector<1x4096xf32>,
      %slice3A_2501 = vector.extract_strided_slice %broadcast_in_dim3A_2370 {offsets = [13, 0], sizes = [1, 1], strides = [1, 1]} : vector<16x1xi32> to vector<1x1xi32>
      %squeeze3A_2502 = vector.extract %slice3A_2501[0, 0] : i32 from vector<1x1xi32>
      %get3A_2503 = arith.index_cast %squeeze3A_2502 : i32 to index
      %get3A_2504 = arith.constant 13 : index
      %get3A_2505 = arith.constant 0 : index
      %get3A_2506 = vector.load %arg7[%get3A_2503, %get3A_2504, %get3A_2505] : memref<15x16x4096xf32, #tpu.memory_space<vmem>>, vector<1x1x4096xf32>
      %get3A_2507 = vector.shape_cast %get3A_2506 : vector<1x1x4096xf32> to vector<1x4096xf32>
      %swap3A_2508 = arith.constant 13 : index
      %swap3A_2509 = arith.constant 0 : index
      %swap3A_2510 = vector.load %arg9[%swap3A_2508, %swap3A_2509] : memref<16x4096xf32, #tpu.memory_space<vmem>>, vector<1x4096xf32>
      tpu.vector_store %arg9[%swap3A_2508, %swap3A_2509], %get3A_2507 {strides = array<i32>} : memref<16x4096xf32, #tpu.memory_space<vmem>>, vector<1x4096xf32>,
      %slice3A_2511 = vector.extract_strided_slice %broadcast_in_dim3A_2370 {offsets = [14, 0], sizes = [1, 1], strides = [1, 1]} : vector<16x1xi32> to vector<1x1xi32>
      %squeeze3A_2512 = vector.extract %slice3A_2511[0, 0] : i32 from vector<1x1xi32>
      %get3A_2513 = arith.index_cast %squeeze3A_2512 : i32 to index
      %get3A_2514 = arith.constant 14 : index
      %get3A_2515 = arith.constant 0 : index
      %get3A_2516 = vector.load %arg7[%get3A_2513, %get3A_2514, %get3A_2515] : memref<15x16x4096xf32, #tpu.memory_space<vmem>>, vector<1x1x4096xf32>
      %get3A_2517 = vector.shape_cast %get3A_2516 : vector<1x1x4096xf32> to vector<1x4096xf32>
      %swap3A_2518 = arith.constant 14 : index
      %swap3A_2519 = arith.constant 0 : index
      %swap3A_2520 = vector.load %arg9[%swap3A_2518, %swap3A_2519] : memref<16x4096xf32, #tpu.memory_space<vmem>>, vector<1x4096xf32>
      tpu.vector_store %arg9[%swap3A_2518, %swap3A_2519], %get3A_2517 {strides = array<i32>} : memref<16x4096xf32, #tpu.memory_space<vmem>>, vector<1x4096xf32>,
      %slice3A_2521 = vector.extract_strided_slice %broadcast_in_dim3A_2370 {offsets = [15, 0], sizes = [1, 1], strides = [1, 1]} : vector<16x1xi32> to vector<1x1xi32>
      %squeeze3A_2522 = vector.extract %slice3A_2521[0, 0] : i32 from vector<1x1xi32>
      %get3A_2523 = arith.index_cast %squeeze3A_2522 : i32 to index
      %get3A_2524 = arith.constant 15 : index
      %get3A_2525 = arith.constant 0 : index
      %get3A_2526 = vector.load %arg7[%get3A_2523, %get3A_2524, %get3A_2525] : memref<15x16x4096xf32, #tpu.memory_space<vmem>>, vector<1x1x4096xf32>
      %get3A_2527 = vector.shape_cast %get3A_2526 : vector<1x1x4096xf32> to vector<1x4096xf32>
      %swap3A_2528 = arith.constant 15 : index
      %swap3A_2529 = arith.constant 0 : index
      %swap3A_2530 = vector.load %arg9[%swap3A_2528, %swap3A_2529] : memref<16x4096xf32, #tpu.memory_space<vmem>>, vector<1x4096xf32>
      tpu.vector_store %arg9[%swap3A_2528, %swap3A_2529], %get3A_2527 {strides = array<i32>} : memref<16x4096xf32, #tpu.memory_space<vmem>>, vector<1x4096xf32>,
      %get3A_2531 = arith.constant 0 : index
      %get3A_2532 = arith.constant 0 : index
      %get3A_2533 = vector.load %arg9[%get3A_2531, %get3A_2532] : memref<16x4096xf32, #tpu.memory_space<vmem>>, vector<16x4096xf32>
      %add3A_2534 = arith.constant 40960 : i32
      %add3A_2535 = vector.broadcast %add3A_2534 : i32 to vector<16x4096xi32>
      %add3A_2536 = arith.addi %iota3A_402, %add3A_2535 : vector<16x4096xi32>
      %mul3A_2537 = arith.constant 4096 : i32
      %mul3A_2538 = vector.broadcast %mul3A_2537 : i32 to vector<16x1xi32>
      %mul3A_2539 = arith.muli %broadcast_in_dim3A_2370, %mul3A_2538 : vector<16x1xi32>
      %add3A_2540 = vector.broadcast %mul3A_2539 : vector<16x1xi32> to vector<16x4096xi32>
      %add3A_2541 = arith.addi %add3A_2536, %add3A_2540 : vector<16x4096xi32>
      %lt3A_2542 = vector.broadcast %broadcast_in_dim3A_2144 : vector<16x1xf32> to vector<16x4096xf32>
      %lt3A_2543 = arith.cmpf olt, %get3A_2533, %lt3A_2542 : vector<16x4096xf32>
      %eq3A_2544 = vector.broadcast %broadcast_in_dim3A_2144 : vector<16x1xf32> to vector<16x4096xf32>
      %eq3A_2545 = arith.cmpf oeq, %get3A_2533, %eq3A_2544 : vector<16x4096xf32>
      %gt3A_2546 = vector.broadcast %broadcast_in_dim3A_2340 : vector<16x1xi32> to vector<16x4096xi32>
      %gt3A_2547 = arith.cmpi sgt, %add3A_2541, %gt3A_2546 : vector<16x4096xi32>
      %and3A_2548 = arith.andi %eq3A_2545, %gt3A_2547 : vector<16x4096xi1>
      %or3A_2549 = arith.ori %lt3A_2543, %and3A_2548 : vector<16x4096xi1>
      %eq3A_2550 = vector.broadcast %broadcast_in_dim3A_2362 : vector<16x1xf32> to vector<16x4096xf32>
      %eq3A_2551 = arith.cmpf oeq, %get3A_2533, %eq3A_2550 : vector<16x4096xf32>
      %and3A_2552 = arith.andi %eq3A_2551, %or3A_2549 : vector<16x4096xi1>
      %jit3A_2553 = arith.constant 1073741824 : i32
      %broadcast_in_dim3A_2554 = vector.broadcast %jit3A_2553 : i32 to vector<16x4096xi32>
      %select_n3A_2555 = arith.select %and3A_2552, %add3A_2541, %broadcast_in_dim3A_2554 : vector<16x4096xi1>, vector<16x4096xi32>
      %reduce_min3A_2556 = arith.constant dense<2147483647> : vector<16xi32>
      %reduce_min3A_2557 = vector.multi_reduction <minsi>, %select_n3A_2555, %reduce_min3A_2556 [1] : vector<16x4096xi32> to vector<16xi32>
      %broadcast_in_dim3A_2558 = vector.shape_cast %reduce_min3A_2557 : vector<16xi32> to vector<16x1xi32>
      %broadcast_in_dim3A_2559 = arith.constant 0xFF800000 : f32
      %broadcast_in_dim3A_2560 = vector.broadcast %broadcast_in_dim3A_2559 : f32 to vector<16x118xf32>
      %broadcast_in_dim3A_2561 = arith.constant 0 : i32
      %broadcast_in_dim3A_2562 = vector.broadcast %broadcast_in_dim3A_2561 : i32 to vector<16x118xi32>
      %concatenate3A = tpu.concatenate %broadcast_in_dim3A_405, %broadcast_in_dim3A_618, %broadcast_in_dim3A_836, %broadcast_in_dim3A_1054, %broadcast_in_dim3A_1272, %broadcast_in_dim3A_1490, %broadcast_in_dim3A_1708, %broadcast_in_dim3A_1926, %broadcast_in_dim3A_2144, %broadcast_in_dim3A_2362, %broadcast_in_dim3A_2560 in 1 : vector<16x1xf32>, vector<16x1xf32>, vector<16x1xf32>, vector<16x1xf32>, vector<16x1xf32>, vector<16x1xf32>, vector<16x1xf32>, vector<16x1xf32>, vector<16x1xf32>, vector<16x1xf32>, vector<16x118xf32> -> vector<16x128xf32>
      %swap3A_2563 = arith.constant 0 : index
      %swap3A_2564 = arith.constant 0 : index
      %swap3A_2565 = vector.load %arg5[%swap3A_2563, %swap3A_2564] : memref<16x128xf32, #tpu.memory_space<vmem>>, vector<16x128xf32>
      tpu.vector_store %arg5[%swap3A_2563, %swap3A_2564], %concatenate3A {strides = array<i32>} : memref<16x128xf32, #tpu.memory_space<vmem>>, vector<16x128xf32>,
      %concatenate3A_2566 = tpu.concatenate %broadcast_in_dim3A_596, %broadcast_in_dim3A_814, %broadcast_in_dim3A_1032, %broadcast_in_dim3A_1250, %broadcast_in_dim3A_1468, %broadcast_in_dim3A_1686, %broadcast_in_dim3A_1904, %broadcast_in_dim3A_2122, %broadcast_in_dim3A_2340, %broadcast_in_dim3A_2558, %broadcast_in_dim3A_2562 in 1 : vector<16x1xi32>, vector<16x1xi32>, vector<16x1xi32>, vector<16x1xi32>, vector<16x1xi32>, vector<16x1xi32>, vector<16x1xi32>, vector<16x1xi32>, vector<16x1xi32>, vector<16x1xi32>, vector<16x118xi32> -> vector<16x128xi32>
      %swap3A_2567 = arith.constant 0 : index
      %swap3A_2568 = arith.constant 0 : index
      %swap3A_2569 = vector.load %arg6[%swap3A_2567, %swap3A_2568] : memref<16x128xi32, #tpu.memory_space<vmem>>, vector<16x128xi32>
      tpu.vector_store %arg6[%swap3A_2567, %swap3A_2568], %concatenate3A_2566 {strides = array<i32>} : memref<16x128xi32, #tpu.memory_space<vmem>>, vector<16x128xi32>,
    } else {
    }
    return
  }
  func.func @transform_0(%arg0: i32) -> (i32, i32) {
    %c0_i32 = arith.constant 0 : i32
    %c0_i32_0 = arith.constant 0 : i32
    %c0_i32_1 = arith.constant 0 : i32
    return %c0_i32, %c0_i32_0 : i32, i32
  }
  func.func @transform_1(%arg0: i32) -> (i32, i32) {
    %add3A = arith.constant 10 : i32
    %add3A_0 = arith.addi %arg0, %add3A : i32
    %c0_i32 = arith.constant 0 : i32
    %c0_i32_1 = arith.constant 0 : i32
    return %add3A_0, %c0_i32 : i32, i32
  }
  func.func @transform_2(%arg0: i32) -> (i32, i32) {
    %c0_i32 = arith.constant 0 : i32
    %c0_i32_0 = arith.constant 0 : i32
    %c0_i32_1 = arith.constant 0 : i32
    return %c0_i32, %c0_i32_0 : i32, i32
  }
  func.func @transform_3(%arg0: i32) -> (i32, i32) {
    %add3A = arith.constant 10 : i32
    %add3A_0 = arith.addi %arg0, %add3A : i32
    %c0_i32 = arith.constant 0 : i32
    %c0_i32_1 = arith.constant 0 : i32
    return %c0_i32, %add3A_0 : i32, i32
  }
  func.func @transform_4(%arg0: i32) -> (i32, i32) {
    %c0_i32 = arith.constant 0 : i32
    %c0_i32_0 = arith.constant 0 : i32
    %c0_i32_1 = arith.constant 0 : i32
    return %c0_i32, %c0_i32_0 : i32, i32
  }
  func.func @transform_5(%arg0: i32) -> (i32, i32) {
    %c0_i32 = arith.constant 0 : i32
    %c0_i32_0 = arith.constant 0 : i32
    %c0_i32_1 = arith.constant 0 : i32
    return %c0_i32, %c0_i32_0 : i32, i32
  }
}

module attributes {stable_mosaic.version = 14 : i64} {
  func.func @_rank_body(%arg0: memref<16x320xf32, #tpu.memory_space<vmem>>, %arg1: memref<16x320xi32, #tpu.memory_space<vmem>>, %arg2: memref<16x128xf32, #tpu.memory_space<vmem>>, %arg3: memref<16x128xi32, #tpu.memory_space<vmem>>, %arg4: memref<16x10xf32, #tpu.memory_space<vmem>>, %arg5: memref<16x10xi32, #tpu.memory_space<vmem>>) attributes {dimension_semantics = [], scalar_prefetch = 0 : i64, scratch_operands = 0 : i64, tpu.core_type = #tpu.core_type<tc>} {
    %get3A = arith.constant 0 : index
    %get3A_0 = arith.constant 0 : index
    %get3A_1 = vector.load %arg0[%get3A, %get3A_0] : memref<16x320xf32, #tpu.memory_space<vmem>>, vector<16x320xf32>
    %get3A_2 = arith.constant 0 : index
    %get3A_3 = arith.constant 0 : index
    %get3A_4 = vector.load %arg2[%get3A_2, %get3A_3] : memref<16x128xf32, #tpu.memory_space<vmem>>, vector<16x128xf32>
    %concatenate3A = tpu.concatenate %get3A_1, %get3A_4 in 1 : vector<16x320xf32>, vector<16x128xf32> -> vector<16x448xf32>
    %get3A_5 = arith.constant 0 : index
    %get3A_6 = arith.constant 0 : index
    %get3A_7 = vector.load %arg1[%get3A_5, %get3A_6] : memref<16x320xi32, #tpu.memory_space<vmem>>, vector<16x320xi32>
    %get3A_8 = arith.constant 0 : index
    %get3A_9 = arith.constant 0 : index
    %get3A_10 = vector.load %arg3[%get3A_8, %get3A_9] : memref<16x128xi32, #tpu.memory_space<vmem>>, vector<16x128xi32>
    %concatenate3A_11 = tpu.concatenate %get3A_7, %get3A_10 in 1 : vector<16x320xi32>, vector<16x128xi32> -> vector<16x448xi32>
    %broadcast_in_dim3A = arith.constant 0x7F800000 : f32
    %broadcast_in_dim3A_12 = vector.broadcast %broadcast_in_dim3A : f32 to vector<16x1xf32>
    %broadcast_in_dim3A_13 = arith.constant -1 : i32
    %broadcast_in_dim3A_14 = vector.broadcast %broadcast_in_dim3A_13 : i32 to vector<16x1xi32>
    %lt3A = vector.broadcast %broadcast_in_dim3A_12 : vector<16x1xf32> to vector<16x448xf32>
    %lt3A_15 = arith.cmpf olt, %concatenate3A, %lt3A : vector<16x448xf32>
    %eq3A = vector.broadcast %broadcast_in_dim3A_12 : vector<16x1xf32> to vector<16x448xf32>
    %eq3A_16 = arith.cmpf oeq, %concatenate3A, %eq3A : vector<16x448xf32>
    %gt3A = vector.broadcast %broadcast_in_dim3A_14 : vector<16x1xi32> to vector<16x448xi32>
    %gt3A_17 = arith.cmpi sgt, %concatenate3A_11, %gt3A : vector<16x448xi32>
    %and3A = arith.andi %eq3A_16, %gt3A_17 : vector<16x448xi1>
    %or3A = arith.ori %lt3A_15, %and3A : vector<16x448xi1>
    %jit3A = arith.constant 0xFF800000 : f32
    %broadcast_in_dim3A_18 = vector.broadcast %jit3A : f32 to vector<16x448xf32>
    %select_n3A = arith.select %or3A, %concatenate3A, %broadcast_in_dim3A_18 : vector<16x448xi1>, vector<16x448xf32>
    %reduce_max3A = arith.constant dense<0xFF800000> : vector<16xf32>
    %reduce_max3A_19 = vector.multi_reduction <maximumf>, %select_n3A, %reduce_max3A [1] : vector<16x448xf32> to vector<16xf32>
    %broadcast_in_dim3A_20 = vector.shape_cast %reduce_max3A_19 : vector<16xf32> to vector<16x1xf32>
    %eq3A_21 = vector.broadcast %broadcast_in_dim3A_20 : vector<16x1xf32> to vector<16x448xf32>
    %eq3A_22 = arith.cmpf oeq, %select_n3A, %eq3A_21 : vector<16x448xf32>
    %jit3A_23 = arith.constant 1073741824 : i32
    %broadcast_in_dim3A_24 = vector.broadcast %jit3A_23 : i32 to vector<16x448xi32>
    %select_n3A_25 = arith.select %eq3A_22, %concatenate3A_11, %broadcast_in_dim3A_24 : vector<16x448xi1>, vector<16x448xi32>
    %reduce_min3A = arith.constant dense<2147483647> : vector<16xi32>
    %reduce_min3A_26 = vector.multi_reduction <minsi>, %select_n3A_25, %reduce_min3A [1] : vector<16x448xi32> to vector<16xi32>
    %broadcast_in_dim3A_27 = vector.shape_cast %reduce_min3A_26 : vector<16xi32> to vector<16x1xi32>
    %lt3A_28 = vector.broadcast %broadcast_in_dim3A_20 : vector<16x1xf32> to vector<16x448xf32>
    %lt3A_29 = arith.cmpf olt, %concatenate3A, %lt3A_28 : vector<16x448xf32>
    %eq3A_30 = vector.broadcast %broadcast_in_dim3A_20 : vector<16x1xf32> to vector<16x448xf32>
    %eq3A_31 = arith.cmpf oeq, %concatenate3A, %eq3A_30 : vector<16x448xf32>
    %gt3A_32 = vector.broadcast %broadcast_in_dim3A_27 : vector<16x1xi32> to vector<16x448xi32>
    %gt3A_33 = arith.cmpi sgt, %concatenate3A_11, %gt3A_32 : vector<16x448xi32>
    %and3A_34 = arith.andi %eq3A_31, %gt3A_33 : vector<16x448xi1>
    %or3A_35 = arith.ori %lt3A_29, %and3A_34 : vector<16x448xi1>
    %jit3A_36 = arith.constant 0xFF800000 : f32
    %broadcast_in_dim3A_37 = vector.broadcast %jit3A_36 : f32 to vector<16x448xf32>
    %select_n3A_38 = arith.select %or3A_35, %concatenate3A, %broadcast_in_dim3A_37 : vector<16x448xi1>, vector<16x448xf32>
    %reduce_max3A_39 = arith.constant dense<0xFF800000> : vector<16xf32>
    %reduce_max3A_40 = vector.multi_reduction <maximumf>, %select_n3A_38, %reduce_max3A_39 [1] : vector<16x448xf32> to vector<16xf32>
    %broadcast_in_dim3A_41 = vector.shape_cast %reduce_max3A_40 : vector<16xf32> to vector<16x1xf32>
    %eq3A_42 = vector.broadcast %broadcast_in_dim3A_41 : vector<16x1xf32> to vector<16x448xf32>
    %eq3A_43 = arith.cmpf oeq, %select_n3A_38, %eq3A_42 : vector<16x448xf32>
    %jit3A_44 = arith.constant 1073741824 : i32
    %broadcast_in_dim3A_45 = vector.broadcast %jit3A_44 : i32 to vector<16x448xi32>
    %select_n3A_46 = arith.select %eq3A_43, %concatenate3A_11, %broadcast_in_dim3A_45 : vector<16x448xi1>, vector<16x448xi32>
    %reduce_min3A_47 = arith.constant dense<2147483647> : vector<16xi32>
    %reduce_min3A_48 = vector.multi_reduction <minsi>, %select_n3A_46, %reduce_min3A_47 [1] : vector<16x448xi32> to vector<16xi32>
    %broadcast_in_dim3A_49 = vector.shape_cast %reduce_min3A_48 : vector<16xi32> to vector<16x1xi32>
    %lt3A_50 = vector.broadcast %broadcast_in_dim3A_41 : vector<16x1xf32> to vector<16x448xf32>
    %lt3A_51 = arith.cmpf olt, %concatenate3A, %lt3A_50 : vector<16x448xf32>
    %eq3A_52 = vector.broadcast %broadcast_in_dim3A_41 : vector<16x1xf32> to vector<16x448xf32>
    %eq3A_53 = arith.cmpf oeq, %concatenate3A, %eq3A_52 : vector<16x448xf32>
    %gt3A_54 = vector.broadcast %broadcast_in_dim3A_49 : vector<16x1xi32> to vector<16x448xi32>
    %gt3A_55 = arith.cmpi sgt, %concatenate3A_11, %gt3A_54 : vector<16x448xi32>
    %and3A_56 = arith.andi %eq3A_53, %gt3A_55 : vector<16x448xi1>
    %or3A_57 = arith.ori %lt3A_51, %and3A_56 : vector<16x448xi1>
    %jit3A_58 = arith.constant 0xFF800000 : f32
    %broadcast_in_dim3A_59 = vector.broadcast %jit3A_58 : f32 to vector<16x448xf32>
    %select_n3A_60 = arith.select %or3A_57, %concatenate3A, %broadcast_in_dim3A_59 : vector<16x448xi1>, vector<16x448xf32>
    %reduce_max3A_61 = arith.constant dense<0xFF800000> : vector<16xf32>
    %reduce_max3A_62 = vector.multi_reduction <maximumf>, %select_n3A_60, %reduce_max3A_61 [1] : vector<16x448xf32> to vector<16xf32>
    %broadcast_in_dim3A_63 = vector.shape_cast %reduce_max3A_62 : vector<16xf32> to vector<16x1xf32>
    %eq3A_64 = vector.broadcast %broadcast_in_dim3A_63 : vector<16x1xf32> to vector<16x448xf32>
    %eq3A_65 = arith.cmpf oeq, %select_n3A_60, %eq3A_64 : vector<16x448xf32>
    %jit3A_66 = arith.constant 1073741824 : i32
    %broadcast_in_dim3A_67 = vector.broadcast %jit3A_66 : i32 to vector<16x448xi32>
    %select_n3A_68 = arith.select %eq3A_65, %concatenate3A_11, %broadcast_in_dim3A_67 : vector<16x448xi1>, vector<16x448xi32>
    %reduce_min3A_69 = arith.constant dense<2147483647> : vector<16xi32>
    %reduce_min3A_70 = vector.multi_reduction <minsi>, %select_n3A_68, %reduce_min3A_69 [1] : vector<16x448xi32> to vector<16xi32>
    %broadcast_in_dim3A_71 = vector.shape_cast %reduce_min3A_70 : vector<16xi32> to vector<16x1xi32>
    %lt3A_72 = vector.broadcast %broadcast_in_dim3A_63 : vector<16x1xf32> to vector<16x448xf32>
    %lt3A_73 = arith.cmpf olt, %concatenate3A, %lt3A_72 : vector<16x448xf32>
    %eq3A_74 = vector.broadcast %broadcast_in_dim3A_63 : vector<16x1xf32> to vector<16x448xf32>
    %eq3A_75 = arith.cmpf oeq, %concatenate3A, %eq3A_74 : vector<16x448xf32>
    %gt3A_76 = vector.broadcast %broadcast_in_dim3A_71 : vector<16x1xi32> to vector<16x448xi32>
    %gt3A_77 = arith.cmpi sgt, %concatenate3A_11, %gt3A_76 : vector<16x448xi32>
    %and3A_78 = arith.andi %eq3A_75, %gt3A_77 : vector<16x448xi1>
    %or3A_79 = arith.ori %lt3A_73, %and3A_78 : vector<16x448xi1>
    %jit3A_80 = arith.constant 0xFF800000 : f32
    %broadcast_in_dim3A_81 = vector.broadcast %jit3A_80 : f32 to vector<16x448xf32>
    %select_n3A_82 = arith.select %or3A_79, %concatenate3A, %broadcast_in_dim3A_81 : vector<16x448xi1>, vector<16x448xf32>
    %reduce_max3A_83 = arith.constant dense<0xFF800000> : vector<16xf32>
    %reduce_max3A_84 = vector.multi_reduction <maximumf>, %select_n3A_82, %reduce_max3A_83 [1] : vector<16x448xf32> to vector<16xf32>
    %broadcast_in_dim3A_85 = vector.shape_cast %reduce_max3A_84 : vector<16xf32> to vector<16x1xf32>
    %eq3A_86 = vector.broadcast %broadcast_in_dim3A_85 : vector<16x1xf32> to vector<16x448xf32>
    %eq3A_87 = arith.cmpf oeq, %select_n3A_82, %eq3A_86 : vector<16x448xf32>
    %jit3A_88 = arith.constant 1073741824 : i32
    %broadcast_in_dim3A_89 = vector.broadcast %jit3A_88 : i32 to vector<16x448xi32>
    %select_n3A_90 = arith.select %eq3A_87, %concatenate3A_11, %broadcast_in_dim3A_89 : vector<16x448xi1>, vector<16x448xi32>
    %reduce_min3A_91 = arith.constant dense<2147483647> : vector<16xi32>
    %reduce_min3A_92 = vector.multi_reduction <minsi>, %select_n3A_90, %reduce_min3A_91 [1] : vector<16x448xi32> to vector<16xi32>
    %broadcast_in_dim3A_93 = vector.shape_cast %reduce_min3A_92 : vector<16xi32> to vector<16x1xi32>
    %lt3A_94 = vector.broadcast %broadcast_in_dim3A_85 : vector<16x1xf32> to vector<16x448xf32>
    %lt3A_95 = arith.cmpf olt, %concatenate3A, %lt3A_94 : vector<16x448xf32>
    %eq3A_96 = vector.broadcast %broadcast_in_dim3A_85 : vector<16x1xf32> to vector<16x448xf32>
    %eq3A_97 = arith.cmpf oeq, %concatenate3A, %eq3A_96 : vector<16x448xf32>
    %gt3A_98 = vector.broadcast %broadcast_in_dim3A_93 : vector<16x1xi32> to vector<16x448xi32>
    %gt3A_99 = arith.cmpi sgt, %concatenate3A_11, %gt3A_98 : vector<16x448xi32>
    %and3A_100 = arith.andi %eq3A_97, %gt3A_99 : vector<16x448xi1>
    %or3A_101 = arith.ori %lt3A_95, %and3A_100 : vector<16x448xi1>
    %jit3A_102 = arith.constant 0xFF800000 : f32
    %broadcast_in_dim3A_103 = vector.broadcast %jit3A_102 : f32 to vector<16x448xf32>
    %select_n3A_104 = arith.select %or3A_101, %concatenate3A, %broadcast_in_dim3A_103 : vector<16x448xi1>, vector<16x448xf32>
    %reduce_max3A_105 = arith.constant dense<0xFF800000> : vector<16xf32>
    %reduce_max3A_106 = vector.multi_reduction <maximumf>, %select_n3A_104, %reduce_max3A_105 [1] : vector<16x448xf32> to vector<16xf32>
    %broadcast_in_dim3A_107 = vector.shape_cast %reduce_max3A_106 : vector<16xf32> to vector<16x1xf32>
    %eq3A_108 = vector.broadcast %broadcast_in_dim3A_107 : vector<16x1xf32> to vector<16x448xf32>
    %eq3A_109 = arith.cmpf oeq, %select_n3A_104, %eq3A_108 : vector<16x448xf32>
    %jit3A_110 = arith.constant 1073741824 : i32
    %broadcast_in_dim3A_111 = vector.broadcast %jit3A_110 : i32 to vector<16x448xi32>
    %select_n3A_112 = arith.select %eq3A_109, %concatenate3A_11, %broadcast_in_dim3A_111 : vector<16x448xi1>, vector<16x448xi32>
    %reduce_min3A_113 = arith.constant dense<2147483647> : vector<16xi32>
    %reduce_min3A_114 = vector.multi_reduction <minsi>, %select_n3A_112, %reduce_min3A_113 [1] : vector<16x448xi32> to vector<16xi32>
    %broadcast_in_dim3A_115 = vector.shape_cast %reduce_min3A_114 : vector<16xi32> to vector<16x1xi32>
    %lt3A_116 = vector.broadcast %broadcast_in_dim3A_107 : vector<16x1xf32> to vector<16x448xf32>
    %lt3A_117 = arith.cmpf olt, %concatenate3A, %lt3A_116 : vector<16x448xf32>
    %eq3A_118 = vector.broadcast %broadcast_in_dim3A_107 : vector<16x1xf32> to vector<16x448xf32>
    %eq3A_119 = arith.cmpf oeq, %concatenate3A, %eq3A_118 : vector<16x448xf32>
    %gt3A_120 = vector.broadcast %broadcast_in_dim3A_115 : vector<16x1xi32> to vector<16x448xi32>
    %gt3A_121 = arith.cmpi sgt, %concatenate3A_11, %gt3A_120 : vector<16x448xi32>
    %and3A_122 = arith.andi %eq3A_119, %gt3A_121 : vector<16x448xi1>
    %or3A_123 = arith.ori %lt3A_117, %and3A_122 : vector<16x448xi1>
    %jit3A_124 = arith.constant 0xFF800000 : f32
    %broadcast_in_dim3A_125 = vector.broadcast %jit3A_124 : f32 to vector<16x448xf32>
    %select_n3A_126 = arith.select %or3A_123, %concatenate3A, %broadcast_in_dim3A_125 : vector<16x448xi1>, vector<16x448xf32>
    %reduce_max3A_127 = arith.constant dense<0xFF800000> : vector<16xf32>
    %reduce_max3A_128 = vector.multi_reduction <maximumf>, %select_n3A_126, %reduce_max3A_127 [1] : vector<16x448xf32> to vector<16xf32>
    %broadcast_in_dim3A_129 = vector.shape_cast %reduce_max3A_128 : vector<16xf32> to vector<16x1xf32>
    %eq3A_130 = vector.broadcast %broadcast_in_dim3A_129 : vector<16x1xf32> to vector<16x448xf32>
    %eq3A_131 = arith.cmpf oeq, %select_n3A_126, %eq3A_130 : vector<16x448xf32>
    %jit3A_132 = arith.constant 1073741824 : i32
    %broadcast_in_dim3A_133 = vector.broadcast %jit3A_132 : i32 to vector<16x448xi32>
    %select_n3A_134 = arith.select %eq3A_131, %concatenate3A_11, %broadcast_in_dim3A_133 : vector<16x448xi1>, vector<16x448xi32>
    %reduce_min3A_135 = arith.constant dense<2147483647> : vector<16xi32>
    %reduce_min3A_136 = vector.multi_reduction <minsi>, %select_n3A_134, %reduce_min3A_135 [1] : vector<16x448xi32> to vector<16xi32>
    %broadcast_in_dim3A_137 = vector.shape_cast %reduce_min3A_136 : vector<16xi32> to vector<16x1xi32>
    %lt3A_138 = vector.broadcast %broadcast_in_dim3A_129 : vector<16x1xf32> to vector<16x448xf32>
    %lt3A_139 = arith.cmpf olt, %concatenate3A, %lt3A_138 : vector<16x448xf32>
    %eq3A_140 = vector.broadcast %broadcast_in_dim3A_129 : vector<16x1xf32> to vector<16x448xf32>
    %eq3A_141 = arith.cmpf oeq, %concatenate3A, %eq3A_140 : vector<16x448xf32>
    %gt3A_142 = vector.broadcast %broadcast_in_dim3A_137 : vector<16x1xi32> to vector<16x448xi32>
    %gt3A_143 = arith.cmpi sgt, %concatenate3A_11, %gt3A_142 : vector<16x448xi32>
    %and3A_144 = arith.andi %eq3A_141, %gt3A_143 : vector<16x448xi1>
    %or3A_145 = arith.ori %lt3A_139, %and3A_144 : vector<16x448xi1>
    %jit3A_146 = arith.constant 0xFF800000 : f32
    %broadcast_in_dim3A_147 = vector.broadcast %jit3A_146 : f32 to vector<16x448xf32>
    %select_n3A_148 = arith.select %or3A_145, %concatenate3A, %broadcast_in_dim3A_147 : vector<16x448xi1>, vector<16x448xf32>
    %reduce_max3A_149 = arith.constant dense<0xFF800000> : vector<16xf32>
    %reduce_max3A_150 = vector.multi_reduction <maximumf>, %select_n3A_148, %reduce_max3A_149 [1] : vector<16x448xf32> to vector<16xf32>
    %broadcast_in_dim3A_151 = vector.shape_cast %reduce_max3A_150 : vector<16xf32> to vector<16x1xf32>
    %eq3A_152 = vector.broadcast %broadcast_in_dim3A_151 : vector<16x1xf32> to vector<16x448xf32>
    %eq3A_153 = arith.cmpf oeq, %select_n3A_148, %eq3A_152 : vector<16x448xf32>
    %jit3A_154 = arith.constant 1073741824 : i32
    %broadcast_in_dim3A_155 = vector.broadcast %jit3A_154 : i32 to vector<16x448xi32>
    %select_n3A_156 = arith.select %eq3A_153, %concatenate3A_11, %broadcast_in_dim3A_155 : vector<16x448xi1>, vector<16x448xi32>
    %reduce_min3A_157 = arith.constant dense<2147483647> : vector<16xi32>
    %reduce_min3A_158 = vector.multi_reduction <minsi>, %select_n3A_156, %reduce_min3A_157 [1] : vector<16x448xi32> to vector<16xi32>
    %broadcast_in_dim3A_159 = vector.shape_cast %reduce_min3A_158 : vector<16xi32> to vector<16x1xi32>
    %lt3A_160 = vector.broadcast %broadcast_in_dim3A_151 : vector<16x1xf32> to vector<16x448xf32>
    %lt3A_161 = arith.cmpf olt, %concatenate3A, %lt3A_160 : vector<16x448xf32>
    %eq3A_162 = vector.broadcast %broadcast_in_dim3A_151 : vector<16x1xf32> to vector<16x448xf32>
    %eq3A_163 = arith.cmpf oeq, %concatenate3A, %eq3A_162 : vector<16x448xf32>
    %gt3A_164 = vector.broadcast %broadcast_in_dim3A_159 : vector<16x1xi32> to vector<16x448xi32>
    %gt3A_165 = arith.cmpi sgt, %concatenate3A_11, %gt3A_164 : vector<16x448xi32>
    %and3A_166 = arith.andi %eq3A_163, %gt3A_165 : vector<16x448xi1>
    %or3A_167 = arith.ori %lt3A_161, %and3A_166 : vector<16x448xi1>
    %jit3A_168 = arith.constant 0xFF800000 : f32
    %broadcast_in_dim3A_169 = vector.broadcast %jit3A_168 : f32 to vector<16x448xf32>
    %select_n3A_170 = arith.select %or3A_167, %concatenate3A, %broadcast_in_dim3A_169 : vector<16x448xi1>, vector<16x448xf32>
    %reduce_max3A_171 = arith.constant dense<0xFF800000> : vector<16xf32>
    %reduce_max3A_172 = vector.multi_reduction <maximumf>, %select_n3A_170, %reduce_max3A_171 [1] : vector<16x448xf32> to vector<16xf32>
    %broadcast_in_dim3A_173 = vector.shape_cast %reduce_max3A_172 : vector<16xf32> to vector<16x1xf32>
    %eq3A_174 = vector.broadcast %broadcast_in_dim3A_173 : vector<16x1xf32> to vector<16x448xf32>
    %eq3A_175 = arith.cmpf oeq, %select_n3A_170, %eq3A_174 : vector<16x448xf32>
    %jit3A_176 = arith.constant 1073741824 : i32
    %broadcast_in_dim3A_177 = vector.broadcast %jit3A_176 : i32 to vector<16x448xi32>
    %select_n3A_178 = arith.select %eq3A_175, %concatenate3A_11, %broadcast_in_dim3A_177 : vector<16x448xi1>, vector<16x448xi32>
    %reduce_min3A_179 = arith.constant dense<2147483647> : vector<16xi32>
    %reduce_min3A_180 = vector.multi_reduction <minsi>, %select_n3A_178, %reduce_min3A_179 [1] : vector<16x448xi32> to vector<16xi32>
    %broadcast_in_dim3A_181 = vector.shape_cast %reduce_min3A_180 : vector<16xi32> to vector<16x1xi32>
    %lt3A_182 = vector.broadcast %broadcast_in_dim3A_173 : vector<16x1xf32> to vector<16x448xf32>
    %lt3A_183 = arith.cmpf olt, %concatenate3A, %lt3A_182 : vector<16x448xf32>
    %eq3A_184 = vector.broadcast %broadcast_in_dim3A_173 : vector<16x1xf32> to vector<16x448xf32>
    %eq3A_185 = arith.cmpf oeq, %concatenate3A, %eq3A_184 : vector<16x448xf32>
    %gt3A_186 = vector.broadcast %broadcast_in_dim3A_181 : vector<16x1xi32> to vector<16x448xi32>
    %gt3A_187 = arith.cmpi sgt, %concatenate3A_11, %gt3A_186 : vector<16x448xi32>
    %and3A_188 = arith.andi %eq3A_185, %gt3A_187 : vector<16x448xi1>
    %or3A_189 = arith.ori %lt3A_183, %and3A_188 : vector<16x448xi1>
    %jit3A_190 = arith.constant 0xFF800000 : f32
    %broadcast_in_dim3A_191 = vector.broadcast %jit3A_190 : f32 to vector<16x448xf32>
    %select_n3A_192 = arith.select %or3A_189, %concatenate3A, %broadcast_in_dim3A_191 : vector<16x448xi1>, vector<16x448xf32>
    %reduce_max3A_193 = arith.constant dense<0xFF800000> : vector<16xf32>
    %reduce_max3A_194 = vector.multi_reduction <maximumf>, %select_n3A_192, %reduce_max3A_193 [1] : vector<16x448xf32> to vector<16xf32>
    %broadcast_in_dim3A_195 = vector.shape_cast %reduce_max3A_194 : vector<16xf32> to vector<16x1xf32>
    %eq3A_196 = vector.broadcast %broadcast_in_dim3A_195 : vector<16x1xf32> to vector<16x448xf32>
    %eq3A_197 = arith.cmpf oeq, %select_n3A_192, %eq3A_196 : vector<16x448xf32>
    %jit3A_198 = arith.constant 1073741824 : i32
    %broadcast_in_dim3A_199 = vector.broadcast %jit3A_198 : i32 to vector<16x448xi32>
    %select_n3A_200 = arith.select %eq3A_197, %concatenate3A_11, %broadcast_in_dim3A_199 : vector<16x448xi1>, vector<16x448xi32>
    %reduce_min3A_201 = arith.constant dense<2147483647> : vector<16xi32>
    %reduce_min3A_202 = vector.multi_reduction <minsi>, %select_n3A_200, %reduce_min3A_201 [1] : vector<16x448xi32> to vector<16xi32>
    %broadcast_in_dim3A_203 = vector.shape_cast %reduce_min3A_202 : vector<16xi32> to vector<16x1xi32>
    %lt3A_204 = vector.broadcast %broadcast_in_dim3A_195 : vector<16x1xf32> to vector<16x448xf32>
    %lt3A_205 = arith.cmpf olt, %concatenate3A, %lt3A_204 : vector<16x448xf32>
    %eq3A_206 = vector.broadcast %broadcast_in_dim3A_195 : vector<16x1xf32> to vector<16x448xf32>
    %eq3A_207 = arith.cmpf oeq, %concatenate3A, %eq3A_206 : vector<16x448xf32>
    %gt3A_208 = vector.broadcast %broadcast_in_dim3A_203 : vector<16x1xi32> to vector<16x448xi32>
    %gt3A_209 = arith.cmpi sgt, %concatenate3A_11, %gt3A_208 : vector<16x448xi32>
    %and3A_210 = arith.andi %eq3A_207, %gt3A_209 : vector<16x448xi1>
    %or3A_211 = arith.ori %lt3A_205, %and3A_210 : vector<16x448xi1>
    %jit3A_212 = arith.constant 0xFF800000 : f32
    %broadcast_in_dim3A_213 = vector.broadcast %jit3A_212 : f32 to vector<16x448xf32>
    %select_n3A_214 = arith.select %or3A_211, %concatenate3A, %broadcast_in_dim3A_213 : vector<16x448xi1>, vector<16x448xf32>
    %reduce_max3A_215 = arith.constant dense<0xFF800000> : vector<16xf32>
    %reduce_max3A_216 = vector.multi_reduction <maximumf>, %select_n3A_214, %reduce_max3A_215 [1] : vector<16x448xf32> to vector<16xf32>
    %broadcast_in_dim3A_217 = vector.shape_cast %reduce_max3A_216 : vector<16xf32> to vector<16x1xf32>
    %eq3A_218 = vector.broadcast %broadcast_in_dim3A_217 : vector<16x1xf32> to vector<16x448xf32>
    %eq3A_219 = arith.cmpf oeq, %select_n3A_214, %eq3A_218 : vector<16x448xf32>
    %jit3A_220 = arith.constant 1073741824 : i32
    %broadcast_in_dim3A_221 = vector.broadcast %jit3A_220 : i32 to vector<16x448xi32>
    %select_n3A_222 = arith.select %eq3A_219, %concatenate3A_11, %broadcast_in_dim3A_221 : vector<16x448xi1>, vector<16x448xi32>
    %reduce_min3A_223 = arith.constant dense<2147483647> : vector<16xi32>
    %reduce_min3A_224 = vector.multi_reduction <minsi>, %select_n3A_222, %reduce_min3A_223 [1] : vector<16x448xi32> to vector<16xi32>
    %broadcast_in_dim3A_225 = vector.shape_cast %reduce_min3A_224 : vector<16xi32> to vector<16x1xi32>
    %concatenate3A_226 = tpu.concatenate %broadcast_in_dim3A_20, %broadcast_in_dim3A_41, %broadcast_in_dim3A_63, %broadcast_in_dim3A_85, %broadcast_in_dim3A_107, %broadcast_in_dim3A_129, %broadcast_in_dim3A_151, %broadcast_in_dim3A_173, %broadcast_in_dim3A_195, %broadcast_in_dim3A_217 in 1 : vector<16x1xf32>, vector<16x1xf32>, vector<16x1xf32>, vector<16x1xf32>, vector<16x1xf32>, vector<16x1xf32>, vector<16x1xf32>, vector<16x1xf32>, vector<16x1xf32>, vector<16x1xf32> -> vector<16x10xf32>
    %swap3A = arith.constant 0 : index
    %swap3A_227 = arith.constant 0 : index
    %swap3A_228 = vector.load %arg4[%swap3A, %swap3A_227] : memref<16x10xf32, #tpu.memory_space<vmem>>, vector<16x10xf32>
    tpu.vector_store %arg4[%swap3A, %swap3A_227], %concatenate3A_226 {strides = array<i32>} : memref<16x10xf32, #tpu.memory_space<vmem>>, vector<16x10xf32>,
    %concatenate3A_229 = tpu.concatenate %broadcast_in_dim3A_27, %broadcast_in_dim3A_49, %broadcast_in_dim3A_71, %broadcast_in_dim3A_93, %broadcast_in_dim3A_115, %broadcast_in_dim3A_137, %broadcast_in_dim3A_159, %broadcast_in_dim3A_181, %broadcast_in_dim3A_203, %broadcast_in_dim3A_225 in 1 : vector<16x1xi32>, vector<16x1xi32>, vector<16x1xi32>, vector<16x1xi32>, vector<16x1xi32>, vector<16x1xi32>, vector<16x1xi32>, vector<16x1xi32>, vector<16x1xi32>, vector<16x1xi32> -> vector<16x10xi32>
    %swap3A_230 = arith.constant 0 : index
    %swap3A_231 = arith.constant 0 : index
    %swap3A_232 = vector.load %arg5[%swap3A_230, %swap3A_231] : memref<16x10xi32, #tpu.memory_space<vmem>>, vector<16x10xi32>
    tpu.vector_store %arg5[%swap3A_230, %swap3A_231], %concatenate3A_229 {strides = array<i32>} : memref<16x10xi32, #tpu.memory_space<vmem>>, vector<16x10xi32>,
    return
  }
}

</mosaic_0001>

<sc_bundles>
// kernel: _run.6.cloned.1.call-start
scs
__scs_entry_jumppad:
0x0: {  	(pc) =	sbr.rel $0x88, $3  }
0x1: {  	(tag) =	ssettag $0x0;
	lr =	simm.s32 $0x1  }
0x2: {  	[smem:$0x3F9D] =	sst lr;
	_ =	strace $0xD0000000  }
0x3: {  	_ = 	snop  }
0x4: {  	_ = 	snop  }
0x5: {  	_ = 	snop  }
0x6: {  	_ = 	snop  }
0x7: {  	_ = 	snop  }
__scs_overlays_trampoline_lowered:
0x8: {  	[smem:$0x3FAC] =	sst s0  }
0x9: {  	[smem:$0x3FAD] =	sst s1  }
0xa: {  	[smem:$0x3FAE] =	sst s2  }
0xb: {  	[smem:$0x3FAF] =	sst s3  }
0xc: {  	[smem:$0x3FB0] =	sst s4  }
0xd: {  	[smem:$0x3FB1] =	sst s5  }
0xe: {  	[smem:$0x3FB2] =	sst s6  }
0xf: {  	[smem:$0x3FB3] =	sst s7  }
0x10: {  	[smem:$0x3FB4] =	sst s8  }
0x11: {  	[smem:$0x3FB5] =	sst s9;
	s0 =	simm.s32 @!p0 $0x0  }
0x12: {  	s1 =	sld [smem:$0x3F9B];
	s0 =	simm.s32 @p0 $0x1  }
0x13: {  	[smem:$0x3FB6] =	sst s0;
	s0 =	simm.s32 @!p1 $0x0  }
0x14: {  	s2 =	sld [smem:$0x3F9A];
	s0 =	simm.s32 @p1 $0x1  }
0x15: {  	[smem:$0x3FB7] =	sst s0;
	s0 =	simm.s32 @!p2 $0x0  }
0x16: {  	s3 =	sld [smem:$0x3FDB];
	s0 =	simm.s32 @p2 $0x1  }
0x17: {  	s4 =	simm.s32 $0x1BF5;
	[smem:$0x3FB9] =	sst s0  }
0x18: {  	s0 =	sld [smem:$0x3F9C];
	_ =	swait.ge [sflag:s4], $0x0  }
0x19: {  	s7 =	sld [smem:$0x3F9D]  }
0x1a: {  	s8 =	sadd.s32 $0xFFFFE003, lr  }
0x1b: {  	s9 =	sadd.s32 $0xFFFFFEF7, lr;
	s5 =	simm.s32 $0xFFFFFFFF;
	p2 =	slt.u32 s8, $0xFFFFF086  }
0x1c: {  	p1 =	slt.u32 s9, $0xF7A;
	s5 =	simm.s32 @!p2 $0x0  }
0x1d: {  	s5 =	simm.s32 @p1 $0x1;
	p0 =	seq.s32 s7, s2  }
0x1e: {  	s7 =	smul.u32 @!p0 $0xF7A, s2;
	p2 =	seq.s32 @!p0 s5, $0x0  }
0x1f: {  	s9 =	smul.u32 $0xF7A, s1;
	s8 =	simm.s32 @!p0 $0x1BF5;
	p2 =	por !p2, p0  }
0x20: {  	[sflag:s8] =	ssyncset.s32 @!p0 $0xFFFFF086;
	s6 =	sadd.s32 @!p0 s3, s7;
	s7 =	simm.s32 @!p0 $0x108  }
0x21: {  	s3 =	sadd.s32 s3, s9;
	s6 =	sadd.s32 @!p0 $0x88, s6;
	s7 =	simm.s32 @p2 $0x1082  }
0x22: {  	[simem:s7], [sflag:s8] =	dma.local @!p0 [hbm:s6], $0xF7A  }
0x23: {  	s9 =	sor.u32 $0xD0000000, s2;
	s6 =	simm.s32 $0x108;
	_ =	swait.ge @!p0 [sflag:s8], $0x0  }
0x24: {  	s3 =	sadd.s32 $0x88, s3;
	s6 =	simm.s32 @!p1 $0x1082;
	[sflag:s4] =	ssyncset.s32 $0xFFFFF086  }
0x25: {  	[simem:s6], [sflag:s4] =	dma.local [hbm:s3], $0xF7A  }
0x26: {  	[smem:$0x3F9D] =	sst s1;
	(tag) =	ssettag s2;
	_ =	strace s9  }
0x27: {  	s1 =	sld [smem:$0x3FAD]  }
0x28: {  	s2 =	sld [smem:$0x3FAE]  }
0x29: {  	s4 =	sld [smem:$0x3FB0]  }
0x2a: {  	p0 =	seq.s32 s5, $0x0;
	s5 =	sld [smem:$0x3FB1]  }
0x2b: {  	s6 =	sld [smem:$0x3FB2]  }
0x2c: {  	s7 =	sld [smem:$0x3FB3]  }
0x2d: {  	s3 =	simm.s32 $0x108;
	s8 =	sld [smem:$0x3FB4]  }
0x2e: {  	s3 =	simm.s32 @!p0 $0x1082;
	s9 =	sld [smem:$0x3FB5]  }
0x2f: {  	lr =	sadd.s32 s0, s3;
	s0 =	sld [smem:$0x3FAC]  }
0x30: {  	s3 =	sld [smem:$0x3FAF]  }
0x31: {  	[smem:$0x3FB8] =	sst s10  }
0x32: {  	s10 =	sld [smem:$0x3FB6];
	_ =	sdelay $0x3  }
0x33: {  	p0 =	seq.s32 s10, $0x1;
	s10 =	sld [smem:$0x3FB8];
	_ =	sdelay $0x3  }
0x34: {  	[smem:$0x3FB8] =	sst s10  }
0x35: {  	s10 =	sld [smem:$0x3FB7];
	_ =	sdelay $0x3  }
0x36: {  	p1 =	seq.s32 s10, $0x1;
	s10 =	sld [smem:$0x3FB8];
	_ =	sdelay $0x3  }
0x37: {  	[smem:$0x3FB8] =	sst s10  }
0x38: {  	s10 =	sld [smem:$0x3FB9]  }
0x39: {  	_ = 	snop;
	(pc) =	sbr.ind lr, $3  }
0x3a: {  	_ = 	snop  }
0x3b: {  	_ = 	snop  }
0x3c: {  	p2 =	seq.s32 s10, $0x1;
	s10 =	sld [smem:$0x3FB8]  }
0x3d: {  	_ =	shalt  }
0x3e: {  	_ =	shalt  }
0x3f: {  	_ =	shalt  }
0x40: {  	_ =	shalt  }
0x41: {  	_ =	shalt  }
0x42: {  	_ =	shalt  }
0x43: {  	_ =	shalt  }
0x44: {  	_ =	shalt  }
0x45: {  	_ =	shalt  }
0x46: {  	_ =	shalt  }
0x47: {  	_ =	shalt  }
0x48: {  	_ =	shalt  }
0x49: {  	_ =	shalt  }
0x4a: {  	_ =	shalt  }
0x4b: {  	_ =	shalt  }
0x4c: {  	_ =	shalt  }
0x4d: {  	_ =	shalt  }
0x4e: {  	_ =	shalt  }
0x4f: {  	_ =	shalt  }
0x50: {  	_ =	shalt  }
0x51: {  	_ =	shalt  }
0x52: {  	_ =	shalt  }
0x53: {  	_ =	shalt  }
0x54: {  	_ =	shalt  }
0x55: {  	_ =	shalt  }
0x56: {  	_ =	shalt  }
0x57: {  	_ =	shalt  }
0x58: {  	_ =	shalt  }
0x59: {  	_ =	shalt  }
0x5a: {  	_ =	shalt  }
0x5b: {  	_ =	shalt  }
0x5c: {  	_ =	shalt  }
0x5d: {  	_ =	shalt  }
0x5e: {  	_ =	shalt  }
0x5f: {  	_ =	shalt  }
0x60: {  	_ =	shalt  }
0x61: {  	_ =	shalt  }
0x62: {  	_ =	shalt  }
0x63: {  	_ =	shalt  }
0x64: {  	_ =	shalt  }
0x65: {  	_ =	shalt  }
0x66: {  	_ =	shalt  }
0x67: {  	_ =	shalt  }
0x68: {  	_ =	shalt  }
0x69: {  	_ =	shalt  }
0x6a: {  	_ =	shalt  }
0x6b: {  	_ =	shalt  }
0x6c: {  	_ =	shalt  }
0x6d: {  	_ =	shalt  }
0x6e: {  	_ =	shalt  }
0x6f: {  	_ =	shalt  }
0x70: {  	_ =	shalt  }
0x71: {  	_ =	shalt  }
0x72: {  	_ =	shalt  }
0x73: {  	_ =	shalt  }
0x74: {  	_ =	shalt  }
0x75: {  	_ =	shalt  }
0x76: {  	_ =	shalt  }
0x77: {  	_ =	shalt  }
0x78: {  	_ =	shalt  }
0x79: {  	_ =	shalt  }
0x7a: {  	_ =	shalt  }
0x7b: {  	_ =	shalt  }
0x7c: {  	_ =	shalt  }
0x7d: {  	_ =	shalt  }
0x7e: {  	_ =	shalt  }
0x7f: {  	_ =	shalt  }
0x80: {  	_ =	shalt  }
0x81: {  	_ =	shalt  }
0x82: {  	_ =	shalt  }
0x83: {  	_ =	shalt  }
0x84: {  	_ =	shalt  }
0x85: {  	_ =	shalt  }
0x86: {  	_ =	shalt  }
0x87: {  	_ =	shalt  }
.Lfunc_end0:
.L_simem_size_0:
called_computation_lowered:
.L_overlay_start_0:
0x88: {  	s2 =	sld [smem:$0x3FD9]  }
0x89: {  	s3 =	sld [smem:$0x3FFE];
	_ =	sdelay $0x1  }
0x8a: {  	s1 =	srdreg.scid  }
0x8b: {  	s0 =	sand.u32 $0x1, s1  }
0x8c: {  	s16 =	sshll.u32 s0, $0xA;
	s2 =	sadd.s32 s3, s2  }
0x8d: {  	s2 =	sadd.s32 s2, s16  }
0x8e: {  	[smem:$0x3FC4] =	sst s2  }
0x8f: {  	_ = 	snop  }
0x90: {  	(tm) =	ssettm $0x1  }
0x91: {  	s17 =	sld [smem:$0x3FFB];
	_ =	sdelay $0x3  }
0x92: {  	_ =	strace s17  }
0x93: {  	s2 =	sld [smem:$0x3FFC];
	_ =	sdelay $0x3  }
0x94: {  	_ =	strace s2  }
0x95: {  	s2 =	sld [smem:$0x3FFD];
	_ =	sdelay $0x3  }
0x96: {  	_ =	strace s2  }
0x97: {  	_ =	strace $0x8FFFFFFF  }
0x98: {  	s18 =	sld [smem:$0x3FDB];
	_ =	sdelay $0x1  }
0x99: {  	s19 =	simm.s32 $_scs_section_size  }
0x9a: {  	s4 =	simm.s32 $_size__tile_overlayer_lowered;
	s5 =	simm.s32 $_tile_overlayer_lowered  }
0x9b: {  	s22 =	simm.s32 $0x1BFF;
	s21 =	sshll.u32 s5, $0x1;
	s2 =	sadd.s32 s19, s18  }
0x9c: {  	s6 =	simm.s32 $0x0;
	s20 =	sshll.u32 s4, $0x1;
	s4 =	sadd.s32 s21, s2  }
0x9d: {  	[timem:s6], [sflag:s22] =	dma.local [hbm:s4], s20  }
0x9e: {  	_ =	swait.ge [sflag:s22], s20  }
0x9f: {  	s3 =	ssub.s32 $0x0, s20;
	[sflag:s22] =	ssyncset.done $0x0  }
0xa0: {  	[sflag:s22] =	ssyncadd.s32 s3;
	_ =	sdelay $0x1  }
0xa1: {  	s23 =	simm.s32 $0x1B8B  }
0xa2: {  	_ =	swait.ge [sflag:s23], $0x1  }
0xa3: {  	[sflag:s23] =	ssyncset.done $0x0  }
0xa4: {  	s25 =	simm.s32 $0x1B8E;
	s24 =	sld [smem:$0x3FFE];
	[sflag:s23] =	ssyncadd.s32 $0xFFFFFFFF  }
0xa5: {  	s26 =	simm.s32 $execute0_lowered;
	[smem:$0x3FD2] =	sst s25  }
0xa6: {  	s4 =	sshll.u32 s26, $0x1;
	_ =	strace $0x80000046;
	[dreg:$0x1] =	wrdreg $0xFFFFFFFF  }
0xa7: {  	s28 =	simm.s32 $_size_execute0_lowered;
	s2 =	sadd.s32 s2, s4;
	[dreg:$0x0] =	wrdreg $0x0  }
0xa8: {  	s4 =	sshll.u32 s28, $0x1;
	[dreg:$0x2] =	wrdreg s2  }
0xa9: {  	[dreg:$0x3] =	wrdreg s4  }
0xaa: {  	[dreg:$0x4] =	wrdreg $0xC0  }
0xab: {  	_ =	task [dreg:s6], $0x5FFFF  }
0xac: {  	[dreg:$0x1] =	wrdreg $0xFFFFFFFF  }
0xad: {  	[dreg:$0x0] =	wrdreg $0x60  }
0xae: {  	[dreg:$0x2] =	wrdreg s24  }
0xaf: {  	[dreg:$0x3] =	wrdreg $0x9  }
0xb0: {  	_ =	task.clear_ibuf [dreg:s6], $0x4FFFF;
	_ =	strace $0x90000046  }
0xb1: {  	s29 =	simm.s32 $0x9;
	_ =	strace $0x80000048  }
0xb2: {  	_ =	swait.ge [sflag:s29], $0x1  }
0xb3: {  	[sflag:s29] =	ssyncadd.s32 $0xFFFFFFFF  }
0xb4: {  	_ =	strace $0x90000048  }
0xb5: {  	_ =	sfence  }
0xb6: {  	s30 =	sld [smem:$0x0];
	_ =	sdelay $0x2  }
0xb7: {  	s31 =	sshll.u32 s1, $0xD;
	s1 =	sshrl.u32 s1, $0x2  }
0xb8: {  	s3 =	sand.u32 $0x4000, s31;
	s1 =	sadd.s32 s1, s30  }
0xb9: {  	s0 =	sor.u32 s3, s0;
	s1 =	sshll.u32 s1, $0x11  }
0xba: {  	s0 =	sor.u32 s1, s0  }
0xbb: {  	s0 =	sadd.s32 $0x8F2B, s0  }
0xbc: {  	[sflag:s0] =	ssyncadd.remote.s32 $0x1  }
0xbd: {  	_ =	sfence.sel $0xFFFF  }
0xbe: {  	[dreg:$0x0] =	wrdreg $0xFFFFFFFF;
	(pc) =	sbr.abs _section_cstart, $3  }
0xbf: {  	[dreg:$0x1] =	wrdreg $0xFFFFFFFF  }
0xc0: {  	_ =	task.clear_ibuf [dreg:s6], $0x2FFFF;
	_ =	strace $0x9FFFFFFF  }
0xc1: {  	(tm) =	ssettm $0x7FFFFFFF  }
tec
execute0_lowered:
.L_overlay_start_1:
0x0: {  	(tag) =	ssettag $0x1  }
0x1: {  	s1 =	srdreg.scid  }
0x2: {  	s0 =	stileid.u32;
	s4 =	rddreg [dreg:$0x0]  }
0x3: {  	s2 =	simm.s32 $0x0;
	s17 =	simm.s32 $0x4000;
	s18 =	simm.s32 $0x5000  }
0x4: {  	s19 =	simm.s32 $0x2;
	s20 =	simm.s32 $0x5100;
	s21 =	simm.s32 $0x0  }
0x5: {  	s9 =	sand.u32 $0x1, s1;
	[smem:$0x7FF] =	sst s2;
	s8 =	sadd.s32 $0x187A00, s4  }
0x6: {  	s1 =	sor.u32 s9, s0;
	p1 =	seq.s32 s9, $0x1;
	s7 =	smul.u32 $0xA0, s9  }
0x7: {  	s6 =	sxor.u32 $0x1, s9;
	s10 =	smul.u32 $0x5, s9;
	s23 =	ssub.s32 $0x2, s9  }
0x8: {  	p0 =	seq.s32 s1, $0x0;
	s14 =	sadd.s32 s9, s6;
	s9 =	smul.u32 $0x5000, s9  }
0x9: {  	s1 =	simm.s32 $0x1;
	p0 =	por !p0, !p1;
	s6 =	smul.u32 $0x5, s14  }
0xa: {  	s28 =	sshrl.u32 s23, $0x1;
	s31 =	smul.u32 $0x140, s14;
	p0 =	por !p0, !p0  }
0xb: {  	s15 =	ssub.s32 s23, s28;
	s1 =	simm.s32 @!p0 $0x0;
	s6 =	sadd.s32 $0xFFFFFFFF, s6  }
0xc: {  	s16 =	smax.u32 s31, $0x1;
	s5 =	ssub.s32 s0, s1;
	s1 =	rddreg [dreg:$0x1]  }
0xd: {  	_ =	strace $0x80000047;
	s11 =	sshra.s32 s6, $0x1F;
	p0 =	slt.s32 s6, $0x1  }
0xe: {  	s12 =	smov.u32 s6;
	p1 =	slt.s32 s6, $0x4;
	s3 =	smul.u32 $0x140, s5  }
0xf: {  	s22 =	sand.u32 s11, s6;
	s12 =	simm.s32 @!p0 $0x1;
	s25 =	sshll.u32 s5, $0xC  }
0x10: {  	p0 =	slt.s32 s6, $0x2;
	s11 =	smov.u32 s6;
	s24 =	sadd.s32 s10, s12  }
0x11: {  	s12 =	smax.u32 s15, $0x1;
	s15 =	simm.s32 $0x2000;
	s7 =	sadd.s32 s7, s3  }
0x12: {  	s3 =	simm.s32 $0x1;
	s26 =	sshll.u32 s24, $0x10;
	s7 =	sshrl.u32 s7, $0x3  }
0x13: {  	s5 =	sadd.s32 s25, s26;
	s13 =	sadd.s32 s7, s4;
	s4 =	sadd.s32 s10, s22  }
0x14: {  	s5 =	sshrl.u32 s5, $0x3;
	s7 =	smov.u32 s6;
	s4 =	sshll.u32 s4, $0x10  }
0x15: {  	s5 =	sadd.s32 s8, s5;
	s7 =	simm.s32 @!p0 $0x2;
	p0 =	slt.s32 s6, $0x3  }
0x16: {  	s6 =	simm.s32 @!p1 $0x4;
	s4 =	sadd.s32 s25, s4;
	s7 =	sadd.s32 s10, s7  }
0x17: {  	s11 =	simm.s32 @!p0 $0x3;
	s6 =	sadd.s32 s10, s6;
	p0 =	seq.s32 s14, $0x0  }
0x18: {  	s14 =	simm.s32 $0x1000;
	s4 =	sshrl.u32 s4, $0x3;
	s7 =	sshll.u32 s7, $0x10  }
0x19: {  	s11 =	sadd.s32 s10, s11;
	s6 =	sshll.u32 s6, $0x10;
	s4 =	sadd.s32 s8, s4  }
.Ltmp0:
0x1a: {  	s7 =	sadd.s32 s25, s7;
	s29 =	sshll.u32 s11, $0x10;
	(pc) =	sbr.rel .LBB2_1-.Ltmp0, $4  }
0x1b: {  	s6 =	sadd.s32 s25, s6;
	s11 =	sadd.s32 $0x19BE00, s13;
	s10 =	sadd.s32 s25, s29  }
0x1c: {  	s7 =	sshrl.u32 s7, $0x3;
	s30 =	sshrl.u32 s6, $0x3;
	s10 =	sshrl.u32 s10, $0x3  }
0x1d: {  	s6 =	sadd.s32 s8, s7;
	s7 =	sadd.s32 s8, s10;
	s8 =	sadd.s32 s8, s30  }
0x1e: {  	v0 =	vlaneseq.u32;
	s10 =	sadd.s32 $0x19BA00, s13;
	s13 =	sshll.u32 s16, $0x8;
	s16 =	simm.s32 $0x3000  }
.LBB2_2:
0x1f: {  	v2 =	vimm.f32 $-Inf;
	v7 =	vimm.f32 $-Inf;
	v5 =	vimm.f32 $-Inf  }
0x20: {  	v9 =	vimm.f32 $-Inf;
	v13 =	vimm.f32 $-Inf;
	v8 =	vimm.f32 $-Inf  }
0x21: {  	v11 =	vimm.f32 $-Inf;
	v10 =	vimm.f32 $-Inf;
	v18 =	vimm.f32 $-Inf  }
0x22: {  	v6 =	vimm.s32 $0x0;
	v20 =	vimm.s32 $0x0;
	v23 =	vimm.s32 $0x0  }
0x23: {  	v24 =	vimm.s32 $0x0;
	v12 =	vimm.s32 $0x0;
	v15 =	vimm.s32 $0x0  }
0x24: {  	v17 =	vimm.s32 $0x0;
	v14 =	vimm.s32 $0x0;
	v1 =	vimm.s32 $0x0  }
.LBB2_6:
0x25: {  	[tilespmem:$0x5000] =	vst v22  }
0x26: {  	[tilespmem:$0x5100] =	vst v21  }
0x27: {  	[tilespmem:$0x5010] =	vst v2  }
0x28: {  	[tilespmem:$0x5110] =	vst v6  }
0x29: {  	[tilespmem:$0x5020] =	vst v7  }
0x2a: {  	[tilespmem:$0x5120] =	vst v20  }
0x2b: {  	[tilespmem:$0x5030] =	vst v5  }
0x2c: {  	[tilespmem:$0x5130] =	vst v23  }
0x2d: {  	[tilespmem:$0x5040] =	vst v9  }
0x2e: {  	[tilespmem:$0x5140] =	vst v24  }
0x2f: {  	[tilespmem:$0x5050] =	vst v13  }
0x30: {  	[tilespmem:$0x5150] =	vst v12  }
0x31: {  	[tilespmem:$0x5060] =	vst v8  }
0x32: {  	[tilespmem:$0x5160] =	vst v15  }
0x33: {  	[tilespmem:$0x5070] =	vst v11  }
0x34: {  	[tilespmem:$0x5170] =	vst v17  }
0x35: {  	[tilespmem:$0x5080] =	vst v10  }
0x36: {  	[tilespmem:$0x5180] =	vst v14  }
0x37: {  	[tilespmem:$0x5090] =	vst v18  }
0x38: {  	[tilespmem:$0x5190] =	vst v1  }
0x39: {  	[hbm4b:s10+s2] =	stream.linear.scatter [tilespmem:s18], [sflag:$0x2], $0xA0, $0x38;
	[tilespmem:$0x5200] =	vst v63  }
0x3a: {  	s21 =	sadd.s32 $0x1, s21;
	_ =	swait.ge [sflag:s19], $0xA0  }
0x3b: {  	p1 =	sne.s32 s21, s12;
	[sflag:s19] =	ssyncset.done $0x0  }
.Ltmp1:
0x3c: {  	[sflag:s19] =	ssyncadd.s32 $0xFFFFFF60;
	(pc) =	sbr.rel @!p1 .LBB2_7-.Ltmp1, $4  }
0x3d: {  	[hbm4b:s11+s2] =	stream.linear.scatter [tilespmem:s20], [sflag:$0x2], $0xA0, $0x38;
	[tilespmem:$0x5200] =	vst v63  }
0x3e: {  	_ =	swait.ge [sflag:s19], $0xA0  }
0x3f: {  	[sflag:s19] =	ssyncset.done $0x0  }
0x40: {  	[sflag:s19] =	ssyncadd.s32 $0xFFFFFF60  }
.LBB2_1:
0x41: {  	[tilespmem:s2], [sflag:$0x1] =	stream.linear.gather [hbm4b:s4+s2], $0x1000, $0x38;
	[tilespmem:$0x5200] =	vst v63  }
0x42: {  	_ = 	snop  }
0x43: {  	[tilespmem:s14], [sflag:$0x1] =	stream.linear.gather [hbm4b:s5+s2], $0x1000, $0x38;
	[tilespmem:$0x5200] =	vst v63  }
0x44: {  	_ = 	snop  }
0x45: {  	[tilespmem:s15], [sflag:$0x1] =	stream.linear.gather [hbm4b:s6+s2], $0x1000, $0x38;
	[tilespmem:$0x5200] =	vst v63  }
0x46: {  	_ = 	snop  }
0x47: {  	[tilespmem:s16], [sflag:$0x1] =	stream.linear.gather [hbm4b:s7+s2], $0x1000, $0x38;
	[tilespmem:$0x5200] =	vst v63  }
0x48: {  	_ = 	snop  }
0x49: {  	[tilespmem:s17], [sflag:$0x1] =	stream.linear.gather [hbm4b:s8+s2], $0x1000, $0x38;
	[tilespmem:$0x5200] =	vst v63  }
0x4a: {  	_ =	swait.ge [sflag:s3], $0x1000  }
0x4b: {  	[sflag:s3] =	ssyncset.done $0x0  }
0x4c: {  	[sflag:s3] =	ssyncadd.s32 $0xFFFFF000  }
0x4d: {  	_ =	swait.ge [sflag:s3], $0x1000  }
0x4e: {  	[sflag:s3] =	ssyncset.done $0x0  }
0x4f: {  	[sflag:s3] =	ssyncadd.s32 $0xFFFFF000  }
0x50: {  	_ =	swait.ge [sflag:s3], $0x1000  }
0x51: {  	[sflag:s3] =	ssyncset.done $0x0  }
0x52: {  	[sflag:s3] =	ssyncadd.s32 $0xFFFFF000  }
0x53: {  	_ =	swait.ge [sflag:s3], $0x1000  }
.Ltmp2:
0x54: {  	[sflag:s3] =	ssyncset.done $0x0;
	(pc) =	sbr.rel @p0 .LBB2_2-.Ltmp2, $4  }
0x55: {  	[sflag:s3] =	ssyncadd.s32 $0xFFFFF000  }
0x56: {  	_ =	swait.ge [sflag:s3], $0x1000  }
0x57: {  	[sflag:s3] =	ssyncset.done $0x0  }
0x58: {  	s23 =	simm.s32 $0x20;
	v21 =	vimm.s32 $0x0;
	v22 =	vimm.f32 $-Inf;
	[sflag:s3] =	ssyncadd.s32 $0xFFFFF000  }
0x59: {  	v2 =	vld [tilespmem:s23+$0xFFFFFFE0];
	_ =	sdelay $0x1  }
0x5a: {  	v3 =	vld [tilespmem:s23+$0xFFFFFFF0]  }
0x5b: {  	s22 =	sadd.s32 $0x10, s9;
	s24 =	sadd.s32 $0x30, s9  }
0x5c: {  	v4 =	vor.u32 s9, v0;
	v5 =	vor.u32 s22, v0;
	v1 =	vor.u32 s24, v0  }
0x5d: {  	vm0 =	vgt.f32 v2, v22;
	v6 =	vmax.f32 v22, v2;
	v2 =	vmin.f32 v22, v2  }
0x5e: {  	v7 =	vsel vm0, v4, v21;
	v4 =	vsel vm0, v21, v4;
	vm0 =	vgt.f32 v2, v22  }
0x5f: {  	v9 =	vld [tilespmem:s23+$0x0];
	v8 =	vmax.f32 v22, v2;
	v2 =	vmin.f32 v22, v2;
	vm1 =	vgt.f32 v3, v6  }
0x60: {  	v11 =	vmax.f32 v6, v3;
	v3 =	vmin.f32 v6, v3;
	v10 =	vsel vm0, v21, v4  }
0x61: {  	v12 =	vsel vm1, v7, v5;
	vm2 =	vgt.f32 v2, v22;
	v14 =	vmax.f32 v22, v2  }
0x62: {  	v4 =	vsel vm0, v4, v21;
	vm3 =	vgt.f32 v3, v8;
	v15 =	vmin.f32 v22, v2  }
0x63: {  	v13 =	vld [tilespmem:s23+$0x10];
	v16 =	vmax.f32 v8, v3;
	v2 =	vmin.f32 v8, v3;
	v5 =	vsel vm1, v5, v7  }
0x64: {  	v6 =	vsel vm2, v21, v10;
	v8 =	vsel vm2, v10, v21;
	vm2 =	vgt.f32 v9, v11  }
0x65: {  	s31 =	sadd.s32 $0x20, s9;
	v10 =	vmax.f32 v11, v9;
	v17 =	vsel vm3, v12, v4;
	v18 =	vmin.f32 v14, v2  }
0x66: {  	v4 =	vsel vm3, v4, v12;
	v12 =	vor.u32 s31, v0;
	v7 =	vmax.f32 v14, v2  }
0x67: {  	v9 =	vmin.f32 v11, v9;
	vm1 =	vgt.f32 v2, v14;
	v20 =	vmax.f32 v22, v15  }
0x68: {  	v24 =	vmin.f32 v22, v15;
	vm0 =	vgt.f32 v13, v10;
	v19 =	vmin.f32 v10, v13  }
0x69: {  	v3 =	vsel vm2, v12, v5;
	v5 =	vsel vm2, v5, v12;
	v11 =	vmax.f32 v16, v9  }
0x6a: {  	v12 =	vmin.f32 v16, v9;
	v25 =	vsel vm1, v4, v8;
	v8 =	vsel vm1, v8, v4  }
0x6b: {  	vm1 =	vgt.f32 v15, v22;
	v15 =	vmax.f32 v22, v24;
	v26 =	vmax.f32 v20, v18  }
0x6c: {  	v27 =	vmin.f32 v22, v24;
	v4 =	vmax.f32 v10, v13;
	vm7 =	vgt.f32 v9, v16  }
0x6d: {  	vm11 =	vgt.f32 v24, v22;
	v14 =	vsel vm0, v3, v1;
	v23 =	vmin.f32 v7, v12  }
0x6e: {  	v2 =	vmax.f32 v11, v19;
	v29 =	vmax.f32 v22, v27;
	vm3 =	vgt.f32 v19, v11  }
0x6f: {  	v11 =	vmin.f32 v11, v19;
	v19 =	vsel vm1, v6, v21;
	v30 =	vmax.f32 v7, v12  }
0x70: {  	v10 =	vsel vm1, v21, v6;
	v6 =	vmin.f32 v20, v18;
	vm6 =	vgt.f32 v27, v22  }
0x71: {  	vm10 =	vgt.f32 v12, v7;
	vm4 =	vgt.f32 v23, v26;
	v28 =	vmax.f32 v26, v23  }
0x72: {  	v31 =	vmin.f32 v30, v11;
	vm5 =	vgt.f32 v6, v15;
	v13 =	vmin.f32 v26, v23  }
0x73: {  	vm1 =	vgt.f32 v11, v30;
	v16 =	vmin.f32 v15, v6;
	v23 =	vsel vm7, v5, v17  }
0x74: {  	v17 =	vsel vm7, v17, v5;
	v5 =	vmin.f32 v22, v27;
	v15 =	vmax.f32 v15, v6  }
0x75: {  	vm7 =	vgt.f32 v18, v20;
	v7 =	vmax.f32 v30, v11;
	v30 =	vsel vm11, v10, v21  }
0x76: {  	v10 =	vsel vm11, v21, v10;
	vm2 =	vgt.f32 v31, v28;
	v9 =	vsel vm3, v23, v14  }
0x77: {  	v26 =	vmin.f32 v22, v5;
	v6 =	vsel vm3, v14, v23;
	v27 =	vsel vm7, v8, v19  }
0x78: {  	v32 =	vmin.f32 v29, v16;
	v8 =	vsel vm7, v19, v8;
	v33 =	vmin.f32 v15, v13  }
0x79: {  	vm3 =	vgt.f32 v5, v22;
	vm7 =	vgt.f32 v16, v29;
	v29 =	vmax.f32 v29, v16  }
0x7a: {  	v12 =	vsel vm10, v25, v17;
	vm8 =	vgt.f32 v13, v15;
	v11 =	vmax.f32 v22, v5  }
0x7b: {  	v13 =	vmax.f32 v15, v13;
	v5 =	vmax.f32 v28, v31;
	v14 =	vmin.f32 v22, v26  }
0x7c: {  	v19 =	vsel vm4, v27, v12;
	v15 =	vmax.f32 v22, v26;
	v16 =	vmax.f32 v29, v33  }
0x7d: {  	v20 =	vsel vm5, v8, v30;
	v35 =	vmin.f32 v11, v32;
	vm15 =	vgt.f32 v26, v22  }
0x7e: {  	vm12 =	vgt.f32 v32, v11;
	v11 =	vmax.f32 v11, v32;
	v23 =	vmin.f32 v22, v14  }
0x7f: {  	vm9 =	vgt.f32 v14, v22;
	v14 =	vmax.f32 v22, v14;
	v18 =	vsel vm8, v19, v20  }
0x80: {  	v36 =	vsel vm8, v20, v19;
	vm8 =	vgt.f32 v33, v29;
	v20 =	vsel vm6, v21, v10  }
0x81: {  	v19 =	vmin.f32 v28, v31;
	v31 =	vmin.f32 v15, v35;
	v29 =	vmin.f32 v29, v33  }
0x82: {  	vm14 =	vgt.f32 v35, v15;
	v10 =	vsel vm6, v10, v21;
	v15 =	vmax.f32 v15, v35  }
0x83: {  	v34 =	vmax.f32 v22, v23;
	v26 =	vsel vm3, v20, v21;
	v20 =	vsel vm3, v21, v20  }
0x84: {  	vm3 =	vgt.f32 v19, v13;
	vm13 =	vgt.f32 v23, v22;
	v37 =	vmin.f32 v14, v31  }
0x85: {  	v22 =	vmin.f32 v13, v19;
	v61 =	vmin.f32 v11, v29;
	v28 =	vsel vm15, v20, v21  }
0x86: {  	v24 =	vsel vm15, v21, v20;
	v20 =	vsel vm10, v17, v25;
	vm15 =	vgt.f32 v31, v14  }
0x87: {  	vm6 =	vgt.f32 v22, v16;
	v14 =	vmax.f32 v14, v31;
	v31 =	vmin.f32 v16, v22  }
0x88: {  	v39 =	vmax.f32 v15, v61;
	v40 =	vmin.f32 v15, v61;
	v17 =	vsel vm9, v24, v21  }
0x89: {  	v24 =	vsel vm9, v21, v24;
	v23 =	vsel vm1, v20, v9;
	v43 =	vmax.f32 v14, v40  }
0x8a: {  	v59 =	vsel vm13, v24, v21;
	v24 =	vsel vm4, v12, v27;
	v12 =	vmax.f32 v34, v37  }
0x8b: {  	v21 =	vsel vm5, v30, v8;
	v30 =	vmax.f32 v11, v29;
	vm5 =	vgt.f32 v29, v11  }
0x8c: {  	v11 =	vmin.f32 v14, v40;
	vm13 =	vgt.f32 v40, v14;
	v25 =	vsel vm2, v24, v23  }
0x8d: {  	v8 =	vmax.f32 v30, v31;
	v38 =	vmin.f32 v30, v31;
	v27 =	vsel vm7, v10, v21  }
0x8e: {  	v10 =	vsel vm7, v21, v10;
	vm7 =	vgt.f32 v37, v34;
	vm4 =	vgt.f32 v11, v12  }
0x8f: {  	v60 =	vsel vm3, v18, v25;
	v41 =	vsel vm12, v27, v26;
	v42 =	vsel vm12, v26, v27  }
0x90: {  	v29 =	vmin.f32 v39, v38;
	v62 =	vsel vm8, v10, v36;
	v36 =	vsel vm8, v36, v10  }
0x91: {  	v27 =	vmax.f32 v12, v11;
	vm12 =	vgt.f32 v61, v15;
	v21 =	vsel vm14, v42, v28  }
0x92: {  	v26 =	vmin.f32 v43, v29;
	v63 =	vsel vm5, v41, v62;
	v11 =	vsel vm14, v28, v42  }
0x93: {  	v10 =	vmax.f32 v43, v29;
	v15 =	vsel vm5, v62, v41;
	vm5 =	vgt.f32 v31, v30  }
0x94: {  	p1 =	sne.s32 s13, $0x100;
	vm14 =	vgt.f32 v29, v43;
	v12 =	vsel vm15, v11, v17;
	v35 =	vsel vm12, v21, v63  }
.Ltmp3:
0x95: {  	v14 =	vsel vm15, v17, v11;
	v17 =	vsel vm6, v36, v60;
	v11 =	vmax.f32 v39, v38;
	(pc) =	sbr.rel @!p1 .LBB2_5-.Ltmp3, $4  }
0x96: {  	v21 =	vsel vm12, v63, v21;
	vm15 =	vgt.f32 v38, v39;
	v31 =	vsel vm5, v15, v17  }
0x97: {  	v28 =	vsel vm7, v14, v59;
	v29 =	vsel vm13, v35, v12;
	v30 =	vsel vm15, v21, v31  }
0x98: {  	v15 =	vsel vm5, v17, v15;
	v17 =	vsel vm15, v31, v21;
	v14 =	vsel vm14, v30, v29  }
0x99: {  	s23 =	sadd.s32 $0x40, s23;
	s22 =	sadd.s32 $0xFFFFFF00, s13;
	s24 =	smov.u32 s9;
	v29 =	vsel vm14, v29, v30;
	v30 =	vsel vm13, v12, v35;
	v12 =	vsel vm6, v60, v36  }
.LBB2_4:
0x9a: {  	v31 =	vld [tilespmem:s23+$0xFFFFFFE0];
	p1 =	sne.s32 s22, $0x100;
	s22 =	sadd.s32 $0xFFFFFF00, s22;
	v23 =	vsel vm2, v23, v24;
	v18 =	vsel vm3, v25, v18;
	v21 =	vmax.f32 v27, v26;
	s24 =	sadd.s32 $0x40, s24  }
0x9b: {  	v9 =	vsel vm1, v9, v20;
	v19 =	vmax.f32 v13, v19;
	v13 =	vmax.f32 v16, v22  }
0x9c: {  	v20 =	vsel vm4, v30, v28;
	v3 =	vsel vm0, v1, v3;
	vm0 =	vgt.f32 v26, v27;
	v16 =	vld [tilespmem:s23+$0xFFFFFFF0]  }
0x9d: {  	s25 =	sadd.s32 $0x10, s24;
	s26 =	sadd.s32 $0x30, s24;
	v22 =	vsel vm0, v29, v20  }
0x9e: {  	v20 =	vor.u32 s24, v0;
	v24 =	vor.u32 s25, v0;
	v1 =	vor.u32 s26, v0  }
0x9f: {  	vm0 =	vgt.f32 v31, v4;
	v25 =	vmax.f32 v4, v31;
	v4 =	vmin.f32 v4, v31  }
0xa0: {  	v26 =	vsel vm0, v20, v3;
	v3 =	vsel vm0, v3, v20;
	vm0 =	vgt.f32 v4, v2  }
0xa1: {  	v20 =	vmax.f32 v2, v4;
	v2 =	vmin.f32 v2, v4;
	vm1 =	vgt.f32 v16, v25;
	v4 =	vld [tilespmem:s23+$0x0]  }
0xa2: {  	v27 =	vsel vm0, v6, v3;
	v28 =	vmax.f32 v25, v16;
	v29 =	vsel vm1, v26, v24;
	v30 =	vld [tilespmem:s23+$0x10]  }
0xa3: {  	vm2 =	vgt.f32 v2, v7;
	v31 =	vmax.f32 v7, v2;
	v16 =	vmin.f32 v25, v16  }
0xa4: {  	v3 =	vsel vm0, v3, v6;
	v6 =	vsel vm2, v9, v27;
	vm3 =	vgt.f32 v16, v20  }
0xa5: {  	s25 =	sadd.s32 $0x20, s24;
	v7 =	vmin.f32 v7, v2;
	v25 =	vmax.f32 v20, v16;
	v2 =	vmin.f32 v20, v16  }
0xa6: {  	v9 =	vsel vm2, v27, v9;
	vm2 =	vgt.f32 v4, v28;
	v16 =	vmax.f32 v28, v4  }
0xa7: {  	v20 =	vsel vm3, v29, v3;
	v27 =	vmin.f32 v31, v2;
	vm0 =	vgt.f32 v30, v16  }
0xa8: {  	v32 =	vor.u32 s25, v0;
	v29 =	vsel vm3, v3, v29;
	v33 =	vmin.f32 v16, v30  }
0xa9: {  	v24 =	vsel vm1, v24, v26;
	v26 =	vmax.f32 v31, v2;
	v28 =	vmin.f32 v28, v4  }
0xaa: {  	vm1 =	vgt.f32 v2, v31;
	v3 =	vsel vm2, v32, v24;
	v24 =	vsel vm2, v24, v32  }
0xab: {  	v4 =	vmax.f32 v25, v28;
	v31 =	vmin.f32 v25, v28;
	v32 =	vsel vm0, v3, v1  }
0xac: {  	v34 =	vmax.f32 v5, v7;
	v35 =	vmin.f32 v26, v31;
	v2 =	vmax.f32 v4, v33  }
0xad: {  	v36 =	vmin.f32 v5, v7;
	v37 =	vsel vm1, v29, v9;
	v29 =	vsel vm1, v9, v29  }
0xae: {  	vm1 =	vgt.f32 v7, v5;
	v5 =	vmax.f32 v19, v36;
	v7 =	vmax.f32 v34, v27  }
0xaf: {  	v9 =	vmin.f32 v19, v36;
	vm4 =	vgt.f32 v35, v7;
	v38 =	vmax.f32 v7, v35  }
0xb0: {  	v39 =	vmax.f32 v13, v9;
	vm3 =	vgt.f32 v33, v4;
	v33 =	vmin.f32 v4, v33  }
0xb1: {  	v40 =	vsel vm1, v6, v23;
	v41 =	vmax.f32 v26, v31;
	v4 =	vmax.f32 v16, v30  }
0xb2: {  	v16 =	vsel vm1, v23, v6;
	v6 =	vmin.f32 v34, v27;
	v23 =	vmin.f32 v41, v33  }
0xb3: {  	vm6 =	vgt.f32 v9, v13;
	vm7 =	vgt.f32 v28, v25;
	vm5 =	vgt.f32 v6, v5  }
0xb4: {  	v25 =	vmin.f32 v7, v35;
	vm1 =	vgt.f32 v33, v41;
	vm2 =	vgt.f32 v23, v38  }
0xb5: {  	v28 =	vsel vm7, v24, v20;
	v20 =	vsel vm7, v20, v24;
	v7 =	vmin.f32 v5, v6  }
0xb6: {  	v13 =	vmin.f32 v13, v9;
	v5 =	vmax.f32 v5, v6;
	v9 =	vsel vm3, v28, v32  }
0xb7: {  	v24 =	vmin.f32 v8, v13;
	vm7 =	vgt.f32 v27, v34;
	v6 =	vsel vm3, v32, v28  }
0xb8: {  	v27 =	vmin.f32 v11, v24;
	v28 =	vsel vm7, v29, v40;
	v30 =	vmin.f32 v39, v7  }
0xb9: {  	v29 =	vsel vm7, v40, v29;
	v32 =	vmin.f32 v10, v27;
	v34 =	vmin.f32 v5, v25  }
0xba: {  	vm3 =	vgt.f32 v13, v8;
	vm7 =	vgt.f32 v7, v39;
	v35 =	vmax.f32 v21, v32  }
0xbb: {  	vm10 =	vgt.f32 v31, v26;
	vm9 =	vgt.f32 v27, v10;
	v39 =	vmax.f32 v39, v7  }
0xbc: {  	v26 =	vsel vm10, v37, v20;
	vm8 =	vgt.f32 v25, v5;
	v7 =	vmax.f32 v41, v33  }
0xbd: {  	v8 =	vmax.f32 v8, v13;
	v31 =	vsel vm4, v28, v26;
	v13 =	vmax.f32 v5, v25  }
0xbe: {  	vm11 =	vgt.f32 v36, v19;
	v33 =	vmax.f32 v11, v24;
	v5 =	vmax.f32 v38, v23  }
0xbf: {  	v36 =	vsel vm11, v16, v18;
	v40 =	vsel vm11, v18, v16;
	v16 =	vmax.f32 v39, v34  }
0xc0: {  	v10 =	vmax.f32 v10, v27;
	v19 =	vsel vm5, v29, v36;
	v27 =	vmin.f32 v8, v30  }
0xc1: {  	v18 =	vsel vm8, v31, v19;
	v31 =	vsel vm8, v19, v31;
	vm8 =	vgt.f32 v34, v39  }
0xc2: {  	vm11 =	vgt.f32 v24, v11;
	v25 =	vsel vm6, v12, v40;
	v19 =	vmin.f32 v38, v23  }
0xc3: {  	v11 =	vsel vm3, v25, v15;
	v15 =	vsel vm3, v15, v25;
	vm3 =	vgt.f32 v19, v13  }
0xc4: {  	v20 =	vsel vm10, v20, v37;
	v38 =	vsel vm11, v15, v17;
	v15 =	vsel vm11, v17, v15  }
0xc5: {  	vm11 =	vgt.f32 v30, v8;
	v17 =	vsel vm9, v15, v14;
	v14 =	vsel vm9, v14, v15  }
0xc6: {  	vm9 =	vgt.f32 v32, v21;
	v15 =	vmin.f32 v33, v27;
	v21 =	vmin.f32 v39, v34  }
0xc7: {  	v23 =	vsel vm1, v20, v9;
	v14 =	vsel vm9, v14, v22;
	vm9 =	vgt.f32 v27, v33  }
0xc8: {  	v24 =	vsel vm4, v26, v28;
	v32 =	vmin.f32 v10, v15;
	v22 =	vmin.f32 v13, v19  }
0xc9: {  	v26 =	vmax.f32 v8, v30;
	v25 =	vsel vm2, v24, v23;
	vm10 =	vgt.f32 v15, v10  }
0xca: {  	v12 =	vsel vm6, v40, v12;
	v28 =	vmax.f32 v35, v32;
	vm6 =	vgt.f32 v22, v16  }
0xcb: {  	v29 =	vsel vm5, v36, v29;
	v34 =	vsel vm3, v18, v25;
	v30 =	vmax.f32 v26, v21  }
0xcc: {  	v33 =	vmax.f32 v33, v27;
	v10 =	vmax.f32 v10, v15;
	v15 =	vmin.f32 v16, v22  }
0xcd: {  	v36 =	vmin.f32 v26, v21;
	v8 =	vmax.f32 v30, v15;
	v37 =	vmin.f32 v30, v15  }
0xce: {  	v27 =	vsel vm7, v12, v29;
	v39 =	vmax.f32 v33, v36;
	v40 =	vmin.f32 v33, v36  }
0xcf: {  	v41 =	vsel vm11, v27, v11;
	v11 =	vsel vm11, v11, v27;
	v42 =	vmax.f32 v10, v40  }
0xd0: {  	vm5 =	vgt.f32 v21, v26;
	v21 =	vmin.f32 v10, v40;
	v43 =	vmin.f32 v39, v37  }
0xd1: {  	v12 =	vsel vm7, v29, v12;
	vm7 =	vgt.f32 v32, v35;
	vm4 =	vgt.f32 v21, v28  }
0xd2: {  	v32 =	vsel vm8, v12, v31;
	v29 =	vsel vm9, v11, v38;
	v26 =	vmin.f32 v42, v43  }
0xd3: {  	v12 =	vsel vm8, v31, v12;
	v31 =	vsel vm5, v41, v32;
	v27 =	vmax.f32 v28, v21  }
0xd4: {  	vm8 =	vgt.f32 v36, v33;
	v11 =	vsel vm9, v38, v11;
	vm9 =	vgt.f32 v40, v10  }
0xd5: {  	v21 =	vsel vm10, v11, v17;
	v33 =	vsel vm8, v29, v31;
	v10 =	vmax.f32 v42, v43  }
0xd6: {  	v32 =	vsel vm5, v32, v41;
	v35 =	vsel vm6, v12, v34;
	v17 =	vsel vm10, v17, v11  }
.Ltmp4:
0xd7: {  	vm5 =	vgt.f32 v15, v30;
	v11 =	vmax.f32 v39, v37;
	vm10 =	vgt.f32 v43, v42;
	(pc) =	sbr.rel @p1 .LBB2_4-.Ltmp4, $4  }
0xd8: {  	v31 =	vsel vm8, v31, v29;
	v36 =	vsel vm5, v32, v35;
	vm8 =	vgt.f32 v37, v39  }
0xd9: {  	v28 =	vsel vm7, v17, v14;
	v17 =	vsel vm9, v33, v21;
	v29 =	vsel vm8, v31, v36  }
0xda: {  	v15 =	vsel vm5, v35, v32;
	v14 =	vsel vm10, v29, v17;
	v29 =	vsel vm10, v17, v29  }
0xdb: {  	s23 =	sadd.s32 $0x40, s23;
	v12 =	vsel vm6, v34, v12;
	v30 =	vsel vm9, v21, v33;
	v17 =	vsel vm8, v36, v31  }
.LBB2_5:
.Ltmp5:
0xdc: {  	(pc) =	sbr.rel .LBB2_6-.Ltmp5, $4  }
0xdd: {  	v23 =	vsel vm2, v23, v24  }
0xde: {  	v24 =	vsel vm3, v25, v18;
	v18 =	vmax.f32 v27, v26;
	v20 =	vsel vm1, v9, v20  }
0xdf: {  	v9 =	vmax.f32 v13, v19;
	v19 =	vsel vm4, v30, v28;
	vm15 =	vgt.f32 v26, v27  }
0xe0: {  	v13 =	vmax.f32 v16, v22;
	v21 =	vsel vm0, v1, v3;
	v22 =	vmovc v4;
	v1 =	vsel vm15, v29, v19  }
.LBB2_7:
0xe1: {  	_ =	sfence.sel $0x180000  }
0xe2: {  	[bflag:$0x0] =	sbarrier.arrive $0xFFFF  }
0xe3: {  	p0 =	sne.s32 s0, $0x0;
	_ =	strace $0x90000047  }
0xe4: {  	s0 =	sadd.s32 @!p0 $0x100000, s1;
	[bflag:$0x2] =	sbarrier.arrive $0xFFFF  }
0xe5: {  	[sflag:s0] =	ssyncadd.tile.s32 @!p0 $0x1;
	_ =	shalt  }
.Lfunc_end2:
_tile_overlayer_lowered:
.L_overlay_start_2:
0xe6: {  	(tag) =	ssettag $0x2  }
0xe7: {  	s0 =	rddreg [dreg:$0x0];
	s2 =	stileid.u32  }
0xe8: {  	s1 =	rddreg [dreg:$0x1];
	p0 =	sne.s32 s2, $0x0  }
0xe9: {  	s3 =	rddreg [dreg:$0x2];
	[bflag:$0x3] =	sbarrier.arrive $0xFFFF;
	s2 =	simm.s32 @!p0 $0x1C02  }
0xea: {  	[timem:s3], [sflag:s2] =	dma.local @!p0 [hbm:s0], s1  }
0xeb: {  	s0 =	simm.s32 @!p0 $0x2  }
0xec: {  	_ =	swait.ge @!p0 [sflag:s0], s1  }
0xed: {  	s1 =	ssub.s32 @!p0 $0x0, s1;
	[sflag:s0] =	ssyncset.done @!p0 $0x0  }
0xee: {  	[sflag:s0] =	ssyncadd.s32 @!p0 s1  }
0xef: {  	[bflag:$0x3] =	sbarrier.arrive $0xFFFF  }
0xf0: {  	_ =	shalt  }

</sc_bundles>
